<compile_context>
chip_gen: v7x
topology: tpu7x:2x2x1
jax: 0.10.2.dev20260603
libtpu: 0.0.44.dev20260713+nightly
codegen_flags: <defaults>
</compile_context>

<pallas_src>
import functools

import jax
import jax.numpy as jnp
from jax import lax
from jax.experimental import pallas as pl
from jax.experimental.pallas import tpu as pltpu
from jax.experimental.pallas import tpu_sc as plsc

VOCAB = 1000000
HIDDEN = 64
PADW = 128
BATCH = 4096
SEQ = 50

NC = 2
NS = 16
NW = NC * NS

B_PER_W = BATCH // NW
G = 8
NG = B_PER_W // G


def _make_kernel():
    mesh = plsc.VectorSubcoreMesh(core_axis_name="c", subcore_axis_name="s")

    @functools.partial(
        pl.kernel,
        out_type=jax.ShapeDtypeStruct((BATCH, SEQ, HIDDEN), jnp.float32),
        mesh=mesh,
        scratch_types=[
            pltpu.VMEM((B_PER_W, SEQ), jnp.int32),
            pltpu.VMEM((G, SEQ, PADW), jnp.float32),
            pltpu.VMEM((G, SEQ, PADW), jnp.float32),
            pltpu.SemaphoreType.DMA,
            pltpu.SemaphoreType.DMA,
            pltpu.SemaphoreType.DMA,
            pltpu.SemaphoreType.DMA,
        ],
        compiler_params=pltpu.CompilerParams(use_tc_tiling_on_sc=False),
    )
    def embed(ids_hbm, table_hbm, out_hbm, idx_v, rows0, rows1, g0, g1, o0, o1):
        wid = lax.axis_index("s") * NC + lax.axis_index("c")
        base = wid * B_PER_W
        pltpu.sync_copy(ids_hbm.at[pl.ds(base, B_PER_W)], idx_v)

        bufs = (rows0, rows1)
        gsems = (g0, g1)
        osems = (o0, o1)

        def issue_gathers(s, b):
            return [
                pltpu.async_copy(
                    table_hbm.at[idx_v.at[s * G + k]],
                    bufs[b].at[k],
                    gsems[b])
                for k in range(G)
            ]

        pend_g = [issue_gathers(0, 0), issue_gathers(1, 1)]
        pend_o = [None, None]
        for s in range(NG):
            b = s % 2
            for h in pend_g[b]:
                h.wait()
            pend_o[b] = pltpu.async_copy(
                bufs[b].at[:, :, pl.ds(0, HIDDEN)],
                out_hbm.at[pl.ds(base + s * G, G)], osems[b])
            if s + 2 < NG:
                pend_o[b].wait()
                pend_g[b] = issue_gathers(s + 2, b)
        pend_o[NG % 2].wait()
        pend_o[(NG - 1) % 2].wait()

    return embed


_EMBED = _make_kernel()


def kernel(input_ids, word_embeddings):
    table = jnp.pad(word_embeddings, ((0, 0), (0, PADW - HIDDEN)))
    return _EMBED(input_ids.astype(jnp.int32), table)

# --- scband reference (transcript-rebuilt; emitter-appended) ---
"""Pipeline reference for scband-cell-foundation-embeddings-833223656371 (READ-ONLY COPY).

The authoritative reference and input builder live on the scoring server;
editing this copy changes nothing except your own understanding.
"""

import jax, jax.numpy as jnp
import numpy as np

VOCAB = 1000000
HIDDEN = 64
BATCH = 4096
SEQ = 50
PAD_IDX = 0

def setup_inputs(seed: int = 0) -> dict:
    key = jax.random.key(seed)
    k_ids, k_tab = jax.random.split(key)
    input_ids = jax.random.randint(k_ids, (BATCH, SEQ), 0, VOCAB, dtype=jnp.int64 if jax.config.jax_enable_x64 else jnp.int32)
    word_embeddings = jax.random.normal(k_tab, (VOCAB, HIDDEN), dtype=jnp.float32) * 0.02
    # nn.Embedding padding_idx zeros the pad row at init
    word_embeddings = word_embeddings.at[PAD_IDX].set(0.0)
    return {"input_ids": input_ids, "word_embeddings": word_embeddings}

def reference(input_ids, word_embeddings):
    # position_embedding_type == 'rope' -> no absolute position embeddings added.
    # dropout prob = 0.0 (inference) -> identity.
    inputs_embeds = jnp.take(word_embeddings, input_ids, axis=0)
    embeddings = inputs_embeds
    return embeddings

if __name__ == "__main__":
    import jax
    _d = setup_inputs()
    print(jax.jit(kernel)(*tuple(_d.values())))

</pallas_src>

<mosaic_0001>
#map = affine_map<(d0, d1) -> (0, 0)>
#map1 = affine_map<(d0, d1) -> (0, 0, 0)>
module attributes {stable_mosaic.version = 14 : i64} {
  func.func @embed(%arg0: i32, %arg1: i32, %arg2: memref<4096x50xi32, #tpu.memory_space<hbm>>, %arg3: memref<1000000x128xf32, #tpu.memory_space<hbm>>, %arg4: memref<4096x50x64xf32, #tpu.memory_space<hbm>>, %arg5: memref<128x50xi32, #tpu.memory_space<vmem>>, %arg6: memref<8x50x128xf32, #tpu.memory_space<vmem>>, %arg7: memref<8x50x128xf32, #tpu.memory_space<vmem>>, %arg8: memref<!tpu.dma_semaphore, #tpu.memory_space<semaphore_mem>>, %arg9: memref<!tpu.dma_semaphore, #tpu.memory_space<semaphore_mem>>, %arg10: memref<!tpu.dma_semaphore, #tpu.memory_space<semaphore_mem>>, %arg11: memref<!tpu.dma_semaphore, #tpu.memory_space<semaphore_mem>>) attributes {dimension_semantics = [#tpu.dimension_semantics<core_parallel>, #tpu.dimension_semantics<subcore_parallel>], iteration_bounds = array<i64: 2, 16>, scalar_prefetch = 0 : i64, scratch_operands = 7 : i64, tpu.core_type = #tpu.core_type<sc_vector_subcore>, window_params = [{transform_indices = #map}, {transform_indices = #map}, {transform_indices = #map1}]} {
    %mul3A = arith.constant 2 : i32
    %mul3A_0 = arith.muli %arg1, %mul3A : i32
    %add3A = arith.addi %mul3A_0, %arg0 : i32
    %mul3A_1 = arith.constant 128 : i32
    %mul3A_2 = arith.muli %add3A, %mul3A_1 : i32
    "tpu.region"() ({
      %run_scoped3A = tpu.sem_alloc : memref<!tpu.dma_semaphore, #tpu.memory_space<semaphore_mem>>
      %dma_start3A_3553 = arith.constant 0 : i32
      %dma_start3A_3554 = tpu.memref_slice %arg2[%mul3A_2, %dma_start3A_3553] : memref<4096x50xi32, #tpu.memory_space<hbm>> -> memref<128x50xi32, #tpu.memory_space<hbm>>
      %dma_start3A_3555 = arith.constant 0 : i32
      %dma_start3A_3556 = tpu.memref_slice %arg2[%mul3A_2, %dma_start3A_3555] : memref<4096x50xi32, #tpu.memory_space<hbm>> -> memref<128x50xi32, #tpu.memory_space<hbm>>
      tpu.enqueue_dma source(%dma_start3A_3556 : memref<128x50xi32, #tpu.memory_space<hbm>>) target(%arg5 : memref<128x50xi32, #tpu.memory_space<vmem>>) target_semaphore(%run_scoped3A : memref<!tpu.dma_semaphore, #tpu.memory_space<semaphore_mem>>)
      %dma_wait3A_3557 = arith.constant 0 : i32
      %dma_wait3A_3558 = tpu.memref_slice %arg2[%mul3A_2, %dma_wait3A_3557] : memref<4096x50xi32, #tpu.memory_space<hbm>> -> memref<128x50xi32, #tpu.memory_space<hbm>>
      %dma_wait3A_3559 = arith.constant 0 : i32
      %dma_wait3A_3560 = tpu.memref_slice %arg2[%mul3A_2, %dma_wait3A_3559] : memref<4096x50xi32, #tpu.memory_space<hbm>> -> memref<128x50xi32, #tpu.memory_space<hbm>>
      tpu.wait_dma2 semaphore(%run_scoped3A : memref<!tpu.dma_semaphore, #tpu.memory_space<semaphore_mem>>) src(%dma_wait3A_3560 : memref<128x50xi32, #tpu.memory_space<hbm>>) dst(%arg5 : memref<128x50xi32, #tpu.memory_space<vmem>>)
      tpu.yield
    }) : () -> ()
    %dma_start3A = arith.constant 0 : i32
    %dma_start3A_3 = arith.constant 0 : i32
    %dma_start3A_4 = arith.constant 0 : i32
    %dma_start3A_5 = arith.constant 0 : i32
    %dma_start3A_6 = tpu.memref_slice %arg6[%dma_start3A_3, %dma_start3A_4, %dma_start3A_5] : memref<8x50x128xf32, #tpu.memory_space<vmem>> -> memref<1x50x128xf32, #tpu.memory_space<vmem>>
    %dma_start3A_7 = tpu.memref_squeeze %dma_start3A_6 : memref<1x50x128xf32, #tpu.memory_space<vmem>> -> memref<50x128xf32, #tpu.memory_space<vmem>>
    %dma_start3A_8 = arith.constant 0 : i32
    %dma_start3A_9 = tpu.memref_slice %arg5[%dma_start3A, %dma_start3A_8] : memref<128x50xi32, #tpu.memory_space<vmem>> -> memref<1x50xi32, #tpu.memory_space<vmem>>
    %dma_start3A_10 = tpu.memref_squeeze %dma_start3A_9 : memref<1x50xi32, #tpu.memory_space<vmem>> -> memref<50xi32, #tpu.memory_space<vmem>>
    %dma_start3A_11 = arith.constant 0 : i32
    %dma_start3A_12 = arith.constant 0 : i32
    %dma_start3A_13 = tpu.memref_slice %arg3[%dma_start3A_11, %dma_start3A_12] : memref<1000000x128xf32, #tpu.memory_space<hbm>> -> memref<1000000x128xf32, #tpu.memory_space<hbm>>
    tpu.enqueue_indirect_dma source(%dma_start3A_13 : memref<1000000x128xf32, #tpu.memory_space<hbm>>) target(%dma_start3A_7 : memref<50x128xf32, #tpu.memory_space<vmem>>) offsets(%dma_start3A_10 : memref<50xi32, #tpu.memory_space<vmem>>) semaphore(%arg8 : memref<!tpu.dma_semaphore, #tpu.memory_space<semaphore_mem>>)
    %dma_start3A_14 = arith.constant 1 : i32
    %dma_start3A_15 = arith.constant 1 : i32
    %dma_start3A_16 = arith.constant 0 : i32
    %dma_start3A_17 = arith.constant 0 : i32
    %dma_start3A_18 = tpu.memref_slice %arg6[%dma_start3A_15, %dma_start3A_16, %dma_start3A_17] : memref<8x50x128xf32, #tpu.memory_space<vmem>> -> memref<1x50x128xf32, #tpu.memory_space<vmem>>
    %dma_start3A_19 = tpu.memref_squeeze %dma_start3A_18 : memref<1x50x128xf32, #tpu.memory_space<vmem>> -> memref<50x128xf32, #tpu.memory_space<vmem>>
    %dma_start3A_20 = arith.constant 0 : i32
    %dma_start3A_21 = tpu.memref_slice %arg5[%dma_start3A_14, %dma_start3A_20] : memref<128x50xi32, #tpu.memory_space<vmem>> -> memref<1x50xi32, #tpu.memory_space<vmem>>
    %dma_start3A_22 = tpu.memref_squeeze %dma_start3A_21 : memref<1x50xi32, #tpu.memory_space<vmem>> -> memref<50xi32, #tpu.memory_space<vmem>>
    %dma_start3A_23 = arith.constant 0 : i32
    %dma_start3A_24 = arith.constant 0 : i32
    %dma_start3A_25 = tpu.memref_slice %arg3[%dma_start3A_23, %dma_start3A_24] : memref<1000000x128xf32, #tpu.memory_space<hbm>> -> memref<1000000x128xf32, #tpu.memory_space<hbm>>
    tpu.enqueue_indirect_dma source(%dma_start3A_25 : memref<1000000x128xf32, #tpu.memory_space<hbm>>) target(%dma_start3A_19 : memref<50x128xf32, #tpu.memory_space<vmem>>) offsets(%dma_start3A_22 : memref<50xi32, #tpu.memory_space<vmem>>) semaphore(%arg8 : memref<!tpu.dma_semaphore, #tpu.memory_space<semaphore_mem>>)
    %dma_start3A_26 = arith.constant 2 : i32
    %dma_start3A_27 = arith.constant 2 : i32
    %dma_start3A_28 = arith.constant 0 : i32
    %dma_start3A_29 = arith.constant 0 : i32
    %dma_start3A_30 = tpu.memref_slice %arg6[%dma_start3A_27, %dma_start3A_28, %dma_start3A_29] : memref<8x50x128xf32, #tpu.memory_space<vmem>> -> memref<1x50x128xf32, #tpu.memory_space<vmem>>
    %dma_start3A_31 = tpu.memref_squeeze %dma_start3A_30 : memref<1x50x128xf32, #tpu.memory_space<vmem>> -> memref<50x128xf32, #tpu.memory_space<vmem>>
    %dma_start3A_32 = arith.constant 0 : i32
    %dma_start3A_33 = tpu.memref_slice %arg5[%dma_start3A_26, %dma_start3A_32] : memref<128x50xi32, #tpu.memory_space<vmem>> -> memref<1x50xi32, #tpu.memory_space<vmem>>
    %dma_start3A_34 = tpu.memref_squeeze %dma_start3A_33 : memref<1x50xi32, #tpu.memory_space<vmem>> -> memref<50xi32, #tpu.memory_space<vmem>>
    %dma_start3A_35 = arith.constant 0 : i32
    %dma_start3A_36 = arith.constant 0 : i32
    %dma_start3A_37 = tpu.memref_slice %arg3[%dma_start3A_35, %dma_start3A_36] : memref<1000000x128xf32, #tpu.memory_space<hbm>> -> memref<1000000x128xf32, #tpu.memory_space<hbm>>
    tpu.enqueue_indirect_dma source(%dma_start3A_37 : memref<1000000x128xf32, #tpu.memory_space<hbm>>) target(%dma_start3A_31 : memref<50x128xf32, #tpu.memory_space<vmem>>) offsets(%dma_start3A_34 : memref<50xi32, #tpu.memory_space<vmem>>) semaphore(%arg8 : memref<!tpu.dma_semaphore, #tpu.memory_space<semaphore_mem>>)
    %dma_start3A_38 = arith.constant 3 : i32
    %dma_start3A_39 = arith.constant 3 : i32
    %dma_start3A_40 = arith.constant 0 : i32
    %dma_start3A_41 = arith.constant 0 : i32
    %dma_start3A_42 = tpu.memref_slice %arg6[%dma_start3A_39, %dma_start3A_40, %dma_start3A_41] : memref<8x50x128xf32, #tpu.memory_space<vmem>> -> memref<1x50x128xf32, #tpu.memory_space<vmem>>
    %dma_start3A_43 = tpu.memref_squeeze %dma_start3A_42 : memref<1x50x128xf32, #tpu.memory_space<vmem>> -> memref<50x128xf32, #tpu.memory_space<vmem>>
    %dma_start3A_44 = arith.constant 0 : i32
    %dma_start3A_45 = tpu.memref_slice %arg5[%dma_start3A_38, %dma_start3A_44] : memref<128x50xi32, #tpu.memory_space<vmem>> -> memref<1x50xi32, #tpu.memory_space<vmem>>
    %dma_start3A_46 = tpu.memref_squeeze %dma_start3A_45 : memref<1x50xi32, #tpu.memory_space<vmem>> -> memref<50xi32, #tpu.memory_space<vmem>>
    %dma_start3A_47 = arith.constant 0 : i32
    %dma_start3A_48 = arith.constant 0 : i32
    %dma_start3A_49 = tpu.memref_slice %arg3[%dma_start3A_47, %dma_start3A_48] : memref<1000000x128xf32, #tpu.memory_space<hbm>> -> memref<1000000x128xf32, #tpu.memory_space<hbm>>
    tpu.enqueue_indirect_dma source(%dma_start3A_49 : memref<1000000x128xf32, #tpu.memory_space<hbm>>) target(%dma_start3A_43 : memref<50x128xf32, #tpu.memory_space<vmem>>) offsets(%dma_start3A_46 : memref<50xi32, #tpu.memory_space<vmem>>) semaphore(%arg8 : memref<!tpu.dma_semaphore, #tpu.memory_space<semaphore_mem>>)
    %dma_start3A_50 = arith.constant 4 : i32
    %dma_start3A_51 = arith.constant 4 : i32
    %dma_start3A_52 = arith.constant 0 : i32
    %dma_start3A_53 = arith.constant 0 : i32
    %dma_start3A_54 = tpu.memref_slice %arg6[%dma_start3A_51, %dma_start3A_52, %dma_start3A_53] : memref<8x50x128xf32, #tpu.memory_space<vmem>> -> memref<1x50x128xf32, #tpu.memory_space<vmem>>
    %dma_start3A_55 = tpu.memref_squeeze %dma_start3A_54 : memref<1x50x128xf32, #tpu.memory_space<vmem>> -> memref<50x128xf32, #tpu.memory_space<vmem>>
    %dma_start3A_56 = arith.constant 0 : i32
    %dma_start3A_57 = tpu.memref_slice %arg5[%dma_start3A_50, %dma_start3A_56] : memref<128x50xi32, #tpu.memory_space<vmem>> -> memref<1x50xi32, #tpu.memory_space<vmem>>
    %dma_start3A_58 = tpu.memref_squeeze %dma_start3A_57 : memref<1x50xi32, #tpu.memory_space<vmem>> -> memref<50xi32, #tpu.memory_space<vmem>>
    %dma_start3A_59 = arith.constant 0 : i32
    %dma_start3A_60 = arith.constant 0 : i32
    %dma_start3A_61 = tpu.memref_slice %arg3[%dma_start3A_59, %dma_start3A_60] : memref<1000000x128xf32, #tpu.memory_space<hbm>> -> memref<1000000x128xf32, #tpu.memory_space<hbm>>
    tpu.enqueue_indirect_dma source(%dma_start3A_61 : memref<1000000x128xf32, #tpu.memory_space<hbm>>) target(%dma_start3A_55 : memref<50x128xf32, #tpu.memory_space<vmem>>) offsets(%dma_start3A_58 : memref<50xi32, #tpu.memory_space<vmem>>) semaphore(%arg8 : memref<!tpu.dma_semaphore, #tpu.memory_space<semaphore_mem>>)
    %dma_start3A_62 = arith.constant 5 : i32
    %dma_start3A_63 = arith.constant 5 : i32
    %dma_start3A_64 = arith.constant 0 : i32
    %dma_start3A_65 = arith.constant 0 : i32
    %dma_start3A_66 = tpu.memref_slice %arg6[%dma_start3A_63, %dma_start3A_64, %dma_start3A_65] : memref<8x50x128xf32, #tpu.memory_space<vmem>> -> memref<1x50x128xf32, #tpu.memory_space<vmem>>
    %dma_start3A_67 = tpu.memref_squeeze %dma_start3A_66 : memref<1x50x128xf32, #tpu.memory_space<vmem>> -> memref<50x128xf32, #tpu.memory_space<vmem>>
    %dma_start3A_68 = arith.constant 0 : i32
    %dma_start3A_69 = tpu.memref_slice %arg5[%dma_start3A_62, %dma_start3A_68] : memref<128x50xi32, #tpu.memory_space<vmem>> -> memref<1x50xi32, #tpu.memory_space<vmem>>
    %dma_start3A_70 = tpu.memref_squeeze %dma_start3A_69 : memref<1x50xi32, #tpu.memory_space<vmem>> -> memref<50xi32, #tpu.memory_space<vmem>>
    %dma_start3A_71 = arith.constant 0 : i32
    %dma_start3A_72 = arith.constant 0 : i32
    %dma_start3A_73 = tpu.memref_slice %arg3[%dma_start3A_71, %dma_start3A_72] : memref<1000000x128xf32, #tpu.memory_space<hbm>> -> memref<1000000x128xf32, #tpu.memory_space<hbm>>
    tpu.enqueue_indirect_dma source(%dma_start3A_73 : memref<1000000x128xf32, #tpu.memory_space<hbm>>) target(%dma_start3A_67 : memref<50x128xf32, #tpu.memory_space<vmem>>) offsets(%dma_start3A_70 : memref<50xi32, #tpu.memory_space<vmem>>) semaphore(%arg8 : memref<!tpu.dma_semaphore, #tpu.memory_space<semaphore_mem>>)
    %dma_start3A_74 = arith.constant 6 : i32
    %dma_start3A_75 = arith.constant 6 : i32
    %dma_start3A_76 = arith.constant 0 : i32
    %dma_start3A_77 = arith.constant 0 : i32
    %dma_start3A_78 = tpu.memref_slice %arg6[%dma_start3A_75, %dma_start3A_76, %dma_start3A_77] : memref<8x50x128xf32, #tpu.memory_space<vmem>> -> memref<1x50x128xf32, #tpu.memory_space<vmem>>
    %dma_start3A_79 = tpu.memref_squeeze %dma_start3A_78 : memref<1x50x128xf32, #tpu.memory_space<vmem>> -> memref<50x128xf32, #tpu.memory_space<vmem>>
    %dma_start3A_80 = arith.constant 0 : i32
    %dma_start3A_81 = tpu.memref_slice %arg5[%dma_start3A_74, %dma_start3A_80] : memref<128x50xi32, #tpu.memory_space<vmem>> -> memref<1x50xi32, #tpu.memory_space<vmem>>
    %dma_start3A_82 = tpu.memref_squeeze %dma_start3A_81 : memref<1x50xi32, #tpu.memory_space<vmem>> -> memref<50xi32, #tpu.memory_space<vmem>>
    %dma_start3A_83 = arith.constant 0 : i32
    %dma_start3A_84 = arith.constant 0 : i32
    %dma_start3A_85 = tpu.memref_slice %arg3[%dma_start3A_83, %dma_start3A_84] : memref<1000000x128xf32, #tpu.memory_space<hbm>> -> memref<1000000x128xf32, #tpu.memory_space<hbm>>
    tpu.enqueue_indirect_dma source(%dma_start3A_85 : memref<1000000x128xf32, #tpu.memory_space<hbm>>) target(%dma_start3A_79 : memref<50x128xf32, #tpu.memory_space<vmem>>) offsets(%dma_start3A_82 : memref<50xi32, #tpu.memory_space<vmem>>) semaphore(%arg8 : memref<!tpu.dma_semaphore, #tpu.memory_space<semaphore_mem>>)
    %dma_start3A_86 = arith.constant 7 : i32
    %dma_start3A_87 = arith.constant 7 : i32
    %dma_start3A_88 = arith.constant 0 : i32
    %dma_start3A_89 = arith.constant 0 : i32
    %dma_start3A_90 = tpu.memref_slice %arg6[%dma_start3A_87, %dma_start3A_88, %dma_start3A_89] : memref<8x50x128xf32, #tpu.memory_space<vmem>> -> memref<1x50x128xf32, #tpu.memory_space<vmem>>
    %dma_start3A_91 = tpu.memref_squeeze %dma_start3A_90 : memref<1x50x128xf32, #tpu.memory_space<vmem>> -> memref<50x128xf32, #tpu.memory_space<vmem>>
    %dma_start3A_92 = arith.constant 0 : i32
    %dma_start3A_93 = tpu.memref_slice %arg5[%dma_start3A_86, %dma_start3A_92] : memref<128x50xi32, #tpu.memory_space<vmem>> -> memref<1x50xi32, #tpu.memory_space<vmem>>
    %dma_start3A_94 = tpu.memref_squeeze %dma_start3A_93 : memref<1x50xi32, #tpu.memory_space<vmem>> -> memref<50xi32, #tpu.memory_space<vmem>>
    %dma_start3A_95 = arith.constant 0 : i32
    %dma_start3A_96 = arith.constant 0 : i32
    %dma_start3A_97 = tpu.memref_slice %arg3[%dma_start3A_95, %dma_start3A_96] : memref<1000000x128xf32, #tpu.memory_space<hbm>> -> memref<1000000x128xf32, #tpu.memory_space<hbm>>
    tpu.enqueue_indirect_dma source(%dma_start3A_97 : memref<1000000x128xf32, #tpu.memory_space<hbm>>) target(%dma_start3A_91 : memref<50x128xf32, #tpu.memory_space<vmem>>) offsets(%dma_start3A_94 : memref<50xi32, #tpu.memory_space<vmem>>) semaphore(%arg8 : memref<!tpu.dma_semaphore, #tpu.memory_space<semaphore_mem>>)
    %dma_start3A_98 = arith.constant 8 : i32
    %dma_start3A_99 = arith.constant 0 : i32
    %dma_start3A_100 = arith.constant 0 : i32
    %dma_start3A_101 = arith.constant 0 : i32
    %dma_start3A_102 = tpu.memref_slice %arg7[%dma_start3A_99, %dma_start3A_100, %dma_start3A_101] : memref<8x50x128xf32, #tpu.memory_space<vmem>> -> memref<1x50x128xf32, #tpu.memory_space<vmem>>
    %dma_start3A_103 = tpu.memref_squeeze %dma_start3A_102 : memref<1x50x128xf32, #tpu.memory_space<vmem>> -> memref<50x128xf32, #tpu.memory_space<vmem>>
    %dma_start3A_104 = arith.constant 0 : i32
    %dma_start3A_105 = tpu.memref_slice %arg5[%dma_start3A_98, %dma_start3A_104] : memref<128x50xi32, #tpu.memory_space<vmem>> -> memref<1x50xi32, #tpu.memory_space<vmem>>
    %dma_start3A_106 = tpu.memref_squeeze %dma_start3A_105 : memref<1x50xi32, #tpu.memory_space<vmem>> -> memref<50xi32, #tpu.memory_space<vmem>>
    %dma_start3A_107 = arith.constant 0 : i32
    %dma_start3A_108 = arith.constant 0 : i32
    %dma_start3A_109 = tpu.memref_slice %arg3[%dma_start3A_107, %dma_start3A_108] : memref<1000000x128xf32, #tpu.memory_space<hbm>> -> memref<1000000x128xf32, #tpu.memory_space<hbm>>
    tpu.enqueue_indirect_dma source(%dma_start3A_109 : memref<1000000x128xf32, #tpu.memory_space<hbm>>) target(%dma_start3A_103 : memref<50x128xf32, #tpu.memory_space<vmem>>) offsets(%dma_start3A_106 : memref<50xi32, #tpu.memory_space<vmem>>) semaphore(%arg9 : memref<!tpu.dma_semaphore, #tpu.memory_space<semaphore_mem>>)
    %dma_start3A_110 = arith.constant 9 : i32
    %dma_start3A_111 = arith.constant 1 : i32
    %dma_start3A_112 = arith.constant 0 : i32
    %dma_start3A_113 = arith.constant 0 : i32
    %dma_start3A_114 = tpu.memref_slice %arg7[%dma_start3A_111, %dma_start3A_112, %dma_start3A_113] : memref<8x50x128xf32, #tpu.memory_space<vmem>> -> memref<1x50x128xf32, #tpu.memory_space<vmem>>
    %dma_start3A_115 = tpu.memref_squeeze %dma_start3A_114 : memref<1x50x128xf32, #tpu.memory_space<vmem>> -> memref<50x128xf32, #tpu.memory_space<vmem>>
    %dma_start3A_116 = arith.constant 0 : i32
    %dma_start3A_117 = tpu.memref_slice %arg5[%dma_start3A_110, %dma_start3A_116] : memref<128x50xi32, #tpu.memory_space<vmem>> -> memref<1x50xi32, #tpu.memory_space<vmem>>
    %dma_start3A_118 = tpu.memref_squeeze %dma_start3A_117 : memref<1x50xi32, #tpu.memory_space<vmem>> -> memref<50xi32, #tpu.memory_space<vmem>>
    %dma_start3A_119 = arith.constant 0 : i32
    %dma_start3A_120 = arith.constant 0 : i32
    %dma_start3A_121 = tpu.memref_slice %arg3[%dma_start3A_119, %dma_start3A_120] : memref<1000000x128xf32, #tpu.memory_space<hbm>> -> memref<1000000x128xf32, #tpu.memory_space<hbm>>
    tpu.enqueue_indirect_dma source(%dma_start3A_121 : memref<1000000x128xf32, #tpu.memory_space<hbm>>) target(%dma_start3A_115 : memref<50x128xf32, #tpu.memory_space<vmem>>) offsets(%dma_start3A_118 : memref<50xi32, #tpu.memory_space<vmem>>) semaphore(%arg9 : memref<!tpu.dma_semaphore, #tpu.memory_space<semaphore_mem>>)
    %dma_start3A_122 = arith.constant 10 : i32
    %dma_start3A_123 = arith.constant 2 : i32
    %dma_start3A_124 = arith.constant 0 : i32
    %dma_start3A_125 = arith.constant 0 : i32
    %dma_start3A_126 = tpu.memref_slice %arg7[%dma_start3A_123, %dma_start3A_124, %dma_start3A_125] : memref<8x50x128xf32, #tpu.memory_space<vmem>> -> memref<1x50x128xf32, #tpu.memory_space<vmem>>
    %dma_start3A_127 = tpu.memref_squeeze %dma_start3A_126 : memref<1x50x128xf32, #tpu.memory_space<vmem>> -> memref<50x128xf32, #tpu.memory_space<vmem>>
    %dma_start3A_128 = arith.constant 0 : i32
    %dma_start3A_129 = tpu.memref_slice %arg5[%dma_start3A_122, %dma_start3A_128] : memref<128x50xi32, #tpu.memory_space<vmem>> -> memref<1x50xi32, #tpu.memory_space<vmem>>
    %dma_start3A_130 = tpu.memref_squeeze %dma_start3A_129 : memref<1x50xi32, #tpu.memory_space<vmem>> -> memref<50xi32, #tpu.memory_space<vmem>>
    %dma_start3A_131 = arith.constant 0 : i32
    %dma_start3A_132 = arith.constant 0 : i32
    %dma_start3A_133 = tpu.memref_slice %arg3[%dma_start3A_131, %dma_start3A_132] : memref<1000000x128xf32, #tpu.memory_space<hbm>> -> memref<1000000x128xf32, #tpu.memory_space<hbm>>
    tpu.enqueue_indirect_dma source(%dma_start3A_133 : memref<1000000x128xf32, #tpu.memory_space<hbm>>) target(%dma_start3A_127 : memref<50x128xf32, #tpu.memory_space<vmem>>) offsets(%dma_start3A_130 : memref<50xi32, #tpu.memory_space<vmem>>) semaphore(%arg9 : memref<!tpu.dma_semaphore, #tpu.memory_space<semaphore_mem>>)
    %dma_start3A_134 = arith.constant 11 : i32
    %dma_start3A_135 = arith.constant 3 : i32
    %dma_start3A_136 = arith.constant 0 : i32
    %dma_start3A_137 = arith.constant 0 : i32
    %dma_start3A_138 = tpu.memref_slice %arg7[%dma_start3A_135, %dma_start3A_136, %dma_start3A_137] : memref<8x50x128xf32, #tpu.memory_space<vmem>> -> memref<1x50x128xf32, #tpu.memory_space<vmem>>
    %dma_start3A_139 = tpu.memref_squeeze %dma_start3A_138 : memref<1x50x128xf32, #tpu.memory_space<vmem>> -> memref<50x128xf32, #tpu.memory_space<vmem>>
    %dma_start3A_140 = arith.constant 0 : i32
    %dma_start3A_141 = tpu.memref_slice %arg5[%dma_start3A_134, %dma_start3A_140] : memref<128x50xi32, #tpu.memory_space<vmem>> -> memref<1x50xi32, #tpu.memory_space<vmem>>
    %dma_start3A_142 = tpu.memref_squeeze %dma_start3A_141 : memref<1x50xi32, #tpu.memory_space<vmem>> -> memref<50xi32, #tpu.memory_space<vmem>>
    %dma_start3A_143 = arith.constant 0 : i32
    %dma_start3A_144 = arith.constant 0 : i32
    %dma_start3A_145 = tpu.memref_slice %arg3[%dma_start3A_143, %dma_start3A_144] : memref<1000000x128xf32, #tpu.memory_space<hbm>> -> memref<1000000x128xf32, #tpu.memory_space<hbm>>
    tpu.enqueue_indirect_dma source(%dma_start3A_145 : memref<1000000x128xf32, #tpu.memory_space<hbm>>) target(%dma_start3A_139 : memref<50x128xf32, #tpu.memory_space<vmem>>) offsets(%dma_start3A_142 : memref<50xi32, #tpu.memory_space<vmem>>) semaphore(%arg9 : memref<!tpu.dma_semaphore, #tpu.memory_space<semaphore_mem>>)
    %dma_start3A_146 = arith.constant 12 : i32
    %dma_start3A_147 = arith.constant 4 : i32
    %dma_start3A_148 = arith.constant 0 : i32
    %dma_start3A_149 = arith.constant 0 : i32
    %dma_start3A_150 = tpu.memref_slice %arg7[%dma_start3A_147, %dma_start3A_148, %dma_start3A_149] : memref<8x50x128xf32, #tpu.memory_space<vmem>> -> memref<1x50x128xf32, #tpu.memory_space<vmem>>
    %dma_start3A_151 = tpu.memref_squeeze %dma_start3A_150 : memref<1x50x128xf32, #tpu.memory_space<vmem>> -> memref<50x128xf32, #tpu.memory_space<vmem>>
    %dma_start3A_152 = arith.constant 0 : i32
    %dma_start3A_153 = tpu.memref_slice %arg5[%dma_start3A_146, %dma_start3A_152] : memref<128x50xi32, #tpu.memory_space<vmem>> -> memref<1x50xi32, #tpu.memory_space<vmem>>
    %dma_start3A_154 = tpu.memref_squeeze %dma_start3A_153 : memref<1x50xi32, #tpu.memory_space<vmem>> -> memref<50xi32, #tpu.memory_space<vmem>>
    %dma_start3A_155 = arith.constant 0 : i32
    %dma_start3A_156 = arith.constant 0 : i32
    %dma_start3A_157 = tpu.memref_slice %arg3[%dma_start3A_155, %dma_start3A_156] : memref<1000000x128xf32, #tpu.memory_space<hbm>> -> memref<1000000x128xf32, #tpu.memory_space<hbm>>
    tpu.enqueue_indirect_dma source(%dma_start3A_157 : memref<1000000x128xf32, #tpu.memory_space<hbm>>) target(%dma_start3A_151 : memref<50x128xf32, #tpu.memory_space<vmem>>) offsets(%dma_start3A_154 : memref<50xi32, #tpu.memory_space<vmem>>) semaphore(%arg9 : memref<!tpu.dma_semaphore, #tpu.memory_space<semaphore_mem>>)
    %dma_start3A_158 = arith.constant 13 : i32
    %dma_start3A_159 = arith.constant 5 : i32
    %dma_start3A_160 = arith.constant 0 : i32
    %dma_start3A_161 = arith.constant 0 : i32
    %dma_start3A_162 = tpu.memref_slice %arg7[%dma_start3A_159, %dma_start3A_160, %dma_start3A_161] : memref<8x50x128xf32, #tpu.memory_space<vmem>> -> memref<1x50x128xf32, #tpu.memory_space<vmem>>
    %dma_start3A_163 = tpu.memref_squeeze %dma_start3A_162 : memref<1x50x128xf32, #tpu.memory_space<vmem>> -> memref<50x128xf32, #tpu.memory_space<vmem>>
    %dma_start3A_164 = arith.constant 0 : i32
    %dma_start3A_165 = tpu.memref_slice %arg5[%dma_start3A_158, %dma_start3A_164] : memref<128x50xi32, #tpu.memory_space<vmem>> -> memref<1x50xi32, #tpu.memory_space<vmem>>
    %dma_start3A_166 = tpu.memref_squeeze %dma_start3A_165 : memref<1x50xi32, #tpu.memory_space<vmem>> -> memref<50xi32, #tpu.memory_space<vmem>>
    %dma_start3A_167 = arith.constant 0 : i32
    %dma_start3A_168 = arith.constant 0 : i32
    %dma_start3A_169 = tpu.memref_slice %arg3[%dma_start3A_167, %dma_start3A_168] : memref<1000000x128xf32, #tpu.memory_space<hbm>> -> memref<1000000x128xf32, #tpu.memory_space<hbm>>
    tpu.enqueue_indirect_dma source(%dma_start3A_169 : memref<1000000x128xf32, #tpu.memory_space<hbm>>) target(%dma_start3A_163 : memref<50x128xf32, #tpu.memory_space<vmem>>) offsets(%dma_start3A_166 : memref<50xi32, #tpu.memory_space<vmem>>) semaphore(%arg9 : memref<!tpu.dma_semaphore, #tpu.memory_space<semaphore_mem>>)
    %dma_start3A_170 = arith.constant 14 : i32
    %dma_start3A_171 = arith.constant 6 : i32
    %dma_start3A_172 = arith.constant 0 : i32
    %dma_start3A_173 = arith.constant 0 : i32
    %dma_start3A_174 = tpu.memref_slice %arg7[%dma_start3A_171, %dma_start3A_172, %dma_start3A_173] : memref<8x50x128xf32, #tpu.memory_space<vmem>> -> memref<1x50x128xf32, #tpu.memory_space<vmem>>
    %dma_start3A_175 = tpu.memref_squeeze %dma_start3A_174 : memref<1x50x128xf32, #tpu.memory_space<vmem>> -> memref<50x128xf32, #tpu.memory_space<vmem>>
    %dma_start3A_176 = arith.constant 0 : i32
    %dma_start3A_177 = tpu.memref_slice %arg5[%dma_start3A_170, %dma_start3A_176] : memref<128x50xi32, #tpu.memory_space<vmem>> -> memref<1x50xi32, #tpu.memory_space<vmem>>
    %dma_start3A_178 = tpu.memref_squeeze %dma_start3A_177 : memref<1x50xi32, #tpu.memory_space<vmem>> -> memref<50xi32, #tpu.memory_space<vmem>>
    %dma_start3A_179 = arith.constant 0 : i32
    %dma_start3A_180 = arith.constant 0 : i32
    %dma_start3A_181 = tpu.memref_slice %arg3[%dma_start3A_179, %dma_start3A_180] : memref<1000000x128xf32, #tpu.memory_space<hbm>> -> memref<1000000x128xf32, #tpu.memory_space<hbm>>
    tpu.enqueue_indirect_dma source(%dma_start3A_181 : memref<1000000x128xf32, #tpu.memory_space<hbm>>) target(%dma_start3A_175 : memref<50x128xf32, #tpu.memory_space<vmem>>) offsets(%dma_start3A_178 : memref<50xi32, #tpu.memory_space<vmem>>) semaphore(%arg9 : memref<!tpu.dma_semaphore, #tpu.memory_space<semaphore_mem>>)
    %dma_start3A_182 = arith.constant 15 : i32
    %dma_start3A_183 = arith.constant 7 : i32
    %dma_start3A_184 = arith.constant 0 : i32
    %dma_start3A_185 = arith.constant 0 : i32
    %dma_start3A_186 = tpu.memref_slice %arg7[%dma_start3A_183, %dma_start3A_184, %dma_start3A_185] : memref<8x50x128xf32, #tpu.memory_space<vmem>> -> memref<1x50x128xf32, #tpu.memory_space<vmem>>
    %dma_start3A_187 = tpu.memref_squeeze %dma_start3A_186 : memref<1x50x128xf32, #tpu.memory_space<vmem>> -> memref<50x128xf32, #tpu.memory_space<vmem>>
    %dma_start3A_188 = arith.constant 0 : i32
    %dma_start3A_189 = tpu.memref_slice %arg5[%dma_start3A_182, %dma_start3A_188] : memref<128x50xi32, #tpu.memory_space<vmem>> -> memref<1x50xi32, #tpu.memory_space<vmem>>
    %dma_start3A_190 = tpu.memref_squeeze %dma_start3A_189 : memref<1x50xi32, #tpu.memory_space<vmem>> -> memref<50xi32, #tpu.memory_space<vmem>>
    %dma_start3A_191 = arith.constant 0 : i32
    %dma_start3A_192 = arith.constant 0 : i32
    %dma_start3A_193 = tpu.memref_slice %arg3[%dma_start3A_191, %dma_start3A_192] : memref<1000000x128xf32, #tpu.memory_space<hbm>> -> memref<1000000x128xf32, #tpu.memory_space<hbm>>
    tpu.enqueue_indirect_dma source(%dma_start3A_193 : memref<1000000x128xf32, #tpu.memory_space<hbm>>) target(%dma_start3A_187 : memref<50x128xf32, #tpu.memory_space<vmem>>) offsets(%dma_start3A_190 : memref<50xi32, #tpu.memory_space<vmem>>) semaphore(%arg9 : memref<!tpu.dma_semaphore, #tpu.memory_space<semaphore_mem>>)
    %dma_wait3A = arith.constant 0 : i32
    %dma_wait3A_194 = arith.constant 0 : i32
    %dma_wait3A_195 = arith.constant 0 : i32
    %dma_wait3A_196 = arith.constant 0 : i32
    %dma_wait3A_197 = tpu.memref_slice %arg6[%dma_wait3A_194, %dma_wait3A_195, %dma_wait3A_196] : memref<8x50x128xf32, #tpu.memory_space<vmem>> -> memref<1x50x128xf32, #tpu.memory_space<vmem>>
    %dma_wait3A_198 = tpu.memref_squeeze %dma_wait3A_197 : memref<1x50x128xf32, #tpu.memory_space<vmem>> -> memref<50x128xf32, #tpu.memory_space<vmem>>
    %dma_wait3A_199 = arith.constant 0 : i32
    %dma_wait3A_200 = tpu.memref_slice %arg5[%dma_wait3A, %dma_wait3A_199] : memref<128x50xi32, #tpu.memory_space<vmem>> -> memref<1x50xi32, #tpu.memory_space<vmem>>
    %dma_wait3A_201 = tpu.memref_squeeze %dma_wait3A_200 : memref<1x50xi32, #tpu.memory_space<vmem>> -> memref<50xi32, #tpu.memory_space<vmem>>
    %dma_wait3A_202 = arith.constant 0 : i32
    %dma_wait3A_203 = arith.constant 0 : i32
    %dma_wait3A_204 = tpu.memref_slice %arg3[%dma_wait3A_202, %dma_wait3A_203] : memref<1000000x128xf32, #tpu.memory_space<hbm>> -> memref<1000000x128xf32, #tpu.memory_space<hbm>>
    tpu.wait_indirect_dma semaphore(%arg8 : memref<!tpu.dma_semaphore, #tpu.memory_space<semaphore_mem>>) src(%dma_wait3A_204 : memref<1000000x128xf32, #tpu.memory_space<hbm>>) dst(%dma_wait3A_198 : memref<50x128xf32, #tpu.memory_space<vmem>>)
    %dma_wait3A_205 = arith.constant 1 : i32
    %dma_wait3A_206 = arith.constant 1 : i32
    %dma_wait3A_207 = arith.constant 0 : i32
    %dma_wait3A_208 = arith.constant 0 : i32
    %dma_wait3A_209 = tpu.memref_slice %arg6[%dma_wait3A_206, %dma_wait3A_207, %dma_wait3A_208] : memref<8x50x128xf32, #tpu.memory_space<vmem>> -> memref<1x50x128xf32, #tpu.memory_space<vmem>>
    %dma_wait3A_210 = tpu.memref_squeeze %dma_wait3A_209 : memref<1x50x128xf32, #tpu.memory_space<vmem>> -> memref<50x128xf32, #tpu.memory_space<vmem>>
    %dma_wait3A_211 = arith.constant 0 : i32
    %dma_wait3A_212 = tpu.memref_slice %arg5[%dma_wait3A_205, %dma_wait3A_211] : memref<128x50xi32, #tpu.memory_space<vmem>> -> memref<1x50xi32, #tpu.memory_space<vmem>>
    %dma_wait3A_213 = tpu.memref_squeeze %dma_wait3A_212 : memref<1x50xi32, #tpu.memory_space<vmem>> -> memref<50xi32, #tpu.memory_space<vmem>>
    %dma_wait3A_214 = arith.constant 0 : i32
    %dma_wait3A_215 = arith.constant 0 : i32
    %dma_wait3A_216 = tpu.memref_slice %arg3[%dma_wait3A_214, %dma_wait3A_215] : memref<1000000x128xf32, #tpu.memory_space<hbm>> -> memref<1000000x128xf32, #tpu.memory_space<hbm>>
    tpu.wait_indirect_dma semaphore(%arg8 : memref<!tpu.dma_semaphore, #tpu.memory_space<semaphore_mem>>) src(%dma_wait3A_216 : memref<1000000x128xf32, #tpu.memory_space<hbm>>) dst(%dma_wait3A_210 : memref<50x128xf32, #tpu.memory_space<vmem>>)
    %dma_wait3A_217 = arith.constant 2 : i32
    %dma_wait3A_218 = arith.constant 2 : i32
    %dma_wait3A_219 = arith.constant 0 : i32
    %dma_wait3A_220 = arith.constant 0 : i32
    %dma_wait3A_221 = tpu.memref_slice %arg6[%dma_wait3A_218, %dma_wait3A_219, %dma_wait3A_220] : memref<8x50x128xf32, #tpu.memory_space<vmem>> -> memref<1x50x128xf32, #tpu.memory_space<vmem>>
    %dma_wait3A_222 = tpu.memref_squeeze %dma_wait3A_221 : memref<1x50x128xf32, #tpu.memory_space<vmem>> -> memref<50x128xf32, #tpu.memory_space<vmem>>
    %dma_wait3A_223 = arith.constant 0 : i32
    %dma_wait3A_224 = tpu.memref_slice %arg5[%dma_wait3A_217, %dma_wait3A_223] : memref<128x50xi32, #tpu.memory_space<vmem>> -> memref<1x50xi32, #tpu.memory_space<vmem>>
    %dma_wait3A_225 = tpu.memref_squeeze %dma_wait3A_224 : memref<1x50xi32, #tpu.memory_space<vmem>> -> memref<50xi32, #tpu.memory_space<vmem>>
    %dma_wait3A_226 = arith.constant 0 : i32
    %dma_wait3A_227 = arith.constant 0 : i32
    %dma_wait3A_228 = tpu.memref_slice %arg3[%dma_wait3A_226, %dma_wait3A_227] : memref<1000000x128xf32, #tpu.memory_space<hbm>> -> memref<1000000x128xf32, #tpu.memory_space<hbm>>
    tpu.wait_indirect_dma semaphore(%arg8 : memref<!tpu.dma_semaphore, #tpu.memory_space<semaphore_mem>>) src(%dma_wait3A_228 : memref<1000000x128xf32, #tpu.memory_space<hbm>>) dst(%dma_wait3A_222 : memref<50x128xf32, #tpu.memory_space<vmem>>)
    %dma_wait3A_229 = arith.constant 3 : i32
    %dma_wait3A_230 = arith.constant 3 : i32
    %dma_wait3A_231 = arith.constant 0 : i32
    %dma_wait3A_232 = arith.constant 0 : i32
    %dma_wait3A_233 = tpu.memref_slice %arg6[%dma_wait3A_230, %dma_wait3A_231, %dma_wait3A_232] : memref<8x50x128xf32, #tpu.memory_space<vmem>> -> memref<1x50x128xf32, #tpu.memory_space<vmem>>
    %dma_wait3A_234 = tpu.memref_squeeze %dma_wait3A_233 : memref<1x50x128xf32, #tpu.memory_space<vmem>> -> memref<50x128xf32, #tpu.memory_space<vmem>>
    %dma_wait3A_235 = arith.constant 0 : i32
    %dma_wait3A_236 = tpu.memref_slice %arg5[%dma_wait3A_229, %dma_wait3A_235] : memref<128x50xi32, #tpu.memory_space<vmem>> -> memref<1x50xi32, #tpu.memory_space<vmem>>
    %dma_wait3A_237 = tpu.memref_squeeze %dma_wait3A_236 : memref<1x50xi32, #tpu.memory_space<vmem>> -> memref<50xi32, #tpu.memory_space<vmem>>
    %dma_wait3A_238 = arith.constant 0 : i32
    %dma_wait3A_239 = arith.constant 0 : i32
    %dma_wait3A_240 = tpu.memref_slice %arg3[%dma_wait3A_238, %dma_wait3A_239] : memref<1000000x128xf32, #tpu.memory_space<hbm>> -> memref<1000000x128xf32, #tpu.memory_space<hbm>>
    tpu.wait_indirect_dma semaphore(%arg8 : memref<!tpu.dma_semaphore, #tpu.memory_space<semaphore_mem>>) src(%dma_wait3A_240 : memref<1000000x128xf32, #tpu.memory_space<hbm>>) dst(%dma_wait3A_234 : memref<50x128xf32, #tpu.memory_space<vmem>>)
    %dma_wait3A_241 = arith.constant 4 : i32
    %dma_wait3A_242 = arith.constant 4 : i32
    %dma_wait3A_243 = arith.constant 0 : i32
    %dma_wait3A_244 = arith.constant 0 : i32
    %dma_wait3A_245 = tpu.memref_slice %arg6[%dma_wait3A_242, %dma_wait3A_243, %dma_wait3A_244] : memref<8x50x128xf32, #tpu.memory_space<vmem>> -> memref<1x50x128xf32, #tpu.memory_space<vmem>>
    %dma_wait3A_246 = tpu.memref_squeeze %dma_wait3A_245 : memref<1x50x128xf32, #tpu.memory_space<vmem>> -> memref<50x128xf32, #tpu.memory_space<vmem>>
    %dma_wait3A_247 = arith.constant 0 : i32
    %dma_wait3A_248 = tpu.memref_slice %arg5[%dma_wait3A_241, %dma_wait3A_247] : memref<128x50xi32, #tpu.memory_space<vmem>> -> memref<1x50xi32, #tpu.memory_space<vmem>>
    %dma_wait3A_249 = tpu.memref_squeeze %dma_wait3A_248 : memref<1x50xi32, #tpu.memory_space<vmem>> -> memref<50xi32, #tpu.memory_space<vmem>>
    %dma_wait3A_250 = arith.constant 0 : i32
    %dma_wait3A_251 = arith.constant 0 : i32
    %dma_wait3A_252 = tpu.memref_slice %arg3[%dma_wait3A_250, %dma_wait3A_251] : memref<1000000x128xf32, #tpu.memory_space<hbm>> -> memref<1000000x128xf32, #tpu.memory_space<hbm>>
    tpu.wait_indirect_dma semaphore(%arg8 : memref<!tpu.dma_semaphore, #tpu.memory_space<semaphore_mem>>) src(%dma_wait3A_252 : memref<1000000x128xf32, #tpu.memory_space<hbm>>) dst(%dma_wait3A_246 : memref<50x128xf32, #tpu.memory_space<vmem>>)
    %dma_wait3A_253 = arith.constant 5 : i32
    %dma_wait3A_254 = arith.constant 5 : i32
    %dma_wait3A_255 = arith.constant 0 : i32
    %dma_wait3A_256 = arith.constant 0 : i32
    %dma_wait3A_257 = tpu.memref_slice %arg6[%dma_wait3A_254, %dma_wait3A_255, %dma_wait3A_256] : memref<8x50x128xf32, #tpu.memory_space<vmem>> -> memref<1x50x128xf32, #tpu.memory_space<vmem>>
    %dma_wait3A_258 = tpu.memref_squeeze %dma_wait3A_257 : memref<1x50x128xf32, #tpu.memory_space<vmem>> -> memref<50x128xf32, #tpu.memory_space<vmem>>
    %dma_wait3A_259 = arith.constant 0 : i32
    %dma_wait3A_260 = tpu.memref_slice %arg5[%dma_wait3A_253, %dma_wait3A_259] : memref<128x50xi32, #tpu.memory_space<vmem>> -> memref<1x50xi32, #tpu.memory_space<vmem>>
    %dma_wait3A_261 = tpu.memref_squeeze %dma_wait3A_260 : memref<1x50xi32, #tpu.memory_space<vmem>> -> memref<50xi32, #tpu.memory_space<vmem>>
    %dma_wait3A_262 = arith.constant 0 : i32
    %dma_wait3A_263 = arith.constant 0 : i32
    %dma_wait3A_264 = tpu.memref_slice %arg3[%dma_wait3A_262, %dma_wait3A_263] : memref<1000000x128xf32, #tpu.memory_space<hbm>> -> memref<1000000x128xf32, #tpu.memory_space<hbm>>
    tpu.wait_indirect_dma semaphore(%arg8 : memref<!tpu.dma_semaphore, #tpu.memory_space<semaphore_mem>>) src(%dma_wait3A_264 : memref<1000000x128xf32, #tpu.memory_space<hbm>>) dst(%dma_wait3A_258 : memref<50x128xf32, #tpu.memory_space<vmem>>)
    %dma_wait3A_265 = arith.constant 6 : i32
    %dma_wait3A_266 = arith.constant 6 : i32
    %dma_wait3A_267 = arith.constant 0 : i32
    %dma_wait3A_268 = arith.constant 0 : i32
    %dma_wait3A_269 = tpu.memref_slice %arg6[%dma_wait3A_266, %dma_wait3A_267, %dma_wait3A_268] : memref<8x50x128xf32, #tpu.memory_space<vmem>> -> memref<1x50x128xf32, #tpu.memory_space<vmem>>
    %dma_wait3A_270 = tpu.memref_squeeze %dma_wait3A_269 : memref<1x50x128xf32, #tpu.memory_space<vmem>> -> memref<50x128xf32, #tpu.memory_space<vmem>>
    %dma_wait3A_271 = arith.constant 0 : i32
    %dma_wait3A_272 = tpu.memref_slice %arg5[%dma_wait3A_265, %dma_wait3A_271] : memref<128x50xi32, #tpu.memory_space<vmem>> -> memref<1x50xi32, #tpu.memory_space<vmem>>
    %dma_wait3A_273 = tpu.memref_squeeze %dma_wait3A_272 : memref<1x50xi32, #tpu.memory_space<vmem>> -> memref<50xi32, #tpu.memory_space<vmem>>
    %dma_wait3A_274 = arith.constant 0 : i32
    %dma_wait3A_275 = arith.constant 0 : i32
    %dma_wait3A_276 = tpu.memref_slice %arg3[%dma_wait3A_274, %dma_wait3A_275] : memref<1000000x128xf32, #tpu.memory_space<hbm>> -> memref<1000000x128xf32, #tpu.memory_space<hbm>>
    tpu.wait_indirect_dma semaphore(%arg8 : memref<!tpu.dma_semaphore, #tpu.memory_space<semaphore_mem>>) src(%dma_wait3A_276 : memref<1000000x128xf32, #tpu.memory_space<hbm>>) dst(%dma_wait3A_270 : memref<50x128xf32, #tpu.memory_space<vmem>>)
    %dma_wait3A_277 = arith.constant 7 : i32
    %dma_wait3A_278 = arith.constant 7 : i32
    %dma_wait3A_279 = arith.constant 0 : i32
    %dma_wait3A_280 = arith.constant 0 : i32
    %dma_wait3A_281 = tpu.memref_slice %arg6[%dma_wait3A_278, %dma_wait3A_279, %dma_wait3A_280] : memref<8x50x128xf32, #tpu.memory_space<vmem>> -> memref<1x50x128xf32, #tpu.memory_space<vmem>>
    %dma_wait3A_282 = tpu.memref_squeeze %dma_wait3A_281 : memref<1x50x128xf32, #tpu.memory_space<vmem>> -> memref<50x128xf32, #tpu.memory_space<vmem>>
    %dma_wait3A_283 = arith.constant 0 : i32
    %dma_wait3A_284 = tpu.memref_slice %arg5[%dma_wait3A_277, %dma_wait3A_283] : memref<128x50xi32, #tpu.memory_space<vmem>> -> memref<1x50xi32, #tpu.memory_space<vmem>>
    %dma_wait3A_285 = tpu.memref_squeeze %dma_wait3A_284 : memref<1x50xi32, #tpu.memory_space<vmem>> -> memref<50xi32, #tpu.memory_space<vmem>>
    %dma_wait3A_286 = arith.constant 0 : i32
    %dma_wait3A_287 = arith.constant 0 : i32
    %dma_wait3A_288 = tpu.memref_slice %arg3[%dma_wait3A_286, %dma_wait3A_287] : memref<1000000x128xf32, #tpu.memory_space<hbm>> -> memref<1000000x128xf32, #tpu.memory_space<hbm>>
    tpu.wait_indirect_dma semaphore(%arg8 : memref<!tpu.dma_semaphore, #tpu.memory_space<semaphore_mem>>) src(%dma_wait3A_288 : memref<1000000x128xf32, #tpu.memory_space<hbm>>) dst(%dma_wait3A_282 : memref<50x128xf32, #tpu.memory_space<vmem>>)
    %add3A_289 = arith.constant 0 : i32
    %add3A_290 = arith.addi %mul3A_2, %add3A_289 : i32
    %dma_start3A_291 = arith.constant 0 : i32
    %dma_start3A_292 = arith.constant 0 : i32
    %dma_start3A_293 = arith.constant 0 : i32
    %dma_start3A_294 = tpu.memref_slice %arg6[%dma_start3A_291, %dma_start3A_292, %dma_start3A_293] : memref<8x50x128xf32, #tpu.memory_space<vmem>> -> memref<8x50x64xf32, #tpu.memory_space<vmem>>
    %dma_start3A_295 = arith.constant 0 : i32
    %dma_start3A_296 = arith.constant 0 : i32
    %dma_start3A_297 = tpu.memref_slice %arg4[%add3A_290, %dma_start3A_295, %dma_start3A_296] : memref<4096x50x64xf32, #tpu.memory_space<hbm>> -> memref<8x50x64xf32, #tpu.memory_space<hbm>>
    %dma_start3A_298 = arith.constant 0 : i32
    %dma_start3A_299 = arith.constant 0 : i32
    %dma_start3A_300 = tpu.memref_slice %arg4[%add3A_290, %dma_start3A_298, %dma_start3A_299] : memref<4096x50x64xf32, #tpu.memory_space<hbm>> -> memref<8x50x64xf32, #tpu.memory_space<hbm>>
    %dma_start3A_301 = arith.constant 0 : i32
    %dma_start3A_302 = arith.constant 0 : i32
    %dma_start3A_303 = arith.constant 0 : i32
    %dma_start3A_304 = tpu.memref_slice %arg6[%dma_start3A_301, %dma_start3A_302, %dma_start3A_303] : memref<8x50x128xf32, #tpu.memory_space<vmem>> -> memref<8x50x64xf32, #tpu.memory_space<vmem>>
    tpu.enqueue_dma source(%dma_start3A_304 : memref<8x50x64xf32, #tpu.memory_space<vmem>>) target(%dma_start3A_300 : memref<8x50x64xf32, #tpu.memory_space<hbm>>) target_semaphore(%arg10 : memref<!tpu.dma_semaphore, #tpu.memory_space<semaphore_mem>>)
    %dma_wait3A_305 = arith.constant 0 : i32
    %dma_wait3A_306 = arith.constant 0 : i32
    %dma_wait3A_307 = arith.constant 0 : i32
    %dma_wait3A_308 = tpu.memref_slice %arg6[%dma_wait3A_305, %dma_wait3A_306, %dma_wait3A_307] : memref<8x50x128xf32, #tpu.memory_space<vmem>> -> memref<8x50x64xf32, #tpu.memory_space<vmem>>
    %dma_wait3A_309 = arith.constant 0 : i32
    %dma_wait3A_310 = arith.constant 0 : i32
    %dma_wait3A_311 = tpu.memref_slice %arg4[%add3A_290, %dma_wait3A_309, %dma_wait3A_310] : memref<4096x50x64xf32, #tpu.memory_space<hbm>> -> memref<8x50x64xf32, #tpu.memory_space<hbm>>
    %dma_wait3A_312 = arith.constant 0 : i32
    %dma_wait3A_313 = arith.constant 0 : i32
    %dma_wait3A_314 = tpu.memref_slice %arg4[%add3A_290, %dma_wait3A_312, %dma_wait3A_313] : memref<4096x50x64xf32, #tpu.memory_space<hbm>> -> memref<8x50x64xf32, #tpu.memory_space<hbm>>
    %dma_wait3A_315 = arith.constant 0 : i32
    %dma_wait3A_316 = arith.constant 0 : i32
    %dma_wait3A_317 = arith.constant 0 : i32
    %dma_wait3A_318 = tpu.memref_slice %arg6[%dma_wait3A_315, %dma_wait3A_316, %dma_wait3A_317] : memref<8x50x128xf32, #tpu.memory_space<vmem>> -> memref<8x50x64xf32, #tpu.memory_space<vmem>>
    tpu.wait_dma2 semaphore(%arg10 : memref<!tpu.dma_semaphore, #tpu.memory_space<semaphore_mem>>) src(%dma_wait3A_318 : memref<8x50x64xf32, #tpu.memory_space<vmem>>) dst(%dma_wait3A_314 : memref<8x50x64xf32, #tpu.memory_space<hbm>>)
    %dma_start3A_319 = arith.constant 16 : i32
    %dma_start3A_320 = arith.constant 0 : i32
    %dma_start3A_321 = arith.constant 0 : i32
    %dma_start3A_322 = arith.constant 0 : i32
    %dma_start3A_323 = tpu.memref_slice %arg6[%dma_start3A_320, %dma_start3A_321, %dma_start3A_322] : memref<8x50x128xf32, #tpu.memory_space<vmem>> -> memref<1x50x128xf32, #tpu.memory_space<vmem>>
    %dma_start3A_324 = tpu.memref_squeeze %dma_start3A_323 : memref<1x50x128xf32, #tpu.memory_space<vmem>> -> memref<50x128xf32, #tpu.memory_space<vmem>>
    %dma_start3A_325 = arith.constant 0 : i32
    %dma_start3A_326 = tpu.memref_slice %arg5[%dma_start3A_319, %dma_start3A_325] : memref<128x50xi32, #tpu.memory_space<vmem>> -> memref<1x50xi32, #tpu.memory_space<vmem>>
    %dma_start3A_327 = tpu.memref_squeeze %dma_start3A_326 : memref<1x50xi32, #tpu.memory_space<vmem>> -> memref<50xi32, #tpu.memory_space<vmem>>
    %dma_start3A_328 = arith.constant 0 : i32
    %dma_start3A_329 = arith.constant 0 : i32
    %dma_start3A_330 = tpu.memref_slice %arg3[%dma_start3A_328, %dma_start3A_329] : memref<1000000x128xf32, #tpu.memory_space<hbm>> -> memref<1000000x128xf32, #tpu.memory_space<hbm>>
    tpu.enqueue_indirect_dma source(%dma_start3A_330 : memref<1000000x128xf32, #tpu.memory_space<hbm>>) target(%dma_start3A_324 : memref<50x128xf32, #tpu.memory_space<vmem>>) offsets(%dma_start3A_327 : memref<50xi32, #tpu.memory_space<vmem>>) semaphore(%arg8 : memref<!tpu.dma_semaphore, #tpu.memory_space<semaphore_mem>>)
    %dma_start3A_331 = arith.constant 17 : i32
    %dma_start3A_332 = arith.constant 1 : i32
    %dma_start3A_333 = arith.constant 0 : i32
    %dma_start3A_334 = arith.constant 0 : i32
    %dma_start3A_335 = tpu.memref_slice %arg6[%dma_start3A_332, %dma_start3A_333, %dma_start3A_334] : memref<8x50x128xf32, #tpu.memory_space<vmem>> -> memref<1x50x128xf32, #tpu.memory_space<vmem>>
    %dma_start3A_336 = tpu.memref_squeeze %dma_start3A_335 : memref<1x50x128xf32, #tpu.memory_space<vmem>> -> memref<50x128xf32, #tpu.memory_space<vmem>>
    %dma_start3A_337 = arith.constant 0 : i32
    %dma_start3A_338 = tpu.memref_slice %arg5[%dma_start3A_331, %dma_start3A_337] : memref<128x50xi32, #tpu.memory_space<vmem>> -> memref<1x50xi32, #tpu.memory_space<vmem>>
    %dma_start3A_339 = tpu.memref_squeeze %dma_start3A_338 : memref<1x50xi32, #tpu.memory_space<vmem>> -> memref<50xi32, #tpu.memory_space<vmem>>
    %dma_start3A_340 = arith.constant 0 : i32
    %dma_start3A_341 = arith.constant 0 : i32
    %dma_start3A_342 = tpu.memref_slice %arg3[%dma_start3A_340, %dma_start3A_341] : memref<1000000x128xf32, #tpu.memory_space<hbm>> -> memref<1000000x128xf32, #tpu.memory_space<hbm>>
    tpu.enqueue_indirect_dma source(%dma_start3A_342 : memref<1000000x128xf32, #tpu.memory_space<hbm>>) target(%dma_start3A_336 : memref<50x128xf32, #tpu.memory_space<vmem>>) offsets(%dma_start3A_339 : memref<50xi32, #tpu.memory_space<vmem>>) semaphore(%arg8 : memref<!tpu.dma_semaphore, #tpu.memory_space<semaphore_mem>>)
    %dma_start3A_343 = arith.constant 18 : i32
    %dma_start3A_344 = arith.constant 2 : i32
    %dma_start3A_345 = arith.constant 0 : i32
    %dma_start3A_346 = arith.constant 0 : i32
    %dma_start3A_347 = tpu.memref_slice %arg6[%dma_start3A_344, %dma_start3A_345, %dma_start3A_346] : memref<8x50x128xf32, #tpu.memory_space<vmem>> -> memref<1x50x128xf32, #tpu.memory_space<vmem>>
    %dma_start3A_348 = tpu.memref_squeeze %dma_start3A_347 : memref<1x50x128xf32, #tpu.memory_space<vmem>> -> memref<50x128xf32, #tpu.memory_space<vmem>>
    %dma_start3A_349 = arith.constant 0 : i32
    %dma_start3A_350 = tpu.memref_slice %arg5[%dma_start3A_343, %dma_start3A_349] : memref<128x50xi32, #tpu.memory_space<vmem>> -> memref<1x50xi32, #tpu.memory_space<vmem>>
    %dma_start3A_351 = tpu.memref_squeeze %dma_start3A_350 : memref<1x50xi32, #tpu.memory_space<vmem>> -> memref<50xi32, #tpu.memory_space<vmem>>
    %dma_start3A_352 = arith.constant 0 : i32
    %dma_start3A_353 = arith.constant 0 : i32
    %dma_start3A_354 = tpu.memref_slice %arg3[%dma_start3A_352, %dma_start3A_353] : memref<1000000x128xf32, #tpu.memory_space<hbm>> -> memref<1000000x128xf32, #tpu.memory_space<hbm>>
    tpu.enqueue_indirect_dma source(%dma_start3A_354 : memref<1000000x128xf32, #tpu.memory_space<hbm>>) target(%dma_start3A_348 : memref<50x128xf32, #tpu.memory_space<vmem>>) offsets(%dma_start3A_351 : memref<50xi32, #tpu.memory_space<vmem>>) semaphore(%arg8 : memref<!tpu.dma_semaphore, #tpu.memory_space<semaphore_mem>>)
    %dma_start3A_355 = arith.constant 19 : i32
    %dma_start3A_356 = arith.constant 3 : i32
    %dma_start3A_357 = arith.constant 0 : i32
    %dma_start3A_358 = arith.constant 0 : i32
    %dma_start3A_359 = tpu.memref_slice %arg6[%dma_start3A_356, %dma_start3A_357, %dma_start3A_358] : memref<8x50x128xf32, #tpu.memory_space<vmem>> -> memref<1x50x128xf32, #tpu.memory_space<vmem>>
    %dma_start3A_360 = tpu.memref_squeeze %dma_start3A_359 : memref<1x50x128xf32, #tpu.memory_space<vmem>> -> memref<50x128xf32, #tpu.memory_space<vmem>>
    %dma_start3A_361 = arith.constant 0 : i32
    %dma_start3A_362 = tpu.memref_slice %arg5[%dma_start3A_355, %dma_start3A_361] : memref<128x50xi32, #tpu.memory_space<vmem>> -> memref<1x50xi32, #tpu.memory_space<vmem>>
    %dma_start3A_363 = tpu.memref_squeeze %dma_start3A_362 : memref<1x50xi32, #tpu.memory_space<vmem>> -> memref<50xi32, #tpu.memory_space<vmem>>
    %dma_start3A_364 = arith.constant 0 : i32
    %dma_start3A_365 = arith.constant 0 : i32
    %dma_start3A_366 = tpu.memref_slice %arg3[%dma_start3A_364, %dma_start3A_365] : memref<1000000x128xf32, #tpu.memory_space<hbm>> -> memref<1000000x128xf32, #tpu.memory_space<hbm>>
    tpu.enqueue_indirect_dma source(%dma_start3A_366 : memref<1000000x128xf32, #tpu.memory_space<hbm>>) target(%dma_start3A_360 : memref<50x128xf32, #tpu.memory_space<vmem>>) offsets(%dma_start3A_363 : memref<50xi32, #tpu.memory_space<vmem>>) semaphore(%arg8 : memref<!tpu.dma_semaphore, #tpu.memory_space<semaphore_mem>>)
    %dma_start3A_367 = arith.constant 20 : i32
    %dma_start3A_368 = arith.constant 4 : i32
    %dma_start3A_369 = arith.constant 0 : i32
    %dma_start3A_370 = arith.constant 0 : i32
    %dma_start3A_371 = tpu.memref_slice %arg6[%dma_start3A_368, %dma_start3A_369, %dma_start3A_370] : memref<8x50x128xf32, #tpu.memory_space<vmem>> -> memref<1x50x128xf32, #tpu.memory_space<vmem>>
    %dma_start3A_372 = tpu.memref_squeeze %dma_start3A_371 : memref<1x50x128xf32, #tpu.memory_space<vmem>> -> memref<50x128xf32, #tpu.memory_space<vmem>>
    %dma_start3A_373 = arith.constant 0 : i32
    %dma_start3A_374 = tpu.memref_slice %arg5[%dma_start3A_367, %dma_start3A_373] : memref<128x50xi32, #tpu.memory_space<vmem>> -> memref<1x50xi32, #tpu.memory_space<vmem>>
    %dma_start3A_375 = tpu.memref_squeeze %dma_start3A_374 : memref<1x50xi32, #tpu.memory_space<vmem>> -> memref<50xi32, #tpu.memory_space<vmem>>
    %dma_start3A_376 = arith.constant 0 : i32
    %dma_start3A_377 = arith.constant 0 : i32
    %dma_start3A_378 = tpu.memref_slice %arg3[%dma_start3A_376, %dma_start3A_377] : memref<1000000x128xf32, #tpu.memory_space<hbm>> -> memref<1000000x128xf32, #tpu.memory_space<hbm>>
    tpu.enqueue_indirect_dma source(%dma_start3A_378 : memref<1000000x128xf32, #tpu.memory_space<hbm>>) target(%dma_start3A_372 : memref<50x128xf32, #tpu.memory_space<vmem>>) offsets(%dma_start3A_375 : memref<50xi32, #tpu.memory_space<vmem>>) semaphore(%arg8 : memref<!tpu.dma_semaphore, #tpu.memory_space<semaphore_mem>>)
    %dma_start3A_379 = arith.constant 21 : i32
    %dma_start3A_380 = arith.constant 5 : i32
    %dma_start3A_381 = arith.constant 0 : i32
    %dma_start3A_382 = arith.constant 0 : i32
    %dma_start3A_383 = tpu.memref_slice %arg6[%dma_start3A_380, %dma_start3A_381, %dma_start3A_382] : memref<8x50x128xf32, #tpu.memory_space<vmem>> -> memref<1x50x128xf32, #tpu.memory_space<vmem>>
    %dma_start3A_384 = tpu.memref_squeeze %dma_start3A_383 : memref<1x50x128xf32, #tpu.memory_space<vmem>> -> memref<50x128xf32, #tpu.memory_space<vmem>>
    %dma_start3A_385 = arith.constant 0 : i32
    %dma_start3A_386 = tpu.memref_slice %arg5[%dma_start3A_379, %dma_start3A_385] : memref<128x50xi32, #tpu.memory_space<vmem>> -> memref<1x50xi32, #tpu.memory_space<vmem>>
    %dma_start3A_387 = tpu.memref_squeeze %dma_start3A_386 : memref<1x50xi32, #tpu.memory_space<vmem>> -> memref<50xi32, #tpu.memory_space<vmem>>
    %dma_start3A_388 = arith.constant 0 : i32
    %dma_start3A_389 = arith.constant 0 : i32
    %dma_start3A_390 = tpu.memref_slice %arg3[%dma_start3A_388, %dma_start3A_389] : memref<1000000x128xf32, #tpu.memory_space<hbm>> -> memref<1000000x128xf32, #tpu.memory_space<hbm>>
    tpu.enqueue_indirect_dma source(%dma_start3A_390 : memref<1000000x128xf32, #tpu.memory_space<hbm>>) target(%dma_start3A_384 : memref<50x128xf32, #tpu.memory_space<vmem>>) offsets(%dma_start3A_387 : memref<50xi32, #tpu.memory_space<vmem>>) semaphore(%arg8 : memref<!tpu.dma_semaphore, #tpu.memory_space<semaphore_mem>>)
    %dma_start3A_391 = arith.constant 22 : i32
    %dma_start3A_392 = arith.constant 6 : i32
    %dma_start3A_393 = arith.constant 0 : i32
    %dma_start3A_394 = arith.constant 0 : i32
    %dma_start3A_395 = tpu.memref_slice %arg6[%dma_start3A_392, %dma_start3A_393, %dma_start3A_394] : memref<8x50x128xf32, #tpu.memory_space<vmem>> -> memref<1x50x128xf32, #tpu.memory_space<vmem>>
    %dma_start3A_396 = tpu.memref_squeeze %dma_start3A_395 : memref<1x50x128xf32, #tpu.memory_space<vmem>> -> memref<50x128xf32, #tpu.memory_space<vmem>>
    %dma_start3A_397 = arith.constant 0 : i32
    %dma_start3A_398 = tpu.memref_slice %arg5[%dma_start3A_391, %dma_start3A_397] : memref<128x50xi32, #tpu.memory_space<vmem>> -> memref<1x50xi32, #tpu.memory_space<vmem>>
    %dma_start3A_399 = tpu.memref_squeeze %dma_start3A_398 : memref<1x50xi32, #tpu.memory_space<vmem>> -> memref<50xi32, #tpu.memory_space<vmem>>
    %dma_start3A_400 = arith.constant 0 : i32
    %dma_start3A_401 = arith.constant 0 : i32
    %dma_start3A_402 = tpu.memref_slice %arg3[%dma_start3A_400, %dma_start3A_401] : memref<1000000x128xf32, #tpu.memory_space<hbm>> -> memref<1000000x128xf32, #tpu.memory_space<hbm>>
    tpu.enqueue_indirect_dma source(%dma_start3A_402 : memref<1000000x128xf32, #tpu.memory_space<hbm>>) target(%dma_start3A_396 : memref<50x128xf32, #tpu.memory_space<vmem>>) offsets(%dma_start3A_399 : memref<50xi32, #tpu.memory_space<vmem>>) semaphore(%arg8 : memref<!tpu.dma_semaphore, #tpu.memory_space<semaphore_mem>>)
    %dma_start3A_403 = arith.constant 23 : i32
    %dma_start3A_404 = arith.constant 7 : i32
    %dma_start3A_405 = arith.constant 0 : i32
    %dma_start3A_406 = arith.constant 0 : i32
    %dma_start3A_407 = tpu.memref_slice %arg6[%dma_start3A_404, %dma_start3A_405, %dma_start3A_406] : memref<8x50x128xf32, #tpu.memory_space<vmem>> -> memref<1x50x128xf32, #tpu.memory_space<vmem>>
    %dma_start3A_408 = tpu.memref_squeeze %dma_start3A_407 : memref<1x50x128xf32, #tpu.memory_space<vmem>> -> memref<50x128xf32, #tpu.memory_space<vmem>>
    %dma_start3A_409 = arith.constant 0 : i32
    %dma_start3A_410 = tpu.memref_slice %arg5[%dma_start3A_403, %dma_start3A_409] : memref<128x50xi32, #tpu.memory_space<vmem>> -> memref<1x50xi32, #tpu.memory_space<vmem>>
    %dma_start3A_411 = tpu.memref_squeeze %dma_start3A_410 : memref<1x50xi32, #tpu.memory_space<vmem>> -> memref<50xi32, #tpu.memory_space<vmem>>
    %dma_start3A_412 = arith.constant 0 : i32
    %dma_start3A_413 = arith.constant 0 : i32
    %dma_start3A_414 = tpu.memref_slice %arg3[%dma_start3A_412, %dma_start3A_413] : memref<1000000x128xf32, #tpu.memory_space<hbm>> -> memref<1000000x128xf32, #tpu.memory_space<hbm>>
    tpu.enqueue_indirect_dma source(%dma_start3A_414 : memref<1000000x128xf32, #tpu.memory_space<hbm>>) target(%dma_start3A_408 : memref<50x128xf32, #tpu.memory_space<vmem>>) offsets(%dma_start3A_411 : memref<50xi32, #tpu.memory_space<vmem>>) semaphore(%arg8 : memref<!tpu.dma_semaphore, #tpu.memory_space<semaphore_mem>>)
    %dma_wait3A_415 = arith.constant 8 : i32
    %dma_wait3A_416 = arith.constant 0 : i32
    %dma_wait3A_417 = arith.constant 0 : i32
    %dma_wait3A_418 = arith.constant 0 : i32
    %dma_wait3A_419 = tpu.memref_slice %arg7[%dma_wait3A_416, %dma_wait3A_417, %dma_wait3A_418] : memref<8x50x128xf32, #tpu.memory_space<vmem>> -> memref<1x50x128xf32, #tpu.memory_space<vmem>>
    %dma_wait3A_420 = tpu.memref_squeeze %dma_wait3A_419 : memref<1x50x128xf32, #tpu.memory_space<vmem>> -> memref<50x128xf32, #tpu.memory_space<vmem>>
    %dma_wait3A_421 = arith.constant 0 : i32
    %dma_wait3A_422 = tpu.memref_slice %arg5[%dma_wait3A_415, %dma_wait3A_421] : memref<128x50xi32, #tpu.memory_space<vmem>> -> memref<1x50xi32, #tpu.memory_space<vmem>>
    %dma_wait3A_423 = tpu.memref_squeeze %dma_wait3A_422 : memref<1x50xi32, #tpu.memory_space<vmem>> -> memref<50xi32, #tpu.memory_space<vmem>>
    %dma_wait3A_424 = arith.constant 0 : i32
    %dma_wait3A_425 = arith.constant 0 : i32
    %dma_wait3A_426 = tpu.memref_slice %arg3[%dma_wait3A_424, %dma_wait3A_425] : memref<1000000x128xf32, #tpu.memory_space<hbm>> -> memref<1000000x128xf32, #tpu.memory_space<hbm>>
    tpu.wait_indirect_dma semaphore(%arg9 : memref<!tpu.dma_semaphore, #tpu.memory_space<semaphore_mem>>) src(%dma_wait3A_426 : memref<1000000x128xf32, #tpu.memory_space<hbm>>) dst(%dma_wait3A_420 : memref<50x128xf32, #tpu.memory_space<vmem>>)
    %dma_wait3A_427 = arith.constant 9 : i32
    %dma_wait3A_428 = arith.constant 1 : i32
    %dma_wait3A_429 = arith.constant 0 : i32
    %dma_wait3A_430 = arith.constant 0 : i32
    %dma_wait3A_431 = tpu.memref_slice %arg7[%dma_wait3A_428, %dma_wait3A_429, %dma_wait3A_430] : memref<8x50x128xf32, #tpu.memory_space<vmem>> -> memref<1x50x128xf32, #tpu.memory_space<vmem>>
    %dma_wait3A_432 = tpu.memref_squeeze %dma_wait3A_431 : memref<1x50x128xf32, #tpu.memory_space<vmem>> -> memref<50x128xf32, #tpu.memory_space<vmem>>
    %dma_wait3A_433 = arith.constant 0 : i32
    %dma_wait3A_434 = tpu.memref_slice %arg5[%dma_wait3A_427, %dma_wait3A_433] : memref<128x50xi32, #tpu.memory_space<vmem>> -> memref<1x50xi32, #tpu.memory_space<vmem>>
    %dma_wait3A_435 = tpu.memref_squeeze %dma_wait3A_434 : memref<1x50xi32, #tpu.memory_space<vmem>> -> memref<50xi32, #tpu.memory_space<vmem>>
    %dma_wait3A_436 = arith.constant 0 : i32
    %dma_wait3A_437 = arith.constant 0 : i32
    %dma_wait3A_438 = tpu.memref_slice %arg3[%dma_wait3A_436, %dma_wait3A_437] : memref<1000000x128xf32, #tpu.memory_space<hbm>> -> memref<1000000x128xf32, #tpu.memory_space<hbm>>
    tpu.wait_indirect_dma semaphore(%arg9 : memref<!tpu.dma_semaphore, #tpu.memory_space<semaphore_mem>>) src(%dma_wait3A_438 : memref<1000000x128xf32, #tpu.memory_space<hbm>>) dst(%dma_wait3A_432 : memref<50x128xf32, #tpu.memory_space<vmem>>)
    %dma_wait3A_439 = arith.constant 10 : i32
    %dma_wait3A_440 = arith.constant 2 : i32
    %dma_wait3A_441 = arith.constant 0 : i32
    %dma_wait3A_442 = arith.constant 0 : i32
    %dma_wait3A_443 = tpu.memref_slice %arg7[%dma_wait3A_440, %dma_wait3A_441, %dma_wait3A_442] : memref<8x50x128xf32, #tpu.memory_space<vmem>> -> memref<1x50x128xf32, #tpu.memory_space<vmem>>
    %dma_wait3A_444 = tpu.memref_squeeze %dma_wait3A_443 : memref<1x50x128xf32, #tpu.memory_space<vmem>> -> memref<50x128xf32, #tpu.memory_space<vmem>>
    %dma_wait3A_445 = arith.constant 0 : i32
    %dma_wait3A_446 = tpu.memref_slice %arg5[%dma_wait3A_439, %dma_wait3A_445] : memref<128x50xi32, #tpu.memory_space<vmem>> -> memref<1x50xi32, #tpu.memory_space<vmem>>
    %dma_wait3A_447 = tpu.memref_squeeze %dma_wait3A_446 : memref<1x50xi32, #tpu.memory_space<vmem>> -> memref<50xi32, #tpu.memory_space<vmem>>
    %dma_wait3A_448 = arith.constant 0 : i32
    %dma_wait3A_449 = arith.constant 0 : i32
    %dma_wait3A_450 = tpu.memref_slice %arg3[%dma_wait3A_448, %dma_wait3A_449] : memref<1000000x128xf32, #tpu.memory_space<hbm>> -> memref<1000000x128xf32, #tpu.memory_space<hbm>>
    tpu.wait_indirect_dma semaphore(%arg9 : memref<!tpu.dma_semaphore, #tpu.memory_space<semaphore_mem>>) src(%dma_wait3A_450 : memref<1000000x128xf32, #tpu.memory_space<hbm>>) dst(%dma_wait3A_444 : memref<50x128xf32, #tpu.memory_space<vmem>>)
    %dma_wait3A_451 = arith.constant 11 : i32
    %dma_wait3A_452 = arith.constant 3 : i32
    %dma_wait3A_453 = arith.constant 0 : i32
    %dma_wait3A_454 = arith.constant 0 : i32
    %dma_wait3A_455 = tpu.memref_slice %arg7[%dma_wait3A_452, %dma_wait3A_453, %dma_wait3A_454] : memref<8x50x128xf32, #tpu.memory_space<vmem>> -> memref<1x50x128xf32, #tpu.memory_space<vmem>>
    %dma_wait3A_456 = tpu.memref_squeeze %dma_wait3A_455 : memref<1x50x128xf32, #tpu.memory_space<vmem>> -> memref<50x128xf32, #tpu.memory_space<vmem>>
    %dma_wait3A_457 = arith.constant 0 : i32
    %dma_wait3A_458 = tpu.memref_slice %arg5[%dma_wait3A_451, %dma_wait3A_457] : memref<128x50xi32, #tpu.memory_space<vmem>> -> memref<1x50xi32, #tpu.memory_space<vmem>>
    %dma_wait3A_459 = tpu.memref_squeeze %dma_wait3A_458 : memref<1x50xi32, #tpu.memory_space<vmem>> -> memref<50xi32, #tpu.memory_space<vmem>>
    %dma_wait3A_460 = arith.constant 0 : i32
    %dma_wait3A_461 = arith.constant 0 : i32
    %dma_wait3A_462 = tpu.memref_slice %arg3[%dma_wait3A_460, %dma_wait3A_461] : memref<1000000x128xf32, #tpu.memory_space<hbm>> -> memref<1000000x128xf32, #tpu.memory_space<hbm>>
    tpu.wait_indirect_dma semaphore(%arg9 : memref<!tpu.dma_semaphore, #tpu.memory_space<semaphore_mem>>) src(%dma_wait3A_462 : memref<1000000x128xf32, #tpu.memory_space<hbm>>) dst(%dma_wait3A_456 : memref<50x128xf32, #tpu.memory_space<vmem>>)
    %dma_wait3A_463 = arith.constant 12 : i32
    %dma_wait3A_464 = arith.constant 4 : i32
    %dma_wait3A_465 = arith.constant 0 : i32
    %dma_wait3A_466 = arith.constant 0 : i32
    %dma_wait3A_467 = tpu.memref_slice %arg7[%dma_wait3A_464, %dma_wait3A_465, %dma_wait3A_466] : memref<8x50x128xf32, #tpu.memory_space<vmem>> -> memref<1x50x128xf32, #tpu.memory_space<vmem>>
    %dma_wait3A_468 = tpu.memref_squeeze %dma_wait3A_467 : memref<1x50x128xf32, #tpu.memory_space<vmem>> -> memref<50x128xf32, #tpu.memory_space<vmem>>
    %dma_wait3A_469 = arith.constant 0 : i32
    %dma_wait3A_470 = tpu.memref_slice %arg5[%dma_wait3A_463, %dma_wait3A_469] : memref<128x50xi32, #tpu.memory_space<vmem>> -> memref<1x50xi32, #tpu.memory_space<vmem>>
    %dma_wait3A_471 = tpu.memref_squeeze %dma_wait3A_470 : memref<1x50xi32, #tpu.memory_space<vmem>> -> memref<50xi32, #tpu.memory_space<vmem>>
    %dma_wait3A_472 = arith.constant 0 : i32
    %dma_wait3A_473 = arith.constant 0 : i32
    %dma_wait3A_474 = tpu.memref_slice %arg3[%dma_wait3A_472, %dma_wait3A_473] : memref<1000000x128xf32, #tpu.memory_space<hbm>> -> memref<1000000x128xf32, #tpu.memory_space<hbm>>
    tpu.wait_indirect_dma semaphore(%arg9 : memref<!tpu.dma_semaphore, #tpu.memory_space<semaphore_mem>>) src(%dma_wait3A_474 : memref<1000000x128xf32, #tpu.memory_space<hbm>>) dst(%dma_wait3A_468 : memref<50x128xf32, #tpu.memory_space<vmem>>)
    %dma_wait3A_475 = arith.constant 13 : i32
    %dma_wait3A_476 = arith.constant 5 : i32
    %dma_wait3A_477 = arith.constant 0 : i32
    %dma_wait3A_478 = arith.constant 0 : i32
    %dma_wait3A_479 = tpu.memref_slice %arg7[%dma_wait3A_476, %dma_wait3A_477, %dma_wait3A_478] : memref<8x50x128xf32, #tpu.memory_space<vmem>> -> memref<1x50x128xf32, #tpu.memory_space<vmem>>
    %dma_wait3A_480 = tpu.memref_squeeze %dma_wait3A_479 : memref<1x50x128xf32, #tpu.memory_space<vmem>> -> memref<50x128xf32, #tpu.memory_space<vmem>>
    %dma_wait3A_481 = arith.constant 0 : i32
    %dma_wait3A_482 = tpu.memref_slice %arg5[%dma_wait3A_475, %dma_wait3A_481] : memref<128x50xi32, #tpu.memory_space<vmem>> -> memref<1x50xi32, #tpu.memory_space<vmem>>
    %dma_wait3A_483 = tpu.memref_squeeze %dma_wait3A_482 : memref<1x50xi32, #tpu.memory_space<vmem>> -> memref<50xi32, #tpu.memory_space<vmem>>
    %dma_wait3A_484 = arith.constant 0 : i32
    %dma_wait3A_485 = arith.constant 0 : i32
    %dma_wait3A_486 = tpu.memref_slice %arg3[%dma_wait3A_484, %dma_wait3A_485] : memref<1000000x128xf32, #tpu.memory_space<hbm>> -> memref<1000000x128xf32, #tpu.memory_space<hbm>>
    tpu.wait_indirect_dma semaphore(%arg9 : memref<!tpu.dma_semaphore, #tpu.memory_space<semaphore_mem>>) src(%dma_wait3A_486 : memref<1000000x128xf32, #tpu.memory_space<hbm>>) dst(%dma_wait3A_480 : memref<50x128xf32, #tpu.memory_space<vmem>>)
    %dma_wait3A_487 = arith.constant 14 : i32
    %dma_wait3A_488 = arith.constant 6 : i32
    %dma_wait3A_489 = arith.constant 0 : i32
    %dma_wait3A_490 = arith.constant 0 : i32
    %dma_wait3A_491 = tpu.memref_slice %arg7[%dma_wait3A_488, %dma_wait3A_489, %dma_wait3A_490] : memref<8x50x128xf32, #tpu.memory_space<vmem>> -> memref<1x50x128xf32, #tpu.memory_space<vmem>>
    %dma_wait3A_492 = tpu.memref_squeeze %dma_wait3A_491 : memref<1x50x128xf32, #tpu.memory_space<vmem>> -> memref<50x128xf32, #tpu.memory_space<vmem>>
    %dma_wait3A_493 = arith.constant 0 : i32
    %dma_wait3A_494 = tpu.memref_slice %arg5[%dma_wait3A_487, %dma_wait3A_493] : memref<128x50xi32, #tpu.memory_space<vmem>> -> memref<1x50xi32, #tpu.memory_space<vmem>>
    %dma_wait3A_495 = tpu.memref_squeeze %dma_wait3A_494 : memref<1x50xi32, #tpu.memory_space<vmem>> -> memref<50xi32, #tpu.memory_space<vmem>>
    %dma_wait3A_496 = arith.constant 0 : i32
    %dma_wait3A_497 = arith.constant 0 : i32
    %dma_wait3A_498 = tpu.memref_slice %arg3[%dma_wait3A_496, %dma_wait3A_497] : memref<1000000x128xf32, #tpu.memory_space<hbm>> -> memref<1000000x128xf32, #tpu.memory_space<hbm>>
    tpu.wait_indirect_dma semaphore(%arg9 : memref<!tpu.dma_semaphore, #tpu.memory_space<semaphore_mem>>) src(%dma_wait3A_498 : memref<1000000x128xf32, #tpu.memory_space<hbm>>) dst(%dma_wait3A_492 : memref<50x128xf32, #tpu.memory_space<vmem>>)
    %dma_wait3A_499 = arith.constant 15 : i32
    %dma_wait3A_500 = arith.constant 7 : i32
    %dma_wait3A_501 = arith.constant 0 : i32
    %dma_wait3A_502 = arith.constant 0 : i32
    %dma_wait3A_503 = tpu.memref_slice %arg7[%dma_wait3A_500, %dma_wait3A_501, %dma_wait3A_502] : memref<8x50x128xf32, #tpu.memory_space<vmem>> -> memref<1x50x128xf32, #tpu.memory_space<vmem>>
    %dma_wait3A_504 = tpu.memref_squeeze %dma_wait3A_503 : memref<1x50x128xf32, #tpu.memory_space<vmem>> -> memref<50x128xf32, #tpu.memory_space<vmem>>
    %dma_wait3A_505 = arith.constant 0 : i32
    %dma_wait3A_506 = tpu.memref_slice %arg5[%dma_wait3A_499, %dma_wait3A_505] : memref<128x50xi32, #tpu.memory_space<vmem>> -> memref<1x50xi32, #tpu.memory_space<vmem>>
    %dma_wait3A_507 = tpu.memref_squeeze %dma_wait3A_506 : memref<1x50xi32, #tpu.memory_space<vmem>> -> memref<50xi32, #tpu.memory_space<vmem>>
    %dma_wait3A_508 = arith.constant 0 : i32
    %dma_wait3A_509 = arith.constant 0 : i32
    %dma_wait3A_510 = tpu.memref_slice %arg3[%dma_wait3A_508, %dma_wait3A_509] : memref<1000000x128xf32, #tpu.memory_space<hbm>> -> memref<1000000x128xf32, #tpu.memory_space<hbm>>
    tpu.wait_indirect_dma semaphore(%arg9 : memref<!tpu.dma_semaphore, #tpu.memory_space<semaphore_mem>>) src(%dma_wait3A_510 : memref<1000000x128xf32, #tpu.memory_space<hbm>>) dst(%dma_wait3A_504 : memref<50x128xf32, #tpu.memory_space<vmem>>)
    %add3A_511 = arith.constant 8 : i32
    %add3A_512 = arith.addi %mul3A_2, %add3A_511 : i32
    %dma_start3A_513 = arith.constant 0 : i32
    %dma_start3A_514 = arith.constant 0 : i32
    %dma_start3A_515 = arith.constant 0 : i32
    %dma_start3A_516 = tpu.memref_slice %arg7[%dma_start3A_513, %dma_start3A_514, %dma_start3A_515] : memref<8x50x128xf32, #tpu.memory_space<vmem>> -> memref<8x50x64xf32, #tpu.memory_space<vmem>>
    %dma_start3A_517 = arith.constant 0 : i32
    %dma_start3A_518 = arith.constant 0 : i32
    %dma_start3A_519 = tpu.memref_slice %arg4[%add3A_512, %dma_start3A_517, %dma_start3A_518] : memref<4096x50x64xf32, #tpu.memory_space<hbm>> -> memref<8x50x64xf32, #tpu.memory_space<hbm>>
    %dma_start3A_520 = arith.constant 0 : i32
    %dma_start3A_521 = arith.constant 0 : i32
    %dma_start3A_522 = tpu.memref_slice %arg4[%add3A_512, %dma_start3A_520, %dma_start3A_521] : memref<4096x50x64xf32, #tpu.memory_space<hbm>> -> memref<8x50x64xf32, #tpu.memory_space<hbm>>
    %dma_start3A_523 = arith.constant 0 : i32
    %dma_start3A_524 = arith.constant 0 : i32
    %dma_start3A_525 = arith.constant 0 : i32
    %dma_start3A_526 = tpu.memref_slice %arg7[%dma_start3A_523, %dma_start3A_524, %dma_start3A_525] : memref<8x50x128xf32, #tpu.memory_space<vmem>> -> memref<8x50x64xf32, #tpu.memory_space<vmem>>
    tpu.enqueue_dma source(%dma_start3A_526 : memref<8x50x64xf32, #tpu.memory_space<vmem>>) target(%dma_start3A_522 : memref<8x50x64xf32, #tpu.memory_space<hbm>>) target_semaphore(%arg11 : memref<!tpu.dma_semaphore, #tpu.memory_space<semaphore_mem>>)
    %dma_wait3A_527 = arith.constant 0 : i32
    %dma_wait3A_528 = arith.constant 0 : i32
    %dma_wait3A_529 = arith.constant 0 : i32
    %dma_wait3A_530 = tpu.memref_slice %arg7[%dma_wait3A_527, %dma_wait3A_528, %dma_wait3A_529] : memref<8x50x128xf32, #tpu.memory_space<vmem>> -> memref<8x50x64xf32, #tpu.memory_space<vmem>>
    %dma_wait3A_531 = arith.constant 0 : i32
    %dma_wait3A_532 = arith.constant 0 : i32
    %dma_wait3A_533 = tpu.memref_slice %arg4[%add3A_512, %dma_wait3A_531, %dma_wait3A_532] : memref<4096x50x64xf32, #tpu.memory_space<hbm>> -> memref<8x50x64xf32, #tpu.memory_space<hbm>>
    %dma_wait3A_534 = arith.constant 0 : i32
    %dma_wait3A_535 = arith.constant 0 : i32
    %dma_wait3A_536 = tpu.memref_slice %arg4[%add3A_512, %dma_wait3A_534, %dma_wait3A_535] : memref<4096x50x64xf32, #tpu.memory_space<hbm>> -> memref<8x50x64xf32, #tpu.memory_space<hbm>>
    %dma_wait3A_537 = arith.constant 0 : i32
    %dma_wait3A_538 = arith.constant 0 : i32
    %dma_wait3A_539 = arith.constant 0 : i32
    %dma_wait3A_540 = tpu.memref_slice %arg7[%dma_wait3A_537, %dma_wait3A_538, %dma_wait3A_539] : memref<8x50x128xf32, #tpu.memory_space<vmem>> -> memref<8x50x64xf32, #tpu.memory_space<vmem>>
    tpu.wait_dma2 semaphore(%arg11 : memref<!tpu.dma_semaphore, #tpu.memory_space<semaphore_mem>>) src(%dma_wait3A_540 : memref<8x50x64xf32, #tpu.memory_space<vmem>>) dst(%dma_wait3A_536 : memref<8x50x64xf32, #tpu.memory_space<hbm>>)
    %dma_start3A_541 = arith.constant 24 : i32
    %dma_start3A_542 = arith.constant 0 : i32
    %dma_start3A_543 = arith.constant 0 : i32
    %dma_start3A_544 = arith.constant 0 : i32
    %dma_start3A_545 = tpu.memref_slice %arg7[%dma_start3A_542, %dma_start3A_543, %dma_start3A_544] : memref<8x50x128xf32, #tpu.memory_space<vmem>> -> memref<1x50x128xf32, #tpu.memory_space<vmem>>
    %dma_start3A_546 = tpu.memref_squeeze %dma_start3A_545 : memref<1x50x128xf32, #tpu.memory_space<vmem>> -> memref<50x128xf32, #tpu.memory_space<vmem>>
    %dma_start3A_547 = arith.constant 0 : i32
    %dma_start3A_548 = tpu.memref_slice %arg5[%dma_start3A_541, %dma_start3A_547] : memref<128x50xi32, #tpu.memory_space<vmem>> -> memref<1x50xi32, #tpu.memory_space<vmem>>
    %dma_start3A_549 = tpu.memref_squeeze %dma_start3A_548 : memref<1x50xi32, #tpu.memory_space<vmem>> -> memref<50xi32, #tpu.memory_space<vmem>>
    %dma_start3A_550 = arith.constant 0 : i32
    %dma_start3A_551 = arith.constant 0 : i32
    %dma_start3A_552 = tpu.memref_slice %arg3[%dma_start3A_550, %dma_start3A_551] : memref<1000000x128xf32, #tpu.memory_space<hbm>> -> memref<1000000x128xf32, #tpu.memory_space<hbm>>
    tpu.enqueue_indirect_dma source(%dma_start3A_552 : memref<1000000x128xf32, #tpu.memory_space<hbm>>) target(%dma_start3A_546 : memref<50x128xf32, #tpu.memory_space<vmem>>) offsets(%dma_start3A_549 : memref<50xi32, #tpu.memory_space<vmem>>) semaphore(%arg9 : memref<!tpu.dma_semaphore, #tpu.memory_space<semaphore_mem>>)
    %dma_start3A_553 = arith.constant 25 : i32
    %dma_start3A_554 = arith.constant 1 : i32
    %dma_start3A_555 = arith.constant 0 : i32
    %dma_start3A_556 = arith.constant 0 : i32
    %dma_start3A_557 = tpu.memref_slice %arg7[%dma_start3A_554, %dma_start3A_555, %dma_start3A_556] : memref<8x50x128xf32, #tpu.memory_space<vmem>> -> memref<1x50x128xf32, #tpu.memory_space<vmem>>
    %dma_start3A_558 = tpu.memref_squeeze %dma_start3A_557 : memref<1x50x128xf32, #tpu.memory_space<vmem>> -> memref<50x128xf32, #tpu.memory_space<vmem>>
    %dma_start3A_559 = arith.constant 0 : i32
    %dma_start3A_560 = tpu.memref_slice %arg5[%dma_start3A_553, %dma_start3A_559] : memref<128x50xi32, #tpu.memory_space<vmem>> -> memref<1x50xi32, #tpu.memory_space<vmem>>
    %dma_start3A_561 = tpu.memref_squeeze %dma_start3A_560 : memref<1x50xi32, #tpu.memory_space<vmem>> -> memref<50xi32, #tpu.memory_space<vmem>>
    %dma_start3A_562 = arith.constant 0 : i32
    %dma_start3A_563 = arith.constant 0 : i32
    %dma_start3A_564 = tpu.memref_slice %arg3[%dma_start3A_562, %dma_start3A_563] : memref<1000000x128xf32, #tpu.memory_space<hbm>> -> memref<1000000x128xf32, #tpu.memory_space<hbm>>
    tpu.enqueue_indirect_dma source(%dma_start3A_564 : memref<1000000x128xf32, #tpu.memory_space<hbm>>) target(%dma_start3A_558 : memref<50x128xf32, #tpu.memory_space<vmem>>) offsets(%dma_start3A_561 : memref<50xi32, #tpu.memory_space<vmem>>) semaphore(%arg9 : memref<!tpu.dma_semaphore, #tpu.memory_space<semaphore_mem>>)
    %dma_start3A_565 = arith.constant 26 : i32
    %dma_start3A_566 = arith.constant 2 : i32
    %dma_start3A_567 = arith.constant 0 : i32
    %dma_start3A_568 = arith.constant 0 : i32
    %dma_start3A_569 = tpu.memref_slice %arg7[%dma_start3A_566, %dma_start3A_567, %dma_start3A_568] : memref<8x50x128xf32, #tpu.memory_space<vmem>> -> memref<1x50x128xf32, #tpu.memory_space<vmem>>
    %dma_start3A_570 = tpu.memref_squeeze %dma_start3A_569 : memref<1x50x128xf32, #tpu.memory_space<vmem>> -> memref<50x128xf32, #tpu.memory_space<vmem>>
    %dma_start3A_571 = arith.constant 0 : i32
    %dma_start3A_572 = tpu.memref_slice %arg5[%dma_start3A_565, %dma_start3A_571] : memref<128x50xi32, #tpu.memory_space<vmem>> -> memref<1x50xi32, #tpu.memory_space<vmem>>
    %dma_start3A_573 = tpu.memref_squeeze %dma_start3A_572 : memref<1x50xi32, #tpu.memory_space<vmem>> -> memref<50xi32, #tpu.memory_space<vmem>>
    %dma_start3A_574 = arith.constant 0 : i32
    %dma_start3A_575 = arith.constant 0 : i32
    %dma_start3A_576 = tpu.memref_slice %arg3[%dma_start3A_574, %dma_start3A_575] : memref<1000000x128xf32, #tpu.memory_space<hbm>> -> memref<1000000x128xf32, #tpu.memory_space<hbm>>
    tpu.enqueue_indirect_dma source(%dma_start3A_576 : memref<1000000x128xf32, #tpu.memory_space<hbm>>) target(%dma_start3A_570 : memref<50x128xf32, #tpu.memory_space<vmem>>) offsets(%dma_start3A_573 : memref<50xi32, #tpu.memory_space<vmem>>) semaphore(%arg9 : memref<!tpu.dma_semaphore, #tpu.memory_space<semaphore_mem>>)
    %dma_start3A_577 = arith.constant 27 : i32
    %dma_start3A_578 = arith.constant 3 : i32
    %dma_start3A_579 = arith.constant 0 : i32
    %dma_start3A_580 = arith.constant 0 : i32
    %dma_start3A_581 = tpu.memref_slice %arg7[%dma_start3A_578, %dma_start3A_579, %dma_start3A_580] : memref<8x50x128xf32, #tpu.memory_space<vmem>> -> memref<1x50x128xf32, #tpu.memory_space<vmem>>
    %dma_start3A_582 = tpu.memref_squeeze %dma_start3A_581 : memref<1x50x128xf32, #tpu.memory_space<vmem>> -> memref<50x128xf32, #tpu.memory_space<vmem>>
    %dma_start3A_583 = arith.constant 0 : i32
    %dma_start3A_584 = tpu.memref_slice %arg5[%dma_start3A_577, %dma_start3A_583] : memref<128x50xi32, #tpu.memory_space<vmem>> -> memref<1x50xi32, #tpu.memory_space<vmem>>
    %dma_start3A_585 = tpu.memref_squeeze %dma_start3A_584 : memref<1x50xi32, #tpu.memory_space<vmem>> -> memref<50xi32, #tpu.memory_space<vmem>>
    %dma_start3A_586 = arith.constant 0 : i32
    %dma_start3A_587 = arith.constant 0 : i32
    %dma_start3A_588 = tpu.memref_slice %arg3[%dma_start3A_586, %dma_start3A_587] : memref<1000000x128xf32, #tpu.memory_space<hbm>> -> memref<1000000x128xf32, #tpu.memory_space<hbm>>
    tpu.enqueue_indirect_dma source(%dma_start3A_588 : memref<1000000x128xf32, #tpu.memory_space<hbm>>) target(%dma_start3A_582 : memref<50x128xf32, #tpu.memory_space<vmem>>) offsets(%dma_start3A_585 : memref<50xi32, #tpu.memory_space<vmem>>) semaphore(%arg9 : memref<!tpu.dma_semaphore, #tpu.memory_space<semaphore_mem>>)
    %dma_start3A_589 = arith.constant 28 : i32
    %dma_start3A_590 = arith.constant 4 : i32
    %dma_start3A_591 = arith.constant 0 : i32
    %dma_start3A_592 = arith.constant 0 : i32
    %dma_start3A_593 = tpu.memref_slice %arg7[%dma_start3A_590, %dma_start3A_591, %dma_start3A_592] : memref<8x50x128xf32, #tpu.memory_space<vmem>> -> memref<1x50x128xf32, #tpu.memory_space<vmem>>
    %dma_start3A_594 = tpu.memref_squeeze %dma_start3A_593 : memref<1x50x128xf32, #tpu.memory_space<vmem>> -> memref<50x128xf32, #tpu.memory_space<vmem>>
    %dma_start3A_595 = arith.constant 0 : i32
    %dma_start3A_596 = tpu.memref_slice %arg5[%dma_start3A_589, %dma_start3A_595] : memref<128x50xi32, #tpu.memory_space<vmem>> -> memref<1x50xi32, #tpu.memory_space<vmem>>
    %dma_start3A_597 = tpu.memref_squeeze %dma_start3A_596 : memref<1x50xi32, #tpu.memory_space<vmem>> -> memref<50xi32, #tpu.memory_space<vmem>>
    %dma_start3A_598 = arith.constant 0 : i32
    %dma_start3A_599 = arith.constant 0 : i32
    %dma_start3A_600 = tpu.memref_slice %arg3[%dma_start3A_598, %dma_start3A_599] : memref<1000000x128xf32, #tpu.memory_space<hbm>> -> memref<1000000x128xf32, #tpu.memory_space<hbm>>
    tpu.enqueue_indirect_dma source(%dma_start3A_600 : memref<1000000x128xf32, #tpu.memory_space<hbm>>) target(%dma_start3A_594 : memref<50x128xf32, #tpu.memory_space<vmem>>) offsets(%dma_start3A_597 : memref<50xi32, #tpu.memory_space<vmem>>) semaphore(%arg9 : memref<!tpu.dma_semaphore, #tpu.memory_space<semaphore_mem>>)
    %dma_start3A_601 = arith.constant 29 : i32
    %dma_start3A_602 = arith.constant 5 : i32
    %dma_start3A_603 = arith.constant 0 : i32
    %dma_start3A_604 = arith.constant 0 : i32
    %dma_start3A_605 = tpu.memref_slice %arg7[%dma_start3A_602, %dma_start3A_603, %dma_start3A_604] : memref<8x50x128xf32, #tpu.memory_space<vmem>> -> memref<1x50x128xf32, #tpu.memory_space<vmem>>
    %dma_start3A_606 = tpu.memref_squeeze %dma_start3A_605 : memref<1x50x128xf32, #tpu.memory_space<vmem>> -> memref<50x128xf32, #tpu.memory_space<vmem>>
    %dma_start3A_607 = arith.constant 0 : i32
    %dma_start3A_608 = tpu.memref_slice %arg5[%dma_start3A_601, %dma_start3A_607] : memref<128x50xi32, #tpu.memory_space<vmem>> -> memref<1x50xi32, #tpu.memory_space<vmem>>
    %dma_start3A_609 = tpu.memref_squeeze %dma_start3A_608 : memref<1x50xi32, #tpu.memory_space<vmem>> -> memref<50xi32, #tpu.memory_space<vmem>>
    %dma_start3A_610 = arith.constant 0 : i32
    %dma_start3A_611 = arith.constant 0 : i32
    %dma_start3A_612 = tpu.memref_slice %arg3[%dma_start3A_610, %dma_start3A_611] : memref<1000000x128xf32, #tpu.memory_space<hbm>> -> memref<1000000x128xf32, #tpu.memory_space<hbm>>
    tpu.enqueue_indirect_dma source(%dma_start3A_612 : memref<1000000x128xf32, #tpu.memory_space<hbm>>) target(%dma_start3A_606 : memref<50x128xf32, #tpu.memory_space<vmem>>) offsets(%dma_start3A_609 : memref<50xi32, #tpu.memory_space<vmem>>) semaphore(%arg9 : memref<!tpu.dma_semaphore, #tpu.memory_space<semaphore_mem>>)
    %dma_start3A_613 = arith.constant 30 : i32
    %dma_start3A_614 = arith.constant 6 : i32
    %dma_start3A_615 = arith.constant 0 : i32
    %dma_start3A_616 = arith.constant 0 : i32
    %dma_start3A_617 = tpu.memref_slice %arg7[%dma_start3A_614, %dma_start3A_615, %dma_start3A_616] : memref<8x50x128xf32, #tpu.memory_space<vmem>> -> memref<1x50x128xf32, #tpu.memory_space<vmem>>
    %dma_start3A_618 = tpu.memref_squeeze %dma_start3A_617 : memref<1x50x128xf32, #tpu.memory_space<vmem>> -> memref<50x128xf32, #tpu.memory_space<vmem>>
    %dma_start3A_619 = arith.constant 0 : i32
    %dma_start3A_620 = tpu.memref_slice %arg5[%dma_start3A_613, %dma_start3A_619] : memref<128x50xi32, #tpu.memory_space<vmem>> -> memref<1x50xi32, #tpu.memory_space<vmem>>
    %dma_start3A_621 = tpu.memref_squeeze %dma_start3A_620 : memref<1x50xi32, #tpu.memory_space<vmem>> -> memref<50xi32, #tpu.memory_space<vmem>>
    %dma_start3A_622 = arith.constant 0 : i32
    %dma_start3A_623 = arith.constant 0 : i32
    %dma_start3A_624 = tpu.memref_slice %arg3[%dma_start3A_622, %dma_start3A_623] : memref<1000000x128xf32, #tpu.memory_space<hbm>> -> memref<1000000x128xf32, #tpu.memory_space<hbm>>
    tpu.enqueue_indirect_dma source(%dma_start3A_624 : memref<1000000x128xf32, #tpu.memory_space<hbm>>) target(%dma_start3A_618 : memref<50x128xf32, #tpu.memory_space<vmem>>) offsets(%dma_start3A_621 : memref<50xi32, #tpu.memory_space<vmem>>) semaphore(%arg9 : memref<!tpu.dma_semaphore, #tpu.memory_space<semaphore_mem>>)
    %dma_start3A_625 = arith.constant 31 : i32
    %dma_start3A_626 = arith.constant 7 : i32
    %dma_start3A_627 = arith.constant 0 : i32
    %dma_start3A_628 = arith.constant 0 : i32
    %dma_start3A_629 = tpu.memref_slice %arg7[%dma_start3A_626, %dma_start3A_627, %dma_start3A_628] : memref<8x50x128xf32, #tpu.memory_space<vmem>> -> memref<1x50x128xf32, #tpu.memory_space<vmem>>
    %dma_start3A_630 = tpu.memref_squeeze %dma_start3A_629 : memref<1x50x128xf32, #tpu.memory_space<vmem>> -> memref<50x128xf32, #tpu.memory_space<vmem>>
    %dma_start3A_631 = arith.constant 0 : i32
    %dma_start3A_632 = tpu.memref_slice %arg5[%dma_start3A_625, %dma_start3A_631] : memref<128x50xi32, #tpu.memory_space<vmem>> -> memref<1x50xi32, #tpu.memory_space<vmem>>
    %dma_start3A_633 = tpu.memref_squeeze %dma_start3A_632 : memref<1x50xi32, #tpu.memory_space<vmem>> -> memref<50xi32, #tpu.memory_space<vmem>>
    %dma_start3A_634 = arith.constant 0 : i32
    %dma_start3A_635 = arith.constant 0 : i32
    %dma_start3A_636 = tpu.memref_slice %arg3[%dma_start3A_634, %dma_start3A_635] : memref<1000000x128xf32, #tpu.memory_space<hbm>> -> memref<1000000x128xf32, #tpu.memory_space<hbm>>
    tpu.enqueue_indirect_dma source(%dma_start3A_636 : memref<1000000x128xf32, #tpu.memory_space<hbm>>) target(%dma_start3A_630 : memref<50x128xf32, #tpu.memory_space<vmem>>) offsets(%dma_start3A_633 : memref<50xi32, #tpu.memory_space<vmem>>) semaphore(%arg9 : memref<!tpu.dma_semaphore, #tpu.memory_space<semaphore_mem>>)
    %dma_wait3A_637 = arith.constant 16 : i32
    %dma_wait3A_638 = arith.constant 0 : i32
    %dma_wait3A_639 = arith.constant 0 : i32
    %dma_wait3A_640 = arith.constant 0 : i32
    %dma_wait3A_641 = tpu.memref_slice %arg6[%dma_wait3A_638, %dma_wait3A_639, %dma_wait3A_640] : memref<8x50x128xf32, #tpu.memory_space<vmem>> -> memref<1x50x128xf32, #tpu.memory_space<vmem>>
    %dma_wait3A_642 = tpu.memref_squeeze %dma_wait3A_641 : memref<1x50x128xf32, #tpu.memory_space<vmem>> -> memref<50x128xf32, #tpu.memory_space<vmem>>
    %dma_wait3A_643 = arith.constant 0 : i32
    %dma_wait3A_644 = tpu.memref_slice %arg5[%dma_wait3A_637, %dma_wait3A_643] : memref<128x50xi32, #tpu.memory_space<vmem>> -> memref<1x50xi32, #tpu.memory_space<vmem>>
    %dma_wait3A_645 = tpu.memref_squeeze %dma_wait3A_644 : memref<1x50xi32, #tpu.memory_space<vmem>> -> memref<50xi32, #tpu.memory_space<vmem>>
    %dma_wait3A_646 = arith.constant 0 : i32
    %dma_wait3A_647 = arith.constant 0 : i32
    %dma_wait3A_648 = tpu.memref_slice %arg3[%dma_wait3A_646, %dma_wait3A_647] : memref<1000000x128xf32, #tpu.memory_space<hbm>> -> memref<1000000x128xf32, #tpu.memory_space<hbm>>
    tpu.wait_indirect_dma semaphore(%arg8 : memref<!tpu.dma_semaphore, #tpu.memory_space<semaphore_mem>>) src(%dma_wait3A_648 : memref<1000000x128xf32, #tpu.memory_space<hbm>>) dst(%dma_wait3A_642 : memref<50x128xf32, #tpu.memory_space<vmem>>)
    %dma_wait3A_649 = arith.constant 17 : i32
    %dma_wait3A_650 = arith.constant 1 : i32
    %dma_wait3A_651 = arith.constant 0 : i32
    %dma_wait3A_652 = arith.constant 0 : i32
    %dma_wait3A_653 = tpu.memref_slice %arg6[%dma_wait3A_650, %dma_wait3A_651, %dma_wait3A_652] : memref<8x50x128xf32, #tpu.memory_space<vmem>> -> memref<1x50x128xf32, #tpu.memory_space<vmem>>
    %dma_wait3A_654 = tpu.memref_squeeze %dma_wait3A_653 : memref<1x50x128xf32, #tpu.memory_space<vmem>> -> memref<50x128xf32, #tpu.memory_space<vmem>>
    %dma_wait3A_655 = arith.constant 0 : i32
    %dma_wait3A_656 = tpu.memref_slice %arg5[%dma_wait3A_649, %dma_wait3A_655] : memref<128x50xi32, #tpu.memory_space<vmem>> -> memref<1x50xi32, #tpu.memory_space<vmem>>
    %dma_wait3A_657 = tpu.memref_squeeze %dma_wait3A_656 : memref<1x50xi32, #tpu.memory_space<vmem>> -> memref<50xi32, #tpu.memory_space<vmem>>
    %dma_wait3A_658 = arith.constant 0 : i32
    %dma_wait3A_659 = arith.constant 0 : i32
    %dma_wait3A_660 = tpu.memref_slice %arg3[%dma_wait3A_658, %dma_wait3A_659] : memref<1000000x128xf32, #tpu.memory_space<hbm>> -> memref<1000000x128xf32, #tpu.memory_space<hbm>>
    tpu.wait_indirect_dma semaphore(%arg8 : memref<!tpu.dma_semaphore, #tpu.memory_space<semaphore_mem>>) src(%dma_wait3A_660 : memref<1000000x128xf32, #tpu.memory_space<hbm>>) dst(%dma_wait3A_654 : memref<50x128xf32, #tpu.memory_space<vmem>>)
    %dma_wait3A_661 = arith.constant 18 : i32
    %dma_wait3A_662 = arith.constant 2 : i32
    %dma_wait3A_663 = arith.constant 0 : i32
    %dma_wait3A_664 = arith.constant 0 : i32
    %dma_wait3A_665 = tpu.memref_slice %arg6[%dma_wait3A_662, %dma_wait3A_663, %dma_wait3A_664] : memref<8x50x128xf32, #tpu.memory_space<vmem>> -> memref<1x50x128xf32, #tpu.memory_space<vmem>>
    %dma_wait3A_666 = tpu.memref_squeeze %dma_wait3A_665 : memref<1x50x128xf32, #tpu.memory_space<vmem>> -> memref<50x128xf32, #tpu.memory_space<vmem>>
    %dma_wait3A_667 = arith.constant 0 : i32
    %dma_wait3A_668 = tpu.memref_slice %arg5[%dma_wait3A_661, %dma_wait3A_667] : memref<128x50xi32, #tpu.memory_space<vmem>> -> memref<1x50xi32, #tpu.memory_space<vmem>>
    %dma_wait3A_669 = tpu.memref_squeeze %dma_wait3A_668 : memref<1x50xi32, #tpu.memory_space<vmem>> -> memref<50xi32, #tpu.memory_space<vmem>>
    %dma_wait3A_670 = arith.constant 0 : i32
    %dma_wait3A_671 = arith.constant 0 : i32
    %dma_wait3A_672 = tpu.memref_slice %arg3[%dma_wait3A_670, %dma_wait3A_671] : memref<1000000x128xf32, #tpu.memory_space<hbm>> -> memref<1000000x128xf32, #tpu.memory_space<hbm>>
    tpu.wait_indirect_dma semaphore(%arg8 : memref<!tpu.dma_semaphore, #tpu.memory_space<semaphore_mem>>) src(%dma_wait3A_672 : memref<1000000x128xf32, #tpu.memory_space<hbm>>) dst(%dma_wait3A_666 : memref<50x128xf32, #tpu.memory_space<vmem>>)
    %dma_wait3A_673 = arith.constant 19 : i32
    %dma_wait3A_674 = arith.constant 3 : i32
    %dma_wait3A_675 = arith.constant 0 : i32
    %dma_wait3A_676 = arith.constant 0 : i32
    %dma_wait3A_677 = tpu.memref_slice %arg6[%dma_wait3A_674, %dma_wait3A_675, %dma_wait3A_676] : memref<8x50x128xf32, #tpu.memory_space<vmem>> -> memref<1x50x128xf32, #tpu.memory_space<vmem>>
    %dma_wait3A_678 = tpu.memref_squeeze %dma_wait3A_677 : memref<1x50x128xf32, #tpu.memory_space<vmem>> -> memref<50x128xf32, #tpu.memory_space<vmem>>
    %dma_wait3A_679 = arith.constant 0 : i32
    %dma_wait3A_680 = tpu.memref_slice %arg5[%dma_wait3A_673, %dma_wait3A_679] : memref<128x50xi32, #tpu.memory_space<vmem>> -> memref<1x50xi32, #tpu.memory_space<vmem>>
    %dma_wait3A_681 = tpu.memref_squeeze %dma_wait3A_680 : memref<1x50xi32, #tpu.memory_space<vmem>> -> memref<50xi32, #tpu.memory_space<vmem>>
    %dma_wait3A_682 = arith.constant 0 : i32
    %dma_wait3A_683 = arith.constant 0 : i32
    %dma_wait3A_684 = tpu.memref_slice %arg3[%dma_wait3A_682, %dma_wait3A_683] : memref<1000000x128xf32, #tpu.memory_space<hbm>> -> memref<1000000x128xf32, #tpu.memory_space<hbm>>
    tpu.wait_indirect_dma semaphore(%arg8 : memref<!tpu.dma_semaphore, #tpu.memory_space<semaphore_mem>>) src(%dma_wait3A_684 : memref<1000000x128xf32, #tpu.memory_space<hbm>>) dst(%dma_wait3A_678 : memref<50x128xf32, #tpu.memory_space<vmem>>)
    %dma_wait3A_685 = arith.constant 20 : i32
    %dma_wait3A_686 = arith.constant 4 : i32
    %dma_wait3A_687 = arith.constant 0 : i32
    %dma_wait3A_688 = arith.constant 0 : i32
    %dma_wait3A_689 = tpu.memref_slice %arg6[%dma_wait3A_686, %dma_wait3A_687, %dma_wait3A_688] : memref<8x50x128xf32, #tpu.memory_space<vmem>> -> memref<1x50x128xf32, #tpu.memory_space<vmem>>
    %dma_wait3A_690 = tpu.memref_squeeze %dma_wait3A_689 : memref<1x50x128xf32, #tpu.memory_space<vmem>> -> memref<50x128xf32, #tpu.memory_space<vmem>>
    %dma_wait3A_691 = arith.constant 0 : i32
    %dma_wait3A_692 = tpu.memref_slice %arg5[%dma_wait3A_685, %dma_wait3A_691] : memref<128x50xi32, #tpu.memory_space<vmem>> -> memref<1x50xi32, #tpu.memory_space<vmem>>
    %dma_wait3A_693 = tpu.memref_squeeze %dma_wait3A_692 : memref<1x50xi32, #tpu.memory_space<vmem>> -> memref<50xi32, #tpu.memory_space<vmem>>
    %dma_wait3A_694 = arith.constant 0 : i32
    %dma_wait3A_695 = arith.constant 0 : i32
    %dma_wait3A_696 = tpu.memref_slice %arg3[%dma_wait3A_694, %dma_wait3A_695] : memref<1000000x128xf32, #tpu.memory_space<hbm>> -> memref<1000000x128xf32, #tpu.memory_space<hbm>>
    tpu.wait_indirect_dma semaphore(%arg8 : memref<!tpu.dma_semaphore, #tpu.memory_space<semaphore_mem>>) src(%dma_wait3A_696 : memref<1000000x128xf32, #tpu.memory_space<hbm>>) dst(%dma_wait3A_690 : memref<50x128xf32, #tpu.memory_space<vmem>>)
    %dma_wait3A_697 = arith.constant 21 : i32
    %dma_wait3A_698 = arith.constant 5 : i32
    %dma_wait3A_699 = arith.constant 0 : i32
    %dma_wait3A_700 = arith.constant 0 : i32
    %dma_wait3A_701 = tpu.memref_slice %arg6[%dma_wait3A_698, %dma_wait3A_699, %dma_wait3A_700] : memref<8x50x128xf32, #tpu.memory_space<vmem>> -> memref<1x50x128xf32, #tpu.memory_space<vmem>>
    %dma_wait3A_702 = tpu.memref_squeeze %dma_wait3A_701 : memref<1x50x128xf32, #tpu.memory_space<vmem>> -> memref<50x128xf32, #tpu.memory_space<vmem>>
    %dma_wait3A_703 = arith.constant 0 : i32
    %dma_wait3A_704 = tpu.memref_slice %arg5[%dma_wait3A_697, %dma_wait3A_703] : memref<128x50xi32, #tpu.memory_space<vmem>> -> memref<1x50xi32, #tpu.memory_space<vmem>>
    %dma_wait3A_705 = tpu.memref_squeeze %dma_wait3A_704 : memref<1x50xi32, #tpu.memory_space<vmem>> -> memref<50xi32, #tpu.memory_space<vmem>>
    %dma_wait3A_706 = arith.constant 0 : i32
    %dma_wait3A_707 = arith.constant 0 : i32
    %dma_wait3A_708 = tpu.memref_slice %arg3[%dma_wait3A_706, %dma_wait3A_707] : memref<1000000x128xf32, #tpu.memory_space<hbm>> -> memref<1000000x128xf32, #tpu.memory_space<hbm>>
    tpu.wait_indirect_dma semaphore(%arg8 : memref<!tpu.dma_semaphore, #tpu.memory_space<semaphore_mem>>) src(%dma_wait3A_708 : memref<1000000x128xf32, #tpu.memory_space<hbm>>) dst(%dma_wait3A_702 : memref<50x128xf32, #tpu.memory_space<vmem>>)
    %dma_wait3A_709 = arith.constant 22 : i32
    %dma_wait3A_710 = arith.constant 6 : i32
    %dma_wait3A_711 = arith.constant 0 : i32
    %dma_wait3A_712 = arith.constant 0 : i32
    %dma_wait3A_713 = tpu.memref_slice %arg6[%dma_wait3A_710, %dma_wait3A_711, %dma_wait3A_712] : memref<8x50x128xf32, #tpu.memory_space<vmem>> -> memref<1x50x128xf32, #tpu.memory_space<vmem>>
    %dma_wait3A_714 = tpu.memref_squeeze %dma_wait3A_713 : memref<1x50x128xf32, #tpu.memory_space<vmem>> -> memref<50x128xf32, #tpu.memory_space<vmem>>
    %dma_wait3A_715 = arith.constant 0 : i32
    %dma_wait3A_716 = tpu.memref_slice %arg5[%dma_wait3A_709, %dma_wait3A_715] : memref<128x50xi32, #tpu.memory_space<vmem>> -> memref<1x50xi32, #tpu.memory_space<vmem>>
    %dma_wait3A_717 = tpu.memref_squeeze %dma_wait3A_716 : memref<1x50xi32, #tpu.memory_space<vmem>> -> memref<50xi32, #tpu.memory_space<vmem>>
    %dma_wait3A_718 = arith.constant 0 : i32
    %dma_wait3A_719 = arith.constant 0 : i32
    %dma_wait3A_720 = tpu.memref_slice %arg3[%dma_wait3A_718, %dma_wait3A_719] : memref<1000000x128xf32, #tpu.memory_space<hbm>> -> memref<1000000x128xf32, #tpu.memory_space<hbm>>
    tpu.wait_indirect_dma semaphore(%arg8 : memref<!tpu.dma_semaphore, #tpu.memory_space<semaphore_mem>>) src(%dma_wait3A_720 : memref<1000000x128xf32, #tpu.memory_space<hbm>>) dst(%dma_wait3A_714 : memref<50x128xf32, #tpu.memory_space<vmem>>)
    %dma_wait3A_721 = arith.constant 23 : i32
    %dma_wait3A_722 = arith.constant 7 : i32
    %dma_wait3A_723 = arith.constant 0 : i32
    %dma_wait3A_724 = arith.constant 0 : i32
    %dma_wait3A_725 = tpu.memref_slice %arg6[%dma_wait3A_722, %dma_wait3A_723, %dma_wait3A_724] : memref<8x50x128xf32, #tpu.memory_space<vmem>> -> memref<1x50x128xf32, #tpu.memory_space<vmem>>
    %dma_wait3A_726 = tpu.memref_squeeze %dma_wait3A_725 : memref<1x50x128xf32, #tpu.memory_space<vmem>> -> memref<50x128xf32, #tpu.memory_space<vmem>>
    %dma_wait3A_727 = arith.constant 0 : i32
    %dma_wait3A_728 = tpu.memref_slice %arg5[%dma_wait3A_721, %dma_wait3A_727] : memref<128x50xi32, #tpu.memory_space<vmem>> -> memref<1x50xi32, #tpu.memory_space<vmem>>
    %dma_wait3A_729 = tpu.memref_squeeze %dma_wait3A_728 : memref<1x50xi32, #tpu.memory_space<vmem>> -> memref<50xi32, #tpu.memory_space<vmem>>
    %dma_wait3A_730 = arith.constant 0 : i32
    %dma_wait3A_731 = arith.constant 0 : i32
    %dma_wait3A_732 = tpu.memref_slice %arg3[%dma_wait3A_730, %dma_wait3A_731] : memref<1000000x128xf32, #tpu.memory_space<hbm>> -> memref<1000000x128xf32, #tpu.memory_space<hbm>>
    tpu.wait_indirect_dma semaphore(%arg8 : memref<!tpu.dma_semaphore, #tpu.memory_space<semaphore_mem>>) src(%dma_wait3A_732 : memref<1000000x128xf32, #tpu.memory_space<hbm>>) dst(%dma_wait3A_726 : memref<50x128xf32, #tpu.memory_space<vmem>>)
    %add3A_733 = arith.constant 16 : i32
    %add3A_734 = arith.addi %mul3A_2, %add3A_733 : i32
    %dma_start3A_735 = arith.constant 0 : i32
    %dma_start3A_736 = arith.constant 0 : i32
    %dma_start3A_737 = arith.constant 0 : i32
    %dma_start3A_738 = tpu.memref_slice %arg6[%dma_start3A_735, %dma_start3A_736, %dma_start3A_737] : memref<8x50x128xf32, #tpu.memory_space<vmem>> -> memref<8x50x64xf32, #tpu.memory_space<vmem>>
    %dma_start3A_739 = arith.constant 0 : i32
    %dma_start3A_740 = arith.constant 0 : i32
    %dma_start3A_741 = tpu.memref_slice %arg4[%add3A_734, %dma_start3A_739, %dma_start3A_740] : memref<4096x50x64xf32, #tpu.memory_space<hbm>> -> memref<8x50x64xf32, #tpu.memory_space<hbm>>
    %dma_start3A_742 = arith.constant 0 : i32
    %dma_start3A_743 = arith.constant 0 : i32
    %dma_start3A_744 = tpu.memref_slice %arg4[%add3A_734, %dma_start3A_742, %dma_start3A_743] : memref<4096x50x64xf32, #tpu.memory_space<hbm>> -> memref<8x50x64xf32, #tpu.memory_space<hbm>>
    %dma_start3A_745 = arith.constant 0 : i32
    %dma_start3A_746 = arith.constant 0 : i32
    %dma_start3A_747 = arith.constant 0 : i32
    %dma_start3A_748 = tpu.memref_slice %arg6[%dma_start3A_745, %dma_start3A_746, %dma_start3A_747] : memref<8x50x128xf32, #tpu.memory_space<vmem>> -> memref<8x50x64xf32, #tpu.memory_space<vmem>>
    tpu.enqueue_dma source(%dma_start3A_748 : memref<8x50x64xf32, #tpu.memory_space<vmem>>) target(%dma_start3A_744 : memref<8x50x64xf32, #tpu.memory_space<hbm>>) target_semaphore(%arg10 : memref<!tpu.dma_semaphore, #tpu.memory_space<semaphore_mem>>)
    %dma_wait3A_749 = arith.constant 0 : i32
    %dma_wait3A_750 = arith.constant 0 : i32
    %dma_wait3A_751 = arith.constant 0 : i32
    %dma_wait3A_752 = tpu.memref_slice %arg6[%dma_wait3A_749, %dma_wait3A_750, %dma_wait3A_751] : memref<8x50x128xf32, #tpu.memory_space<vmem>> -> memref<8x50x64xf32, #tpu.memory_space<vmem>>
    %dma_wait3A_753 = arith.constant 0 : i32
    %dma_wait3A_754 = arith.constant 0 : i32
    %dma_wait3A_755 = tpu.memref_slice %arg4[%add3A_734, %dma_wait3A_753, %dma_wait3A_754] : memref<4096x50x64xf32, #tpu.memory_space<hbm>> -> memref<8x50x64xf32, #tpu.memory_space<hbm>>
    %dma_wait3A_756 = arith.constant 0 : i32
    %dma_wait3A_757 = arith.constant 0 : i32
    %dma_wait3A_758 = tpu.memref_slice %arg4[%add3A_734, %dma_wait3A_756, %dma_wait3A_757] : memref<4096x50x64xf32, #tpu.memory_space<hbm>> -> memref<8x50x64xf32, #tpu.memory_space<hbm>>
    %dma_wait3A_759 = arith.constant 0 : i32
    %dma_wait3A_760 = arith.constant 0 : i32
    %dma_wait3A_761 = arith.constant 0 : i32
    %dma_wait3A_762 = tpu.memref_slice %arg6[%dma_wait3A_759, %dma_wait3A_760, %dma_wait3A_761] : memref<8x50x128xf32, #tpu.memory_space<vmem>> -> memref<8x50x64xf32, #tpu.memory_space<vmem>>
    tpu.wait_dma2 semaphore(%arg10 : memref<!tpu.dma_semaphore, #tpu.memory_space<semaphore_mem>>) src(%dma_wait3A_762 : memref<8x50x64xf32, #tpu.memory_space<vmem>>) dst(%dma_wait3A_758 : memref<8x50x64xf32, #tpu.memory_space<hbm>>)
    %dma_start3A_763 = arith.constant 32 : i32
    %dma_start3A_764 = arith.constant 0 : i32
    %dma_start3A_765 = arith.constant 0 : i32
    %dma_start3A_766 = arith.constant 0 : i32
    %dma_start3A_767 = tpu.memref_slice %arg6[%dma_start3A_764, %dma_start3A_765, %dma_start3A_766] : memref<8x50x128xf32, #tpu.memory_space<vmem>> -> memref<1x50x128xf32, #tpu.memory_space<vmem>>
    %dma_start3A_768 = tpu.memref_squeeze %dma_start3A_767 : memref<1x50x128xf32, #tpu.memory_space<vmem>> -> memref<50x128xf32, #tpu.memory_space<vmem>>
    %dma_start3A_769 = arith.constant 0 : i32
    %dma_start3A_770 = tpu.memref_slice %arg5[%dma_start3A_763, %dma_start3A_769] : memref<128x50xi32, #tpu.memory_space<vmem>> -> memref<1x50xi32, #tpu.memory_space<vmem>>
    %dma_start3A_771 = tpu.memref_squeeze %dma_start3A_770 : memref<1x50xi32, #tpu.memory_space<vmem>> -> memref<50xi32, #tpu.memory_space<vmem>>
    %dma_start3A_772 = arith.constant 0 : i32
    %dma_start3A_773 = arith.constant 0 : i32
    %dma_start3A_774 = tpu.memref_slice %arg3[%dma_start3A_772, %dma_start3A_773] : memref<1000000x128xf32, #tpu.memory_space<hbm>> -> memref<1000000x128xf32, #tpu.memory_space<hbm>>
    tpu.enqueue_indirect_dma source(%dma_start3A_774 : memref<1000000x128xf32, #tpu.memory_space<hbm>>) target(%dma_start3A_768 : memref<50x128xf32, #tpu.memory_space<vmem>>) offsets(%dma_start3A_771 : memref<50xi32, #tpu.memory_space<vmem>>) semaphore(%arg8 : memref<!tpu.dma_semaphore, #tpu.memory_space<semaphore_mem>>)
    %dma_start3A_775 = arith.constant 33 : i32
    %dma_start3A_776 = arith.constant 1 : i32
    %dma_start3A_777 = arith.constant 0 : i32
    %dma_start3A_778 = arith.constant 0 : i32
    %dma_start3A_779 = tpu.memref_slice %arg6[%dma_start3A_776, %dma_start3A_777, %dma_start3A_778] : memref<8x50x128xf32, #tpu.memory_space<vmem>> -> memref<1x50x128xf32, #tpu.memory_space<vmem>>
    %dma_start3A_780 = tpu.memref_squeeze %dma_start3A_779 : memref<1x50x128xf32, #tpu.memory_space<vmem>> -> memref<50x128xf32, #tpu.memory_space<vmem>>
    %dma_start3A_781 = arith.constant 0 : i32
    %dma_start3A_782 = tpu.memref_slice %arg5[%dma_start3A_775, %dma_start3A_781] : memref<128x50xi32, #tpu.memory_space<vmem>> -> memref<1x50xi32, #tpu.memory_space<vmem>>
    %dma_start3A_783 = tpu.memref_squeeze %dma_start3A_782 : memref<1x50xi32, #tpu.memory_space<vmem>> -> memref<50xi32, #tpu.memory_space<vmem>>
    %dma_start3A_784 = arith.constant 0 : i32
    %dma_start3A_785 = arith.constant 0 : i32
    %dma_start3A_786 = tpu.memref_slice %arg3[%dma_start3A_784, %dma_start3A_785] : memref<1000000x128xf32, #tpu.memory_space<hbm>> -> memref<1000000x128xf32, #tpu.memory_space<hbm>>
    tpu.enqueue_indirect_dma source(%dma_start3A_786 : memref<1000000x128xf32, #tpu.memory_space<hbm>>) target(%dma_start3A_780 : memref<50x128xf32, #tpu.memory_space<vmem>>) offsets(%dma_start3A_783 : memref<50xi32, #tpu.memory_space<vmem>>) semaphore(%arg8 : memref<!tpu.dma_semaphore, #tpu.memory_space<semaphore_mem>>)
    %dma_start3A_787 = arith.constant 34 : i32
    %dma_start3A_788 = arith.constant 2 : i32
    %dma_start3A_789 = arith.constant 0 : i32
    %dma_start3A_790 = arith.constant 0 : i32
    %dma_start3A_791 = tpu.memref_slice %arg6[%dma_start3A_788, %dma_start3A_789, %dma_start3A_790] : memref<8x50x128xf32, #tpu.memory_space<vmem>> -> memref<1x50x128xf32, #tpu.memory_space<vmem>>
    %dma_start3A_792 = tpu.memref_squeeze %dma_start3A_791 : memref<1x50x128xf32, #tpu.memory_space<vmem>> -> memref<50x128xf32, #tpu.memory_space<vmem>>
    %dma_start3A_793 = arith.constant 0 : i32
    %dma_start3A_794 = tpu.memref_slice %arg5[%dma_start3A_787, %dma_start3A_793] : memref<128x50xi32, #tpu.memory_space<vmem>> -> memref<1x50xi32, #tpu.memory_space<vmem>>
    %dma_start3A_795 = tpu.memref_squeeze %dma_start3A_794 : memref<1x50xi32, #tpu.memory_space<vmem>> -> memref<50xi32, #tpu.memory_space<vmem>>
    %dma_start3A_796 = arith.constant 0 : i32
    %dma_start3A_797 = arith.constant 0 : i32
    %dma_start3A_798 = tpu.memref_slice %arg3[%dma_start3A_796, %dma_start3A_797] : memref<1000000x128xf32, #tpu.memory_space<hbm>> -> memref<1000000x128xf32, #tpu.memory_space<hbm>>
    tpu.enqueue_indirect_dma source(%dma_start3A_798 : memref<1000000x128xf32, #tpu.memory_space<hbm>>) target(%dma_start3A_792 : memref<50x128xf32, #tpu.memory_space<vmem>>) offsets(%dma_start3A_795 : memref<50xi32, #tpu.memory_space<vmem>>) semaphore(%arg8 : memref<!tpu.dma_semaphore, #tpu.memory_space<semaphore_mem>>)
    %dma_start3A_799 = arith.constant 35 : i32
    %dma_start3A_800 = arith.constant 3 : i32
    %dma_start3A_801 = arith.constant 0 : i32
    %dma_start3A_802 = arith.constant 0 : i32
    %dma_start3A_803 = tpu.memref_slice %arg6[%dma_start3A_800, %dma_start3A_801, %dma_start3A_802] : memref<8x50x128xf32, #tpu.memory_space<vmem>> -> memref<1x50x128xf32, #tpu.memory_space<vmem>>
    %dma_start3A_804 = tpu.memref_squeeze %dma_start3A_803 : memref<1x50x128xf32, #tpu.memory_space<vmem>> -> memref<50x128xf32, #tpu.memory_space<vmem>>
    %dma_start3A_805 = arith.constant 0 : i32
    %dma_start3A_806 = tpu.memref_slice %arg5[%dma_start3A_799, %dma_start3A_805] : memref<128x50xi32, #tpu.memory_space<vmem>> -> memref<1x50xi32, #tpu.memory_space<vmem>>
    %dma_start3A_807 = tpu.memref_squeeze %dma_start3A_806 : memref<1x50xi32, #tpu.memory_space<vmem>> -> memref<50xi32, #tpu.memory_space<vmem>>
    %dma_start3A_808 = arith.constant 0 : i32
    %dma_start3A_809 = arith.constant 0 : i32
    %dma_start3A_810 = tpu.memref_slice %arg3[%dma_start3A_808, %dma_start3A_809] : memref<1000000x128xf32, #tpu.memory_space<hbm>> -> memref<1000000x128xf32, #tpu.memory_space<hbm>>
    tpu.enqueue_indirect_dma source(%dma_start3A_810 : memref<1000000x128xf32, #tpu.memory_space<hbm>>) target(%dma_start3A_804 : memref<50x128xf32, #tpu.memory_space<vmem>>) offsets(%dma_start3A_807 : memref<50xi32, #tpu.memory_space<vmem>>) semaphore(%arg8 : memref<!tpu.dma_semaphore, #tpu.memory_space<semaphore_mem>>)
    %dma_start3A_811 = arith.constant 36 : i32
    %dma_start3A_812 = arith.constant 4 : i32
    %dma_start3A_813 = arith.constant 0 : i32
    %dma_start3A_814 = arith.constant 0 : i32
    %dma_start3A_815 = tpu.memref_slice %arg6[%dma_start3A_812, %dma_start3A_813, %dma_start3A_814] : memref<8x50x128xf32, #tpu.memory_space<vmem>> -> memref<1x50x128xf32, #tpu.memory_space<vmem>>
    %dma_start3A_816 = tpu.memref_squeeze %dma_start3A_815 : memref<1x50x128xf32, #tpu.memory_space<vmem>> -> memref<50x128xf32, #tpu.memory_space<vmem>>
    %dma_start3A_817 = arith.constant 0 : i32
    %dma_start3A_818 = tpu.memref_slice %arg5[%dma_start3A_811, %dma_start3A_817] : memref<128x50xi32, #tpu.memory_space<vmem>> -> memref<1x50xi32, #tpu.memory_space<vmem>>
    %dma_start3A_819 = tpu.memref_squeeze %dma_start3A_818 : memref<1x50xi32, #tpu.memory_space<vmem>> -> memref<50xi32, #tpu.memory_space<vmem>>
    %dma_start3A_820 = arith.constant 0 : i32
    %dma_start3A_821 = arith.constant 0 : i32
    %dma_start3A_822 = tpu.memref_slice %arg3[%dma_start3A_820, %dma_start3A_821] : memref<1000000x128xf32, #tpu.memory_space<hbm>> -> memref<1000000x128xf32, #tpu.memory_space<hbm>>
    tpu.enqueue_indirect_dma source(%dma_start3A_822 : memref<1000000x128xf32, #tpu.memory_space<hbm>>) target(%dma_start3A_816 : memref<50x128xf32, #tpu.memory_space<vmem>>) offsets(%dma_start3A_819 : memref<50xi32, #tpu.memory_space<vmem>>) semaphore(%arg8 : memref<!tpu.dma_semaphore, #tpu.memory_space<semaphore_mem>>)
    %dma_start3A_823 = arith.constant 37 : i32
    %dma_start3A_824 = arith.constant 5 : i32
    %dma_start3A_825 = arith.constant 0 : i32
    %dma_start3A_826 = arith.constant 0 : i32
    %dma_start3A_827 = tpu.memref_slice %arg6[%dma_start3A_824, %dma_start3A_825, %dma_start3A_826] : memref<8x50x128xf32, #tpu.memory_space<vmem>> -> memref<1x50x128xf32, #tpu.memory_space<vmem>>
    %dma_start3A_828 = tpu.memref_squeeze %dma_start3A_827 : memref<1x50x128xf32, #tpu.memory_space<vmem>> -> memref<50x128xf32, #tpu.memory_space<vmem>>
    %dma_start3A_829 = arith.constant 0 : i32
    %dma_start3A_830 = tpu.memref_slice %arg5[%dma_start3A_823, %dma_start3A_829] : memref<128x50xi32, #tpu.memory_space<vmem>> -> memref<1x50xi32, #tpu.memory_space<vmem>>
    %dma_start3A_831 = tpu.memref_squeeze %dma_start3A_830 : memref<1x50xi32, #tpu.memory_space<vmem>> -> memref<50xi32, #tpu.memory_space<vmem>>
    %dma_start3A_832 = arith.constant 0 : i32
    %dma_start3A_833 = arith.constant 0 : i32
    %dma_start3A_834 = tpu.memref_slice %arg3[%dma_start3A_832, %dma_start3A_833] : memref<1000000x128xf32, #tpu.memory_space<hbm>> -> memref<1000000x128xf32, #tpu.memory_space<hbm>>
    tpu.enqueue_indirect_dma source(%dma_start3A_834 : memref<1000000x128xf32, #tpu.memory_space<hbm>>) target(%dma_start3A_828 : memref<50x128xf32, #tpu.memory_space<vmem>>) offsets(%dma_start3A_831 : memref<50xi32, #tpu.memory_space<vmem>>) semaphore(%arg8 : memref<!tpu.dma_semaphore, #tpu.memory_space<semaphore_mem>>)
    %dma_start3A_835 = arith.constant 38 : i32
    %dma_start3A_836 = arith.constant 6 : i32
    %dma_start3A_837 = arith.constant 0 : i32
    %dma_start3A_838 = arith.constant 0 : i32
    %dma_start3A_839 = tpu.memref_slice %arg6[%dma_start3A_836, %dma_start3A_837, %dma_start3A_838] : memref<8x50x128xf32, #tpu.memory_space<vmem>> -> memref<1x50x128xf32, #tpu.memory_space<vmem>>
    %dma_start3A_840 = tpu.memref_squeeze %dma_start3A_839 : memref<1x50x128xf32, #tpu.memory_space<vmem>> -> memref<50x128xf32, #tpu.memory_space<vmem>>
    %dma_start3A_841 = arith.constant 0 : i32
    %dma_start3A_842 = tpu.memref_slice %arg5[%dma_start3A_835, %dma_start3A_841] : memref<128x50xi32, #tpu.memory_space<vmem>> -> memref<1x50xi32, #tpu.memory_space<vmem>>
    %dma_start3A_843 = tpu.memref_squeeze %dma_start3A_842 : memref<1x50xi32, #tpu.memory_space<vmem>> -> memref<50xi32, #tpu.memory_space<vmem>>
    %dma_start3A_844 = arith.constant 0 : i32
    %dma_start3A_845 = arith.constant 0 : i32
    %dma_start3A_846 = tpu.memref_slice %arg3[%dma_start3A_844, %dma_start3A_845] : memref<1000000x128xf32, #tpu.memory_space<hbm>> -> memref<1000000x128xf32, #tpu.memory_space<hbm>>
    tpu.enqueue_indirect_dma source(%dma_start3A_846 : memref<1000000x128xf32, #tpu.memory_space<hbm>>) target(%dma_start3A_840 : memref<50x128xf32, #tpu.memory_space<vmem>>) offsets(%dma_start3A_843 : memref<50xi32, #tpu.memory_space<vmem>>) semaphore(%arg8 : memref<!tpu.dma_semaphore, #tpu.memory_space<semaphore_mem>>)
    %dma_start3A_847 = arith.constant 39 : i32
    %dma_start3A_848 = arith.constant 7 : i32
    %dma_start3A_849 = arith.constant 0 : i32
    %dma_start3A_850 = arith.constant 0 : i32
    %dma_start3A_851 = tpu.memref_slice %arg6[%dma_start3A_848, %dma_start3A_849, %dma_start3A_850] : memref<8x50x128xf32, #tpu.memory_space<vmem>> -> memref<1x50x128xf32, #tpu.memory_space<vmem>>
    %dma_start3A_852 = tpu.memref_squeeze %dma_start3A_851 : memref<1x50x128xf32, #tpu.memory_space<vmem>> -> memref<50x128xf32, #tpu.memory_space<vmem>>
    %dma_start3A_853 = arith.constant 0 : i32
    %dma_start3A_854 = tpu.memref_slice %arg5[%dma_start3A_847, %dma_start3A_853] : memref<128x50xi32, #tpu.memory_space<vmem>> -> memref<1x50xi32, #tpu.memory_space<vmem>>
    %dma_start3A_855 = tpu.memref_squeeze %dma_start3A_854 : memref<1x50xi32, #tpu.memory_space<vmem>> -> memref<50xi32, #tpu.memory_space<vmem>>
    %dma_start3A_856 = arith.constant 0 : i32
    %dma_start3A_857 = arith.constant 0 : i32
    %dma_start3A_858 = tpu.memref_slice %arg3[%dma_start3A_856, %dma_start3A_857] : memref<1000000x128xf32, #tpu.memory_space<hbm>> -> memref<1000000x128xf32, #tpu.memory_space<hbm>>
    tpu.enqueue_indirect_dma source(%dma_start3A_858 : memref<1000000x128xf32, #tpu.memory_space<hbm>>) target(%dma_start3A_852 : memref<50x128xf32, #tpu.memory_space<vmem>>) offsets(%dma_start3A_855 : memref<50xi32, #tpu.memory_space<vmem>>) semaphore(%arg8 : memref<!tpu.dma_semaphore, #tpu.memory_space<semaphore_mem>>)
    %dma_wait3A_859 = arith.constant 24 : i32
    %dma_wait3A_860 = arith.constant 0 : i32
    %dma_wait3A_861 = arith.constant 0 : i32
    %dma_wait3A_862 = arith.constant 0 : i32
    %dma_wait3A_863 = tpu.memref_slice %arg7[%dma_wait3A_860, %dma_wait3A_861, %dma_wait3A_862] : memref<8x50x128xf32, #tpu.memory_space<vmem>> -> memref<1x50x128xf32, #tpu.memory_space<vmem>>
    %dma_wait3A_864 = tpu.memref_squeeze %dma_wait3A_863 : memref<1x50x128xf32, #tpu.memory_space<vmem>> -> memref<50x128xf32, #tpu.memory_space<vmem>>
    %dma_wait3A_865 = arith.constant 0 : i32
    %dma_wait3A_866 = tpu.memref_slice %arg5[%dma_wait3A_859, %dma_wait3A_865] : memref<128x50xi32, #tpu.memory_space<vmem>> -> memref<1x50xi32, #tpu.memory_space<vmem>>
    %dma_wait3A_867 = tpu.memref_squeeze %dma_wait3A_866 : memref<1x50xi32, #tpu.memory_space<vmem>> -> memref<50xi32, #tpu.memory_space<vmem>>
    %dma_wait3A_868 = arith.constant 0 : i32
    %dma_wait3A_869 = arith.constant 0 : i32
    %dma_wait3A_870 = tpu.memref_slice %arg3[%dma_wait3A_868, %dma_wait3A_869] : memref<1000000x128xf32, #tpu.memory_space<hbm>> -> memref<1000000x128xf32, #tpu.memory_space<hbm>>
    tpu.wait_indirect_dma semaphore(%arg9 : memref<!tpu.dma_semaphore, #tpu.memory_space<semaphore_mem>>) src(%dma_wait3A_870 : memref<1000000x128xf32, #tpu.memory_space<hbm>>) dst(%dma_wait3A_864 : memref<50x128xf32, #tpu.memory_space<vmem>>)
    %dma_wait3A_871 = arith.constant 25 : i32
    %dma_wait3A_872 = arith.constant 1 : i32
    %dma_wait3A_873 = arith.constant 0 : i32
    %dma_wait3A_874 = arith.constant 0 : i32
    %dma_wait3A_875 = tpu.memref_slice %arg7[%dma_wait3A_872, %dma_wait3A_873, %dma_wait3A_874] : memref<8x50x128xf32, #tpu.memory_space<vmem>> -> memref<1x50x128xf32, #tpu.memory_space<vmem>>
    %dma_wait3A_876 = tpu.memref_squeeze %dma_wait3A_875 : memref<1x50x128xf32, #tpu.memory_space<vmem>> -> memref<50x128xf32, #tpu.memory_space<vmem>>
    %dma_wait3A_877 = arith.constant 0 : i32
    %dma_wait3A_878 = tpu.memref_slice %arg5[%dma_wait3A_871, %dma_wait3A_877] : memref<128x50xi32, #tpu.memory_space<vmem>> -> memref<1x50xi32, #tpu.memory_space<vmem>>
    %dma_wait3A_879 = tpu.memref_squeeze %dma_wait3A_878 : memref<1x50xi32, #tpu.memory_space<vmem>> -> memref<50xi32, #tpu.memory_space<vmem>>
    %dma_wait3A_880 = arith.constant 0 : i32
    %dma_wait3A_881 = arith.constant 0 : i32
    %dma_wait3A_882 = tpu.memref_slice %arg3[%dma_wait3A_880, %dma_wait3A_881] : memref<1000000x128xf32, #tpu.memory_space<hbm>> -> memref<1000000x128xf32, #tpu.memory_space<hbm>>
    tpu.wait_indirect_dma semaphore(%arg9 : memref<!tpu.dma_semaphore, #tpu.memory_space<semaphore_mem>>) src(%dma_wait3A_882 : memref<1000000x128xf32, #tpu.memory_space<hbm>>) dst(%dma_wait3A_876 : memref<50x128xf32, #tpu.memory_space<vmem>>)
    %dma_wait3A_883 = arith.constant 26 : i32
    %dma_wait3A_884 = arith.constant 2 : i32
    %dma_wait3A_885 = arith.constant 0 : i32
    %dma_wait3A_886 = arith.constant 0 : i32
    %dma_wait3A_887 = tpu.memref_slice %arg7[%dma_wait3A_884, %dma_wait3A_885, %dma_wait3A_886] : memref<8x50x128xf32, #tpu.memory_space<vmem>> -> memref<1x50x128xf32, #tpu.memory_space<vmem>>
    %dma_wait3A_888 = tpu.memref_squeeze %dma_wait3A_887 : memref<1x50x128xf32, #tpu.memory_space<vmem>> -> memref<50x128xf32, #tpu.memory_space<vmem>>
    %dma_wait3A_889 = arith.constant 0 : i32
    %dma_wait3A_890 = tpu.memref_slice %arg5[%dma_wait3A_883, %dma_wait3A_889] : memref<128x50xi32, #tpu.memory_space<vmem>> -> memref<1x50xi32, #tpu.memory_space<vmem>>
    %dma_wait3A_891 = tpu.memref_squeeze %dma_wait3A_890 : memref<1x50xi32, #tpu.memory_space<vmem>> -> memref<50xi32, #tpu.memory_space<vmem>>
    %dma_wait3A_892 = arith.constant 0 : i32
    %dma_wait3A_893 = arith.constant 0 : i32
    %dma_wait3A_894 = tpu.memref_slice %arg3[%dma_wait3A_892, %dma_wait3A_893] : memref<1000000x128xf32, #tpu.memory_space<hbm>> -> memref<1000000x128xf32, #tpu.memory_space<hbm>>
    tpu.wait_indirect_dma semaphore(%arg9 : memref<!tpu.dma_semaphore, #tpu.memory_space<semaphore_mem>>) src(%dma_wait3A_894 : memref<1000000x128xf32, #tpu.memory_space<hbm>>) dst(%dma_wait3A_888 : memref<50x128xf32, #tpu.memory_space<vmem>>)
    %dma_wait3A_895 = arith.constant 27 : i32
    %dma_wait3A_896 = arith.constant 3 : i32
    %dma_wait3A_897 = arith.constant 0 : i32
    %dma_wait3A_898 = arith.constant 0 : i32
    %dma_wait3A_899 = tpu.memref_slice %arg7[%dma_wait3A_896, %dma_wait3A_897, %dma_wait3A_898] : memref<8x50x128xf32, #tpu.memory_space<vmem>> -> memref<1x50x128xf32, #tpu.memory_space<vmem>>
    %dma_wait3A_900 = tpu.memref_squeeze %dma_wait3A_899 : memref<1x50x128xf32, #tpu.memory_space<vmem>> -> memref<50x128xf32, #tpu.memory_space<vmem>>
    %dma_wait3A_901 = arith.constant 0 : i32
    %dma_wait3A_902 = tpu.memref_slice %arg5[%dma_wait3A_895, %dma_wait3A_901] : memref<128x50xi32, #tpu.memory_space<vmem>> -> memref<1x50xi32, #tpu.memory_space<vmem>>
    %dma_wait3A_903 = tpu.memref_squeeze %dma_wait3A_902 : memref<1x50xi32, #tpu.memory_space<vmem>> -> memref<50xi32, #tpu.memory_space<vmem>>
    %dma_wait3A_904 = arith.constant 0 : i32
    %dma_wait3A_905 = arith.constant 0 : i32
    %dma_wait3A_906 = tpu.memref_slice %arg3[%dma_wait3A_904, %dma_wait3A_905] : memref<1000000x128xf32, #tpu.memory_space<hbm>> -> memref<1000000x128xf32, #tpu.memory_space<hbm>>
    tpu.wait_indirect_dma semaphore(%arg9 : memref<!tpu.dma_semaphore, #tpu.memory_space<semaphore_mem>>) src(%dma_wait3A_906 : memref<1000000x128xf32, #tpu.memory_space<hbm>>) dst(%dma_wait3A_900 : memref<50x128xf32, #tpu.memory_space<vmem>>)
    %dma_wait3A_907 = arith.constant 28 : i32
    %dma_wait3A_908 = arith.constant 4 : i32
    %dma_wait3A_909 = arith.constant 0 : i32
    %dma_wait3A_910 = arith.constant 0 : i32
    %dma_wait3A_911 = tpu.memref_slice %arg7[%dma_wait3A_908, %dma_wait3A_909, %dma_wait3A_910] : memref<8x50x128xf32, #tpu.memory_space<vmem>> -> memref<1x50x128xf32, #tpu.memory_space<vmem>>
    %dma_wait3A_912 = tpu.memref_squeeze %dma_wait3A_911 : memref<1x50x128xf32, #tpu.memory_space<vmem>> -> memref<50x128xf32, #tpu.memory_space<vmem>>
    %dma_wait3A_913 = arith.constant 0 : i32
    %dma_wait3A_914 = tpu.memref_slice %arg5[%dma_wait3A_907, %dma_wait3A_913] : memref<128x50xi32, #tpu.memory_space<vmem>> -> memref<1x50xi32, #tpu.memory_space<vmem>>
    %dma_wait3A_915 = tpu.memref_squeeze %dma_wait3A_914 : memref<1x50xi32, #tpu.memory_space<vmem>> -> memref<50xi32, #tpu.memory_space<vmem>>
    %dma_wait3A_916 = arith.constant 0 : i32
    %dma_wait3A_917 = arith.constant 0 : i32
    %dma_wait3A_918 = tpu.memref_slice %arg3[%dma_wait3A_916, %dma_wait3A_917] : memref<1000000x128xf32, #tpu.memory_space<hbm>> -> memref<1000000x128xf32, #tpu.memory_space<hbm>>
    tpu.wait_indirect_dma semaphore(%arg9 : memref<!tpu.dma_semaphore, #tpu.memory_space<semaphore_mem>>) src(%dma_wait3A_918 : memref<1000000x128xf32, #tpu.memory_space<hbm>>) dst(%dma_wait3A_912 : memref<50x128xf32, #tpu.memory_space<vmem>>)
    %dma_wait3A_919 = arith.constant 29 : i32
    %dma_wait3A_920 = arith.constant 5 : i32
    %dma_wait3A_921 = arith.constant 0 : i32
    %dma_wait3A_922 = arith.constant 0 : i32
    %dma_wait3A_923 = tpu.memref_slice %arg7[%dma_wait3A_920, %dma_wait3A_921, %dma_wait3A_922] : memref<8x50x128xf32, #tpu.memory_space<vmem>> -> memref<1x50x128xf32, #tpu.memory_space<vmem>>
    %dma_wait3A_924 = tpu.memref_squeeze %dma_wait3A_923 : memref<1x50x128xf32, #tpu.memory_space<vmem>> -> memref<50x128xf32, #tpu.memory_space<vmem>>
    %dma_wait3A_925 = arith.constant 0 : i32
    %dma_wait3A_926 = tpu.memref_slice %arg5[%dma_wait3A_919, %dma_wait3A_925] : memref<128x50xi32, #tpu.memory_space<vmem>> -> memref<1x50xi32, #tpu.memory_space<vmem>>
    %dma_wait3A_927 = tpu.memref_squeeze %dma_wait3A_926 : memref<1x50xi32, #tpu.memory_space<vmem>> -> memref<50xi32, #tpu.memory_space<vmem>>
    %dma_wait3A_928 = arith.constant 0 : i32
    %dma_wait3A_929 = arith.constant 0 : i32
    %dma_wait3A_930 = tpu.memref_slice %arg3[%dma_wait3A_928, %dma_wait3A_929] : memref<1000000x128xf32, #tpu.memory_space<hbm>> -> memref<1000000x128xf32, #tpu.memory_space<hbm>>
    tpu.wait_indirect_dma semaphore(%arg9 : memref<!tpu.dma_semaphore, #tpu.memory_space<semaphore_mem>>) src(%dma_wait3A_930 : memref<1000000x128xf32, #tpu.memory_space<hbm>>) dst(%dma_wait3A_924 : memref<50x128xf32, #tpu.memory_space<vmem>>)
    %dma_wait3A_931 = arith.constant 30 : i32
    %dma_wait3A_932 = arith.constant 6 : i32
    %dma_wait3A_933 = arith.constant 0 : i32
    %dma_wait3A_934 = arith.constant 0 : i32
    %dma_wait3A_935 = tpu.memref_slice %arg7[%dma_wait3A_932, %dma_wait3A_933, %dma_wait3A_934] : memref<8x50x128xf32, #tpu.memory_space<vmem>> -> memref<1x50x128xf32, #tpu.memory_space<vmem>>
    %dma_wait3A_936 = tpu.memref_squeeze %dma_wait3A_935 : memref<1x50x128xf32, #tpu.memory_space<vmem>> -> memref<50x128xf32, #tpu.memory_space<vmem>>
    %dma_wait3A_937 = arith.constant 0 : i32
    %dma_wait3A_938 = tpu.memref_slice %arg5[%dma_wait3A_931, %dma_wait3A_937] : memref<128x50xi32, #tpu.memory_space<vmem>> -> memref<1x50xi32, #tpu.memory_space<vmem>>
    %dma_wait3A_939 = tpu.memref_squeeze %dma_wait3A_938 : memref<1x50xi32, #tpu.memory_space<vmem>> -> memref<50xi32, #tpu.memory_space<vmem>>
    %dma_wait3A_940 = arith.constant 0 : i32
    %dma_wait3A_941 = arith.constant 0 : i32
    %dma_wait3A_942 = tpu.memref_slice %arg3[%dma_wait3A_940, %dma_wait3A_941] : memref<1000000x128xf32, #tpu.memory_space<hbm>> -> memref<1000000x128xf32, #tpu.memory_space<hbm>>
    tpu.wait_indirect_dma semaphore(%arg9 : memref<!tpu.dma_semaphore, #tpu.memory_space<semaphore_mem>>) src(%dma_wait3A_942 : memref<1000000x128xf32, #tpu.memory_space<hbm>>) dst(%dma_wait3A_936 : memref<50x128xf32, #tpu.memory_space<vmem>>)
    %dma_wait3A_943 = arith.constant 31 : i32
    %dma_wait3A_944 = arith.constant 7 : i32
    %dma_wait3A_945 = arith.constant 0 : i32
    %dma_wait3A_946 = arith.constant 0 : i32
    %dma_wait3A_947 = tpu.memref_slice %arg7[%dma_wait3A_944, %dma_wait3A_945, %dma_wait3A_946] : memref<8x50x128xf32, #tpu.memory_space<vmem>> -> memref<1x50x128xf32, #tpu.memory_space<vmem>>
    %dma_wait3A_948 = tpu.memref_squeeze %dma_wait3A_947 : memref<1x50x128xf32, #tpu.memory_space<vmem>> -> memref<50x128xf32, #tpu.memory_space<vmem>>
    %dma_wait3A_949 = arith.constant 0 : i32
    %dma_wait3A_950 = tpu.memref_slice %arg5[%dma_wait3A_943, %dma_wait3A_949] : memref<128x50xi32, #tpu.memory_space<vmem>> -> memref<1x50xi32, #tpu.memory_space<vmem>>
    %dma_wait3A_951 = tpu.memref_squeeze %dma_wait3A_950 : memref<1x50xi32, #tpu.memory_space<vmem>> -> memref<50xi32, #tpu.memory_space<vmem>>
    %dma_wait3A_952 = arith.constant 0 : i32
    %dma_wait3A_953 = arith.constant 0 : i32
    %dma_wait3A_954 = tpu.memref_slice %arg3[%dma_wait3A_952, %dma_wait3A_953] : memref<1000000x128xf32, #tpu.memory_space<hbm>> -> memref<1000000x128xf32, #tpu.memory_space<hbm>>
    tpu.wait_indirect_dma semaphore(%arg9 : memref<!tpu.dma_semaphore, #tpu.memory_space<semaphore_mem>>) src(%dma_wait3A_954 : memref<1000000x128xf32, #tpu.memory_space<hbm>>) dst(%dma_wait3A_948 : memref<50x128xf32, #tpu.memory_space<vmem>>)
    %add3A_955 = arith.constant 24 : i32
    %add3A_956 = arith.addi %mul3A_2, %add3A_955 : i32
    %dma_start3A_957 = arith.constant 0 : i32
    %dma_start3A_958 = arith.constant 0 : i32
    %dma_start3A_959 = arith.constant 0 : i32
    %dma_start3A_960 = tpu.memref_slice %arg7[%dma_start3A_957, %dma_start3A_958, %dma_start3A_959] : memref<8x50x128xf32, #tpu.memory_space<vmem>> -> memref<8x50x64xf32, #tpu.memory_space<vmem>>
    %dma_start3A_961 = arith.constant 0 : i32
    %dma_start3A_962 = arith.constant 0 : i32
    %dma_start3A_963 = tpu.memref_slice %arg4[%add3A_956, %dma_start3A_961, %dma_start3A_962] : memref<4096x50x64xf32, #tpu.memory_space<hbm>> -> memref<8x50x64xf32, #tpu.memory_space<hbm>>
    %dma_start3A_964 = arith.constant 0 : i32
    %dma_start3A_965 = arith.constant 0 : i32
    %dma_start3A_966 = tpu.memref_slice %arg4[%add3A_956, %dma_start3A_964, %dma_start3A_965] : memref<4096x50x64xf32, #tpu.memory_space<hbm>> -> memref<8x50x64xf32, #tpu.memory_space<hbm>>
    %dma_start3A_967 = arith.constant 0 : i32
    %dma_start3A_968 = arith.constant 0 : i32
    %dma_start3A_969 = arith.constant 0 : i32
    %dma_start3A_970 = tpu.memref_slice %arg7[%dma_start3A_967, %dma_start3A_968, %dma_start3A_969] : memref<8x50x128xf32, #tpu.memory_space<vmem>> -> memref<8x50x64xf32, #tpu.memory_space<vmem>>
    tpu.enqueue_dma source(%dma_start3A_970 : memref<8x50x64xf32, #tpu.memory_space<vmem>>) target(%dma_start3A_966 : memref<8x50x64xf32, #tpu.memory_space<hbm>>) target_semaphore(%arg11 : memref<!tpu.dma_semaphore, #tpu.memory_space<semaphore_mem>>)
    %dma_wait3A_971 = arith.constant 0 : i32
    %dma_wait3A_972 = arith.constant 0 : i32
    %dma_wait3A_973 = arith.constant 0 : i32
    %dma_wait3A_974 = tpu.memref_slice %arg7[%dma_wait3A_971, %dma_wait3A_972, %dma_wait3A_973] : memref<8x50x128xf32, #tpu.memory_space<vmem>> -> memref<8x50x64xf32, #tpu.memory_space<vmem>>
    %dma_wait3A_975 = arith.constant 0 : i32
    %dma_wait3A_976 = arith.constant 0 : i32
    %dma_wait3A_977 = tpu.memref_slice %arg4[%add3A_956, %dma_wait3A_975, %dma_wait3A_976] : memref<4096x50x64xf32, #tpu.memory_space<hbm>> -> memref<8x50x64xf32, #tpu.memory_space<hbm>>
    %dma_wait3A_978 = arith.constant 0 : i32
    %dma_wait3A_979 = arith.constant 0 : i32
    %dma_wait3A_980 = tpu.memref_slice %arg4[%add3A_956, %dma_wait3A_978, %dma_wait3A_979] : memref<4096x50x64xf32, #tpu.memory_space<hbm>> -> memref<8x50x64xf32, #tpu.memory_space<hbm>>
    %dma_wait3A_981 = arith.constant 0 : i32
    %dma_wait3A_982 = arith.constant 0 : i32
    %dma_wait3A_983 = arith.constant 0 : i32
    %dma_wait3A_984 = tpu.memref_slice %arg7[%dma_wait3A_981, %dma_wait3A_982, %dma_wait3A_983] : memref<8x50x128xf32, #tpu.memory_space<vmem>> -> memref<8x50x64xf32, #tpu.memory_space<vmem>>
    tpu.wait_dma2 semaphore(%arg11 : memref<!tpu.dma_semaphore, #tpu.memory_space<semaphore_mem>>) src(%dma_wait3A_984 : memref<8x50x64xf32, #tpu.memory_space<vmem>>) dst(%dma_wait3A_980 : memref<8x50x64xf32, #tpu.memory_space<hbm>>)
    %dma_start3A_985 = arith.constant 40 : i32
    %dma_start3A_986 = arith.constant 0 : i32
    %dma_start3A_987 = arith.constant 0 : i32
    %dma_start3A_988 = arith.constant 0 : i32
    %dma_start3A_989 = tpu.memref_slice %arg7[%dma_start3A_986, %dma_start3A_987, %dma_start3A_988] : memref<8x50x128xf32, #tpu.memory_space<vmem>> -> memref<1x50x128xf32, #tpu.memory_space<vmem>>
    %dma_start3A_990 = tpu.memref_squeeze %dma_start3A_989 : memref<1x50x128xf32, #tpu.memory_space<vmem>> -> memref<50x128xf32, #tpu.memory_space<vmem>>
    %dma_start3A_991 = arith.constant 0 : i32
    %dma_start3A_992 = tpu.memref_slice %arg5[%dma_start3A_985, %dma_start3A_991] : memref<128x50xi32, #tpu.memory_space<vmem>> -> memref<1x50xi32, #tpu.memory_space<vmem>>
    %dma_start3A_993 = tpu.memref_squeeze %dma_start3A_992 : memref<1x50xi32, #tpu.memory_space<vmem>> -> memref<50xi32, #tpu.memory_space<vmem>>
    %dma_start3A_994 = arith.constant 0 : i32
    %dma_start3A_995 = arith.constant 0 : i32
    %dma_start3A_996 = tpu.memref_slice %arg3[%dma_start3A_994, %dma_start3A_995] : memref<1000000x128xf32, #tpu.memory_space<hbm>> -> memref<1000000x128xf32, #tpu.memory_space<hbm>>
    tpu.enqueue_indirect_dma source(%dma_start3A_996 : memref<1000000x128xf32, #tpu.memory_space<hbm>>) target(%dma_start3A_990 : memref<50x128xf32, #tpu.memory_space<vmem>>) offsets(%dma_start3A_993 : memref<50xi32, #tpu.memory_space<vmem>>) semaphore(%arg9 : memref<!tpu.dma_semaphore, #tpu.memory_space<semaphore_mem>>)
    %dma_start3A_997 = arith.constant 41 : i32
    %dma_start3A_998 = arith.constant 1 : i32
    %dma_start3A_999 = arith.constant 0 : i32
    %dma_start3A_1000 = arith.constant 0 : i32
    %dma_start3A_1001 = tpu.memref_slice %arg7[%dma_start3A_998, %dma_start3A_999, %dma_start3A_1000] : memref<8x50x128xf32, #tpu.memory_space<vmem>> -> memref<1x50x128xf32, #tpu.memory_space<vmem>>
    %dma_start3A_1002 = tpu.memref_squeeze %dma_start3A_1001 : memref<1x50x128xf32, #tpu.memory_space<vmem>> -> memref<50x128xf32, #tpu.memory_space<vmem>>
    %dma_start3A_1003 = arith.constant 0 : i32
    %dma_start3A_1004 = tpu.memref_slice %arg5[%dma_start3A_997, %dma_start3A_1003] : memref<128x50xi32, #tpu.memory_space<vmem>> -> memref<1x50xi32, #tpu.memory_space<vmem>>
    %dma_start3A_1005 = tpu.memref_squeeze %dma_start3A_1004 : memref<1x50xi32, #tpu.memory_space<vmem>> -> memref<50xi32, #tpu.memory_space<vmem>>
    %dma_start3A_1006 = arith.constant 0 : i32
    %dma_start3A_1007 = arith.constant 0 : i32
    %dma_start3A_1008 = tpu.memref_slice %arg3[%dma_start3A_1006, %dma_start3A_1007] : memref<1000000x128xf32, #tpu.memory_space<hbm>> -> memref<1000000x128xf32, #tpu.memory_space<hbm>>
    tpu.enqueue_indirect_dma source(%dma_start3A_1008 : memref<1000000x128xf32, #tpu.memory_space<hbm>>) target(%dma_start3A_1002 : memref<50x128xf32, #tpu.memory_space<vmem>>) offsets(%dma_start3A_1005 : memref<50xi32, #tpu.memory_space<vmem>>) semaphore(%arg9 : memref<!tpu.dma_semaphore, #tpu.memory_space<semaphore_mem>>)
    %dma_start3A_1009 = arith.constant 42 : i32
    %dma_start3A_1010 = arith.constant 2 : i32
    %dma_start3A_1011 = arith.constant 0 : i32
    %dma_start3A_1012 = arith.constant 0 : i32
    %dma_start3A_1013 = tpu.memref_slice %arg7[%dma_start3A_1010, %dma_start3A_1011, %dma_start3A_1012] : memref<8x50x128xf32, #tpu.memory_space<vmem>> -> memref<1x50x128xf32, #tpu.memory_space<vmem>>
    %dma_start3A_1014 = tpu.memref_squeeze %dma_start3A_1013 : memref<1x50x128xf32, #tpu.memory_space<vmem>> -> memref<50x128xf32, #tpu.memory_space<vmem>>
    %dma_start3A_1015 = arith.constant 0 : i32
    %dma_start3A_1016 = tpu.memref_slice %arg5[%dma_start3A_1009, %dma_start3A_1015] : memref<128x50xi32, #tpu.memory_space<vmem>> -> memref<1x50xi32, #tpu.memory_space<vmem>>
    %dma_start3A_1017 = tpu.memref_squeeze %dma_start3A_1016 : memref<1x50xi32, #tpu.memory_space<vmem>> -> memref<50xi32, #tpu.memory_space<vmem>>
    %dma_start3A_1018 = arith.constant 0 : i32
    %dma_start3A_1019 = arith.constant 0 : i32
    %dma_start3A_1020 = tpu.memref_slice %arg3[%dma_start3A_1018, %dma_start3A_1019] : memref<1000000x128xf32, #tpu.memory_space<hbm>> -> memref<1000000x128xf32, #tpu.memory_space<hbm>>
    tpu.enqueue_indirect_dma source(%dma_start3A_1020 : memref<1000000x128xf32, #tpu.memory_space<hbm>>) target(%dma_start3A_1014 : memref<50x128xf32, #tpu.memory_space<vmem>>) offsets(%dma_start3A_1017 : memref<50xi32, #tpu.memory_space<vmem>>) semaphore(%arg9 : memref<!tpu.dma_semaphore, #tpu.memory_space<semaphore_mem>>)
    %dma_start3A_1021 = arith.constant 43 : i32
    %dma_start3A_1022 = arith.constant 3 : i32
    %dma_start3A_1023 = arith.constant 0 : i32
    %dma_start3A_1024 = arith.constant 0 : i32
    %dma_start3A_1025 = tpu.memref_slice %arg7[%dma_start3A_1022, %dma_start3A_1023, %dma_start3A_1024] : memref<8x50x128xf32, #tpu.memory_space<vmem>> -> memref<1x50x128xf32, #tpu.memory_space<vmem>>
    %dma_start3A_1026 = tpu.memref_squeeze %dma_start3A_1025 : memref<1x50x128xf32, #tpu.memory_space<vmem>> -> memref<50x128xf32, #tpu.memory_space<vmem>>
    %dma_start3A_1027 = arith.constant 0 : i32
    %dma_start3A_1028 = tpu.memref_slice %arg5[%dma_start3A_1021, %dma_start3A_1027] : memref<128x50xi32, #tpu.memory_space<vmem>> -> memref<1x50xi32, #tpu.memory_space<vmem>>
    %dma_start3A_1029 = tpu.memref_squeeze %dma_start3A_1028 : memref<1x50xi32, #tpu.memory_space<vmem>> -> memref<50xi32, #tpu.memory_space<vmem>>
    %dma_start3A_1030 = arith.constant 0 : i32
    %dma_start3A_1031 = arith.constant 0 : i32
    %dma_start3A_1032 = tpu.memref_slice %arg3[%dma_start3A_1030, %dma_start3A_1031] : memref<1000000x128xf32, #tpu.memory_space<hbm>> -> memref<1000000x128xf32, #tpu.memory_space<hbm>>
    tpu.enqueue_indirect_dma source(%dma_start3A_1032 : memref<1000000x128xf32, #tpu.memory_space<hbm>>) target(%dma_start3A_1026 : memref<50x128xf32, #tpu.memory_space<vmem>>) offsets(%dma_start3A_1029 : memref<50xi32, #tpu.memory_space<vmem>>) semaphore(%arg9 : memref<!tpu.dma_semaphore, #tpu.memory_space<semaphore_mem>>)
    %dma_start3A_1033 = arith.constant 44 : i32
    %dma_start3A_1034 = arith.constant 4 : i32
    %dma_start3A_1035 = arith.constant 0 : i32
    %dma_start3A_1036 = arith.constant 0 : i32
    %dma_start3A_1037 = tpu.memref_slice %arg7[%dma_start3A_1034, %dma_start3A_1035, %dma_start3A_1036] : memref<8x50x128xf32, #tpu.memory_space<vmem>> -> memref<1x50x128xf32, #tpu.memory_space<vmem>>
    %dma_start3A_1038 = tpu.memref_squeeze %dma_start3A_1037 : memref<1x50x128xf32, #tpu.memory_space<vmem>> -> memref<50x128xf32, #tpu.memory_space<vmem>>
    %dma_start3A_1039 = arith.constant 0 : i32
    %dma_start3A_1040 = tpu.memref_slice %arg5[%dma_start3A_1033, %dma_start3A_1039] : memref<128x50xi32, #tpu.memory_space<vmem>> -> memref<1x50xi32, #tpu.memory_space<vmem>>
    %dma_start3A_1041 = tpu.memref_squeeze %dma_start3A_1040 : memref<1x50xi32, #tpu.memory_space<vmem>> -> memref<50xi32, #tpu.memory_space<vmem>>
    %dma_start3A_1042 = arith.constant 0 : i32
    %dma_start3A_1043 = arith.constant 0 : i32
    %dma_start3A_1044 = tpu.memref_slice %arg3[%dma_start3A_1042, %dma_start3A_1043] : memref<1000000x128xf32, #tpu.memory_space<hbm>> -> memref<1000000x128xf32, #tpu.memory_space<hbm>>
    tpu.enqueue_indirect_dma source(%dma_start3A_1044 : memref<1000000x128xf32, #tpu.memory_space<hbm>>) target(%dma_start3A_1038 : memref<50x128xf32, #tpu.memory_space<vmem>>) offsets(%dma_start3A_1041 : memref<50xi32, #tpu.memory_space<vmem>>) semaphore(%arg9 : memref<!tpu.dma_semaphore, #tpu.memory_space<semaphore_mem>>)
    %dma_start3A_1045 = arith.constant 45 : i32
    %dma_start3A_1046 = arith.constant 5 : i32
    %dma_start3A_1047 = arith.constant 0 : i32
    %dma_start3A_1048 = arith.constant 0 : i32
    %dma_start3A_1049 = tpu.memref_slice %arg7[%dma_start3A_1046, %dma_start3A_1047, %dma_start3A_1048] : memref<8x50x128xf32, #tpu.memory_space<vmem>> -> memref<1x50x128xf32, #tpu.memory_space<vmem>>
    %dma_start3A_1050 = tpu.memref_squeeze %dma_start3A_1049 : memref<1x50x128xf32, #tpu.memory_space<vmem>> -> memref<50x128xf32, #tpu.memory_space<vmem>>
    %dma_start3A_1051 = arith.constant 0 : i32
    %dma_start3A_1052 = tpu.memref_slice %arg5[%dma_start3A_1045, %dma_start3A_1051] : memref<128x50xi32, #tpu.memory_space<vmem>> -> memref<1x50xi32, #tpu.memory_space<vmem>>
    %dma_start3A_1053 = tpu.memref_squeeze %dma_start3A_1052 : memref<1x50xi32, #tpu.memory_space<vmem>> -> memref<50xi32, #tpu.memory_space<vmem>>
    %dma_start3A_1054 = arith.constant 0 : i32
    %dma_start3A_1055 = arith.constant 0 : i32
    %dma_start3A_1056 = tpu.memref_slice %arg3[%dma_start3A_1054, %dma_start3A_1055] : memref<1000000x128xf32, #tpu.memory_space<hbm>> -> memref<1000000x128xf32, #tpu.memory_space<hbm>>
    tpu.enqueue_indirect_dma source(%dma_start3A_1056 : memref<1000000x128xf32, #tpu.memory_space<hbm>>) target(%dma_start3A_1050 : memref<50x128xf32, #tpu.memory_space<vmem>>) offsets(%dma_start3A_1053 : memref<50xi32, #tpu.memory_space<vmem>>) semaphore(%arg9 : memref<!tpu.dma_semaphore, #tpu.memory_space<semaphore_mem>>)
    %dma_start3A_1057 = arith.constant 46 : i32
    %dma_start3A_1058 = arith.constant 6 : i32
    %dma_start3A_1059 = arith.constant 0 : i32
    %dma_start3A_1060 = arith.constant 0 : i32
    %dma_start3A_1061 = tpu.memref_slice %arg7[%dma_start3A_1058, %dma_start3A_1059, %dma_start3A_1060] : memref<8x50x128xf32, #tpu.memory_space<vmem>> -> memref<1x50x128xf32, #tpu.memory_space<vmem>>
    %dma_start3A_1062 = tpu.memref_squeeze %dma_start3A_1061 : memref<1x50x128xf32, #tpu.memory_space<vmem>> -> memref<50x128xf32, #tpu.memory_space<vmem>>
    %dma_start3A_1063 = arith.constant 0 : i32
    %dma_start3A_1064 = tpu.memref_slice %arg5[%dma_start3A_1057, %dma_start3A_1063] : memref<128x50xi32, #tpu.memory_space<vmem>> -> memref<1x50xi32, #tpu.memory_space<vmem>>
    %dma_start3A_1065 = tpu.memref_squeeze %dma_start3A_1064 : memref<1x50xi32, #tpu.memory_space<vmem>> -> memref<50xi32, #tpu.memory_space<vmem>>
    %dma_start3A_1066 = arith.constant 0 : i32
    %dma_start3A_1067 = arith.constant 0 : i32
    %dma_start3A_1068 = tpu.memref_slice %arg3[%dma_start3A_1066, %dma_start3A_1067] : memref<1000000x128xf32, #tpu.memory_space<hbm>> -> memref<1000000x128xf32, #tpu.memory_space<hbm>>
    tpu.enqueue_indirect_dma source(%dma_start3A_1068 : memref<1000000x128xf32, #tpu.memory_space<hbm>>) target(%dma_start3A_1062 : memref<50x128xf32, #tpu.memory_space<vmem>>) offsets(%dma_start3A_1065 : memref<50xi32, #tpu.memory_space<vmem>>) semaphore(%arg9 : memref<!tpu.dma_semaphore, #tpu.memory_space<semaphore_mem>>)
    %dma_start3A_1069 = arith.constant 47 : i32
    %dma_start3A_1070 = arith.constant 7 : i32
    %dma_start3A_1071 = arith.constant 0 : i32
    %dma_start3A_1072 = arith.constant 0 : i32
    %dma_start3A_1073 = tpu.memref_slice %arg7[%dma_start3A_1070, %dma_start3A_1071, %dma_start3A_1072] : memref<8x50x128xf32, #tpu.memory_space<vmem>> -> memref<1x50x128xf32, #tpu.memory_space<vmem>>
    %dma_start3A_1074 = tpu.memref_squeeze %dma_start3A_1073 : memref<1x50x128xf32, #tpu.memory_space<vmem>> -> memref<50x128xf32, #tpu.memory_space<vmem>>
    %dma_start3A_1075 = arith.constant 0 : i32
    %dma_start3A_1076 = tpu.memref_slice %arg5[%dma_start3A_1069, %dma_start3A_1075] : memref<128x50xi32, #tpu.memory_space<vmem>> -> memref<1x50xi32, #tpu.memory_space<vmem>>
    %dma_start3A_1077 = tpu.memref_squeeze %dma_start3A_1076 : memref<1x50xi32, #tpu.memory_space<vmem>> -> memref<50xi32, #tpu.memory_space<vmem>>
    %dma_start3A_1078 = arith.constant 0 : i32
    %dma_start3A_1079 = arith.constant 0 : i32
    %dma_start3A_1080 = tpu.memref_slice %arg3[%dma_start3A_1078, %dma_start3A_1079] : memref<1000000x128xf32, #tpu.memory_space<hbm>> -> memref<1000000x128xf32, #tpu.memory_space<hbm>>
    tpu.enqueue_indirect_dma source(%dma_start3A_1080 : memref<1000000x128xf32, #tpu.memory_space<hbm>>) target(%dma_start3A_1074 : memref<50x128xf32, #tpu.memory_space<vmem>>) offsets(%dma_start3A_1077 : memref<50xi32, #tpu.memory_space<vmem>>) semaphore(%arg9 : memref<!tpu.dma_semaphore, #tpu.memory_space<semaphore_mem>>)
    %dma_wait3A_1081 = arith.constant 32 : i32
    %dma_wait3A_1082 = arith.constant 0 : i32
    %dma_wait3A_1083 = arith.constant 0 : i32
    %dma_wait3A_1084 = arith.constant 0 : i32
    %dma_wait3A_1085 = tpu.memref_slice %arg6[%dma_wait3A_1082, %dma_wait3A_1083, %dma_wait3A_1084] : memref<8x50x128xf32, #tpu.memory_space<vmem>> -> memref<1x50x128xf32, #tpu.memory_space<vmem>>
    %dma_wait3A_1086 = tpu.memref_squeeze %dma_wait3A_1085 : memref<1x50x128xf32, #tpu.memory_space<vmem>> -> memref<50x128xf32, #tpu.memory_space<vmem>>
    %dma_wait3A_1087 = arith.constant 0 : i32
    %dma_wait3A_1088 = tpu.memref_slice %arg5[%dma_wait3A_1081, %dma_wait3A_1087] : memref<128x50xi32, #tpu.memory_space<vmem>> -> memref<1x50xi32, #tpu.memory_space<vmem>>
    %dma_wait3A_1089 = tpu.memref_squeeze %dma_wait3A_1088 : memref<1x50xi32, #tpu.memory_space<vmem>> -> memref<50xi32, #tpu.memory_space<vmem>>
    %dma_wait3A_1090 = arith.constant 0 : i32
    %dma_wait3A_1091 = arith.constant 0 : i32
    %dma_wait3A_1092 = tpu.memref_slice %arg3[%dma_wait3A_1090, %dma_wait3A_1091] : memref<1000000x128xf32, #tpu.memory_space<hbm>> -> memref<1000000x128xf32, #tpu.memory_space<hbm>>
    tpu.wait_indirect_dma semaphore(%arg8 : memref<!tpu.dma_semaphore, #tpu.memory_space<semaphore_mem>>) src(%dma_wait3A_1092 : memref<1000000x128xf32, #tpu.memory_space<hbm>>) dst(%dma_wait3A_1086 : memref<50x128xf32, #tpu.memory_space<vmem>>)
    %dma_wait3A_1093 = arith.constant 33 : i32
    %dma_wait3A_1094 = arith.constant 1 : i32
    %dma_wait3A_1095 = arith.constant 0 : i32
    %dma_wait3A_1096 = arith.constant 0 : i32
    %dma_wait3A_1097 = tpu.memref_slice %arg6[%dma_wait3A_1094, %dma_wait3A_1095, %dma_wait3A_1096] : memref<8x50x128xf32, #tpu.memory_space<vmem>> -> memref<1x50x128xf32, #tpu.memory_space<vmem>>
    %dma_wait3A_1098 = tpu.memref_squeeze %dma_wait3A_1097 : memref<1x50x128xf32, #tpu.memory_space<vmem>> -> memref<50x128xf32, #tpu.memory_space<vmem>>
    %dma_wait3A_1099 = arith.constant 0 : i32
    %dma_wait3A_1100 = tpu.memref_slice %arg5[%dma_wait3A_1093, %dma_wait3A_1099] : memref<128x50xi32, #tpu.memory_space<vmem>> -> memref<1x50xi32, #tpu.memory_space<vmem>>
    %dma_wait3A_1101 = tpu.memref_squeeze %dma_wait3A_1100 : memref<1x50xi32, #tpu.memory_space<vmem>> -> memref<50xi32, #tpu.memory_space<vmem>>
    %dma_wait3A_1102 = arith.constant 0 : i32
    %dma_wait3A_1103 = arith.constant 0 : i32
    %dma_wait3A_1104 = tpu.memref_slice %arg3[%dma_wait3A_1102, %dma_wait3A_1103] : memref<1000000x128xf32, #tpu.memory_space<hbm>> -> memref<1000000x128xf32, #tpu.memory_space<hbm>>
    tpu.wait_indirect_dma semaphore(%arg8 : memref<!tpu.dma_semaphore, #tpu.memory_space<semaphore_mem>>) src(%dma_wait3A_1104 : memref<1000000x128xf32, #tpu.memory_space<hbm>>) dst(%dma_wait3A_1098 : memref<50x128xf32, #tpu.memory_space<vmem>>)
    %dma_wait3A_1105 = arith.constant 34 : i32
    %dma_wait3A_1106 = arith.constant 2 : i32
    %dma_wait3A_1107 = arith.constant 0 : i32
    %dma_wait3A_1108 = arith.constant 0 : i32
    %dma_wait3A_1109 = tpu.memref_slice %arg6[%dma_wait3A_1106, %dma_wait3A_1107, %dma_wait3A_1108] : memref<8x50x128xf32, #tpu.memory_space<vmem>> -> memref<1x50x128xf32, #tpu.memory_space<vmem>>
    %dma_wait3A_1110 = tpu.memref_squeeze %dma_wait3A_1109 : memref<1x50x128xf32, #tpu.memory_space<vmem>> -> memref<50x128xf32, #tpu.memory_space<vmem>>
    %dma_wait3A_1111 = arith.constant 0 : i32
    %dma_wait3A_1112 = tpu.memref_slice %arg5[%dma_wait3A_1105, %dma_wait3A_1111] : memref<128x50xi32, #tpu.memory_space<vmem>> -> memref<1x50xi32, #tpu.memory_space<vmem>>
    %dma_wait3A_1113 = tpu.memref_squeeze %dma_wait3A_1112 : memref<1x50xi32, #tpu.memory_space<vmem>> -> memref<50xi32, #tpu.memory_space<vmem>>
    %dma_wait3A_1114 = arith.constant 0 : i32
    %dma_wait3A_1115 = arith.constant 0 : i32
    %dma_wait3A_1116 = tpu.memref_slice %arg3[%dma_wait3A_1114, %dma_wait3A_1115] : memref<1000000x128xf32, #tpu.memory_space<hbm>> -> memref<1000000x128xf32, #tpu.memory_space<hbm>>
    tpu.wait_indirect_dma semaphore(%arg8 : memref<!tpu.dma_semaphore, #tpu.memory_space<semaphore_mem>>) src(%dma_wait3A_1116 : memref<1000000x128xf32, #tpu.memory_space<hbm>>) dst(%dma_wait3A_1110 : memref<50x128xf32, #tpu.memory_space<vmem>>)
    %dma_wait3A_1117 = arith.constant 35 : i32
    %dma_wait3A_1118 = arith.constant 3 : i32
    %dma_wait3A_1119 = arith.constant 0 : i32
    %dma_wait3A_1120 = arith.constant 0 : i32
    %dma_wait3A_1121 = tpu.memref_slice %arg6[%dma_wait3A_1118, %dma_wait3A_1119, %dma_wait3A_1120] : memref<8x50x128xf32, #tpu.memory_space<vmem>> -> memref<1x50x128xf32, #tpu.memory_space<vmem>>
    %dma_wait3A_1122 = tpu.memref_squeeze %dma_wait3A_1121 : memref<1x50x128xf32, #tpu.memory_space<vmem>> -> memref<50x128xf32, #tpu.memory_space<vmem>>
    %dma_wait3A_1123 = arith.constant 0 : i32
    %dma_wait3A_1124 = tpu.memref_slice %arg5[%dma_wait3A_1117, %dma_wait3A_1123] : memref<128x50xi32, #tpu.memory_space<vmem>> -> memref<1x50xi32, #tpu.memory_space<vmem>>
    %dma_wait3A_1125 = tpu.memref_squeeze %dma_wait3A_1124 : memref<1x50xi32, #tpu.memory_space<vmem>> -> memref<50xi32, #tpu.memory_space<vmem>>
    %dma_wait3A_1126 = arith.constant 0 : i32
    %dma_wait3A_1127 = arith.constant 0 : i32
    %dma_wait3A_1128 = tpu.memref_slice %arg3[%dma_wait3A_1126, %dma_wait3A_1127] : memref<1000000x128xf32, #tpu.memory_space<hbm>> -> memref<1000000x128xf32, #tpu.memory_space<hbm>>
    tpu.wait_indirect_dma semaphore(%arg8 : memref<!tpu.dma_semaphore, #tpu.memory_space<semaphore_mem>>) src(%dma_wait3A_1128 : memref<1000000x128xf32, #tpu.memory_space<hbm>>) dst(%dma_wait3A_1122 : memref<50x128xf32, #tpu.memory_space<vmem>>)
    %dma_wait3A_1129 = arith.constant 36 : i32
    %dma_wait3A_1130 = arith.constant 4 : i32
    %dma_wait3A_1131 = arith.constant 0 : i32
    %dma_wait3A_1132 = arith.constant 0 : i32
    %dma_wait3A_1133 = tpu.memref_slice %arg6[%dma_wait3A_1130, %dma_wait3A_1131, %dma_wait3A_1132] : memref<8x50x128xf32, #tpu.memory_space<vmem>> -> memref<1x50x128xf32, #tpu.memory_space<vmem>>
    %dma_wait3A_1134 = tpu.memref_squeeze %dma_wait3A_1133 : memref<1x50x128xf32, #tpu.memory_space<vmem>> -> memref<50x128xf32, #tpu.memory_space<vmem>>
    %dma_wait3A_1135 = arith.constant 0 : i32
    %dma_wait3A_1136 = tpu.memref_slice %arg5[%dma_wait3A_1129, %dma_wait3A_1135] : memref<128x50xi32, #tpu.memory_space<vmem>> -> memref<1x50xi32, #tpu.memory_space<vmem>>
    %dma_wait3A_1137 = tpu.memref_squeeze %dma_wait3A_1136 : memref<1x50xi32, #tpu.memory_space<vmem>> -> memref<50xi32, #tpu.memory_space<vmem>>
    %dma_wait3A_1138 = arith.constant 0 : i32
    %dma_wait3A_1139 = arith.constant 0 : i32
    %dma_wait3A_1140 = tpu.memref_slice %arg3[%dma_wait3A_1138, %dma_wait3A_1139] : memref<1000000x128xf32, #tpu.memory_space<hbm>> -> memref<1000000x128xf32, #tpu.memory_space<hbm>>
    tpu.wait_indirect_dma semaphore(%arg8 : memref<!tpu.dma_semaphore, #tpu.memory_space<semaphore_mem>>) src(%dma_wait3A_1140 : memref<1000000x128xf32, #tpu.memory_space<hbm>>) dst(%dma_wait3A_1134 : memref<50x128xf32, #tpu.memory_space<vmem>>)
    %dma_wait3A_1141 = arith.constant 37 : i32
    %dma_wait3A_1142 = arith.constant 5 : i32
    %dma_wait3A_1143 = arith.constant 0 : i32
    %dma_wait3A_1144 = arith.constant 0 : i32
    %dma_wait3A_1145 = tpu.memref_slice %arg6[%dma_wait3A_1142, %dma_wait3A_1143, %dma_wait3A_1144] : memref<8x50x128xf32, #tpu.memory_space<vmem>> -> memref<1x50x128xf32, #tpu.memory_space<vmem>>
    %dma_wait3A_1146 = tpu.memref_squeeze %dma_wait3A_1145 : memref<1x50x128xf32, #tpu.memory_space<vmem>> -> memref<50x128xf32, #tpu.memory_space<vmem>>
    %dma_wait3A_1147 = arith.constant 0 : i32
    %dma_wait3A_1148 = tpu.memref_slice %arg5[%dma_wait3A_1141, %dma_wait3A_1147] : memref<128x50xi32, #tpu.memory_space<vmem>> -> memref<1x50xi32, #tpu.memory_space<vmem>>
    %dma_wait3A_1149 = tpu.memref_squeeze %dma_wait3A_1148 : memref<1x50xi32, #tpu.memory_space<vmem>> -> memref<50xi32, #tpu.memory_space<vmem>>
    %dma_wait3A_1150 = arith.constant 0 : i32
    %dma_wait3A_1151 = arith.constant 0 : i32
    %dma_wait3A_1152 = tpu.memref_slice %arg3[%dma_wait3A_1150, %dma_wait3A_1151] : memref<1000000x128xf32, #tpu.memory_space<hbm>> -> memref<1000000x128xf32, #tpu.memory_space<hbm>>
    tpu.wait_indirect_dma semaphore(%arg8 : memref<!tpu.dma_semaphore, #tpu.memory_space<semaphore_mem>>) src(%dma_wait3A_1152 : memref<1000000x128xf32, #tpu.memory_space<hbm>>) dst(%dma_wait3A_1146 : memref<50x128xf32, #tpu.memory_space<vmem>>)
    %dma_wait3A_1153 = arith.constant 38 : i32
    %dma_wait3A_1154 = arith.constant 6 : i32
    %dma_wait3A_1155 = arith.constant 0 : i32
    %dma_wait3A_1156 = arith.constant 0 : i32
    %dma_wait3A_1157 = tpu.memref_slice %arg6[%dma_wait3A_1154, %dma_wait3A_1155, %dma_wait3A_1156] : memref<8x50x128xf32, #tpu.memory_space<vmem>> -> memref<1x50x128xf32, #tpu.memory_space<vmem>>
    %dma_wait3A_1158 = tpu.memref_squeeze %dma_wait3A_1157 : memref<1x50x128xf32, #tpu.memory_space<vmem>> -> memref<50x128xf32, #tpu.memory_space<vmem>>
    %dma_wait3A_1159 = arith.constant 0 : i32
    %dma_wait3A_1160 = tpu.memref_slice %arg5[%dma_wait3A_1153, %dma_wait3A_1159] : memref<128x50xi32, #tpu.memory_space<vmem>> -> memref<1x50xi32, #tpu.memory_space<vmem>>
    %dma_wait3A_1161 = tpu.memref_squeeze %dma_wait3A_1160 : memref<1x50xi32, #tpu.memory_space<vmem>> -> memref<50xi32, #tpu.memory_space<vmem>>
    %dma_wait3A_1162 = arith.constant 0 : i32
    %dma_wait3A_1163 = arith.constant 0 : i32
    %dma_wait3A_1164 = tpu.memref_slice %arg3[%dma_wait3A_1162, %dma_wait3A_1163] : memref<1000000x128xf32, #tpu.memory_space<hbm>> -> memref<1000000x128xf32, #tpu.memory_space<hbm>>
    tpu.wait_indirect_dma semaphore(%arg8 : memref<!tpu.dma_semaphore, #tpu.memory_space<semaphore_mem>>) src(%dma_wait3A_1164 : memref<1000000x128xf32, #tpu.memory_space<hbm>>) dst(%dma_wait3A_1158 : memref<50x128xf32, #tpu.memory_space<vmem>>)
    %dma_wait3A_1165 = arith.constant 39 : i32
    %dma_wait3A_1166 = arith.constant 7 : i32
    %dma_wait3A_1167 = arith.constant 0 : i32
    %dma_wait3A_1168 = arith.constant 0 : i32
    %dma_wait3A_1169 = tpu.memref_slice %arg6[%dma_wait3A_1166, %dma_wait3A_1167, %dma_wait3A_1168] : memref<8x50x128xf32, #tpu.memory_space<vmem>> -> memref<1x50x128xf32, #tpu.memory_space<vmem>>
    %dma_wait3A_1170 = tpu.memref_squeeze %dma_wait3A_1169 : memref<1x50x128xf32, #tpu.memory_space<vmem>> -> memref<50x128xf32, #tpu.memory_space<vmem>>
    %dma_wait3A_1171 = arith.constant 0 : i32
    %dma_wait3A_1172 = tpu.memref_slice %arg5[%dma_wait3A_1165, %dma_wait3A_1171] : memref<128x50xi32, #tpu.memory_space<vmem>> -> memref<1x50xi32, #tpu.memory_space<vmem>>
    %dma_wait3A_1173 = tpu.memref_squeeze %dma_wait3A_1172 : memref<1x50xi32, #tpu.memory_space<vmem>> -> memref<50xi32, #tpu.memory_space<vmem>>
    %dma_wait3A_1174 = arith.constant 0 : i32
    %dma_wait3A_1175 = arith.constant 0 : i32
    %dma_wait3A_1176 = tpu.memref_slice %arg3[%dma_wait3A_1174, %dma_wait3A_1175] : memref<1000000x128xf32, #tpu.memory_space<hbm>> -> memref<1000000x128xf32, #tpu.memory_space<hbm>>
    tpu.wait_indirect_dma semaphore(%arg8 : memref<!tpu.dma_semaphore, #tpu.memory_space<semaphore_mem>>) src(%dma_wait3A_1176 : memref<1000000x128xf32, #tpu.memory_space<hbm>>) dst(%dma_wait3A_1170 : memref<50x128xf32, #tpu.memory_space<vmem>>)
    %add3A_1177 = arith.constant 32 : i32
    %add3A_1178 = arith.addi %mul3A_2, %add3A_1177 : i32
    %dma_start3A_1179 = arith.constant 0 : i32
    %dma_start3A_1180 = arith.constant 0 : i32
    %dma_start3A_1181 = arith.constant 0 : i32
    %dma_start3A_1182 = tpu.memref_slice %arg6[%dma_start3A_1179, %dma_start3A_1180, %dma_start3A_1181] : memref<8x50x128xf32, #tpu.memory_space<vmem>> -> memref<8x50x64xf32, #tpu.memory_space<vmem>>
    %dma_start3A_1183 = arith.constant 0 : i32
    %dma_start3A_1184 = arith.constant 0 : i32
    %dma_start3A_1185 = tpu.memref_slice %arg4[%add3A_1178, %dma_start3A_1183, %dma_start3A_1184] : memref<4096x50x64xf32, #tpu.memory_space<hbm>> -> memref<8x50x64xf32, #tpu.memory_space<hbm>>
    %dma_start3A_1186 = arith.constant 0 : i32
    %dma_start3A_1187 = arith.constant 0 : i32
    %dma_start3A_1188 = tpu.memref_slice %arg4[%add3A_1178, %dma_start3A_1186, %dma_start3A_1187] : memref<4096x50x64xf32, #tpu.memory_space<hbm>> -> memref<8x50x64xf32, #tpu.memory_space<hbm>>
    %dma_start3A_1189 = arith.constant 0 : i32
    %dma_start3A_1190 = arith.constant 0 : i32
    %dma_start3A_1191 = arith.constant 0 : i32
    %dma_start3A_1192 = tpu.memref_slice %arg6[%dma_start3A_1189, %dma_start3A_1190, %dma_start3A_1191] : memref<8x50x128xf32, #tpu.memory_space<vmem>> -> memref<8x50x64xf32, #tpu.memory_space<vmem>>
    tpu.enqueue_dma source(%dma_start3A_1192 : memref<8x50x64xf32, #tpu.memory_space<vmem>>) target(%dma_start3A_1188 : memref<8x50x64xf32, #tpu.memory_space<hbm>>) target_semaphore(%arg10 : memref<!tpu.dma_semaphore, #tpu.memory_space<semaphore_mem>>)
    %dma_wait3A_1193 = arith.constant 0 : i32
    %dma_wait3A_1194 = arith.constant 0 : i32
    %dma_wait3A_1195 = arith.constant 0 : i32
    %dma_wait3A_1196 = tpu.memref_slice %arg6[%dma_wait3A_1193, %dma_wait3A_1194, %dma_wait3A_1195] : memref<8x50x128xf32, #tpu.memory_space<vmem>> -> memref<8x50x64xf32, #tpu.memory_space<vmem>>
    %dma_wait3A_1197 = arith.constant 0 : i32
    %dma_wait3A_1198 = arith.constant 0 : i32
    %dma_wait3A_1199 = tpu.memref_slice %arg4[%add3A_1178, %dma_wait3A_1197, %dma_wait3A_1198] : memref<4096x50x64xf32, #tpu.memory_space<hbm>> -> memref<8x50x64xf32, #tpu.memory_space<hbm>>
    %dma_wait3A_1200 = arith.constant 0 : i32
    %dma_wait3A_1201 = arith.constant 0 : i32
    %dma_wait3A_1202 = tpu.memref_slice %arg4[%add3A_1178, %dma_wait3A_1200, %dma_wait3A_1201] : memref<4096x50x64xf32, #tpu.memory_space<hbm>> -> memref<8x50x64xf32, #tpu.memory_space<hbm>>
    %dma_wait3A_1203 = arith.constant 0 : i32
    %dma_wait3A_1204 = arith.constant 0 : i32
    %dma_wait3A_1205 = arith.constant 0 : i32
    %dma_wait3A_1206 = tpu.memref_slice %arg6[%dma_wait3A_1203, %dma_wait3A_1204, %dma_wait3A_1205] : memref<8x50x128xf32, #tpu.memory_space<vmem>> -> memref<8x50x64xf32, #tpu.memory_space<vmem>>
    tpu.wait_dma2 semaphore(%arg10 : memref<!tpu.dma_semaphore, #tpu.memory_space<semaphore_mem>>) src(%dma_wait3A_1206 : memref<8x50x64xf32, #tpu.memory_space<vmem>>) dst(%dma_wait3A_1202 : memref<8x50x64xf32, #tpu.memory_space<hbm>>)
    %dma_start3A_1207 = arith.constant 48 : i32
    %dma_start3A_1208 = arith.constant 0 : i32
    %dma_start3A_1209 = arith.constant 0 : i32
    %dma_start3A_1210 = arith.constant 0 : i32
    %dma_start3A_1211 = tpu.memref_slice %arg6[%dma_start3A_1208, %dma_start3A_1209, %dma_start3A_1210] : memref<8x50x128xf32, #tpu.memory_space<vmem>> -> memref<1x50x128xf32, #tpu.memory_space<vmem>>
    %dma_start3A_1212 = tpu.memref_squeeze %dma_start3A_1211 : memref<1x50x128xf32, #tpu.memory_space<vmem>> -> memref<50x128xf32, #tpu.memory_space<vmem>>
    %dma_start3A_1213 = arith.constant 0 : i32
    %dma_start3A_1214 = tpu.memref_slice %arg5[%dma_start3A_1207, %dma_start3A_1213] : memref<128x50xi32, #tpu.memory_space<vmem>> -> memref<1x50xi32, #tpu.memory_space<vmem>>
    %dma_start3A_1215 = tpu.memref_squeeze %dma_start3A_1214 : memref<1x50xi32, #tpu.memory_space<vmem>> -> memref<50xi32, #tpu.memory_space<vmem>>
    %dma_start3A_1216 = arith.constant 0 : i32
    %dma_start3A_1217 = arith.constant 0 : i32
    %dma_start3A_1218 = tpu.memref_slice %arg3[%dma_start3A_1216, %dma_start3A_1217] : memref<1000000x128xf32, #tpu.memory_space<hbm>> -> memref<1000000x128xf32, #tpu.memory_space<hbm>>
    tpu.enqueue_indirect_dma source(%dma_start3A_1218 : memref<1000000x128xf32, #tpu.memory_space<hbm>>) target(%dma_start3A_1212 : memref<50x128xf32, #tpu.memory_space<vmem>>) offsets(%dma_start3A_1215 : memref<50xi32, #tpu.memory_space<vmem>>) semaphore(%arg8 : memref<!tpu.dma_semaphore, #tpu.memory_space<semaphore_mem>>)
    %dma_start3A_1219 = arith.constant 49 : i32
    %dma_start3A_1220 = arith.constant 1 : i32
    %dma_start3A_1221 = arith.constant 0 : i32
    %dma_start3A_1222 = arith.constant 0 : i32
    %dma_start3A_1223 = tpu.memref_slice %arg6[%dma_start3A_1220, %dma_start3A_1221, %dma_start3A_1222] : memref<8x50x128xf32, #tpu.memory_space<vmem>> -> memref<1x50x128xf32, #tpu.memory_space<vmem>>
    %dma_start3A_1224 = tpu.memref_squeeze %dma_start3A_1223 : memref<1x50x128xf32, #tpu.memory_space<vmem>> -> memref<50x128xf32, #tpu.memory_space<vmem>>
    %dma_start3A_1225 = arith.constant 0 : i32
    %dma_start3A_1226 = tpu.memref_slice %arg5[%dma_start3A_1219, %dma_start3A_1225] : memref<128x50xi32, #tpu.memory_space<vmem>> -> memref<1x50xi32, #tpu.memory_space<vmem>>
    %dma_start3A_1227 = tpu.memref_squeeze %dma_start3A_1226 : memref<1x50xi32, #tpu.memory_space<vmem>> -> memref<50xi32, #tpu.memory_space<vmem>>
    %dma_start3A_1228 = arith.constant 0 : i32
    %dma_start3A_1229 = arith.constant 0 : i32
    %dma_start3A_1230 = tpu.memref_slice %arg3[%dma_start3A_1228, %dma_start3A_1229] : memref<1000000x128xf32, #tpu.memory_space<hbm>> -> memref<1000000x128xf32, #tpu.memory_space<hbm>>
    tpu.enqueue_indirect_dma source(%dma_start3A_1230 : memref<1000000x128xf32, #tpu.memory_space<hbm>>) target(%dma_start3A_1224 : memref<50x128xf32, #tpu.memory_space<vmem>>) offsets(%dma_start3A_1227 : memref<50xi32, #tpu.memory_space<vmem>>) semaphore(%arg8 : memref<!tpu.dma_semaphore, #tpu.memory_space<semaphore_mem>>)
    %dma_start3A_1231 = arith.constant 50 : i32
    %dma_start3A_1232 = arith.constant 2 : i32
    %dma_start3A_1233 = arith.constant 0 : i32
    %dma_start3A_1234 = arith.constant 0 : i32
    %dma_start3A_1235 = tpu.memref_slice %arg6[%dma_start3A_1232, %dma_start3A_1233, %dma_start3A_1234] : memref<8x50x128xf32, #tpu.memory_space<vmem>> -> memref<1x50x128xf32, #tpu.memory_space<vmem>>
    %dma_start3A_1236 = tpu.memref_squeeze %dma_start3A_1235 : memref<1x50x128xf32, #tpu.memory_space<vmem>> -> memref<50x128xf32, #tpu.memory_space<vmem>>
    %dma_start3A_1237 = arith.constant 0 : i32
    %dma_start3A_1238 = tpu.memref_slice %arg5[%dma_start3A_1231, %dma_start3A_1237] : memref<128x50xi32, #tpu.memory_space<vmem>> -> memref<1x50xi32, #tpu.memory_space<vmem>>
    %dma_start3A_1239 = tpu.memref_squeeze %dma_start3A_1238 : memref<1x50xi32, #tpu.memory_space<vmem>> -> memref<50xi32, #tpu.memory_space<vmem>>
    %dma_start3A_1240 = arith.constant 0 : i32
    %dma_start3A_1241 = arith.constant 0 : i32
    %dma_start3A_1242 = tpu.memref_slice %arg3[%dma_start3A_1240, %dma_start3A_1241] : memref<1000000x128xf32, #tpu.memory_space<hbm>> -> memref<1000000x128xf32, #tpu.memory_space<hbm>>
    tpu.enqueue_indirect_dma source(%dma_start3A_1242 : memref<1000000x128xf32, #tpu.memory_space<hbm>>) target(%dma_start3A_1236 : memref<50x128xf32, #tpu.memory_space<vmem>>) offsets(%dma_start3A_1239 : memref<50xi32, #tpu.memory_space<vmem>>) semaphore(%arg8 : memref<!tpu.dma_semaphore, #tpu.memory_space<semaphore_mem>>)
    %dma_start3A_1243 = arith.constant 51 : i32
    %dma_start3A_1244 = arith.constant 3 : i32
    %dma_start3A_1245 = arith.constant 0 : i32
    %dma_start3A_1246 = arith.constant 0 : i32
    %dma_start3A_1247 = tpu.memref_slice %arg6[%dma_start3A_1244, %dma_start3A_1245, %dma_start3A_1246] : memref<8x50x128xf32, #tpu.memory_space<vmem>> -> memref<1x50x128xf32, #tpu.memory_space<vmem>>
    %dma_start3A_1248 = tpu.memref_squeeze %dma_start3A_1247 : memref<1x50x128xf32, #tpu.memory_space<vmem>> -> memref<50x128xf32, #tpu.memory_space<vmem>>
    %dma_start3A_1249 = arith.constant 0 : i32
    %dma_start3A_1250 = tpu.memref_slice %arg5[%dma_start3A_1243, %dma_start3A_1249] : memref<128x50xi32, #tpu.memory_space<vmem>> -> memref<1x50xi32, #tpu.memory_space<vmem>>
    %dma_start3A_1251 = tpu.memref_squeeze %dma_start3A_1250 : memref<1x50xi32, #tpu.memory_space<vmem>> -> memref<50xi32, #tpu.memory_space<vmem>>
    %dma_start3A_1252 = arith.constant 0 : i32
    %dma_start3A_1253 = arith.constant 0 : i32
    %dma_start3A_1254 = tpu.memref_slice %arg3[%dma_start3A_1252, %dma_start3A_1253] : memref<1000000x128xf32, #tpu.memory_space<hbm>> -> memref<1000000x128xf32, #tpu.memory_space<hbm>>
    tpu.enqueue_indirect_dma source(%dma_start3A_1254 : memref<1000000x128xf32, #tpu.memory_space<hbm>>) target(%dma_start3A_1248 : memref<50x128xf32, #tpu.memory_space<vmem>>) offsets(%dma_start3A_1251 : memref<50xi32, #tpu.memory_space<vmem>>) semaphore(%arg8 : memref<!tpu.dma_semaphore, #tpu.memory_space<semaphore_mem>>)
    %dma_start3A_1255 = arith.constant 52 : i32
    %dma_start3A_1256 = arith.constant 4 : i32
    %dma_start3A_1257 = arith.constant 0 : i32
    %dma_start3A_1258 = arith.constant 0 : i32
    %dma_start3A_1259 = tpu.memref_slice %arg6[%dma_start3A_1256, %dma_start3A_1257, %dma_start3A_1258] : memref<8x50x128xf32, #tpu.memory_space<vmem>> -> memref<1x50x128xf32, #tpu.memory_space<vmem>>
    %dma_start3A_1260 = tpu.memref_squeeze %dma_start3A_1259 : memref<1x50x128xf32, #tpu.memory_space<vmem>> -> memref<50x128xf32, #tpu.memory_space<vmem>>
    %dma_start3A_1261 = arith.constant 0 : i32
    %dma_start3A_1262 = tpu.memref_slice %arg5[%dma_start3A_1255, %dma_start3A_1261] : memref<128x50xi32, #tpu.memory_space<vmem>> -> memref<1x50xi32, #tpu.memory_space<vmem>>
    %dma_start3A_1263 = tpu.memref_squeeze %dma_start3A_1262 : memref<1x50xi32, #tpu.memory_space<vmem>> -> memref<50xi32, #tpu.memory_space<vmem>>
    %dma_start3A_1264 = arith.constant 0 : i32
    %dma_start3A_1265 = arith.constant 0 : i32
    %dma_start3A_1266 = tpu.memref_slice %arg3[%dma_start3A_1264, %dma_start3A_1265] : memref<1000000x128xf32, #tpu.memory_space<hbm>> -> memref<1000000x128xf32, #tpu.memory_space<hbm>>
    tpu.enqueue_indirect_dma source(%dma_start3A_1266 : memref<1000000x128xf32, #tpu.memory_space<hbm>>) target(%dma_start3A_1260 : memref<50x128xf32, #tpu.memory_space<vmem>>) offsets(%dma_start3A_1263 : memref<50xi32, #tpu.memory_space<vmem>>) semaphore(%arg8 : memref<!tpu.dma_semaphore, #tpu.memory_space<semaphore_mem>>)
    %dma_start3A_1267 = arith.constant 53 : i32
    %dma_start3A_1268 = arith.constant 5 : i32
    %dma_start3A_1269 = arith.constant 0 : i32
    %dma_start3A_1270 = arith.constant 0 : i32
    %dma_start3A_1271 = tpu.memref_slice %arg6[%dma_start3A_1268, %dma_start3A_1269, %dma_start3A_1270] : memref<8x50x128xf32, #tpu.memory_space<vmem>> -> memref<1x50x128xf32, #tpu.memory_space<vmem>>
    %dma_start3A_1272 = tpu.memref_squeeze %dma_start3A_1271 : memref<1x50x128xf32, #tpu.memory_space<vmem>> -> memref<50x128xf32, #tpu.memory_space<vmem>>
    %dma_start3A_1273 = arith.constant 0 : i32
    %dma_start3A_1274 = tpu.memref_slice %arg5[%dma_start3A_1267, %dma_start3A_1273] : memref<128x50xi32, #tpu.memory_space<vmem>> -> memref<1x50xi32, #tpu.memory_space<vmem>>
    %dma_start3A_1275 = tpu.memref_squeeze %dma_start3A_1274 : memref<1x50xi32, #tpu.memory_space<vmem>> -> memref<50xi32, #tpu.memory_space<vmem>>
    %dma_start3A_1276 = arith.constant 0 : i32
    %dma_start3A_1277 = arith.constant 0 : i32
    %dma_start3A_1278 = tpu.memref_slice %arg3[%dma_start3A_1276, %dma_start3A_1277] : memref<1000000x128xf32, #tpu.memory_space<hbm>> -> memref<1000000x128xf32, #tpu.memory_space<hbm>>
    tpu.enqueue_indirect_dma source(%dma_start3A_1278 : memref<1000000x128xf32, #tpu.memory_space<hbm>>) target(%dma_start3A_1272 : memref<50x128xf32, #tpu.memory_space<vmem>>) offsets(%dma_start3A_1275 : memref<50xi32, #tpu.memory_space<vmem>>) semaphore(%arg8 : memref<!tpu.dma_semaphore, #tpu.memory_space<semaphore_mem>>)
    %dma_start3A_1279 = arith.constant 54 : i32
    %dma_start3A_1280 = arith.constant 6 : i32
    %dma_start3A_1281 = arith.constant 0 : i32
    %dma_start3A_1282 = arith.constant 0 : i32
    %dma_start3A_1283 = tpu.memref_slice %arg6[%dma_start3A_1280, %dma_start3A_1281, %dma_start3A_1282] : memref<8x50x128xf32, #tpu.memory_space<vmem>> -> memref<1x50x128xf32, #tpu.memory_space<vmem>>
    %dma_start3A_1284 = tpu.memref_squeeze %dma_start3A_1283 : memref<1x50x128xf32, #tpu.memory_space<vmem>> -> memref<50x128xf32, #tpu.memory_space<vmem>>
    %dma_start3A_1285 = arith.constant 0 : i32
    %dma_start3A_1286 = tpu.memref_slice %arg5[%dma_start3A_1279, %dma_start3A_1285] : memref<128x50xi32, #tpu.memory_space<vmem>> -> memref<1x50xi32, #tpu.memory_space<vmem>>
    %dma_start3A_1287 = tpu.memref_squeeze %dma_start3A_1286 : memref<1x50xi32, #tpu.memory_space<vmem>> -> memref<50xi32, #tpu.memory_space<vmem>>
    %dma_start3A_1288 = arith.constant 0 : i32
    %dma_start3A_1289 = arith.constant 0 : i32
    %dma_start3A_1290 = tpu.memref_slice %arg3[%dma_start3A_1288, %dma_start3A_1289] : memref<1000000x128xf32, #tpu.memory_space<hbm>> -> memref<1000000x128xf32, #tpu.memory_space<hbm>>
    tpu.enqueue_indirect_dma source(%dma_start3A_1290 : memref<1000000x128xf32, #tpu.memory_space<hbm>>) target(%dma_start3A_1284 : memref<50x128xf32, #tpu.memory_space<vmem>>) offsets(%dma_start3A_1287 : memref<50xi32, #tpu.memory_space<vmem>>) semaphore(%arg8 : memref<!tpu.dma_semaphore, #tpu.memory_space<semaphore_mem>>)
    %dma_start3A_1291 = arith.constant 55 : i32
    %dma_start3A_1292 = arith.constant 7 : i32
    %dma_start3A_1293 = arith.constant 0 : i32
    %dma_start3A_1294 = arith.constant 0 : i32
    %dma_start3A_1295 = tpu.memref_slice %arg6[%dma_start3A_1292, %dma_start3A_1293, %dma_start3A_1294] : memref<8x50x128xf32, #tpu.memory_space<vmem>> -> memref<1x50x128xf32, #tpu.memory_space<vmem>>
    %dma_start3A_1296 = tpu.memref_squeeze %dma_start3A_1295 : memref<1x50x128xf32, #tpu.memory_space<vmem>> -> memref<50x128xf32, #tpu.memory_space<vmem>>
    %dma_start3A_1297 = arith.constant 0 : i32
    %dma_start3A_1298 = tpu.memref_slice %arg5[%dma_start3A_1291, %dma_start3A_1297] : memref<128x50xi32, #tpu.memory_space<vmem>> -> memref<1x50xi32, #tpu.memory_space<vmem>>
    %dma_start3A_1299 = tpu.memref_squeeze %dma_start3A_1298 : memref<1x50xi32, #tpu.memory_space<vmem>> -> memref<50xi32, #tpu.memory_space<vmem>>
    %dma_start3A_1300 = arith.constant 0 : i32
    %dma_start3A_1301 = arith.constant 0 : i32
    %dma_start3A_1302 = tpu.memref_slice %arg3[%dma_start3A_1300, %dma_start3A_1301] : memref<1000000x128xf32, #tpu.memory_space<hbm>> -> memref<1000000x128xf32, #tpu.memory_space<hbm>>
    tpu.enqueue_indirect_dma source(%dma_start3A_1302 : memref<1000000x128xf32, #tpu.memory_space<hbm>>) target(%dma_start3A_1296 : memref<50x128xf32, #tpu.memory_space<vmem>>) offsets(%dma_start3A_1299 : memref<50xi32, #tpu.memory_space<vmem>>) semaphore(%arg8 : memref<!tpu.dma_semaphore, #tpu.memory_space<semaphore_mem>>)
    %dma_wait3A_1303 = arith.constant 40 : i32
    %dma_wait3A_1304 = arith.constant 0 : i32
    %dma_wait3A_1305 = arith.constant 0 : i32
    %dma_wait3A_1306 = arith.constant 0 : i32
    %dma_wait3A_1307 = tpu.memref_slice %arg7[%dma_wait3A_1304, %dma_wait3A_1305, %dma_wait3A_1306] : memref<8x50x128xf32, #tpu.memory_space<vmem>> -> memref<1x50x128xf32, #tpu.memory_space<vmem>>
    %dma_wait3A_1308 = tpu.memref_squeeze %dma_wait3A_1307 : memref<1x50x128xf32, #tpu.memory_space<vmem>> -> memref<50x128xf32, #tpu.memory_space<vmem>>
    %dma_wait3A_1309 = arith.constant 0 : i32
    %dma_wait3A_1310 = tpu.memref_slice %arg5[%dma_wait3A_1303, %dma_wait3A_1309] : memref<128x50xi32, #tpu.memory_space<vmem>> -> memref<1x50xi32, #tpu.memory_space<vmem>>
    %dma_wait3A_1311 = tpu.memref_squeeze %dma_wait3A_1310 : memref<1x50xi32, #tpu.memory_space<vmem>> -> memref<50xi32, #tpu.memory_space<vmem>>
    %dma_wait3A_1312 = arith.constant 0 : i32
    %dma_wait3A_1313 = arith.constant 0 : i32
    %dma_wait3A_1314 = tpu.memref_slice %arg3[%dma_wait3A_1312, %dma_wait3A_1313] : memref<1000000x128xf32, #tpu.memory_space<hbm>> -> memref<1000000x128xf32, #tpu.memory_space<hbm>>
    tpu.wait_indirect_dma semaphore(%arg9 : memref<!tpu.dma_semaphore, #tpu.memory_space<semaphore_mem>>) src(%dma_wait3A_1314 : memref<1000000x128xf32, #tpu.memory_space<hbm>>) dst(%dma_wait3A_1308 : memref<50x128xf32, #tpu.memory_space<vmem>>)
    %dma_wait3A_1315 = arith.constant 41 : i32
    %dma_wait3A_1316 = arith.constant 1 : i32
    %dma_wait3A_1317 = arith.constant 0 : i32
    %dma_wait3A_1318 = arith.constant 0 : i32
    %dma_wait3A_1319 = tpu.memref_slice %arg7[%dma_wait3A_1316, %dma_wait3A_1317, %dma_wait3A_1318] : memref<8x50x128xf32, #tpu.memory_space<vmem>> -> memref<1x50x128xf32, #tpu.memory_space<vmem>>
    %dma_wait3A_1320 = tpu.memref_squeeze %dma_wait3A_1319 : memref<1x50x128xf32, #tpu.memory_space<vmem>> -> memref<50x128xf32, #tpu.memory_space<vmem>>
    %dma_wait3A_1321 = arith.constant 0 : i32
    %dma_wait3A_1322 = tpu.memref_slice %arg5[%dma_wait3A_1315, %dma_wait3A_1321] : memref<128x50xi32, #tpu.memory_space<vmem>> -> memref<1x50xi32, #tpu.memory_space<vmem>>
    %dma_wait3A_1323 = tpu.memref_squeeze %dma_wait3A_1322 : memref<1x50xi32, #tpu.memory_space<vmem>> -> memref<50xi32, #tpu.memory_space<vmem>>
    %dma_wait3A_1324 = arith.constant 0 : i32
    %dma_wait3A_1325 = arith.constant 0 : i32
    %dma_wait3A_1326 = tpu.memref_slice %arg3[%dma_wait3A_1324, %dma_wait3A_1325] : memref<1000000x128xf32, #tpu.memory_space<hbm>> -> memref<1000000x128xf32, #tpu.memory_space<hbm>>
    tpu.wait_indirect_dma semaphore(%arg9 : memref<!tpu.dma_semaphore, #tpu.memory_space<semaphore_mem>>) src(%dma_wait3A_1326 : memref<1000000x128xf32, #tpu.memory_space<hbm>>) dst(%dma_wait3A_1320 : memref<50x128xf32, #tpu.memory_space<vmem>>)
    %dma_wait3A_1327 = arith.constant 42 : i32
    %dma_wait3A_1328 = arith.constant 2 : i32
    %dma_wait3A_1329 = arith.constant 0 : i32
    %dma_wait3A_1330 = arith.constant 0 : i32
    %dma_wait3A_1331 = tpu.memref_slice %arg7[%dma_wait3A_1328, %dma_wait3A_1329, %dma_wait3A_1330] : memref<8x50x128xf32, #tpu.memory_space<vmem>> -> memref<1x50x128xf32, #tpu.memory_space<vmem>>
    %dma_wait3A_1332 = tpu.memref_squeeze %dma_wait3A_1331 : memref<1x50x128xf32, #tpu.memory_space<vmem>> -> memref<50x128xf32, #tpu.memory_space<vmem>>
    %dma_wait3A_1333 = arith.constant 0 : i32
    %dma_wait3A_1334 = tpu.memref_slice %arg5[%dma_wait3A_1327, %dma_wait3A_1333] : memref<128x50xi32, #tpu.memory_space<vmem>> -> memref<1x50xi32, #tpu.memory_space<vmem>>
    %dma_wait3A_1335 = tpu.memref_squeeze %dma_wait3A_1334 : memref<1x50xi32, #tpu.memory_space<vmem>> -> memref<50xi32, #tpu.memory_space<vmem>>
    %dma_wait3A_1336 = arith.constant 0 : i32
    %dma_wait3A_1337 = arith.constant 0 : i32
    %dma_wait3A_1338 = tpu.memref_slice %arg3[%dma_wait3A_1336, %dma_wait3A_1337] : memref<1000000x128xf32, #tpu.memory_space<hbm>> -> memref<1000000x128xf32, #tpu.memory_space<hbm>>
    tpu.wait_indirect_dma semaphore(%arg9 : memref<!tpu.dma_semaphore, #tpu.memory_space<semaphore_mem>>) src(%dma_wait3A_1338 : memref<1000000x128xf32, #tpu.memory_space<hbm>>) dst(%dma_wait3A_1332 : memref<50x128xf32, #tpu.memory_space<vmem>>)
    %dma_wait3A_1339 = arith.constant 43 : i32
    %dma_wait3A_1340 = arith.constant 3 : i32
    %dma_wait3A_1341 = arith.constant 0 : i32
    %dma_wait3A_1342 = arith.constant 0 : i32
    %dma_wait3A_1343 = tpu.memref_slice %arg7[%dma_wait3A_1340, %dma_wait3A_1341, %dma_wait3A_1342] : memref<8x50x128xf32, #tpu.memory_space<vmem>> -> memref<1x50x128xf32, #tpu.memory_space<vmem>>
    %dma_wait3A_1344 = tpu.memref_squeeze %dma_wait3A_1343 : memref<1x50x128xf32, #tpu.memory_space<vmem>> -> memref<50x128xf32, #tpu.memory_space<vmem>>
    %dma_wait3A_1345 = arith.constant 0 : i32
    %dma_wait3A_1346 = tpu.memref_slice %arg5[%dma_wait3A_1339, %dma_wait3A_1345] : memref<128x50xi32, #tpu.memory_space<vmem>> -> memref<1x50xi32, #tpu.memory_space<vmem>>
    %dma_wait3A_1347 = tpu.memref_squeeze %dma_wait3A_1346 : memref<1x50xi32, #tpu.memory_space<vmem>> -> memref<50xi32, #tpu.memory_space<vmem>>
    %dma_wait3A_1348 = arith.constant 0 : i32
    %dma_wait3A_1349 = arith.constant 0 : i32
    %dma_wait3A_1350 = tpu.memref_slice %arg3[%dma_wait3A_1348, %dma_wait3A_1349] : memref<1000000x128xf32, #tpu.memory_space<hbm>> -> memref<1000000x128xf32, #tpu.memory_space<hbm>>
    tpu.wait_indirect_dma semaphore(%arg9 : memref<!tpu.dma_semaphore, #tpu.memory_space<semaphore_mem>>) src(%dma_wait3A_1350 : memref<1000000x128xf32, #tpu.memory_space<hbm>>) dst(%dma_wait3A_1344 : memref<50x128xf32, #tpu.memory_space<vmem>>)
    %dma_wait3A_1351 = arith.constant 44 : i32
    %dma_wait3A_1352 = arith.constant 4 : i32
    %dma_wait3A_1353 = arith.constant 0 : i32
    %dma_wait3A_1354 = arith.constant 0 : i32
    %dma_wait3A_1355 = tpu.memref_slice %arg7[%dma_wait3A_1352, %dma_wait3A_1353, %dma_wait3A_1354] : memref<8x50x128xf32, #tpu.memory_space<vmem>> -> memref<1x50x128xf32, #tpu.memory_space<vmem>>
    %dma_wait3A_1356 = tpu.memref_squeeze %dma_wait3A_1355 : memref<1x50x128xf32, #tpu.memory_space<vmem>> -> memref<50x128xf32, #tpu.memory_space<vmem>>
    %dma_wait3A_1357 = arith.constant 0 : i32
    %dma_wait3A_1358 = tpu.memref_slice %arg5[%dma_wait3A_1351, %dma_wait3A_1357] : memref<128x50xi32, #tpu.memory_space<vmem>> -> memref<1x50xi32, #tpu.memory_space<vmem>>
    %dma_wait3A_1359 = tpu.memref_squeeze %dma_wait3A_1358 : memref<1x50xi32, #tpu.memory_space<vmem>> -> memref<50xi32, #tpu.memory_space<vmem>>
    %dma_wait3A_1360 = arith.constant 0 : i32
    %dma_wait3A_1361 = arith.constant 0 : i32
    %dma_wait3A_1362 = tpu.memref_slice %arg3[%dma_wait3A_1360, %dma_wait3A_1361] : memref<1000000x128xf32, #tpu.memory_space<hbm>> -> memref<1000000x128xf32, #tpu.memory_space<hbm>>
    tpu.wait_indirect_dma semaphore(%arg9 : memref<!tpu.dma_semaphore, #tpu.memory_space<semaphore_mem>>) src(%dma_wait3A_1362 : memref<1000000x128xf32, #tpu.memory_space<hbm>>) dst(%dma_wait3A_1356 : memref<50x128xf32, #tpu.memory_space<vmem>>)
    %dma_wait3A_1363 = arith.constant 45 : i32
    %dma_wait3A_1364 = arith.constant 5 : i32
    %dma_wait3A_1365 = arith.constant 0 : i32
    %dma_wait3A_1366 = arith.constant 0 : i32
    %dma_wait3A_1367 = tpu.memref_slice %arg7[%dma_wait3A_1364, %dma_wait3A_1365, %dma_wait3A_1366] : memref<8x50x128xf32, #tpu.memory_space<vmem>> -> memref<1x50x128xf32, #tpu.memory_space<vmem>>
    %dma_wait3A_1368 = tpu.memref_squeeze %dma_wait3A_1367 : memref<1x50x128xf32, #tpu.memory_space<vmem>> -> memref<50x128xf32, #tpu.memory_space<vmem>>
    %dma_wait3A_1369 = arith.constant 0 : i32
    %dma_wait3A_1370 = tpu.memref_slice %arg5[%dma_wait3A_1363, %dma_wait3A_1369] : memref<128x50xi32, #tpu.memory_space<vmem>> -> memref<1x50xi32, #tpu.memory_space<vmem>>
    %dma_wait3A_1371 = tpu.memref_squeeze %dma_wait3A_1370 : memref<1x50xi32, #tpu.memory_space<vmem>> -> memref<50xi32, #tpu.memory_space<vmem>>
    %dma_wait3A_1372 = arith.constant 0 : i32
    %dma_wait3A_1373 = arith.constant 0 : i32
    %dma_wait3A_1374 = tpu.memref_slice %arg3[%dma_wait3A_1372, %dma_wait3A_1373] : memref<1000000x128xf32, #tpu.memory_space<hbm>> -> memref<1000000x128xf32, #tpu.memory_space<hbm>>
    tpu.wait_indirect_dma semaphore(%arg9 : memref<!tpu.dma_semaphore, #tpu.memory_space<semaphore_mem>>) src(%dma_wait3A_1374 : memref<1000000x128xf32, #tpu.memory_space<hbm>>) dst(%dma_wait3A_1368 : memref<50x128xf32, #tpu.memory_space<vmem>>)
    %dma_wait3A_1375 = arith.constant 46 : i32
    %dma_wait3A_1376 = arith.constant 6 : i32
    %dma_wait3A_1377 = arith.constant 0 : i32
    %dma_wait3A_1378 = arith.constant 0 : i32
    %dma_wait3A_1379 = tpu.memref_slice %arg7[%dma_wait3A_1376, %dma_wait3A_1377, %dma_wait3A_1378] : memref<8x50x128xf32, #tpu.memory_space<vmem>> -> memref<1x50x128xf32, #tpu.memory_space<vmem>>
    %dma_wait3A_1380 = tpu.memref_squeeze %dma_wait3A_1379 : memref<1x50x128xf32, #tpu.memory_space<vmem>> -> memref<50x128xf32, #tpu.memory_space<vmem>>
    %dma_wait3A_1381 = arith.constant 0 : i32
    %dma_wait3A_1382 = tpu.memref_slice %arg5[%dma_wait3A_1375, %dma_wait3A_1381] : memref<128x50xi32, #tpu.memory_space<vmem>> -> memref<1x50xi32, #tpu.memory_space<vmem>>
    %dma_wait3A_1383 = tpu.memref_squeeze %dma_wait3A_1382 : memref<1x50xi32, #tpu.memory_space<vmem>> -> memref<50xi32, #tpu.memory_space<vmem>>
    %dma_wait3A_1384 = arith.constant 0 : i32
    %dma_wait3A_1385 = arith.constant 0 : i32
    %dma_wait3A_1386 = tpu.memref_slice %arg3[%dma_wait3A_1384, %dma_wait3A_1385] : memref<1000000x128xf32, #tpu.memory_space<hbm>> -> memref<1000000x128xf32, #tpu.memory_space<hbm>>
    tpu.wait_indirect_dma semaphore(%arg9 : memref<!tpu.dma_semaphore, #tpu.memory_space<semaphore_mem>>) src(%dma_wait3A_1386 : memref<1000000x128xf32, #tpu.memory_space<hbm>>) dst(%dma_wait3A_1380 : memref<50x128xf32, #tpu.memory_space<vmem>>)
    %dma_wait3A_1387 = arith.constant 47 : i32
    %dma_wait3A_1388 = arith.constant 7 : i32
    %dma_wait3A_1389 = arith.constant 0 : i32
    %dma_wait3A_1390 = arith.constant 0 : i32
    %dma_wait3A_1391 = tpu.memref_slice %arg7[%dma_wait3A_1388, %dma_wait3A_1389, %dma_wait3A_1390] : memref<8x50x128xf32, #tpu.memory_space<vmem>> -> memref<1x50x128xf32, #tpu.memory_space<vmem>>
    %dma_wait3A_1392 = tpu.memref_squeeze %dma_wait3A_1391 : memref<1x50x128xf32, #tpu.memory_space<vmem>> -> memref<50x128xf32, #tpu.memory_space<vmem>>
    %dma_wait3A_1393 = arith.constant 0 : i32
    %dma_wait3A_1394 = tpu.memref_slice %arg5[%dma_wait3A_1387, %dma_wait3A_1393] : memref<128x50xi32, #tpu.memory_space<vmem>> -> memref<1x50xi32, #tpu.memory_space<vmem>>
    %dma_wait3A_1395 = tpu.memref_squeeze %dma_wait3A_1394 : memref<1x50xi32, #tpu.memory_space<vmem>> -> memref<50xi32, #tpu.memory_space<vmem>>
    %dma_wait3A_1396 = arith.constant 0 : i32
    %dma_wait3A_1397 = arith.constant 0 : i32
    %dma_wait3A_1398 = tpu.memref_slice %arg3[%dma_wait3A_1396, %dma_wait3A_1397] : memref<1000000x128xf32, #tpu.memory_space<hbm>> -> memref<1000000x128xf32, #tpu.memory_space<hbm>>
    tpu.wait_indirect_dma semaphore(%arg9 : memref<!tpu.dma_semaphore, #tpu.memory_space<semaphore_mem>>) src(%dma_wait3A_1398 : memref<1000000x128xf32, #tpu.memory_space<hbm>>) dst(%dma_wait3A_1392 : memref<50x128xf32, #tpu.memory_space<vmem>>)
    %add3A_1399 = arith.constant 40 : i32
    %add3A_1400 = arith.addi %mul3A_2, %add3A_1399 : i32
    %dma_start3A_1401 = arith.constant 0 : i32
    %dma_start3A_1402 = arith.constant 0 : i32
    %dma_start3A_1403 = arith.constant 0 : i32
    %dma_start3A_1404 = tpu.memref_slice %arg7[%dma_start3A_1401, %dma_start3A_1402, %dma_start3A_1403] : memref<8x50x128xf32, #tpu.memory_space<vmem>> -> memref<8x50x64xf32, #tpu.memory_space<vmem>>
    %dma_start3A_1405 = arith.constant 0 : i32
    %dma_start3A_1406 = arith.constant 0 : i32
    %dma_start3A_1407 = tpu.memref_slice %arg4[%add3A_1400, %dma_start3A_1405, %dma_start3A_1406] : memref<4096x50x64xf32, #tpu.memory_space<hbm>> -> memref<8x50x64xf32, #tpu.memory_space<hbm>>
    %dma_start3A_1408 = arith.constant 0 : i32
    %dma_start3A_1409 = arith.constant 0 : i32
    %dma_start3A_1410 = tpu.memref_slice %arg4[%add3A_1400, %dma_start3A_1408, %dma_start3A_1409] : memref<4096x50x64xf32, #tpu.memory_space<hbm>> -> memref<8x50x64xf32, #tpu.memory_space<hbm>>
    %dma_start3A_1411 = arith.constant 0 : i32
    %dma_start3A_1412 = arith.constant 0 : i32
    %dma_start3A_1413 = arith.constant 0 : i32
    %dma_start3A_1414 = tpu.memref_slice %arg7[%dma_start3A_1411, %dma_start3A_1412, %dma_start3A_1413] : memref<8x50x128xf32, #tpu.memory_space<vmem>> -> memref<8x50x64xf32, #tpu.memory_space<vmem>>
    tpu.enqueue_dma source(%dma_start3A_1414 : memref<8x50x64xf32, #tpu.memory_space<vmem>>) target(%dma_start3A_1410 : memref<8x50x64xf32, #tpu.memory_space<hbm>>) target_semaphore(%arg11 : memref<!tpu.dma_semaphore, #tpu.memory_space<semaphore_mem>>)
    %dma_wait3A_1415 = arith.constant 0 : i32
    %dma_wait3A_1416 = arith.constant 0 : i32
    %dma_wait3A_1417 = arith.constant 0 : i32
    %dma_wait3A_1418 = tpu.memref_slice %arg7[%dma_wait3A_1415, %dma_wait3A_1416, %dma_wait3A_1417] : memref<8x50x128xf32, #tpu.memory_space<vmem>> -> memref<8x50x64xf32, #tpu.memory_space<vmem>>
    %dma_wait3A_1419 = arith.constant 0 : i32
    %dma_wait3A_1420 = arith.constant 0 : i32
    %dma_wait3A_1421 = tpu.memref_slice %arg4[%add3A_1400, %dma_wait3A_1419, %dma_wait3A_1420] : memref<4096x50x64xf32, #tpu.memory_space<hbm>> -> memref<8x50x64xf32, #tpu.memory_space<hbm>>
    %dma_wait3A_1422 = arith.constant 0 : i32
    %dma_wait3A_1423 = arith.constant 0 : i32
    %dma_wait3A_1424 = tpu.memref_slice %arg4[%add3A_1400, %dma_wait3A_1422, %dma_wait3A_1423] : memref<4096x50x64xf32, #tpu.memory_space<hbm>> -> memref<8x50x64xf32, #tpu.memory_space<hbm>>
    %dma_wait3A_1425 = arith.constant 0 : i32
    %dma_wait3A_1426 = arith.constant 0 : i32
    %dma_wait3A_1427 = arith.constant 0 : i32
    %dma_wait3A_1428 = tpu.memref_slice %arg7[%dma_wait3A_1425, %dma_wait3A_1426, %dma_wait3A_1427] : memref<8x50x128xf32, #tpu.memory_space<vmem>> -> memref<8x50x64xf32, #tpu.memory_space<vmem>>
    tpu.wait_dma2 semaphore(%arg11 : memref<!tpu.dma_semaphore, #tpu.memory_space<semaphore_mem>>) src(%dma_wait3A_1428 : memref<8x50x64xf32, #tpu.memory_space<vmem>>) dst(%dma_wait3A_1424 : memref<8x50x64xf32, #tpu.memory_space<hbm>>)
    %dma_start3A_1429 = arith.constant 56 : i32
    %dma_start3A_1430 = arith.constant 0 : i32
    %dma_start3A_1431 = arith.constant 0 : i32
    %dma_start3A_1432 = arith.constant 0 : i32
    %dma_start3A_1433 = tpu.memref_slice %arg7[%dma_start3A_1430, %dma_start3A_1431, %dma_start3A_1432] : memref<8x50x128xf32, #tpu.memory_space<vmem>> -> memref<1x50x128xf32, #tpu.memory_space<vmem>>
    %dma_start3A_1434 = tpu.memref_squeeze %dma_start3A_1433 : memref<1x50x128xf32, #tpu.memory_space<vmem>> -> memref<50x128xf32, #tpu.memory_space<vmem>>
    %dma_start3A_1435 = arith.constant 0 : i32
    %dma_start3A_1436 = tpu.memref_slice %arg5[%dma_start3A_1429, %dma_start3A_1435] : memref<128x50xi32, #tpu.memory_space<vmem>> -> memref<1x50xi32, #tpu.memory_space<vmem>>
    %dma_start3A_1437 = tpu.memref_squeeze %dma_start3A_1436 : memref<1x50xi32, #tpu.memory_space<vmem>> -> memref<50xi32, #tpu.memory_space<vmem>>
    %dma_start3A_1438 = arith.constant 0 : i32
    %dma_start3A_1439 = arith.constant 0 : i32
    %dma_start3A_1440 = tpu.memref_slice %arg3[%dma_start3A_1438, %dma_start3A_1439] : memref<1000000x128xf32, #tpu.memory_space<hbm>> -> memref<1000000x128xf32, #tpu.memory_space<hbm>>
    tpu.enqueue_indirect_dma source(%dma_start3A_1440 : memref<1000000x128xf32, #tpu.memory_space<hbm>>) target(%dma_start3A_1434 : memref<50x128xf32, #tpu.memory_space<vmem>>) offsets(%dma_start3A_1437 : memref<50xi32, #tpu.memory_space<vmem>>) semaphore(%arg9 : memref<!tpu.dma_semaphore, #tpu.memory_space<semaphore_mem>>)
    %dma_start3A_1441 = arith.constant 57 : i32
    %dma_start3A_1442 = arith.constant 1 : i32
    %dma_start3A_1443 = arith.constant 0 : i32
    %dma_start3A_1444 = arith.constant 0 : i32
    %dma_start3A_1445 = tpu.memref_slice %arg7[%dma_start3A_1442, %dma_start3A_1443, %dma_start3A_1444] : memref<8x50x128xf32, #tpu.memory_space<vmem>> -> memref<1x50x128xf32, #tpu.memory_space<vmem>>
    %dma_start3A_1446 = tpu.memref_squeeze %dma_start3A_1445 : memref<1x50x128xf32, #tpu.memory_space<vmem>> -> memref<50x128xf32, #tpu.memory_space<vmem>>
    %dma_start3A_1447 = arith.constant 0 : i32
    %dma_start3A_1448 = tpu.memref_slice %arg5[%dma_start3A_1441, %dma_start3A_1447] : memref<128x50xi32, #tpu.memory_space<vmem>> -> memref<1x50xi32, #tpu.memory_space<vmem>>
    %dma_start3A_1449 = tpu.memref_squeeze %dma_start3A_1448 : memref<1x50xi32, #tpu.memory_space<vmem>> -> memref<50xi32, #tpu.memory_space<vmem>>
    %dma_start3A_1450 = arith.constant 0 : i32
    %dma_start3A_1451 = arith.constant 0 : i32
    %dma_start3A_1452 = tpu.memref_slice %arg3[%dma_start3A_1450, %dma_start3A_1451] : memref<1000000x128xf32, #tpu.memory_space<hbm>> -> memref<1000000x128xf32, #tpu.memory_space<hbm>>
    tpu.enqueue_indirect_dma source(%dma_start3A_1452 : memref<1000000x128xf32, #tpu.memory_space<hbm>>) target(%dma_start3A_1446 : memref<50x128xf32, #tpu.memory_space<vmem>>) offsets(%dma_start3A_1449 : memref<50xi32, #tpu.memory_space<vmem>>) semaphore(%arg9 : memref<!tpu.dma_semaphore, #tpu.memory_space<semaphore_mem>>)
    %dma_start3A_1453 = arith.constant 58 : i32
    %dma_start3A_1454 = arith.constant 2 : i32
    %dma_start3A_1455 = arith.constant 0 : i32
    %dma_start3A_1456 = arith.constant 0 : i32
    %dma_start3A_1457 = tpu.memref_slice %arg7[%dma_start3A_1454, %dma_start3A_1455, %dma_start3A_1456] : memref<8x50x128xf32, #tpu.memory_space<vmem>> -> memref<1x50x128xf32, #tpu.memory_space<vmem>>
    %dma_start3A_1458 = tpu.memref_squeeze %dma_start3A_1457 : memref<1x50x128xf32, #tpu.memory_space<vmem>> -> memref<50x128xf32, #tpu.memory_space<vmem>>
    %dma_start3A_1459 = arith.constant 0 : i32
    %dma_start3A_1460 = tpu.memref_slice %arg5[%dma_start3A_1453, %dma_start3A_1459] : memref<128x50xi32, #tpu.memory_space<vmem>> -> memref<1x50xi32, #tpu.memory_space<vmem>>
    %dma_start3A_1461 = tpu.memref_squeeze %dma_start3A_1460 : memref<1x50xi32, #tpu.memory_space<vmem>> -> memref<50xi32, #tpu.memory_space<vmem>>
    %dma_start3A_1462 = arith.constant 0 : i32
    %dma_start3A_1463 = arith.constant 0 : i32
    %dma_start3A_1464 = tpu.memref_slice %arg3[%dma_start3A_1462, %dma_start3A_1463] : memref<1000000x128xf32, #tpu.memory_space<hbm>> -> memref<1000000x128xf32, #tpu.memory_space<hbm>>
    tpu.enqueue_indirect_dma source(%dma_start3A_1464 : memref<1000000x128xf32, #tpu.memory_space<hbm>>) target(%dma_start3A_1458 : memref<50x128xf32, #tpu.memory_space<vmem>>) offsets(%dma_start3A_1461 : memref<50xi32, #tpu.memory_space<vmem>>) semaphore(%arg9 : memref<!tpu.dma_semaphore, #tpu.memory_space<semaphore_mem>>)
    %dma_start3A_1465 = arith.constant 59 : i32
    %dma_start3A_1466 = arith.constant 3 : i32
    %dma_start3A_1467 = arith.constant 0 : i32
    %dma_start3A_1468 = arith.constant 0 : i32
    %dma_start3A_1469 = tpu.memref_slice %arg7[%dma_start3A_1466, %dma_start3A_1467, %dma_start3A_1468] : memref<8x50x128xf32, #tpu.memory_space<vmem>> -> memref<1x50x128xf32, #tpu.memory_space<vmem>>
    %dma_start3A_1470 = tpu.memref_squeeze %dma_start3A_1469 : memref<1x50x128xf32, #tpu.memory_space<vmem>> -> memref<50x128xf32, #tpu.memory_space<vmem>>
    %dma_start3A_1471 = arith.constant 0 : i32
    %dma_start3A_1472 = tpu.memref_slice %arg5[%dma_start3A_1465, %dma_start3A_1471] : memref<128x50xi32, #tpu.memory_space<vmem>> -> memref<1x50xi32, #tpu.memory_space<vmem>>
    %dma_start3A_1473 = tpu.memref_squeeze %dma_start3A_1472 : memref<1x50xi32, #tpu.memory_space<vmem>> -> memref<50xi32, #tpu.memory_space<vmem>>
    %dma_start3A_1474 = arith.constant 0 : i32
    %dma_start3A_1475 = arith.constant 0 : i32
    %dma_start3A_1476 = tpu.memref_slice %arg3[%dma_start3A_1474, %dma_start3A_1475] : memref<1000000x128xf32, #tpu.memory_space<hbm>> -> memref<1000000x128xf32, #tpu.memory_space<hbm>>
    tpu.enqueue_indirect_dma source(%dma_start3A_1476 : memref<1000000x128xf32, #tpu.memory_space<hbm>>) target(%dma_start3A_1470 : memref<50x128xf32, #tpu.memory_space<vmem>>) offsets(%dma_start3A_1473 : memref<50xi32, #tpu.memory_space<vmem>>) semaphore(%arg9 : memref<!tpu.dma_semaphore, #tpu.memory_space<semaphore_mem>>)
    %dma_start3A_1477 = arith.constant 60 : i32
    %dma_start3A_1478 = arith.constant 4 : i32
    %dma_start3A_1479 = arith.constant 0 : i32
    %dma_start3A_1480 = arith.constant 0 : i32
    %dma_start3A_1481 = tpu.memref_slice %arg7[%dma_start3A_1478, %dma_start3A_1479, %dma_start3A_1480] : memref<8x50x128xf32, #tpu.memory_space<vmem>> -> memref<1x50x128xf32, #tpu.memory_space<vmem>>
    %dma_start3A_1482 = tpu.memref_squeeze %dma_start3A_1481 : memref<1x50x128xf32, #tpu.memory_space<vmem>> -> memref<50x128xf32, #tpu.memory_space<vmem>>
    %dma_start3A_1483 = arith.constant 0 : i32
    %dma_start3A_1484 = tpu.memref_slice %arg5[%dma_start3A_1477, %dma_start3A_1483] : memref<128x50xi32, #tpu.memory_space<vmem>> -> memref<1x50xi32, #tpu.memory_space<vmem>>
    %dma_start3A_1485 = tpu.memref_squeeze %dma_start3A_1484 : memref<1x50xi32, #tpu.memory_space<vmem>> -> memref<50xi32, #tpu.memory_space<vmem>>
    %dma_start3A_1486 = arith.constant 0 : i32
    %dma_start3A_1487 = arith.constant 0 : i32
    %dma_start3A_1488 = tpu.memref_slice %arg3[%dma_start3A_1486, %dma_start3A_1487] : memref<1000000x128xf32, #tpu.memory_space<hbm>> -> memref<1000000x128xf32, #tpu.memory_space<hbm>>
    tpu.enqueue_indirect_dma source(%dma_start3A_1488 : memref<1000000x128xf32, #tpu.memory_space<hbm>>) target(%dma_start3A_1482 : memref<50x128xf32, #tpu.memory_space<vmem>>) offsets(%dma_start3A_1485 : memref<50xi32, #tpu.memory_space<vmem>>) semaphore(%arg9 : memref<!tpu.dma_semaphore, #tpu.memory_space<semaphore_mem>>)
    %dma_start3A_1489 = arith.constant 61 : i32
    %dma_start3A_1490 = arith.constant 5 : i32
    %dma_start3A_1491 = arith.constant 0 : i32
    %dma_start3A_1492 = arith.constant 0 : i32
    %dma_start3A_1493 = tpu.memref_slice %arg7[%dma_start3A_1490, %dma_start3A_1491, %dma_start3A_1492] : memref<8x50x128xf32, #tpu.memory_space<vmem>> -> memref<1x50x128xf32, #tpu.memory_space<vmem>>
    %dma_start3A_1494 = tpu.memref_squeeze %dma_start3A_1493 : memref<1x50x128xf32, #tpu.memory_space<vmem>> -> memref<50x128xf32, #tpu.memory_space<vmem>>
    %dma_start3A_1495 = arith.constant 0 : i32
    %dma_start3A_1496 = tpu.memref_slice %arg5[%dma_start3A_1489, %dma_start3A_1495] : memref<128x50xi32, #tpu.memory_space<vmem>> -> memref<1x50xi32, #tpu.memory_space<vmem>>
    %dma_start3A_1497 = tpu.memref_squeeze %dma_start3A_1496 : memref<1x50xi32, #tpu.memory_space<vmem>> -> memref<50xi32, #tpu.memory_space<vmem>>
    %dma_start3A_1498 = arith.constant 0 : i32
    %dma_start3A_1499 = arith.constant 0 : i32
    %dma_start3A_1500 = tpu.memref_slice %arg3[%dma_start3A_1498, %dma_start3A_1499] : memref<1000000x128xf32, #tpu.memory_space<hbm>> -> memref<1000000x128xf32, #tpu.memory_space<hbm>>
    tpu.enqueue_indirect_dma source(%dma_start3A_1500 : memref<1000000x128xf32, #tpu.memory_space<hbm>>) target(%dma_start3A_1494 : memref<50x128xf32, #tpu.memory_space<vmem>>) offsets(%dma_start3A_1497 : memref<50xi32, #tpu.memory_space<vmem>>) semaphore(%arg9 : memref<!tpu.dma_semaphore, #tpu.memory_space<semaphore_mem>>)
    %dma_start3A_1501 = arith.constant 62 : i32
    %dma_start3A_1502 = arith.constant 6 : i32
    %dma_start3A_1503 = arith.constant 0 : i32
    %dma_start3A_1504 = arith.constant 0 : i32
    %dma_start3A_1505 = tpu.memref_slice %arg7[%dma_start3A_1502, %dma_start3A_1503, %dma_start3A_1504] : memref<8x50x128xf32, #tpu.memory_space<vmem>> -> memref<1x50x128xf32, #tpu.memory_space<vmem>>
    %dma_start3A_1506 = tpu.memref_squeeze %dma_start3A_1505 : memref<1x50x128xf32, #tpu.memory_space<vmem>> -> memref<50x128xf32, #tpu.memory_space<vmem>>
    %dma_start3A_1507 = arith.constant 0 : i32
    %dma_start3A_1508 = tpu.memref_slice %arg5[%dma_start3A_1501, %dma_start3A_1507] : memref<128x50xi32, #tpu.memory_space<vmem>> -> memref<1x50xi32, #tpu.memory_space<vmem>>
    %dma_start3A_1509 = tpu.memref_squeeze %dma_start3A_1508 : memref<1x50xi32, #tpu.memory_space<vmem>> -> memref<50xi32, #tpu.memory_space<vmem>>
    %dma_start3A_1510 = arith.constant 0 : i32
    %dma_start3A_1511 = arith.constant 0 : i32
    %dma_start3A_1512 = tpu.memref_slice %arg3[%dma_start3A_1510, %dma_start3A_1511] : memref<1000000x128xf32, #tpu.memory_space<hbm>> -> memref<1000000x128xf32, #tpu.memory_space<hbm>>
    tpu.enqueue_indirect_dma source(%dma_start3A_1512 : memref<1000000x128xf32, #tpu.memory_space<hbm>>) target(%dma_start3A_1506 : memref<50x128xf32, #tpu.memory_space<vmem>>) offsets(%dma_start3A_1509 : memref<50xi32, #tpu.memory_space<vmem>>) semaphore(%arg9 : memref<!tpu.dma_semaphore, #tpu.memory_space<semaphore_mem>>)
    %dma_start3A_1513 = arith.constant 63 : i32
    %dma_start3A_1514 = arith.constant 7 : i32
    %dma_start3A_1515 = arith.constant 0 : i32
    %dma_start3A_1516 = arith.constant 0 : i32
    %dma_start3A_1517 = tpu.memref_slice %arg7[%dma_start3A_1514, %dma_start3A_1515, %dma_start3A_1516] : memref<8x50x128xf32, #tpu.memory_space<vmem>> -> memref<1x50x128xf32, #tpu.memory_space<vmem>>
    %dma_start3A_1518 = tpu.memref_squeeze %dma_start3A_1517 : memref<1x50x128xf32, #tpu.memory_space<vmem>> -> memref<50x128xf32, #tpu.memory_space<vmem>>
    %dma_start3A_1519 = arith.constant 0 : i32
    %dma_start3A_1520 = tpu.memref_slice %arg5[%dma_start3A_1513, %dma_start3A_1519] : memref<128x50xi32, #tpu.memory_space<vmem>> -> memref<1x50xi32, #tpu.memory_space<vmem>>
    %dma_start3A_1521 = tpu.memref_squeeze %dma_start3A_1520 : memref<1x50xi32, #tpu.memory_space<vmem>> -> memref<50xi32, #tpu.memory_space<vmem>>
    %dma_start3A_1522 = arith.constant 0 : i32
    %dma_start3A_1523 = arith.constant 0 : i32
    %dma_start3A_1524 = tpu.memref_slice %arg3[%dma_start3A_1522, %dma_start3A_1523] : memref<1000000x128xf32, #tpu.memory_space<hbm>> -> memref<1000000x128xf32, #tpu.memory_space<hbm>>
    tpu.enqueue_indirect_dma source(%dma_start3A_1524 : memref<1000000x128xf32, #tpu.memory_space<hbm>>) target(%dma_start3A_1518 : memref<50x128xf32, #tpu.memory_space<vmem>>) offsets(%dma_start3A_1521 : memref<50xi32, #tpu.memory_space<vmem>>) semaphore(%arg9 : memref<!tpu.dma_semaphore, #tpu.memory_space<semaphore_mem>>)
    %dma_wait3A_1525 = arith.constant 48 : i32
    %dma_wait3A_1526 = arith.constant 0 : i32
    %dma_wait3A_1527 = arith.constant 0 : i32
    %dma_wait3A_1528 = arith.constant 0 : i32
    %dma_wait3A_1529 = tpu.memref_slice %arg6[%dma_wait3A_1526, %dma_wait3A_1527, %dma_wait3A_1528] : memref<8x50x128xf32, #tpu.memory_space<vmem>> -> memref<1x50x128xf32, #tpu.memory_space<vmem>>
    %dma_wait3A_1530 = tpu.memref_squeeze %dma_wait3A_1529 : memref<1x50x128xf32, #tpu.memory_space<vmem>> -> memref<50x128xf32, #tpu.memory_space<vmem>>
    %dma_wait3A_1531 = arith.constant 0 : i32
    %dma_wait3A_1532 = tpu.memref_slice %arg5[%dma_wait3A_1525, %dma_wait3A_1531] : memref<128x50xi32, #tpu.memory_space<vmem>> -> memref<1x50xi32, #tpu.memory_space<vmem>>
    %dma_wait3A_1533 = tpu.memref_squeeze %dma_wait3A_1532 : memref<1x50xi32, #tpu.memory_space<vmem>> -> memref<50xi32, #tpu.memory_space<vmem>>
    %dma_wait3A_1534 = arith.constant 0 : i32
    %dma_wait3A_1535 = arith.constant 0 : i32
    %dma_wait3A_1536 = tpu.memref_slice %arg3[%dma_wait3A_1534, %dma_wait3A_1535] : memref<1000000x128xf32, #tpu.memory_space<hbm>> -> memref<1000000x128xf32, #tpu.memory_space<hbm>>
    tpu.wait_indirect_dma semaphore(%arg8 : memref<!tpu.dma_semaphore, #tpu.memory_space<semaphore_mem>>) src(%dma_wait3A_1536 : memref<1000000x128xf32, #tpu.memory_space<hbm>>) dst(%dma_wait3A_1530 : memref<50x128xf32, #tpu.memory_space<vmem>>)
    %dma_wait3A_1537 = arith.constant 49 : i32
    %dma_wait3A_1538 = arith.constant 1 : i32
    %dma_wait3A_1539 = arith.constant 0 : i32
    %dma_wait3A_1540 = arith.constant 0 : i32
    %dma_wait3A_1541 = tpu.memref_slice %arg6[%dma_wait3A_1538, %dma_wait3A_1539, %dma_wait3A_1540] : memref<8x50x128xf32, #tpu.memory_space<vmem>> -> memref<1x50x128xf32, #tpu.memory_space<vmem>>
    %dma_wait3A_1542 = tpu.memref_squeeze %dma_wait3A_1541 : memref<1x50x128xf32, #tpu.memory_space<vmem>> -> memref<50x128xf32, #tpu.memory_space<vmem>>
    %dma_wait3A_1543 = arith.constant 0 : i32
    %dma_wait3A_1544 = tpu.memref_slice %arg5[%dma_wait3A_1537, %dma_wait3A_1543] : memref<128x50xi32, #tpu.memory_space<vmem>> -> memref<1x50xi32, #tpu.memory_space<vmem>>
    %dma_wait3A_1545 = tpu.memref_squeeze %dma_wait3A_1544 : memref<1x50xi32, #tpu.memory_space<vmem>> -> memref<50xi32, #tpu.memory_space<vmem>>
    %dma_wait3A_1546 = arith.constant 0 : i32
    %dma_wait3A_1547 = arith.constant 0 : i32
    %dma_wait3A_1548 = tpu.memref_slice %arg3[%dma_wait3A_1546, %dma_wait3A_1547] : memref<1000000x128xf32, #tpu.memory_space<hbm>> -> memref<1000000x128xf32, #tpu.memory_space<hbm>>
    tpu.wait_indirect_dma semaphore(%arg8 : memref<!tpu.dma_semaphore, #tpu.memory_space<semaphore_mem>>) src(%dma_wait3A_1548 : memref<1000000x128xf32, #tpu.memory_space<hbm>>) dst(%dma_wait3A_1542 : memref<50x128xf32, #tpu.memory_space<vmem>>)
    %dma_wait3A_1549 = arith.constant 50 : i32
    %dma_wait3A_1550 = arith.constant 2 : i32
    %dma_wait3A_1551 = arith.constant 0 : i32
    %dma_wait3A_1552 = arith.constant 0 : i32
    %dma_wait3A_1553 = tpu.memref_slice %arg6[%dma_wait3A_1550, %dma_wait3A_1551, %dma_wait3A_1552] : memref<8x50x128xf32, #tpu.memory_space<vmem>> -> memref<1x50x128xf32, #tpu.memory_space<vmem>>
    %dma_wait3A_1554 = tpu.memref_squeeze %dma_wait3A_1553 : memref<1x50x128xf32, #tpu.memory_space<vmem>> -> memref<50x128xf32, #tpu.memory_space<vmem>>
    %dma_wait3A_1555 = arith.constant 0 : i32
    %dma_wait3A_1556 = tpu.memref_slice %arg5[%dma_wait3A_1549, %dma_wait3A_1555] : memref<128x50xi32, #tpu.memory_space<vmem>> -> memref<1x50xi32, #tpu.memory_space<vmem>>
    %dma_wait3A_1557 = tpu.memref_squeeze %dma_wait3A_1556 : memref<1x50xi32, #tpu.memory_space<vmem>> -> memref<50xi32, #tpu.memory_space<vmem>>
    %dma_wait3A_1558 = arith.constant 0 : i32
    %dma_wait3A_1559 = arith.constant 0 : i32
    %dma_wait3A_1560 = tpu.memref_slice %arg3[%dma_wait3A_1558, %dma_wait3A_1559] : memref<1000000x128xf32, #tpu.memory_space<hbm>> -> memref<1000000x128xf32, #tpu.memory_space<hbm>>
    tpu.wait_indirect_dma semaphore(%arg8 : memref<!tpu.dma_semaphore, #tpu.memory_space<semaphore_mem>>) src(%dma_wait3A_1560 : memref<1000000x128xf32, #tpu.memory_space<hbm>>) dst(%dma_wait3A_1554 : memref<50x128xf32, #tpu.memory_space<vmem>>)
    %dma_wait3A_1561 = arith.constant 51 : i32
    %dma_wait3A_1562 = arith.constant 3 : i32
    %dma_wait3A_1563 = arith.constant 0 : i32
    %dma_wait3A_1564 = arith.constant 0 : i32
    %dma_wait3A_1565 = tpu.memref_slice %arg6[%dma_wait3A_1562, %dma_wait3A_1563, %dma_wait3A_1564] : memref<8x50x128xf32, #tpu.memory_space<vmem>> -> memref<1x50x128xf32, #tpu.memory_space<vmem>>
    %dma_wait3A_1566 = tpu.memref_squeeze %dma_wait3A_1565 : memref<1x50x128xf32, #tpu.memory_space<vmem>> -> memref<50x128xf32, #tpu.memory_space<vmem>>
    %dma_wait3A_1567 = arith.constant 0 : i32
    %dma_wait3A_1568 = tpu.memref_slice %arg5[%dma_wait3A_1561, %dma_wait3A_1567] : memref<128x50xi32, #tpu.memory_space<vmem>> -> memref<1x50xi32, #tpu.memory_space<vmem>>
    %dma_wait3A_1569 = tpu.memref_squeeze %dma_wait3A_1568 : memref<1x50xi32, #tpu.memory_space<vmem>> -> memref<50xi32, #tpu.memory_space<vmem>>
    %dma_wait3A_1570 = arith.constant 0 : i32
    %dma_wait3A_1571 = arith.constant 0 : i32
    %dma_wait3A_1572 = tpu.memref_slice %arg3[%dma_wait3A_1570, %dma_wait3A_1571] : memref<1000000x128xf32, #tpu.memory_space<hbm>> -> memref<1000000x128xf32, #tpu.memory_space<hbm>>
    tpu.wait_indirect_dma semaphore(%arg8 : memref<!tpu.dma_semaphore, #tpu.memory_space<semaphore_mem>>) src(%dma_wait3A_1572 : memref<1000000x128xf32, #tpu.memory_space<hbm>>) dst(%dma_wait3A_1566 : memref<50x128xf32, #tpu.memory_space<vmem>>)
    %dma_wait3A_1573 = arith.constant 52 : i32
    %dma_wait3A_1574 = arith.constant 4 : i32
    %dma_wait3A_1575 = arith.constant 0 : i32
    %dma_wait3A_1576 = arith.constant 0 : i32
    %dma_wait3A_1577 = tpu.memref_slice %arg6[%dma_wait3A_1574, %dma_wait3A_1575, %dma_wait3A_1576] : memref<8x50x128xf32, #tpu.memory_space<vmem>> -> memref<1x50x128xf32, #tpu.memory_space<vmem>>
    %dma_wait3A_1578 = tpu.memref_squeeze %dma_wait3A_1577 : memref<1x50x128xf32, #tpu.memory_space<vmem>> -> memref<50x128xf32, #tpu.memory_space<vmem>>
    %dma_wait3A_1579 = arith.constant 0 : i32
    %dma_wait3A_1580 = tpu.memref_slice %arg5[%dma_wait3A_1573, %dma_wait3A_1579] : memref<128x50xi32, #tpu.memory_space<vmem>> -> memref<1x50xi32, #tpu.memory_space<vmem>>
    %dma_wait3A_1581 = tpu.memref_squeeze %dma_wait3A_1580 : memref<1x50xi32, #tpu.memory_space<vmem>> -> memref<50xi32, #tpu.memory_space<vmem>>
    %dma_wait3A_1582 = arith.constant 0 : i32
    %dma_wait3A_1583 = arith.constant 0 : i32
    %dma_wait3A_1584 = tpu.memref_slice %arg3[%dma_wait3A_1582, %dma_wait3A_1583] : memref<1000000x128xf32, #tpu.memory_space<hbm>> -> memref<1000000x128xf32, #tpu.memory_space<hbm>>
    tpu.wait_indirect_dma semaphore(%arg8 : memref<!tpu.dma_semaphore, #tpu.memory_space<semaphore_mem>>) src(%dma_wait3A_1584 : memref<1000000x128xf32, #tpu.memory_space<hbm>>) dst(%dma_wait3A_1578 : memref<50x128xf32, #tpu.memory_space<vmem>>)
    %dma_wait3A_1585 = arith.constant 53 : i32
    %dma_wait3A_1586 = arith.constant 5 : i32
    %dma_wait3A_1587 = arith.constant 0 : i32
    %dma_wait3A_1588 = arith.constant 0 : i32
    %dma_wait3A_1589 = tpu.memref_slice %arg6[%dma_wait3A_1586, %dma_wait3A_1587, %dma_wait3A_1588] : memref<8x50x128xf32, #tpu.memory_space<vmem>> -> memref<1x50x128xf32, #tpu.memory_space<vmem>>
    %dma_wait3A_1590 = tpu.memref_squeeze %dma_wait3A_1589 : memref<1x50x128xf32, #tpu.memory_space<vmem>> -> memref<50x128xf32, #tpu.memory_space<vmem>>
    %dma_wait3A_1591 = arith.constant 0 : i32
    %dma_wait3A_1592 = tpu.memref_slice %arg5[%dma_wait3A_1585, %dma_wait3A_1591] : memref<128x50xi32, #tpu.memory_space<vmem>> -> memref<1x50xi32, #tpu.memory_space<vmem>>
    %dma_wait3A_1593 = tpu.memref_squeeze %dma_wait3A_1592 : memref<1x50xi32, #tpu.memory_space<vmem>> -> memref<50xi32, #tpu.memory_space<vmem>>
    %dma_wait3A_1594 = arith.constant 0 : i32
    %dma_wait3A_1595 = arith.constant 0 : i32
    %dma_wait3A_1596 = tpu.memref_slice %arg3[%dma_wait3A_1594, %dma_wait3A_1595] : memref<1000000x128xf32, #tpu.memory_space<hbm>> -> memref<1000000x128xf32, #tpu.memory_space<hbm>>
    tpu.wait_indirect_dma semaphore(%arg8 : memref<!tpu.dma_semaphore, #tpu.memory_space<semaphore_mem>>) src(%dma_wait3A_1596 : memref<1000000x128xf32, #tpu.memory_space<hbm>>) dst(%dma_wait3A_1590 : memref<50x128xf32, #tpu.memory_space<vmem>>)
    %dma_wait3A_1597 = arith.constant 54 : i32
    %dma_wait3A_1598 = arith.constant 6 : i32
    %dma_wait3A_1599 = arith.constant 0 : i32
    %dma_wait3A_1600 = arith.constant 0 : i32
    %dma_wait3A_1601 = tpu.memref_slice %arg6[%dma_wait3A_1598, %dma_wait3A_1599, %dma_wait3A_1600] : memref<8x50x128xf32, #tpu.memory_space<vmem>> -> memref<1x50x128xf32, #tpu.memory_space<vmem>>
    %dma_wait3A_1602 = tpu.memref_squeeze %dma_wait3A_1601 : memref<1x50x128xf32, #tpu.memory_space<vmem>> -> memref<50x128xf32, #tpu.memory_space<vmem>>
    %dma_wait3A_1603 = arith.constant 0 : i32
    %dma_wait3A_1604 = tpu.memref_slice %arg5[%dma_wait3A_1597, %dma_wait3A_1603] : memref<128x50xi32, #tpu.memory_space<vmem>> -> memref<1x50xi32, #tpu.memory_space<vmem>>
    %dma_wait3A_1605 = tpu.memref_squeeze %dma_wait3A_1604 : memref<1x50xi32, #tpu.memory_space<vmem>> -> memref<50xi32, #tpu.memory_space<vmem>>
    %dma_wait3A_1606 = arith.constant 0 : i32
    %dma_wait3A_1607 = arith.constant 0 : i32
    %dma_wait3A_1608 = tpu.memref_slice %arg3[%dma_wait3A_1606, %dma_wait3A_1607] : memref<1000000x128xf32, #tpu.memory_space<hbm>> -> memref<1000000x128xf32, #tpu.memory_space<hbm>>
    tpu.wait_indirect_dma semaphore(%arg8 : memref<!tpu.dma_semaphore, #tpu.memory_space<semaphore_mem>>) src(%dma_wait3A_1608 : memref<1000000x128xf32, #tpu.memory_space<hbm>>) dst(%dma_wait3A_1602 : memref<50x128xf32, #tpu.memory_space<vmem>>)
    %dma_wait3A_1609 = arith.constant 55 : i32
    %dma_wait3A_1610 = arith.constant 7 : i32
    %dma_wait3A_1611 = arith.constant 0 : i32
    %dma_wait3A_1612 = arith.constant 0 : i32
    %dma_wait3A_1613 = tpu.memref_slice %arg6[%dma_wait3A_1610, %dma_wait3A_1611, %dma_wait3A_1612] : memref<8x50x128xf32, #tpu.memory_space<vmem>> -> memref<1x50x128xf32, #tpu.memory_space<vmem>>
    %dma_wait3A_1614 = tpu.memref_squeeze %dma_wait3A_1613 : memref<1x50x128xf32, #tpu.memory_space<vmem>> -> memref<50x128xf32, #tpu.memory_space<vmem>>
    %dma_wait3A_1615 = arith.constant 0 : i32
    %dma_wait3A_1616 = tpu.memref_slice %arg5[%dma_wait3A_1609, %dma_wait3A_1615] : memref<128x50xi32, #tpu.memory_space<vmem>> -> memref<1x50xi32, #tpu.memory_space<vmem>>
    %dma_wait3A_1617 = tpu.memref_squeeze %dma_wait3A_1616 : memref<1x50xi32, #tpu.memory_space<vmem>> -> memref<50xi32, #tpu.memory_space<vmem>>
    %dma_wait3A_1618 = arith.constant 0 : i32
    %dma_wait3A_1619 = arith.constant 0 : i32
    %dma_wait3A_1620 = tpu.memref_slice %arg3[%dma_wait3A_1618, %dma_wait3A_1619] : memref<1000000x128xf32, #tpu.memory_space<hbm>> -> memref<1000000x128xf32, #tpu.memory_space<hbm>>
    tpu.wait_indirect_dma semaphore(%arg8 : memref<!tpu.dma_semaphore, #tpu.memory_space<semaphore_mem>>) src(%dma_wait3A_1620 : memref<1000000x128xf32, #tpu.memory_space<hbm>>) dst(%dma_wait3A_1614 : memref<50x128xf32, #tpu.memory_space<vmem>>)
    %add3A_1621 = arith.constant 48 : i32
    %add3A_1622 = arith.addi %mul3A_2, %add3A_1621 : i32
    %dma_start3A_1623 = arith.constant 0 : i32
    %dma_start3A_1624 = arith.constant 0 : i32
    %dma_start3A_1625 = arith.constant 0 : i32
    %dma_start3A_1626 = tpu.memref_slice %arg6[%dma_start3A_1623, %dma_start3A_1624, %dma_start3A_1625] : memref<8x50x128xf32, #tpu.memory_space<vmem>> -> memref<8x50x64xf32, #tpu.memory_space<vmem>>
    %dma_start3A_1627 = arith.constant 0 : i32
    %dma_start3A_1628 = arith.constant 0 : i32
    %dma_start3A_1629 = tpu.memref_slice %arg4[%add3A_1622, %dma_start3A_1627, %dma_start3A_1628] : memref<4096x50x64xf32, #tpu.memory_space<hbm>> -> memref<8x50x64xf32, #tpu.memory_space<hbm>>
    %dma_start3A_1630 = arith.constant 0 : i32
    %dma_start3A_1631 = arith.constant 0 : i32
    %dma_start3A_1632 = tpu.memref_slice %arg4[%add3A_1622, %dma_start3A_1630, %dma_start3A_1631] : memref<4096x50x64xf32, #tpu.memory_space<hbm>> -> memref<8x50x64xf32, #tpu.memory_space<hbm>>
    %dma_start3A_1633 = arith.constant 0 : i32
    %dma_start3A_1634 = arith.constant 0 : i32
    %dma_start3A_1635 = arith.constant 0 : i32
    %dma_start3A_1636 = tpu.memref_slice %arg6[%dma_start3A_1633, %dma_start3A_1634, %dma_start3A_1635] : memref<8x50x128xf32, #tpu.memory_space<vmem>> -> memref<8x50x64xf32, #tpu.memory_space<vmem>>
    tpu.enqueue_dma source(%dma_start3A_1636 : memref<8x50x64xf32, #tpu.memory_space<vmem>>) target(%dma_start3A_1632 : memref<8x50x64xf32, #tpu.memory_space<hbm>>) target_semaphore(%arg10 : memref<!tpu.dma_semaphore, #tpu.memory_space<semaphore_mem>>)
    %dma_wait3A_1637 = arith.constant 0 : i32
    %dma_wait3A_1638 = arith.constant 0 : i32
    %dma_wait3A_1639 = arith.constant 0 : i32
    %dma_wait3A_1640 = tpu.memref_slice %arg6[%dma_wait3A_1637, %dma_wait3A_1638, %dma_wait3A_1639] : memref<8x50x128xf32, #tpu.memory_space<vmem>> -> memref<8x50x64xf32, #tpu.memory_space<vmem>>
    %dma_wait3A_1641 = arith.constant 0 : i32
    %dma_wait3A_1642 = arith.constant 0 : i32
    %dma_wait3A_1643 = tpu.memref_slice %arg4[%add3A_1622, %dma_wait3A_1641, %dma_wait3A_1642] : memref<4096x50x64xf32, #tpu.memory_space<hbm>> -> memref<8x50x64xf32, #tpu.memory_space<hbm>>
    %dma_wait3A_1644 = arith.constant 0 : i32
    %dma_wait3A_1645 = arith.constant 0 : i32
    %dma_wait3A_1646 = tpu.memref_slice %arg4[%add3A_1622, %dma_wait3A_1644, %dma_wait3A_1645] : memref<4096x50x64xf32, #tpu.memory_space<hbm>> -> memref<8x50x64xf32, #tpu.memory_space<hbm>>
    %dma_wait3A_1647 = arith.constant 0 : i32
    %dma_wait3A_1648 = arith.constant 0 : i32
    %dma_wait3A_1649 = arith.constant 0 : i32
    %dma_wait3A_1650 = tpu.memref_slice %arg6[%dma_wait3A_1647, %dma_wait3A_1648, %dma_wait3A_1649] : memref<8x50x128xf32, #tpu.memory_space<vmem>> -> memref<8x50x64xf32, #tpu.memory_space<vmem>>
    tpu.wait_dma2 semaphore(%arg10 : memref<!tpu.dma_semaphore, #tpu.memory_space<semaphore_mem>>) src(%dma_wait3A_1650 : memref<8x50x64xf32, #tpu.memory_space<vmem>>) dst(%dma_wait3A_1646 : memref<8x50x64xf32, #tpu.memory_space<hbm>>)
    %dma_start3A_1651 = arith.constant 64 : i32
    %dma_start3A_1652 = arith.constant 0 : i32
    %dma_start3A_1653 = arith.constant 0 : i32
    %dma_start3A_1654 = arith.constant 0 : i32
    %dma_start3A_1655 = tpu.memref_slice %arg6[%dma_start3A_1652, %dma_start3A_1653, %dma_start3A_1654] : memref<8x50x128xf32, #tpu.memory_space<vmem>> -> memref<1x50x128xf32, #tpu.memory_space<vmem>>
    %dma_start3A_1656 = tpu.memref_squeeze %dma_start3A_1655 : memref<1x50x128xf32, #tpu.memory_space<vmem>> -> memref<50x128xf32, #tpu.memory_space<vmem>>
    %dma_start3A_1657 = arith.constant 0 : i32
    %dma_start3A_1658 = tpu.memref_slice %arg5[%dma_start3A_1651, %dma_start3A_1657] : memref<128x50xi32, #tpu.memory_space<vmem>> -> memref<1x50xi32, #tpu.memory_space<vmem>>
    %dma_start3A_1659 = tpu.memref_squeeze %dma_start3A_1658 : memref<1x50xi32, #tpu.memory_space<vmem>> -> memref<50xi32, #tpu.memory_space<vmem>>
    %dma_start3A_1660 = arith.constant 0 : i32
    %dma_start3A_1661 = arith.constant 0 : i32
    %dma_start3A_1662 = tpu.memref_slice %arg3[%dma_start3A_1660, %dma_start3A_1661] : memref<1000000x128xf32, #tpu.memory_space<hbm>> -> memref<1000000x128xf32, #tpu.memory_space<hbm>>
    tpu.enqueue_indirect_dma source(%dma_start3A_1662 : memref<1000000x128xf32, #tpu.memory_space<hbm>>) target(%dma_start3A_1656 : memref<50x128xf32, #tpu.memory_space<vmem>>) offsets(%dma_start3A_1659 : memref<50xi32, #tpu.memory_space<vmem>>) semaphore(%arg8 : memref<!tpu.dma_semaphore, #tpu.memory_space<semaphore_mem>>)
    %dma_start3A_1663 = arith.constant 65 : i32
    %dma_start3A_1664 = arith.constant 1 : i32
    %dma_start3A_1665 = arith.constant 0 : i32
    %dma_start3A_1666 = arith.constant 0 : i32
    %dma_start3A_1667 = tpu.memref_slice %arg6[%dma_start3A_1664, %dma_start3A_1665, %dma_start3A_1666] : memref<8x50x128xf32, #tpu.memory_space<vmem>> -> memref<1x50x128xf32, #tpu.memory_space<vmem>>
    %dma_start3A_1668 = tpu.memref_squeeze %dma_start3A_1667 : memref<1x50x128xf32, #tpu.memory_space<vmem>> -> memref<50x128xf32, #tpu.memory_space<vmem>>
    %dma_start3A_1669 = arith.constant 0 : i32
    %dma_start3A_1670 = tpu.memref_slice %arg5[%dma_start3A_1663, %dma_start3A_1669] : memref<128x50xi32, #tpu.memory_space<vmem>> -> memref<1x50xi32, #tpu.memory_space<vmem>>
    %dma_start3A_1671 = tpu.memref_squeeze %dma_start3A_1670 : memref<1x50xi32, #tpu.memory_space<vmem>> -> memref<50xi32, #tpu.memory_space<vmem>>
    %dma_start3A_1672 = arith.constant 0 : i32
    %dma_start3A_1673 = arith.constant 0 : i32
    %dma_start3A_1674 = tpu.memref_slice %arg3[%dma_start3A_1672, %dma_start3A_1673] : memref<1000000x128xf32, #tpu.memory_space<hbm>> -> memref<1000000x128xf32, #tpu.memory_space<hbm>>
    tpu.enqueue_indirect_dma source(%dma_start3A_1674 : memref<1000000x128xf32, #tpu.memory_space<hbm>>) target(%dma_start3A_1668 : memref<50x128xf32, #tpu.memory_space<vmem>>) offsets(%dma_start3A_1671 : memref<50xi32, #tpu.memory_space<vmem>>) semaphore(%arg8 : memref<!tpu.dma_semaphore, #tpu.memory_space<semaphore_mem>>)
    %dma_start3A_1675 = arith.constant 66 : i32
    %dma_start3A_1676 = arith.constant 2 : i32
    %dma_start3A_1677 = arith.constant 0 : i32
    %dma_start3A_1678 = arith.constant 0 : i32
    %dma_start3A_1679 = tpu.memref_slice %arg6[%dma_start3A_1676, %dma_start3A_1677, %dma_start3A_1678] : memref<8x50x128xf32, #tpu.memory_space<vmem>> -> memref<1x50x128xf32, #tpu.memory_space<vmem>>
    %dma_start3A_1680 = tpu.memref_squeeze %dma_start3A_1679 : memref<1x50x128xf32, #tpu.memory_space<vmem>> -> memref<50x128xf32, #tpu.memory_space<vmem>>
    %dma_start3A_1681 = arith.constant 0 : i32
    %dma_start3A_1682 = tpu.memref_slice %arg5[%dma_start3A_1675, %dma_start3A_1681] : memref<128x50xi32, #tpu.memory_space<vmem>> -> memref<1x50xi32, #tpu.memory_space<vmem>>
    %dma_start3A_1683 = tpu.memref_squeeze %dma_start3A_1682 : memref<1x50xi32, #tpu.memory_space<vmem>> -> memref<50xi32, #tpu.memory_space<vmem>>
    %dma_start3A_1684 = arith.constant 0 : i32
    %dma_start3A_1685 = arith.constant 0 : i32
    %dma_start3A_1686 = tpu.memref_slice %arg3[%dma_start3A_1684, %dma_start3A_1685] : memref<1000000x128xf32, #tpu.memory_space<hbm>> -> memref<1000000x128xf32, #tpu.memory_space<hbm>>
    tpu.enqueue_indirect_dma source(%dma_start3A_1686 : memref<1000000x128xf32, #tpu.memory_space<hbm>>) target(%dma_start3A_1680 : memref<50x128xf32, #tpu.memory_space<vmem>>) offsets(%dma_start3A_1683 : memref<50xi32, #tpu.memory_space<vmem>>) semaphore(%arg8 : memref<!tpu.dma_semaphore, #tpu.memory_space<semaphore_mem>>)
    %dma_start3A_1687 = arith.constant 67 : i32
    %dma_start3A_1688 = arith.constant 3 : i32
    %dma_start3A_1689 = arith.constant 0 : i32
    %dma_start3A_1690 = arith.constant 0 : i32
    %dma_start3A_1691 = tpu.memref_slice %arg6[%dma_start3A_1688, %dma_start3A_1689, %dma_start3A_1690] : memref<8x50x128xf32, #tpu.memory_space<vmem>> -> memref<1x50x128xf32, #tpu.memory_space<vmem>>
    %dma_start3A_1692 = tpu.memref_squeeze %dma_start3A_1691 : memref<1x50x128xf32, #tpu.memory_space<vmem>> -> memref<50x128xf32, #tpu.memory_space<vmem>>
    %dma_start3A_1693 = arith.constant 0 : i32
    %dma_start3A_1694 = tpu.memref_slice %arg5[%dma_start3A_1687, %dma_start3A_1693] : memref<128x50xi32, #tpu.memory_space<vmem>> -> memref<1x50xi32, #tpu.memory_space<vmem>>
    %dma_start3A_1695 = tpu.memref_squeeze %dma_start3A_1694 : memref<1x50xi32, #tpu.memory_space<vmem>> -> memref<50xi32, #tpu.memory_space<vmem>>
    %dma_start3A_1696 = arith.constant 0 : i32
    %dma_start3A_1697 = arith.constant 0 : i32
    %dma_start3A_1698 = tpu.memref_slice %arg3[%dma_start3A_1696, %dma_start3A_1697] : memref<1000000x128xf32, #tpu.memory_space<hbm>> -> memref<1000000x128xf32, #tpu.memory_space<hbm>>
    tpu.enqueue_indirect_dma source(%dma_start3A_1698 : memref<1000000x128xf32, #tpu.memory_space<hbm>>) target(%dma_start3A_1692 : memref<50x128xf32, #tpu.memory_space<vmem>>) offsets(%dma_start3A_1695 : memref<50xi32, #tpu.memory_space<vmem>>) semaphore(%arg8 : memref<!tpu.dma_semaphore, #tpu.memory_space<semaphore_mem>>)
    %dma_start3A_1699 = arith.constant 68 : i32
    %dma_start3A_1700 = arith.constant 4 : i32
    %dma_start3A_1701 = arith.constant 0 : i32
    %dma_start3A_1702 = arith.constant 0 : i32
    %dma_start3A_1703 = tpu.memref_slice %arg6[%dma_start3A_1700, %dma_start3A_1701, %dma_start3A_1702] : memref<8x50x128xf32, #tpu.memory_space<vmem>> -> memref<1x50x128xf32, #tpu.memory_space<vmem>>
    %dma_start3A_1704 = tpu.memref_squeeze %dma_start3A_1703 : memref<1x50x128xf32, #tpu.memory_space<vmem>> -> memref<50x128xf32, #tpu.memory_space<vmem>>
    %dma_start3A_1705 = arith.constant 0 : i32
    %dma_start3A_1706 = tpu.memref_slice %arg5[%dma_start3A_1699, %dma_start3A_1705] : memref<128x50xi32, #tpu.memory_space<vmem>> -> memref<1x50xi32, #tpu.memory_space<vmem>>
    %dma_start3A_1707 = tpu.memref_squeeze %dma_start3A_1706 : memref<1x50xi32, #tpu.memory_space<vmem>> -> memref<50xi32, #tpu.memory_space<vmem>>
    %dma_start3A_1708 = arith.constant 0 : i32
    %dma_start3A_1709 = arith.constant 0 : i32
    %dma_start3A_1710 = tpu.memref_slice %arg3[%dma_start3A_1708, %dma_start3A_1709] : memref<1000000x128xf32, #tpu.memory_space<hbm>> -> memref<1000000x128xf32, #tpu.memory_space<hbm>>
    tpu.enqueue_indirect_dma source(%dma_start3A_1710 : memref<1000000x128xf32, #tpu.memory_space<hbm>>) target(%dma_start3A_1704 : memref<50x128xf32, #tpu.memory_space<vmem>>) offsets(%dma_start3A_1707 : memref<50xi32, #tpu.memory_space<vmem>>) semaphore(%arg8 : memref<!tpu.dma_semaphore, #tpu.memory_space<semaphore_mem>>)
    %dma_start3A_1711 = arith.constant 69 : i32
    %dma_start3A_1712 = arith.constant 5 : i32
    %dma_start3A_1713 = arith.constant 0 : i32
    %dma_start3A_1714 = arith.constant 0 : i32
    %dma_start3A_1715 = tpu.memref_slice %arg6[%dma_start3A_1712, %dma_start3A_1713, %dma_start3A_1714] : memref<8x50x128xf32, #tpu.memory_space<vmem>> -> memref<1x50x128xf32, #tpu.memory_space<vmem>>
    %dma_start3A_1716 = tpu.memref_squeeze %dma_start3A_1715 : memref<1x50x128xf32, #tpu.memory_space<vmem>> -> memref<50x128xf32, #tpu.memory_space<vmem>>
    %dma_start3A_1717 = arith.constant 0 : i32
    %dma_start3A_1718 = tpu.memref_slice %arg5[%dma_start3A_1711, %dma_start3A_1717] : memref<128x50xi32, #tpu.memory_space<vmem>> -> memref<1x50xi32, #tpu.memory_space<vmem>>
    %dma_start3A_1719 = tpu.memref_squeeze %dma_start3A_1718 : memref<1x50xi32, #tpu.memory_space<vmem>> -> memref<50xi32, #tpu.memory_space<vmem>>
    %dma_start3A_1720 = arith.constant 0 : i32
    %dma_start3A_1721 = arith.constant 0 : i32
    %dma_start3A_1722 = tpu.memref_slice %arg3[%dma_start3A_1720, %dma_start3A_1721] : memref<1000000x128xf32, #tpu.memory_space<hbm>> -> memref<1000000x128xf32, #tpu.memory_space<hbm>>
    tpu.enqueue_indirect_dma source(%dma_start3A_1722 : memref<1000000x128xf32, #tpu.memory_space<hbm>>) target(%dma_start3A_1716 : memref<50x128xf32, #tpu.memory_space<vmem>>) offsets(%dma_start3A_1719 : memref<50xi32, #tpu.memory_space<vmem>>) semaphore(%arg8 : memref<!tpu.dma_semaphore, #tpu.memory_space<semaphore_mem>>)
    %dma_start3A_1723 = arith.constant 70 : i32
    %dma_start3A_1724 = arith.constant 6 : i32
    %dma_start3A_1725 = arith.constant 0 : i32
    %dma_start3A_1726 = arith.constant 0 : i32
    %dma_start3A_1727 = tpu.memref_slice %arg6[%dma_start3A_1724, %dma_start3A_1725, %dma_start3A_1726] : memref<8x50x128xf32, #tpu.memory_space<vmem>> -> memref<1x50x128xf32, #tpu.memory_space<vmem>>
    %dma_start3A_1728 = tpu.memref_squeeze %dma_start3A_1727 : memref<1x50x128xf32, #tpu.memory_space<vmem>> -> memref<50x128xf32, #tpu.memory_space<vmem>>
    %dma_start3A_1729 = arith.constant 0 : i32
    %dma_start3A_1730 = tpu.memref_slice %arg5[%dma_start3A_1723, %dma_start3A_1729] : memref<128x50xi32, #tpu.memory_space<vmem>> -> memref<1x50xi32, #tpu.memory_space<vmem>>
    %dma_start3A_1731 = tpu.memref_squeeze %dma_start3A_1730 : memref<1x50xi32, #tpu.memory_space<vmem>> -> memref<50xi32, #tpu.memory_space<vmem>>
    %dma_start3A_1732 = arith.constant 0 : i32
    %dma_start3A_1733 = arith.constant 0 : i32
    %dma_start3A_1734 = tpu.memref_slice %arg3[%dma_start3A_1732, %dma_start3A_1733] : memref<1000000x128xf32, #tpu.memory_space<hbm>> -> memref<1000000x128xf32, #tpu.memory_space<hbm>>
    tpu.enqueue_indirect_dma source(%dma_start3A_1734 : memref<1000000x128xf32, #tpu.memory_space<hbm>>) target(%dma_start3A_1728 : memref<50x128xf32, #tpu.memory_space<vmem>>) offsets(%dma_start3A_1731 : memref<50xi32, #tpu.memory_space<vmem>>) semaphore(%arg8 : memref<!tpu.dma_semaphore, #tpu.memory_space<semaphore_mem>>)
    %dma_start3A_1735 = arith.constant 71 : i32
    %dma_start3A_1736 = arith.constant 7 : i32
    %dma_start3A_1737 = arith.constant 0 : i32
    %dma_start3A_1738 = arith.constant 0 : i32
    %dma_start3A_1739 = tpu.memref_slice %arg6[%dma_start3A_1736, %dma_start3A_1737, %dma_start3A_1738] : memref<8x50x128xf32, #tpu.memory_space<vmem>> -> memref<1x50x128xf32, #tpu.memory_space<vmem>>
    %dma_start3A_1740 = tpu.memref_squeeze %dma_start3A_1739 : memref<1x50x128xf32, #tpu.memory_space<vmem>> -> memref<50x128xf32, #tpu.memory_space<vmem>>
    %dma_start3A_1741 = arith.constant 0 : i32
    %dma_start3A_1742 = tpu.memref_slice %arg5[%dma_start3A_1735, %dma_start3A_1741] : memref<128x50xi32, #tpu.memory_space<vmem>> -> memref<1x50xi32, #tpu.memory_space<vmem>>
    %dma_start3A_1743 = tpu.memref_squeeze %dma_start3A_1742 : memref<1x50xi32, #tpu.memory_space<vmem>> -> memref<50xi32, #tpu.memory_space<vmem>>
    %dma_start3A_1744 = arith.constant 0 : i32
    %dma_start3A_1745 = arith.constant 0 : i32
    %dma_start3A_1746 = tpu.memref_slice %arg3[%dma_start3A_1744, %dma_start3A_1745] : memref<1000000x128xf32, #tpu.memory_space<hbm>> -> memref<1000000x128xf32, #tpu.memory_space<hbm>>
    tpu.enqueue_indirect_dma source(%dma_start3A_1746 : memref<1000000x128xf32, #tpu.memory_space<hbm>>) target(%dma_start3A_1740 : memref<50x128xf32, #tpu.memory_space<vmem>>) offsets(%dma_start3A_1743 : memref<50xi32, #tpu.memory_space<vmem>>) semaphore(%arg8 : memref<!tpu.dma_semaphore, #tpu.memory_space<semaphore_mem>>)
    %dma_wait3A_1747 = arith.constant 56 : i32
    %dma_wait3A_1748 = arith.constant 0 : i32
    %dma_wait3A_1749 = arith.constant 0 : i32
    %dma_wait3A_1750 = arith.constant 0 : i32
    %dma_wait3A_1751 = tpu.memref_slice %arg7[%dma_wait3A_1748, %dma_wait3A_1749, %dma_wait3A_1750] : memref<8x50x128xf32, #tpu.memory_space<vmem>> -> memref<1x50x128xf32, #tpu.memory_space<vmem>>
    %dma_wait3A_1752 = tpu.memref_squeeze %dma_wait3A_1751 : memref<1x50x128xf32, #tpu.memory_space<vmem>> -> memref<50x128xf32, #tpu.memory_space<vmem>>
    %dma_wait3A_1753 = arith.constant 0 : i32
    %dma_wait3A_1754 = tpu.memref_slice %arg5[%dma_wait3A_1747, %dma_wait3A_1753] : memref<128x50xi32, #tpu.memory_space<vmem>> -> memref<1x50xi32, #tpu.memory_space<vmem>>
    %dma_wait3A_1755 = tpu.memref_squeeze %dma_wait3A_1754 : memref<1x50xi32, #tpu.memory_space<vmem>> -> memref<50xi32, #tpu.memory_space<vmem>>
    %dma_wait3A_1756 = arith.constant 0 : i32
    %dma_wait3A_1757 = arith.constant 0 : i32
    %dma_wait3A_1758 = tpu.memref_slice %arg3[%dma_wait3A_1756, %dma_wait3A_1757] : memref<1000000x128xf32, #tpu.memory_space<hbm>> -> memref<1000000x128xf32, #tpu.memory_space<hbm>>
    tpu.wait_indirect_dma semaphore(%arg9 : memref<!tpu.dma_semaphore, #tpu.memory_space<semaphore_mem>>) src(%dma_wait3A_1758 : memref<1000000x128xf32, #tpu.memory_space<hbm>>) dst(%dma_wait3A_1752 : memref<50x128xf32, #tpu.memory_space<vmem>>)
    %dma_wait3A_1759 = arith.constant 57 : i32
    %dma_wait3A_1760 = arith.constant 1 : i32
    %dma_wait3A_1761 = arith.constant 0 : i32
    %dma_wait3A_1762 = arith.constant 0 : i32
    %dma_wait3A_1763 = tpu.memref_slice %arg7[%dma_wait3A_1760, %dma_wait3A_1761, %dma_wait3A_1762] : memref<8x50x128xf32, #tpu.memory_space<vmem>> -> memref<1x50x128xf32, #tpu.memory_space<vmem>>
    %dma_wait3A_1764 = tpu.memref_squeeze %dma_wait3A_1763 : memref<1x50x128xf32, #tpu.memory_space<vmem>> -> memref<50x128xf32, #tpu.memory_space<vmem>>
    %dma_wait3A_1765 = arith.constant 0 : i32
    %dma_wait3A_1766 = tpu.memref_slice %arg5[%dma_wait3A_1759, %dma_wait3A_1765] : memref<128x50xi32, #tpu.memory_space<vmem>> -> memref<1x50xi32, #tpu.memory_space<vmem>>
    %dma_wait3A_1767 = tpu.memref_squeeze %dma_wait3A_1766 : memref<1x50xi32, #tpu.memory_space<vmem>> -> memref<50xi32, #tpu.memory_space<vmem>>
    %dma_wait3A_1768 = arith.constant 0 : i32
    %dma_wait3A_1769 = arith.constant 0 : i32
    %dma_wait3A_1770 = tpu.memref_slice %arg3[%dma_wait3A_1768, %dma_wait3A_1769] : memref<1000000x128xf32, #tpu.memory_space<hbm>> -> memref<1000000x128xf32, #tpu.memory_space<hbm>>
    tpu.wait_indirect_dma semaphore(%arg9 : memref<!tpu.dma_semaphore, #tpu.memory_space<semaphore_mem>>) src(%dma_wait3A_1770 : memref<1000000x128xf32, #tpu.memory_space<hbm>>) dst(%dma_wait3A_1764 : memref<50x128xf32, #tpu.memory_space<vmem>>)
    %dma_wait3A_1771 = arith.constant 58 : i32
    %dma_wait3A_1772 = arith.constant 2 : i32
    %dma_wait3A_1773 = arith.constant 0 : i32
    %dma_wait3A_1774 = arith.constant 0 : i32
    %dma_wait3A_1775 = tpu.memref_slice %arg7[%dma_wait3A_1772, %dma_wait3A_1773, %dma_wait3A_1774] : memref<8x50x128xf32, #tpu.memory_space<vmem>> -> memref<1x50x128xf32, #tpu.memory_space<vmem>>
    %dma_wait3A_1776 = tpu.memref_squeeze %dma_wait3A_1775 : memref<1x50x128xf32, #tpu.memory_space<vmem>> -> memref<50x128xf32, #tpu.memory_space<vmem>>
    %dma_wait3A_1777 = arith.constant 0 : i32
    %dma_wait3A_1778 = tpu.memref_slice %arg5[%dma_wait3A_1771, %dma_wait3A_1777] : memref<128x50xi32, #tpu.memory_space<vmem>> -> memref<1x50xi32, #tpu.memory_space<vmem>>
    %dma_wait3A_1779 = tpu.memref_squeeze %dma_wait3A_1778 : memref<1x50xi32, #tpu.memory_space<vmem>> -> memref<50xi32, #tpu.memory_space<vmem>>
    %dma_wait3A_1780 = arith.constant 0 : i32
    %dma_wait3A_1781 = arith.constant 0 : i32
    %dma_wait3A_1782 = tpu.memref_slice %arg3[%dma_wait3A_1780, %dma_wait3A_1781] : memref<1000000x128xf32, #tpu.memory_space<hbm>> -> memref<1000000x128xf32, #tpu.memory_space<hbm>>
    tpu.wait_indirect_dma semaphore(%arg9 : memref<!tpu.dma_semaphore, #tpu.memory_space<semaphore_mem>>) src(%dma_wait3A_1782 : memref<1000000x128xf32, #tpu.memory_space<hbm>>) dst(%dma_wait3A_1776 : memref<50x128xf32, #tpu.memory_space<vmem>>)
    %dma_wait3A_1783 = arith.constant 59 : i32
    %dma_wait3A_1784 = arith.constant 3 : i32
    %dma_wait3A_1785 = arith.constant 0 : i32
    %dma_wait3A_1786 = arith.constant 0 : i32
    %dma_wait3A_1787 = tpu.memref_slice %arg7[%dma_wait3A_1784, %dma_wait3A_1785, %dma_wait3A_1786] : memref<8x50x128xf32, #tpu.memory_space<vmem>> -> memref<1x50x128xf32, #tpu.memory_space<vmem>>
    %dma_wait3A_1788 = tpu.memref_squeeze %dma_wait3A_1787 : memref<1x50x128xf32, #tpu.memory_space<vmem>> -> memref<50x128xf32, #tpu.memory_space<vmem>>
    %dma_wait3A_1789 = arith.constant 0 : i32
    %dma_wait3A_1790 = tpu.memref_slice %arg5[%dma_wait3A_1783, %dma_wait3A_1789] : memref<128x50xi32, #tpu.memory_space<vmem>> -> memref<1x50xi32, #tpu.memory_space<vmem>>
    %dma_wait3A_1791 = tpu.memref_squeeze %dma_wait3A_1790 : memref<1x50xi32, #tpu.memory_space<vmem>> -> memref<50xi32, #tpu.memory_space<vmem>>
    %dma_wait3A_1792 = arith.constant 0 : i32
    %dma_wait3A_1793 = arith.constant 0 : i32
    %dma_wait3A_1794 = tpu.memref_slice %arg3[%dma_wait3A_1792, %dma_wait3A_1793] : memref<1000000x128xf32, #tpu.memory_space<hbm>> -> memref<1000000x128xf32, #tpu.memory_space<hbm>>
    tpu.wait_indirect_dma semaphore(%arg9 : memref<!tpu.dma_semaphore, #tpu.memory_space<semaphore_mem>>) src(%dma_wait3A_1794 : memref<1000000x128xf32, #tpu.memory_space<hbm>>) dst(%dma_wait3A_1788 : memref<50x128xf32, #tpu.memory_space<vmem>>)
    %dma_wait3A_1795 = arith.constant 60 : i32
    %dma_wait3A_1796 = arith.constant 4 : i32
    %dma_wait3A_1797 = arith.constant 0 : i32
    %dma_wait3A_1798 = arith.constant 0 : i32
    %dma_wait3A_1799 = tpu.memref_slice %arg7[%dma_wait3A_1796, %dma_wait3A_1797, %dma_wait3A_1798] : memref<8x50x128xf32, #tpu.memory_space<vmem>> -> memref<1x50x128xf32, #tpu.memory_space<vmem>>
    %dma_wait3A_1800 = tpu.memref_squeeze %dma_wait3A_1799 : memref<1x50x128xf32, #tpu.memory_space<vmem>> -> memref<50x128xf32, #tpu.memory_space<vmem>>
    %dma_wait3A_1801 = arith.constant 0 : i32
    %dma_wait3A_1802 = tpu.memref_slice %arg5[%dma_wait3A_1795, %dma_wait3A_1801] : memref<128x50xi32, #tpu.memory_space<vmem>> -> memref<1x50xi32, #tpu.memory_space<vmem>>
    %dma_wait3A_1803 = tpu.memref_squeeze %dma_wait3A_1802 : memref<1x50xi32, #tpu.memory_space<vmem>> -> memref<50xi32, #tpu.memory_space<vmem>>
    %dma_wait3A_1804 = arith.constant 0 : i32
    %dma_wait3A_1805 = arith.constant 0 : i32
    %dma_wait3A_1806 = tpu.memref_slice %arg3[%dma_wait3A_1804, %dma_wait3A_1805] : memref<1000000x128xf32, #tpu.memory_space<hbm>> -> memref<1000000x128xf32, #tpu.memory_space<hbm>>
    tpu.wait_indirect_dma semaphore(%arg9 : memref<!tpu.dma_semaphore, #tpu.memory_space<semaphore_mem>>) src(%dma_wait3A_1806 : memref<1000000x128xf32, #tpu.memory_space<hbm>>) dst(%dma_wait3A_1800 : memref<50x128xf32, #tpu.memory_space<vmem>>)
    %dma_wait3A_1807 = arith.constant 61 : i32
    %dma_wait3A_1808 = arith.constant 5 : i32
    %dma_wait3A_1809 = arith.constant 0 : i32
    %dma_wait3A_1810 = arith.constant 0 : i32
    %dma_wait3A_1811 = tpu.memref_slice %arg7[%dma_wait3A_1808, %dma_wait3A_1809, %dma_wait3A_1810] : memref<8x50x128xf32, #tpu.memory_space<vmem>> -> memref<1x50x128xf32, #tpu.memory_space<vmem>>
    %dma_wait3A_1812 = tpu.memref_squeeze %dma_wait3A_1811 : memref<1x50x128xf32, #tpu.memory_space<vmem>> -> memref<50x128xf32, #tpu.memory_space<vmem>>
    %dma_wait3A_1813 = arith.constant 0 : i32
    %dma_wait3A_1814 = tpu.memref_slice %arg5[%dma_wait3A_1807, %dma_wait3A_1813] : memref<128x50xi32, #tpu.memory_space<vmem>> -> memref<1x50xi32, #tpu.memory_space<vmem>>
    %dma_wait3A_1815 = tpu.memref_squeeze %dma_wait3A_1814 : memref<1x50xi32, #tpu.memory_space<vmem>> -> memref<50xi32, #tpu.memory_space<vmem>>
    %dma_wait3A_1816 = arith.constant 0 : i32
    %dma_wait3A_1817 = arith.constant 0 : i32
    %dma_wait3A_1818 = tpu.memref_slice %arg3[%dma_wait3A_1816, %dma_wait3A_1817] : memref<1000000x128xf32, #tpu.memory_space<hbm>> -> memref<1000000x128xf32, #tpu.memory_space<hbm>>
    tpu.wait_indirect_dma semaphore(%arg9 : memref<!tpu.dma_semaphore, #tpu.memory_space<semaphore_mem>>) src(%dma_wait3A_1818 : memref<1000000x128xf32, #tpu.memory_space<hbm>>) dst(%dma_wait3A_1812 : memref<50x128xf32, #tpu.memory_space<vmem>>)
    %dma_wait3A_1819 = arith.constant 62 : i32
    %dma_wait3A_1820 = arith.constant 6 : i32
    %dma_wait3A_1821 = arith.constant 0 : i32
    %dma_wait3A_1822 = arith.constant 0 : i32
    %dma_wait3A_1823 = tpu.memref_slice %arg7[%dma_wait3A_1820, %dma_wait3A_1821, %dma_wait3A_1822] : memref<8x50x128xf32, #tpu.memory_space<vmem>> -> memref<1x50x128xf32, #tpu.memory_space<vmem>>
    %dma_wait3A_1824 = tpu.memref_squeeze %dma_wait3A_1823 : memref<1x50x128xf32, #tpu.memory_space<vmem>> -> memref<50x128xf32, #tpu.memory_space<vmem>>
    %dma_wait3A_1825 = arith.constant 0 : i32
    %dma_wait3A_1826 = tpu.memref_slice %arg5[%dma_wait3A_1819, %dma_wait3A_1825] : memref<128x50xi32, #tpu.memory_space<vmem>> -> memref<1x50xi32, #tpu.memory_space<vmem>>
    %dma_wait3A_1827 = tpu.memref_squeeze %dma_wait3A_1826 : memref<1x50xi32, #tpu.memory_space<vmem>> -> memref<50xi32, #tpu.memory_space<vmem>>
    %dma_wait3A_1828 = arith.constant 0 : i32
    %dma_wait3A_1829 = arith.constant 0 : i32
    %dma_wait3A_1830 = tpu.memref_slice %arg3[%dma_wait3A_1828, %dma_wait3A_1829] : memref<1000000x128xf32, #tpu.memory_space<hbm>> -> memref<1000000x128xf32, #tpu.memory_space<hbm>>
    tpu.wait_indirect_dma semaphore(%arg9 : memref<!tpu.dma_semaphore, #tpu.memory_space<semaphore_mem>>) src(%dma_wait3A_1830 : memref<1000000x128xf32, #tpu.memory_space<hbm>>) dst(%dma_wait3A_1824 : memref<50x128xf32, #tpu.memory_space<vmem>>)
    %dma_wait3A_1831 = arith.constant 63 : i32
    %dma_wait3A_1832 = arith.constant 7 : i32
    %dma_wait3A_1833 = arith.constant 0 : i32
    %dma_wait3A_1834 = arith.constant 0 : i32
    %dma_wait3A_1835 = tpu.memref_slice %arg7[%dma_wait3A_1832, %dma_wait3A_1833, %dma_wait3A_1834] : memref<8x50x128xf32, #tpu.memory_space<vmem>> -> memref<1x50x128xf32, #tpu.memory_space<vmem>>
    %dma_wait3A_1836 = tpu.memref_squeeze %dma_wait3A_1835 : memref<1x50x128xf32, #tpu.memory_space<vmem>> -> memref<50x128xf32, #tpu.memory_space<vmem>>
    %dma_wait3A_1837 = arith.constant 0 : i32
    %dma_wait3A_1838 = tpu.memref_slice %arg5[%dma_wait3A_1831, %dma_wait3A_1837] : memref<128x50xi32, #tpu.memory_space<vmem>> -> memref<1x50xi32, #tpu.memory_space<vmem>>
    %dma_wait3A_1839 = tpu.memref_squeeze %dma_wait3A_1838 : memref<1x50xi32, #tpu.memory_space<vmem>> -> memref<50xi32, #tpu.memory_space<vmem>>
    %dma_wait3A_1840 = arith.constant 0 : i32
    %dma_wait3A_1841 = arith.constant 0 : i32
    %dma_wait3A_1842 = tpu.memref_slice %arg3[%dma_wait3A_1840, %dma_wait3A_1841] : memref<1000000x128xf32, #tpu.memory_space<hbm>> -> memref<1000000x128xf32, #tpu.memory_space<hbm>>
    tpu.wait_indirect_dma semaphore(%arg9 : memref<!tpu.dma_semaphore, #tpu.memory_space<semaphore_mem>>) src(%dma_wait3A_1842 : memref<1000000x128xf32, #tpu.memory_space<hbm>>) dst(%dma_wait3A_1836 : memref<50x128xf32, #tpu.memory_space<vmem>>)
    %add3A_1843 = arith.constant 56 : i32
    %add3A_1844 = arith.addi %mul3A_2, %add3A_1843 : i32
    %dma_start3A_1845 = arith.constant 0 : i32
    %dma_start3A_1846 = arith.constant 0 : i32
    %dma_start3A_1847 = arith.constant 0 : i32
    %dma_start3A_1848 = tpu.memref_slice %arg7[%dma_start3A_1845, %dma_start3A_1846, %dma_start3A_1847] : memref<8x50x128xf32, #tpu.memory_space<vmem>> -> memref<8x50x64xf32, #tpu.memory_space<vmem>>
    %dma_start3A_1849 = arith.constant 0 : i32
    %dma_start3A_1850 = arith.constant 0 : i32
    %dma_start3A_1851 = tpu.memref_slice %arg4[%add3A_1844, %dma_start3A_1849, %dma_start3A_1850] : memref<4096x50x64xf32, #tpu.memory_space<hbm>> -> memref<8x50x64xf32, #tpu.memory_space<hbm>>
    %dma_start3A_1852 = arith.constant 0 : i32
    %dma_start3A_1853 = arith.constant 0 : i32
    %dma_start3A_1854 = tpu.memref_slice %arg4[%add3A_1844, %dma_start3A_1852, %dma_start3A_1853] : memref<4096x50x64xf32, #tpu.memory_space<hbm>> -> memref<8x50x64xf32, #tpu.memory_space<hbm>>
    %dma_start3A_1855 = arith.constant 0 : i32
    %dma_start3A_1856 = arith.constant 0 : i32
    %dma_start3A_1857 = arith.constant 0 : i32
    %dma_start3A_1858 = tpu.memref_slice %arg7[%dma_start3A_1855, %dma_start3A_1856, %dma_start3A_1857] : memref<8x50x128xf32, #tpu.memory_space<vmem>> -> memref<8x50x64xf32, #tpu.memory_space<vmem>>
    tpu.enqueue_dma source(%dma_start3A_1858 : memref<8x50x64xf32, #tpu.memory_space<vmem>>) target(%dma_start3A_1854 : memref<8x50x64xf32, #tpu.memory_space<hbm>>) target_semaphore(%arg11 : memref<!tpu.dma_semaphore, #tpu.memory_space<semaphore_mem>>)
    %dma_wait3A_1859 = arith.constant 0 : i32
    %dma_wait3A_1860 = arith.constant 0 : i32
    %dma_wait3A_1861 = arith.constant 0 : i32
    %dma_wait3A_1862 = tpu.memref_slice %arg7[%dma_wait3A_1859, %dma_wait3A_1860, %dma_wait3A_1861] : memref<8x50x128xf32, #tpu.memory_space<vmem>> -> memref<8x50x64xf32, #tpu.memory_space<vmem>>
    %dma_wait3A_1863 = arith.constant 0 : i32
    %dma_wait3A_1864 = arith.constant 0 : i32
    %dma_wait3A_1865 = tpu.memref_slice %arg4[%add3A_1844, %dma_wait3A_1863, %dma_wait3A_1864] : memref<4096x50x64xf32, #tpu.memory_space<hbm>> -> memref<8x50x64xf32, #tpu.memory_space<hbm>>
    %dma_wait3A_1866 = arith.constant 0 : i32
    %dma_wait3A_1867 = arith.constant 0 : i32
    %dma_wait3A_1868 = tpu.memref_slice %arg4[%add3A_1844, %dma_wait3A_1866, %dma_wait3A_1867] : memref<4096x50x64xf32, #tpu.memory_space<hbm>> -> memref<8x50x64xf32, #tpu.memory_space<hbm>>
    %dma_wait3A_1869 = arith.constant 0 : i32
    %dma_wait3A_1870 = arith.constant 0 : i32
    %dma_wait3A_1871 = arith.constant 0 : i32
    %dma_wait3A_1872 = tpu.memref_slice %arg7[%dma_wait3A_1869, %dma_wait3A_1870, %dma_wait3A_1871] : memref<8x50x128xf32, #tpu.memory_space<vmem>> -> memref<8x50x64xf32, #tpu.memory_space<vmem>>
    tpu.wait_dma2 semaphore(%arg11 : memref<!tpu.dma_semaphore, #tpu.memory_space<semaphore_mem>>) src(%dma_wait3A_1872 : memref<8x50x64xf32, #tpu.memory_space<vmem>>) dst(%dma_wait3A_1868 : memref<8x50x64xf32, #tpu.memory_space<hbm>>)
    %dma_start3A_1873 = arith.constant 72 : i32
    %dma_start3A_1874 = arith.constant 0 : i32
    %dma_start3A_1875 = arith.constant 0 : i32
    %dma_start3A_1876 = arith.constant 0 : i32
    %dma_start3A_1877 = tpu.memref_slice %arg7[%dma_start3A_1874, %dma_start3A_1875, %dma_start3A_1876] : memref<8x50x128xf32, #tpu.memory_space<vmem>> -> memref<1x50x128xf32, #tpu.memory_space<vmem>>
    %dma_start3A_1878 = tpu.memref_squeeze %dma_start3A_1877 : memref<1x50x128xf32, #tpu.memory_space<vmem>> -> memref<50x128xf32, #tpu.memory_space<vmem>>
    %dma_start3A_1879 = arith.constant 0 : i32
    %dma_start3A_1880 = tpu.memref_slice %arg5[%dma_start3A_1873, %dma_start3A_1879] : memref<128x50xi32, #tpu.memory_space<vmem>> -> memref<1x50xi32, #tpu.memory_space<vmem>>
    %dma_start3A_1881 = tpu.memref_squeeze %dma_start3A_1880 : memref<1x50xi32, #tpu.memory_space<vmem>> -> memref<50xi32, #tpu.memory_space<vmem>>
    %dma_start3A_1882 = arith.constant 0 : i32
    %dma_start3A_1883 = arith.constant 0 : i32
    %dma_start3A_1884 = tpu.memref_slice %arg3[%dma_start3A_1882, %dma_start3A_1883] : memref<1000000x128xf32, #tpu.memory_space<hbm>> -> memref<1000000x128xf32, #tpu.memory_space<hbm>>
    tpu.enqueue_indirect_dma source(%dma_start3A_1884 : memref<1000000x128xf32, #tpu.memory_space<hbm>>) target(%dma_start3A_1878 : memref<50x128xf32, #tpu.memory_space<vmem>>) offsets(%dma_start3A_1881 : memref<50xi32, #tpu.memory_space<vmem>>) semaphore(%arg9 : memref<!tpu.dma_semaphore, #tpu.memory_space<semaphore_mem>>)
    %dma_start3A_1885 = arith.constant 73 : i32
    %dma_start3A_1886 = arith.constant 1 : i32
    %dma_start3A_1887 = arith.constant 0 : i32
    %dma_start3A_1888 = arith.constant 0 : i32
    %dma_start3A_1889 = tpu.memref_slice %arg7[%dma_start3A_1886, %dma_start3A_1887, %dma_start3A_1888] : memref<8x50x128xf32, #tpu.memory_space<vmem>> -> memref<1x50x128xf32, #tpu.memory_space<vmem>>
    %dma_start3A_1890 = tpu.memref_squeeze %dma_start3A_1889 : memref<1x50x128xf32, #tpu.memory_space<vmem>> -> memref<50x128xf32, #tpu.memory_space<vmem>>
    %dma_start3A_1891 = arith.constant 0 : i32
    %dma_start3A_1892 = tpu.memref_slice %arg5[%dma_start3A_1885, %dma_start3A_1891] : memref<128x50xi32, #tpu.memory_space<vmem>> -> memref<1x50xi32, #tpu.memory_space<vmem>>
    %dma_start3A_1893 = tpu.memref_squeeze %dma_start3A_1892 : memref<1x50xi32, #tpu.memory_space<vmem>> -> memref<50xi32, #tpu.memory_space<vmem>>
    %dma_start3A_1894 = arith.constant 0 : i32
    %dma_start3A_1895 = arith.constant 0 : i32
    %dma_start3A_1896 = tpu.memref_slice %arg3[%dma_start3A_1894, %dma_start3A_1895] : memref<1000000x128xf32, #tpu.memory_space<hbm>> -> memref<1000000x128xf32, #tpu.memory_space<hbm>>
    tpu.enqueue_indirect_dma source(%dma_start3A_1896 : memref<1000000x128xf32, #tpu.memory_space<hbm>>) target(%dma_start3A_1890 : memref<50x128xf32, #tpu.memory_space<vmem>>) offsets(%dma_start3A_1893 : memref<50xi32, #tpu.memory_space<vmem>>) semaphore(%arg9 : memref<!tpu.dma_semaphore, #tpu.memory_space<semaphore_mem>>)
    %dma_start3A_1897 = arith.constant 74 : i32
    %dma_start3A_1898 = arith.constant 2 : i32
    %dma_start3A_1899 = arith.constant 0 : i32
    %dma_start3A_1900 = arith.constant 0 : i32
    %dma_start3A_1901 = tpu.memref_slice %arg7[%dma_start3A_1898, %dma_start3A_1899, %dma_start3A_1900] : memref<8x50x128xf32, #tpu.memory_space<vmem>> -> memref<1x50x128xf32, #tpu.memory_space<vmem>>
    %dma_start3A_1902 = tpu.memref_squeeze %dma_start3A_1901 : memref<1x50x128xf32, #tpu.memory_space<vmem>> -> memref<50x128xf32, #tpu.memory_space<vmem>>
    %dma_start3A_1903 = arith.constant 0 : i32
    %dma_start3A_1904 = tpu.memref_slice %arg5[%dma_start3A_1897, %dma_start3A_1903] : memref<128x50xi32, #tpu.memory_space<vmem>> -> memref<1x50xi32, #tpu.memory_space<vmem>>
    %dma_start3A_1905 = tpu.memref_squeeze %dma_start3A_1904 : memref<1x50xi32, #tpu.memory_space<vmem>> -> memref<50xi32, #tpu.memory_space<vmem>>
    %dma_start3A_1906 = arith.constant 0 : i32
    %dma_start3A_1907 = arith.constant 0 : i32
    %dma_start3A_1908 = tpu.memref_slice %arg3[%dma_start3A_1906, %dma_start3A_1907] : memref<1000000x128xf32, #tpu.memory_space<hbm>> -> memref<1000000x128xf32, #tpu.memory_space<hbm>>
    tpu.enqueue_indirect_dma source(%dma_start3A_1908 : memref<1000000x128xf32, #tpu.memory_space<hbm>>) target(%dma_start3A_1902 : memref<50x128xf32, #tpu.memory_space<vmem>>) offsets(%dma_start3A_1905 : memref<50xi32, #tpu.memory_space<vmem>>) semaphore(%arg9 : memref<!tpu.dma_semaphore, #tpu.memory_space<semaphore_mem>>)
    %dma_start3A_1909 = arith.constant 75 : i32
    %dma_start3A_1910 = arith.constant 3 : i32
    %dma_start3A_1911 = arith.constant 0 : i32
    %dma_start3A_1912 = arith.constant 0 : i32
    %dma_start3A_1913 = tpu.memref_slice %arg7[%dma_start3A_1910, %dma_start3A_1911, %dma_start3A_1912] : memref<8x50x128xf32, #tpu.memory_space<vmem>> -> memref<1x50x128xf32, #tpu.memory_space<vmem>>
    %dma_start3A_1914 = tpu.memref_squeeze %dma_start3A_1913 : memref<1x50x128xf32, #tpu.memory_space<vmem>> -> memref<50x128xf32, #tpu.memory_space<vmem>>
    %dma_start3A_1915 = arith.constant 0 : i32
    %dma_start3A_1916 = tpu.memref_slice %arg5[%dma_start3A_1909, %dma_start3A_1915] : memref<128x50xi32, #tpu.memory_space<vmem>> -> memref<1x50xi32, #tpu.memory_space<vmem>>
    %dma_start3A_1917 = tpu.memref_squeeze %dma_start3A_1916 : memref<1x50xi32, #tpu.memory_space<vmem>> -> memref<50xi32, #tpu.memory_space<vmem>>
    %dma_start3A_1918 = arith.constant 0 : i32
    %dma_start3A_1919 = arith.constant 0 : i32
    %dma_start3A_1920 = tpu.memref_slice %arg3[%dma_start3A_1918, %dma_start3A_1919] : memref<1000000x128xf32, #tpu.memory_space<hbm>> -> memref<1000000x128xf32, #tpu.memory_space<hbm>>
    tpu.enqueue_indirect_dma source(%dma_start3A_1920 : memref<1000000x128xf32, #tpu.memory_space<hbm>>) target(%dma_start3A_1914 : memref<50x128xf32, #tpu.memory_space<vmem>>) offsets(%dma_start3A_1917 : memref<50xi32, #tpu.memory_space<vmem>>) semaphore(%arg9 : memref<!tpu.dma_semaphore, #tpu.memory_space<semaphore_mem>>)
    %dma_start3A_1921 = arith.constant 76 : i32
    %dma_start3A_1922 = arith.constant 4 : i32
    %dma_start3A_1923 = arith.constant 0 : i32
    %dma_start3A_1924 = arith.constant 0 : i32
    %dma_start3A_1925 = tpu.memref_slice %arg7[%dma_start3A_1922, %dma_start3A_1923, %dma_start3A_1924] : memref<8x50x128xf32, #tpu.memory_space<vmem>> -> memref<1x50x128xf32, #tpu.memory_space<vmem>>
    %dma_start3A_1926 = tpu.memref_squeeze %dma_start3A_1925 : memref<1x50x128xf32, #tpu.memory_space<vmem>> -> memref<50x128xf32, #tpu.memory_space<vmem>>
    %dma_start3A_1927 = arith.constant 0 : i32
    %dma_start3A_1928 = tpu.memref_slice %arg5[%dma_start3A_1921, %dma_start3A_1927] : memref<128x50xi32, #tpu.memory_space<vmem>> -> memref<1x50xi32, #tpu.memory_space<vmem>>
    %dma_start3A_1929 = tpu.memref_squeeze %dma_start3A_1928 : memref<1x50xi32, #tpu.memory_space<vmem>> -> memref<50xi32, #tpu.memory_space<vmem>>
    %dma_start3A_1930 = arith.constant 0 : i32
    %dma_start3A_1931 = arith.constant 0 : i32
    %dma_start3A_1932 = tpu.memref_slice %arg3[%dma_start3A_1930, %dma_start3A_1931] : memref<1000000x128xf32, #tpu.memory_space<hbm>> -> memref<1000000x128xf32, #tpu.memory_space<hbm>>
    tpu.enqueue_indirect_dma source(%dma_start3A_1932 : memref<1000000x128xf32, #tpu.memory_space<hbm>>) target(%dma_start3A_1926 : memref<50x128xf32, #tpu.memory_space<vmem>>) offsets(%dma_start3A_1929 : memref<50xi32, #tpu.memory_space<vmem>>) semaphore(%arg9 : memref<!tpu.dma_semaphore, #tpu.memory_space<semaphore_mem>>)
    %dma_start3A_1933 = arith.constant 77 : i32
    %dma_start3A_1934 = arith.constant 5 : i32
    %dma_start3A_1935 = arith.constant 0 : i32
    %dma_start3A_1936 = arith.constant 0 : i32
    %dma_start3A_1937 = tpu.memref_slice %arg7[%dma_start3A_1934, %dma_start3A_1935, %dma_start3A_1936] : memref<8x50x128xf32, #tpu.memory_space<vmem>> -> memref<1x50x128xf32, #tpu.memory_space<vmem>>
    %dma_start3A_1938 = tpu.memref_squeeze %dma_start3A_1937 : memref<1x50x128xf32, #tpu.memory_space<vmem>> -> memref<50x128xf32, #tpu.memory_space<vmem>>
    %dma_start3A_1939 = arith.constant 0 : i32
    %dma_start3A_1940 = tpu.memref_slice %arg5[%dma_start3A_1933, %dma_start3A_1939] : memref<128x50xi32, #tpu.memory_space<vmem>> -> memref<1x50xi32, #tpu.memory_space<vmem>>
    %dma_start3A_1941 = tpu.memref_squeeze %dma_start3A_1940 : memref<1x50xi32, #tpu.memory_space<vmem>> -> memref<50xi32, #tpu.memory_space<vmem>>
    %dma_start3A_1942 = arith.constant 0 : i32
    %dma_start3A_1943 = arith.constant 0 : i32
    %dma_start3A_1944 = tpu.memref_slice %arg3[%dma_start3A_1942, %dma_start3A_1943] : memref<1000000x128xf32, #tpu.memory_space<hbm>> -> memref<1000000x128xf32, #tpu.memory_space<hbm>>
    tpu.enqueue_indirect_dma source(%dma_start3A_1944 : memref<1000000x128xf32, #tpu.memory_space<hbm>>) target(%dma_start3A_1938 : memref<50x128xf32, #tpu.memory_space<vmem>>) offsets(%dma_start3A_1941 : memref<50xi32, #tpu.memory_space<vmem>>) semaphore(%arg9 : memref<!tpu.dma_semaphore, #tpu.memory_space<semaphore_mem>>)
    %dma_start3A_1945 = arith.constant 78 : i32
    %dma_start3A_1946 = arith.constant 6 : i32
    %dma_start3A_1947 = arith.constant 0 : i32
    %dma_start3A_1948 = arith.constant 0 : i32
    %dma_start3A_1949 = tpu.memref_slice %arg7[%dma_start3A_1946, %dma_start3A_1947, %dma_start3A_1948] : memref<8x50x128xf32, #tpu.memory_space<vmem>> -> memref<1x50x128xf32, #tpu.memory_space<vmem>>
    %dma_start3A_1950 = tpu.memref_squeeze %dma_start3A_1949 : memref<1x50x128xf32, #tpu.memory_space<vmem>> -> memref<50x128xf32, #tpu.memory_space<vmem>>
    %dma_start3A_1951 = arith.constant 0 : i32
    %dma_start3A_1952 = tpu.memref_slice %arg5[%dma_start3A_1945, %dma_start3A_1951] : memref<128x50xi32, #tpu.memory_space<vmem>> -> memref<1x50xi32, #tpu.memory_space<vmem>>
    %dma_start3A_1953 = tpu.memref_squeeze %dma_start3A_1952 : memref<1x50xi32, #tpu.memory_space<vmem>> -> memref<50xi32, #tpu.memory_space<vmem>>
    %dma_start3A_1954 = arith.constant 0 : i32
    %dma_start3A_1955 = arith.constant 0 : i32
    %dma_start3A_1956 = tpu.memref_slice %arg3[%dma_start3A_1954, %dma_start3A_1955] : memref<1000000x128xf32, #tpu.memory_space<hbm>> -> memref<1000000x128xf32, #tpu.memory_space<hbm>>
    tpu.enqueue_indirect_dma source(%dma_start3A_1956 : memref<1000000x128xf32, #tpu.memory_space<hbm>>) target(%dma_start3A_1950 : memref<50x128xf32, #tpu.memory_space<vmem>>) offsets(%dma_start3A_1953 : memref<50xi32, #tpu.memory_space<vmem>>) semaphore(%arg9 : memref<!tpu.dma_semaphore, #tpu.memory_space<semaphore_mem>>)
    %dma_start3A_1957 = arith.constant 79 : i32
    %dma_start3A_1958 = arith.constant 7 : i32
    %dma_start3A_1959 = arith.constant 0 : i32
    %dma_start3A_1960 = arith.constant 0 : i32
    %dma_start3A_1961 = tpu.memref_slice %arg7[%dma_start3A_1958, %dma_start3A_1959, %dma_start3A_1960] : memref<8x50x128xf32, #tpu.memory_space<vmem>> -> memref<1x50x128xf32, #tpu.memory_space<vmem>>
    %dma_start3A_1962 = tpu.memref_squeeze %dma_start3A_1961 : memref<1x50x128xf32, #tpu.memory_space<vmem>> -> memref<50x128xf32, #tpu.memory_space<vmem>>
    %dma_start3A_1963 = arith.constant 0 : i32
    %dma_start3A_1964 = tpu.memref_slice %arg5[%dma_start3A_1957, %dma_start3A_1963] : memref<128x50xi32, #tpu.memory_space<vmem>> -> memref<1x50xi32, #tpu.memory_space<vmem>>
    %dma_start3A_1965 = tpu.memref_squeeze %dma_start3A_1964 : memref<1x50xi32, #tpu.memory_space<vmem>> -> memref<50xi32, #tpu.memory_space<vmem>>
    %dma_start3A_1966 = arith.constant 0 : i32
    %dma_start3A_1967 = arith.constant 0 : i32
    %dma_start3A_1968 = tpu.memref_slice %arg3[%dma_start3A_1966, %dma_start3A_1967] : memref<1000000x128xf32, #tpu.memory_space<hbm>> -> memref<1000000x128xf32, #tpu.memory_space<hbm>>
    tpu.enqueue_indirect_dma source(%dma_start3A_1968 : memref<1000000x128xf32, #tpu.memory_space<hbm>>) target(%dma_start3A_1962 : memref<50x128xf32, #tpu.memory_space<vmem>>) offsets(%dma_start3A_1965 : memref<50xi32, #tpu.memory_space<vmem>>) semaphore(%arg9 : memref<!tpu.dma_semaphore, #tpu.memory_space<semaphore_mem>>)
    %dma_wait3A_1969 = arith.constant 64 : i32
    %dma_wait3A_1970 = arith.constant 0 : i32
    %dma_wait3A_1971 = arith.constant 0 : i32
    %dma_wait3A_1972 = arith.constant 0 : i32
    %dma_wait3A_1973 = tpu.memref_slice %arg6[%dma_wait3A_1970, %dma_wait3A_1971, %dma_wait3A_1972] : memref<8x50x128xf32, #tpu.memory_space<vmem>> -> memref<1x50x128xf32, #tpu.memory_space<vmem>>
    %dma_wait3A_1974 = tpu.memref_squeeze %dma_wait3A_1973 : memref<1x50x128xf32, #tpu.memory_space<vmem>> -> memref<50x128xf32, #tpu.memory_space<vmem>>
    %dma_wait3A_1975 = arith.constant 0 : i32
    %dma_wait3A_1976 = tpu.memref_slice %arg5[%dma_wait3A_1969, %dma_wait3A_1975] : memref<128x50xi32, #tpu.memory_space<vmem>> -> memref<1x50xi32, #tpu.memory_space<vmem>>
    %dma_wait3A_1977 = tpu.memref_squeeze %dma_wait3A_1976 : memref<1x50xi32, #tpu.memory_space<vmem>> -> memref<50xi32, #tpu.memory_space<vmem>>
    %dma_wait3A_1978 = arith.constant 0 : i32
    %dma_wait3A_1979 = arith.constant 0 : i32
    %dma_wait3A_1980 = tpu.memref_slice %arg3[%dma_wait3A_1978, %dma_wait3A_1979] : memref<1000000x128xf32, #tpu.memory_space<hbm>> -> memref<1000000x128xf32, #tpu.memory_space<hbm>>
    tpu.wait_indirect_dma semaphore(%arg8 : memref<!tpu.dma_semaphore, #tpu.memory_space<semaphore_mem>>) src(%dma_wait3A_1980 : memref<1000000x128xf32, #tpu.memory_space<hbm>>) dst(%dma_wait3A_1974 : memref<50x128xf32, #tpu.memory_space<vmem>>)
    %dma_wait3A_1981 = arith.constant 65 : i32
    %dma_wait3A_1982 = arith.constant 1 : i32
    %dma_wait3A_1983 = arith.constant 0 : i32
    %dma_wait3A_1984 = arith.constant 0 : i32
    %dma_wait3A_1985 = tpu.memref_slice %arg6[%dma_wait3A_1982, %dma_wait3A_1983, %dma_wait3A_1984] : memref<8x50x128xf32, #tpu.memory_space<vmem>> -> memref<1x50x128xf32, #tpu.memory_space<vmem>>
    %dma_wait3A_1986 = tpu.memref_squeeze %dma_wait3A_1985 : memref<1x50x128xf32, #tpu.memory_space<vmem>> -> memref<50x128xf32, #tpu.memory_space<vmem>>
    %dma_wait3A_1987 = arith.constant 0 : i32
    %dma_wait3A_1988 = tpu.memref_slice %arg5[%dma_wait3A_1981, %dma_wait3A_1987] : memref<128x50xi32, #tpu.memory_space<vmem>> -> memref<1x50xi32, #tpu.memory_space<vmem>>
    %dma_wait3A_1989 = tpu.memref_squeeze %dma_wait3A_1988 : memref<1x50xi32, #tpu.memory_space<vmem>> -> memref<50xi32, #tpu.memory_space<vmem>>
    %dma_wait3A_1990 = arith.constant 0 : i32
    %dma_wait3A_1991 = arith.constant 0 : i32
    %dma_wait3A_1992 = tpu.memref_slice %arg3[%dma_wait3A_1990, %dma_wait3A_1991] : memref<1000000x128xf32, #tpu.memory_space<hbm>> -> memref<1000000x128xf32, #tpu.memory_space<hbm>>
    tpu.wait_indirect_dma semaphore(%arg8 : memref<!tpu.dma_semaphore, #tpu.memory_space<semaphore_mem>>) src(%dma_wait3A_1992 : memref<1000000x128xf32, #tpu.memory_space<hbm>>) dst(%dma_wait3A_1986 : memref<50x128xf32, #tpu.memory_space<vmem>>)
    %dma_wait3A_1993 = arith.constant 66 : i32
    %dma_wait3A_1994 = arith.constant 2 : i32
    %dma_wait3A_1995 = arith.constant 0 : i32
    %dma_wait3A_1996 = arith.constant 0 : i32
    %dma_wait3A_1997 = tpu.memref_slice %arg6[%dma_wait3A_1994, %dma_wait3A_1995, %dma_wait3A_1996] : memref<8x50x128xf32, #tpu.memory_space<vmem>> -> memref<1x50x128xf32, #tpu.memory_space<vmem>>
    %dma_wait3A_1998 = tpu.memref_squeeze %dma_wait3A_1997 : memref<1x50x128xf32, #tpu.memory_space<vmem>> -> memref<50x128xf32, #tpu.memory_space<vmem>>
    %dma_wait3A_1999 = arith.constant 0 : i32
    %dma_wait3A_2000 = tpu.memref_slice %arg5[%dma_wait3A_1993, %dma_wait3A_1999] : memref<128x50xi32, #tpu.memory_space<vmem>> -> memref<1x50xi32, #tpu.memory_space<vmem>>
    %dma_wait3A_2001 = tpu.memref_squeeze %dma_wait3A_2000 : memref<1x50xi32, #tpu.memory_space<vmem>> -> memref<50xi32, #tpu.memory_space<vmem>>
    %dma_wait3A_2002 = arith.constant 0 : i32
    %dma_wait3A_2003 = arith.constant 0 : i32
    %dma_wait3A_2004 = tpu.memref_slice %arg3[%dma_wait3A_2002, %dma_wait3A_2003] : memref<1000000x128xf32, #tpu.memory_space<hbm>> -> memref<1000000x128xf32, #tpu.memory_space<hbm>>
    tpu.wait_indirect_dma semaphore(%arg8 : memref<!tpu.dma_semaphore, #tpu.memory_space<semaphore_mem>>) src(%dma_wait3A_2004 : memref<1000000x128xf32, #tpu.memory_space<hbm>>) dst(%dma_wait3A_1998 : memref<50x128xf32, #tpu.memory_space<vmem>>)
    %dma_wait3A_2005 = arith.constant 67 : i32
    %dma_wait3A_2006 = arith.constant 3 : i32
    %dma_wait3A_2007 = arith.constant 0 : i32
    %dma_wait3A_2008 = arith.constant 0 : i32
    %dma_wait3A_2009 = tpu.memref_slice %arg6[%dma_wait3A_2006, %dma_wait3A_2007, %dma_wait3A_2008] : memref<8x50x128xf32, #tpu.memory_space<vmem>> -> memref<1x50x128xf32, #tpu.memory_space<vmem>>
    %dma_wait3A_2010 = tpu.memref_squeeze %dma_wait3A_2009 : memref<1x50x128xf32, #tpu.memory_space<vmem>> -> memref<50x128xf32, #tpu.memory_space<vmem>>
    %dma_wait3A_2011 = arith.constant 0 : i32
    %dma_wait3A_2012 = tpu.memref_slice %arg5[%dma_wait3A_2005, %dma_wait3A_2011] : memref<128x50xi32, #tpu.memory_space<vmem>> -> memref<1x50xi32, #tpu.memory_space<vmem>>
    %dma_wait3A_2013 = tpu.memref_squeeze %dma_wait3A_2012 : memref<1x50xi32, #tpu.memory_space<vmem>> -> memref<50xi32, #tpu.memory_space<vmem>>
    %dma_wait3A_2014 = arith.constant 0 : i32
    %dma_wait3A_2015 = arith.constant 0 : i32
    %dma_wait3A_2016 = tpu.memref_slice %arg3[%dma_wait3A_2014, %dma_wait3A_2015] : memref<1000000x128xf32, #tpu.memory_space<hbm>> -> memref<1000000x128xf32, #tpu.memory_space<hbm>>
    tpu.wait_indirect_dma semaphore(%arg8 : memref<!tpu.dma_semaphore, #tpu.memory_space<semaphore_mem>>) src(%dma_wait3A_2016 : memref<1000000x128xf32, #tpu.memory_space<hbm>>) dst(%dma_wait3A_2010 : memref<50x128xf32, #tpu.memory_space<vmem>>)
    %dma_wait3A_2017 = arith.constant 68 : i32
    %dma_wait3A_2018 = arith.constant 4 : i32
    %dma_wait3A_2019 = arith.constant 0 : i32
    %dma_wait3A_2020 = arith.constant 0 : i32
    %dma_wait3A_2021 = tpu.memref_slice %arg6[%dma_wait3A_2018, %dma_wait3A_2019, %dma_wait3A_2020] : memref<8x50x128xf32, #tpu.memory_space<vmem>> -> memref<1x50x128xf32, #tpu.memory_space<vmem>>
    %dma_wait3A_2022 = tpu.memref_squeeze %dma_wait3A_2021 : memref<1x50x128xf32, #tpu.memory_space<vmem>> -> memref<50x128xf32, #tpu.memory_space<vmem>>
    %dma_wait3A_2023 = arith.constant 0 : i32
    %dma_wait3A_2024 = tpu.memref_slice %arg5[%dma_wait3A_2017, %dma_wait3A_2023] : memref<128x50xi32, #tpu.memory_space<vmem>> -> memref<1x50xi32, #tpu.memory_space<vmem>>
    %dma_wait3A_2025 = tpu.memref_squeeze %dma_wait3A_2024 : memref<1x50xi32, #tpu.memory_space<vmem>> -> memref<50xi32, #tpu.memory_space<vmem>>
    %dma_wait3A_2026 = arith.constant 0 : i32
    %dma_wait3A_2027 = arith.constant 0 : i32
    %dma_wait3A_2028 = tpu.memref_slice %arg3[%dma_wait3A_2026, %dma_wait3A_2027] : memref<1000000x128xf32, #tpu.memory_space<hbm>> -> memref<1000000x128xf32, #tpu.memory_space<hbm>>
    tpu.wait_indirect_dma semaphore(%arg8 : memref<!tpu.dma_semaphore, #tpu.memory_space<semaphore_mem>>) src(%dma_wait3A_2028 : memref<1000000x128xf32, #tpu.memory_space<hbm>>) dst(%dma_wait3A_2022 : memref<50x128xf32, #tpu.memory_space<vmem>>)
    %dma_wait3A_2029 = arith.constant 69 : i32
    %dma_wait3A_2030 = arith.constant 5 : i32
    %dma_wait3A_2031 = arith.constant 0 : i32
    %dma_wait3A_2032 = arith.constant 0 : i32
    %dma_wait3A_2033 = tpu.memref_slice %arg6[%dma_wait3A_2030, %dma_wait3A_2031, %dma_wait3A_2032] : memref<8x50x128xf32, #tpu.memory_space<vmem>> -> memref<1x50x128xf32, #tpu.memory_space<vmem>>
    %dma_wait3A_2034 = tpu.memref_squeeze %dma_wait3A_2033 : memref<1x50x128xf32, #tpu.memory_space<vmem>> -> memref<50x128xf32, #tpu.memory_space<vmem>>
    %dma_wait3A_2035 = arith.constant 0 : i32
    %dma_wait3A_2036 = tpu.memref_slice %arg5[%dma_wait3A_2029, %dma_wait3A_2035] : memref<128x50xi32, #tpu.memory_space<vmem>> -> memref<1x50xi32, #tpu.memory_space<vmem>>
    %dma_wait3A_2037 = tpu.memref_squeeze %dma_wait3A_2036 : memref<1x50xi32, #tpu.memory_space<vmem>> -> memref<50xi32, #tpu.memory_space<vmem>>
    %dma_wait3A_2038 = arith.constant 0 : i32
    %dma_wait3A_2039 = arith.constant 0 : i32
    %dma_wait3A_2040 = tpu.memref_slice %arg3[%dma_wait3A_2038, %dma_wait3A_2039] : memref<1000000x128xf32, #tpu.memory_space<hbm>> -> memref<1000000x128xf32, #tpu.memory_space<hbm>>
    tpu.wait_indirect_dma semaphore(%arg8 : memref<!tpu.dma_semaphore, #tpu.memory_space<semaphore_mem>>) src(%dma_wait3A_2040 : memref<1000000x128xf32, #tpu.memory_space<hbm>>) dst(%dma_wait3A_2034 : memref<50x128xf32, #tpu.memory_space<vmem>>)
    %dma_wait3A_2041 = arith.constant 70 : i32
    %dma_wait3A_2042 = arith.constant 6 : i32
    %dma_wait3A_2043 = arith.constant 0 : i32
    %dma_wait3A_2044 = arith.constant 0 : i32
    %dma_wait3A_2045 = tpu.memref_slice %arg6[%dma_wait3A_2042, %dma_wait3A_2043, %dma_wait3A_2044] : memref<8x50x128xf32, #tpu.memory_space<vmem>> -> memref<1x50x128xf32, #tpu.memory_space<vmem>>
    %dma_wait3A_2046 = tpu.memref_squeeze %dma_wait3A_2045 : memref<1x50x128xf32, #tpu.memory_space<vmem>> -> memref<50x128xf32, #tpu.memory_space<vmem>>
    %dma_wait3A_2047 = arith.constant 0 : i32
    %dma_wait3A_2048 = tpu.memref_slice %arg5[%dma_wait3A_2041, %dma_wait3A_2047] : memref<128x50xi32, #tpu.memory_space<vmem>> -> memref<1x50xi32, #tpu.memory_space<vmem>>
    %dma_wait3A_2049 = tpu.memref_squeeze %dma_wait3A_2048 : memref<1x50xi32, #tpu.memory_space<vmem>> -> memref<50xi32, #tpu.memory_space<vmem>>
    %dma_wait3A_2050 = arith.constant 0 : i32
    %dma_wait3A_2051 = arith.constant 0 : i32
    %dma_wait3A_2052 = tpu.memref_slice %arg3[%dma_wait3A_2050, %dma_wait3A_2051] : memref<1000000x128xf32, #tpu.memory_space<hbm>> -> memref<1000000x128xf32, #tpu.memory_space<hbm>>
    tpu.wait_indirect_dma semaphore(%arg8 : memref<!tpu.dma_semaphore, #tpu.memory_space<semaphore_mem>>) src(%dma_wait3A_2052 : memref<1000000x128xf32, #tpu.memory_space<hbm>>) dst(%dma_wait3A_2046 : memref<50x128xf32, #tpu.memory_space<vmem>>)
    %dma_wait3A_2053 = arith.constant 71 : i32
    %dma_wait3A_2054 = arith.constant 7 : i32
    %dma_wait3A_2055 = arith.constant 0 : i32
    %dma_wait3A_2056 = arith.constant 0 : i32
    %dma_wait3A_2057 = tpu.memref_slice %arg6[%dma_wait3A_2054, %dma_wait3A_2055, %dma_wait3A_2056] : memref<8x50x128xf32, #tpu.memory_space<vmem>> -> memref<1x50x128xf32, #tpu.memory_space<vmem>>
    %dma_wait3A_2058 = tpu.memref_squeeze %dma_wait3A_2057 : memref<1x50x128xf32, #tpu.memory_space<vmem>> -> memref<50x128xf32, #tpu.memory_space<vmem>>
    %dma_wait3A_2059 = arith.constant 0 : i32
    %dma_wait3A_2060 = tpu.memref_slice %arg5[%dma_wait3A_2053, %dma_wait3A_2059] : memref<128x50xi32, #tpu.memory_space<vmem>> -> memref<1x50xi32, #tpu.memory_space<vmem>>
    %dma_wait3A_2061 = tpu.memref_squeeze %dma_wait3A_2060 : memref<1x50xi32, #tpu.memory_space<vmem>> -> memref<50xi32, #tpu.memory_space<vmem>>
    %dma_wait3A_2062 = arith.constant 0 : i32
    %dma_wait3A_2063 = arith.constant 0 : i32
    %dma_wait3A_2064 = tpu.memref_slice %arg3[%dma_wait3A_2062, %dma_wait3A_2063] : memref<1000000x128xf32, #tpu.memory_space<hbm>> -> memref<1000000x128xf32, #tpu.memory_space<hbm>>
    tpu.wait_indirect_dma semaphore(%arg8 : memref<!tpu.dma_semaphore, #tpu.memory_space<semaphore_mem>>) src(%dma_wait3A_2064 : memref<1000000x128xf32, #tpu.memory_space<hbm>>) dst(%dma_wait3A_2058 : memref<50x128xf32, #tpu.memory_space<vmem>>)
    %add3A_2065 = arith.constant 64 : i32
    %add3A_2066 = arith.addi %mul3A_2, %add3A_2065 : i32
    %dma_start3A_2067 = arith.constant 0 : i32
    %dma_start3A_2068 = arith.constant 0 : i32
    %dma_start3A_2069 = arith.constant 0 : i32
    %dma_start3A_2070 = tpu.memref_slice %arg6[%dma_start3A_2067, %dma_start3A_2068, %dma_start3A_2069] : memref<8x50x128xf32, #tpu.memory_space<vmem>> -> memref<8x50x64xf32, #tpu.memory_space<vmem>>
    %dma_start3A_2071 = arith.constant 0 : i32
    %dma_start3A_2072 = arith.constant 0 : i32
    %dma_start3A_2073 = tpu.memref_slice %arg4[%add3A_2066, %dma_start3A_2071, %dma_start3A_2072] : memref<4096x50x64xf32, #tpu.memory_space<hbm>> -> memref<8x50x64xf32, #tpu.memory_space<hbm>>
    %dma_start3A_2074 = arith.constant 0 : i32
    %dma_start3A_2075 = arith.constant 0 : i32
    %dma_start3A_2076 = tpu.memref_slice %arg4[%add3A_2066, %dma_start3A_2074, %dma_start3A_2075] : memref<4096x50x64xf32, #tpu.memory_space<hbm>> -> memref<8x50x64xf32, #tpu.memory_space<hbm>>
    %dma_start3A_2077 = arith.constant 0 : i32
    %dma_start3A_2078 = arith.constant 0 : i32
    %dma_start3A_2079 = arith.constant 0 : i32
    %dma_start3A_2080 = tpu.memref_slice %arg6[%dma_start3A_2077, %dma_start3A_2078, %dma_start3A_2079] : memref<8x50x128xf32, #tpu.memory_space<vmem>> -> memref<8x50x64xf32, #tpu.memory_space<vmem>>
    tpu.enqueue_dma source(%dma_start3A_2080 : memref<8x50x64xf32, #tpu.memory_space<vmem>>) target(%dma_start3A_2076 : memref<8x50x64xf32, #tpu.memory_space<hbm>>) target_semaphore(%arg10 : memref<!tpu.dma_semaphore, #tpu.memory_space<semaphore_mem>>)
    %dma_wait3A_2081 = arith.constant 0 : i32
    %dma_wait3A_2082 = arith.constant 0 : i32
    %dma_wait3A_2083 = arith.constant 0 : i32
    %dma_wait3A_2084 = tpu.memref_slice %arg6[%dma_wait3A_2081, %dma_wait3A_2082, %dma_wait3A_2083] : memref<8x50x128xf32, #tpu.memory_space<vmem>> -> memref<8x50x64xf32, #tpu.memory_space<vmem>>
    %dma_wait3A_2085 = arith.constant 0 : i32
    %dma_wait3A_2086 = arith.constant 0 : i32
    %dma_wait3A_2087 = tpu.memref_slice %arg4[%add3A_2066, %dma_wait3A_2085, %dma_wait3A_2086] : memref<4096x50x64xf32, #tpu.memory_space<hbm>> -> memref<8x50x64xf32, #tpu.memory_space<hbm>>
    %dma_wait3A_2088 = arith.constant 0 : i32
    %dma_wait3A_2089 = arith.constant 0 : i32
    %dma_wait3A_2090 = tpu.memref_slice %arg4[%add3A_2066, %dma_wait3A_2088, %dma_wait3A_2089] : memref<4096x50x64xf32, #tpu.memory_space<hbm>> -> memref<8x50x64xf32, #tpu.memory_space<hbm>>
    %dma_wait3A_2091 = arith.constant 0 : i32
    %dma_wait3A_2092 = arith.constant 0 : i32
    %dma_wait3A_2093 = arith.constant 0 : i32
    %dma_wait3A_2094 = tpu.memref_slice %arg6[%dma_wait3A_2091, %dma_wait3A_2092, %dma_wait3A_2093] : memref<8x50x128xf32, #tpu.memory_space<vmem>> -> memref<8x50x64xf32, #tpu.memory_space<vmem>>
    tpu.wait_dma2 semaphore(%arg10 : memref<!tpu.dma_semaphore, #tpu.memory_space<semaphore_mem>>) src(%dma_wait3A_2094 : memref<8x50x64xf32, #tpu.memory_space<vmem>>) dst(%dma_wait3A_2090 : memref<8x50x64xf32, #tpu.memory_space<hbm>>)
    %dma_start3A_2095 = arith.constant 80 : i32
    %dma_start3A_2096 = arith.constant 0 : i32
    %dma_start3A_2097 = arith.constant 0 : i32
    %dma_start3A_2098 = arith.constant 0 : i32
    %dma_start3A_2099 = tpu.memref_slice %arg6[%dma_start3A_2096, %dma_start3A_2097, %dma_start3A_2098] : memref<8x50x128xf32, #tpu.memory_space<vmem>> -> memref<1x50x128xf32, #tpu.memory_space<vmem>>
    %dma_start3A_2100 = tpu.memref_squeeze %dma_start3A_2099 : memref<1x50x128xf32, #tpu.memory_space<vmem>> -> memref<50x128xf32, #tpu.memory_space<vmem>>
    %dma_start3A_2101 = arith.constant 0 : i32
    %dma_start3A_2102 = tpu.memref_slice %arg5[%dma_start3A_2095, %dma_start3A_2101] : memref<128x50xi32, #tpu.memory_space<vmem>> -> memref<1x50xi32, #tpu.memory_space<vmem>>
    %dma_start3A_2103 = tpu.memref_squeeze %dma_start3A_2102 : memref<1x50xi32, #tpu.memory_space<vmem>> -> memref<50xi32, #tpu.memory_space<vmem>>
    %dma_start3A_2104 = arith.constant 0 : i32
    %dma_start3A_2105 = arith.constant 0 : i32
    %dma_start3A_2106 = tpu.memref_slice %arg3[%dma_start3A_2104, %dma_start3A_2105] : memref<1000000x128xf32, #tpu.memory_space<hbm>> -> memref<1000000x128xf32, #tpu.memory_space<hbm>>
    tpu.enqueue_indirect_dma source(%dma_start3A_2106 : memref<1000000x128xf32, #tpu.memory_space<hbm>>) target(%dma_start3A_2100 : memref<50x128xf32, #tpu.memory_space<vmem>>) offsets(%dma_start3A_2103 : memref<50xi32, #tpu.memory_space<vmem>>) semaphore(%arg8 : memref<!tpu.dma_semaphore, #tpu.memory_space<semaphore_mem>>)
    %dma_start3A_2107 = arith.constant 81 : i32
    %dma_start3A_2108 = arith.constant 1 : i32
    %dma_start3A_2109 = arith.constant 0 : i32
    %dma_start3A_2110 = arith.constant 0 : i32
    %dma_start3A_2111 = tpu.memref_slice %arg6[%dma_start3A_2108, %dma_start3A_2109, %dma_start3A_2110] : memref<8x50x128xf32, #tpu.memory_space<vmem>> -> memref<1x50x128xf32, #tpu.memory_space<vmem>>
    %dma_start3A_2112 = tpu.memref_squeeze %dma_start3A_2111 : memref<1x50x128xf32, #tpu.memory_space<vmem>> -> memref<50x128xf32, #tpu.memory_space<vmem>>
    %dma_start3A_2113 = arith.constant 0 : i32
    %dma_start3A_2114 = tpu.memref_slice %arg5[%dma_start3A_2107, %dma_start3A_2113] : memref<128x50xi32, #tpu.memory_space<vmem>> -> memref<1x50xi32, #tpu.memory_space<vmem>>
    %dma_start3A_2115 = tpu.memref_squeeze %dma_start3A_2114 : memref<1x50xi32, #tpu.memory_space<vmem>> -> memref<50xi32, #tpu.memory_space<vmem>>
    %dma_start3A_2116 = arith.constant 0 : i32
    %dma_start3A_2117 = arith.constant 0 : i32
    %dma_start3A_2118 = tpu.memref_slice %arg3[%dma_start3A_2116, %dma_start3A_2117] : memref<1000000x128xf32, #tpu.memory_space<hbm>> -> memref<1000000x128xf32, #tpu.memory_space<hbm>>
    tpu.enqueue_indirect_dma source(%dma_start3A_2118 : memref<1000000x128xf32, #tpu.memory_space<hbm>>) target(%dma_start3A_2112 : memref<50x128xf32, #tpu.memory_space<vmem>>) offsets(%dma_start3A_2115 : memref<50xi32, #tpu.memory_space<vmem>>) semaphore(%arg8 : memref<!tpu.dma_semaphore, #tpu.memory_space<semaphore_mem>>)
    %dma_start3A_2119 = arith.constant 82 : i32
    %dma_start3A_2120 = arith.constant 2 : i32
    %dma_start3A_2121 = arith.constant 0 : i32
    %dma_start3A_2122 = arith.constant 0 : i32
    %dma_start3A_2123 = tpu.memref_slice %arg6[%dma_start3A_2120, %dma_start3A_2121, %dma_start3A_2122] : memref<8x50x128xf32, #tpu.memory_space<vmem>> -> memref<1x50x128xf32, #tpu.memory_space<vmem>>
    %dma_start3A_2124 = tpu.memref_squeeze %dma_start3A_2123 : memref<1x50x128xf32, #tpu.memory_space<vmem>> -> memref<50x128xf32, #tpu.memory_space<vmem>>
    %dma_start3A_2125 = arith.constant 0 : i32
    %dma_start3A_2126 = tpu.memref_slice %arg5[%dma_start3A_2119, %dma_start3A_2125] : memref<128x50xi32, #tpu.memory_space<vmem>> -> memref<1x50xi32, #tpu.memory_space<vmem>>
    %dma_start3A_2127 = tpu.memref_squeeze %dma_start3A_2126 : memref<1x50xi32, #tpu.memory_space<vmem>> -> memref<50xi32, #tpu.memory_space<vmem>>
    %dma_start3A_2128 = arith.constant 0 : i32
    %dma_start3A_2129 = arith.constant 0 : i32
    %dma_start3A_2130 = tpu.memref_slice %arg3[%dma_start3A_2128, %dma_start3A_2129] : memref<1000000x128xf32, #tpu.memory_space<hbm>> -> memref<1000000x128xf32, #tpu.memory_space<hbm>>
    tpu.enqueue_indirect_dma source(%dma_start3A_2130 : memref<1000000x128xf32, #tpu.memory_space<hbm>>) target(%dma_start3A_2124 : memref<50x128xf32, #tpu.memory_space<vmem>>) offsets(%dma_start3A_2127 : memref<50xi32, #tpu.memory_space<vmem>>) semaphore(%arg8 : memref<!tpu.dma_semaphore, #tpu.memory_space<semaphore_mem>>)
    %dma_start3A_2131 = arith.constant 83 : i32
    %dma_start3A_2132 = arith.constant 3 : i32
    %dma_start3A_2133 = arith.constant 0 : i32
    %dma_start3A_2134 = arith.constant 0 : i32
    %dma_start3A_2135 = tpu.memref_slice %arg6[%dma_start3A_2132, %dma_start3A_2133, %dma_start3A_2134] : memref<8x50x128xf32, #tpu.memory_space<vmem>> -> memref<1x50x128xf32, #tpu.memory_space<vmem>>
    %dma_start3A_2136 = tpu.memref_squeeze %dma_start3A_2135 : memref<1x50x128xf32, #tpu.memory_space<vmem>> -> memref<50x128xf32, #tpu.memory_space<vmem>>
    %dma_start3A_2137 = arith.constant 0 : i32
    %dma_start3A_2138 = tpu.memref_slice %arg5[%dma_start3A_2131, %dma_start3A_2137] : memref<128x50xi32, #tpu.memory_space<vmem>> -> memref<1x50xi32, #tpu.memory_space<vmem>>
    %dma_start3A_2139 = tpu.memref_squeeze %dma_start3A_2138 : memref<1x50xi32, #tpu.memory_space<vmem>> -> memref<50xi32, #tpu.memory_space<vmem>>
    %dma_start3A_2140 = arith.constant 0 : i32
    %dma_start3A_2141 = arith.constant 0 : i32
    %dma_start3A_2142 = tpu.memref_slice %arg3[%dma_start3A_2140, %dma_start3A_2141] : memref<1000000x128xf32, #tpu.memory_space<hbm>> -> memref<1000000x128xf32, #tpu.memory_space<hbm>>
    tpu.enqueue_indirect_dma source(%dma_start3A_2142 : memref<1000000x128xf32, #tpu.memory_space<hbm>>) target(%dma_start3A_2136 : memref<50x128xf32, #tpu.memory_space<vmem>>) offsets(%dma_start3A_2139 : memref<50xi32, #tpu.memory_space<vmem>>) semaphore(%arg8 : memref<!tpu.dma_semaphore, #tpu.memory_space<semaphore_mem>>)
    %dma_start3A_2143 = arith.constant 84 : i32
    %dma_start3A_2144 = arith.constant 4 : i32
    %dma_start3A_2145 = arith.constant 0 : i32
    %dma_start3A_2146 = arith.constant 0 : i32
    %dma_start3A_2147 = tpu.memref_slice %arg6[%dma_start3A_2144, %dma_start3A_2145, %dma_start3A_2146] : memref<8x50x128xf32, #tpu.memory_space<vmem>> -> memref<1x50x128xf32, #tpu.memory_space<vmem>>
    %dma_start3A_2148 = tpu.memref_squeeze %dma_start3A_2147 : memref<1x50x128xf32, #tpu.memory_space<vmem>> -> memref<50x128xf32, #tpu.memory_space<vmem>>
    %dma_start3A_2149 = arith.constant 0 : i32
    %dma_start3A_2150 = tpu.memref_slice %arg5[%dma_start3A_2143, %dma_start3A_2149] : memref<128x50xi32, #tpu.memory_space<vmem>> -> memref<1x50xi32, #tpu.memory_space<vmem>>
    %dma_start3A_2151 = tpu.memref_squeeze %dma_start3A_2150 : memref<1x50xi32, #tpu.memory_space<vmem>> -> memref<50xi32, #tpu.memory_space<vmem>>
    %dma_start3A_2152 = arith.constant 0 : i32
    %dma_start3A_2153 = arith.constant 0 : i32
    %dma_start3A_2154 = tpu.memref_slice %arg3[%dma_start3A_2152, %dma_start3A_2153] : memref<1000000x128xf32, #tpu.memory_space<hbm>> -> memref<1000000x128xf32, #tpu.memory_space<hbm>>
    tpu.enqueue_indirect_dma source(%dma_start3A_2154 : memref<1000000x128xf32, #tpu.memory_space<hbm>>) target(%dma_start3A_2148 : memref<50x128xf32, #tpu.memory_space<vmem>>) offsets(%dma_start3A_2151 : memref<50xi32, #tpu.memory_space<vmem>>) semaphore(%arg8 : memref<!tpu.dma_semaphore, #tpu.memory_space<semaphore_mem>>)
    %dma_start3A_2155 = arith.constant 85 : i32
    %dma_start3A_2156 = arith.constant 5 : i32
    %dma_start3A_2157 = arith.constant 0 : i32
    %dma_start3A_2158 = arith.constant 0 : i32
    %dma_start3A_2159 = tpu.memref_slice %arg6[%dma_start3A_2156, %dma_start3A_2157, %dma_start3A_2158] : memref<8x50x128xf32, #tpu.memory_space<vmem>> -> memref<1x50x128xf32, #tpu.memory_space<vmem>>
    %dma_start3A_2160 = tpu.memref_squeeze %dma_start3A_2159 : memref<1x50x128xf32, #tpu.memory_space<vmem>> -> memref<50x128xf32, #tpu.memory_space<vmem>>
    %dma_start3A_2161 = arith.constant 0 : i32
    %dma_start3A_2162 = tpu.memref_slice %arg5[%dma_start3A_2155, %dma_start3A_2161] : memref<128x50xi32, #tpu.memory_space<vmem>> -> memref<1x50xi32, #tpu.memory_space<vmem>>
    %dma_start3A_2163 = tpu.memref_squeeze %dma_start3A_2162 : memref<1x50xi32, #tpu.memory_space<vmem>> -> memref<50xi32, #tpu.memory_space<vmem>>
    %dma_start3A_2164 = arith.constant 0 : i32
    %dma_start3A_2165 = arith.constant 0 : i32
    %dma_start3A_2166 = tpu.memref_slice %arg3[%dma_start3A_2164, %dma_start3A_2165] : memref<1000000x128xf32, #tpu.memory_space<hbm>> -> memref<1000000x128xf32, #tpu.memory_space<hbm>>
    tpu.enqueue_indirect_dma source(%dma_start3A_2166 : memref<1000000x128xf32, #tpu.memory_space<hbm>>) target(%dma_start3A_2160 : memref<50x128xf32, #tpu.memory_space<vmem>>) offsets(%dma_start3A_2163 : memref<50xi32, #tpu.memory_space<vmem>>) semaphore(%arg8 : memref<!tpu.dma_semaphore, #tpu.memory_space<semaphore_mem>>)
    %dma_start3A_2167 = arith.constant 86 : i32
    %dma_start3A_2168 = arith.constant 6 : i32
    %dma_start3A_2169 = arith.constant 0 : i32
    %dma_start3A_2170 = arith.constant 0 : i32
    %dma_start3A_2171 = tpu.memref_slice %arg6[%dma_start3A_2168, %dma_start3A_2169, %dma_start3A_2170] : memref<8x50x128xf32, #tpu.memory_space<vmem>> -> memref<1x50x128xf32, #tpu.memory_space<vmem>>
    %dma_start3A_2172 = tpu.memref_squeeze %dma_start3A_2171 : memref<1x50x128xf32, #tpu.memory_space<vmem>> -> memref<50x128xf32, #tpu.memory_space<vmem>>
    %dma_start3A_2173 = arith.constant 0 : i32
    %dma_start3A_2174 = tpu.memref_slice %arg5[%dma_start3A_2167, %dma_start3A_2173] : memref<128x50xi32, #tpu.memory_space<vmem>> -> memref<1x50xi32, #tpu.memory_space<vmem>>
    %dma_start3A_2175 = tpu.memref_squeeze %dma_start3A_2174 : memref<1x50xi32, #tpu.memory_space<vmem>> -> memref<50xi32, #tpu.memory_space<vmem>>
    %dma_start3A_2176 = arith.constant 0 : i32
    %dma_start3A_2177 = arith.constant 0 : i32
    %dma_start3A_2178 = tpu.memref_slice %arg3[%dma_start3A_2176, %dma_start3A_2177] : memref<1000000x128xf32, #tpu.memory_space<hbm>> -> memref<1000000x128xf32, #tpu.memory_space<hbm>>
    tpu.enqueue_indirect_dma source(%dma_start3A_2178 : memref<1000000x128xf32, #tpu.memory_space<hbm>>) target(%dma_start3A_2172 : memref<50x128xf32, #tpu.memory_space<vmem>>) offsets(%dma_start3A_2175 : memref<50xi32, #tpu.memory_space<vmem>>) semaphore(%arg8 : memref<!tpu.dma_semaphore, #tpu.memory_space<semaphore_mem>>)
    %dma_start3A_2179 = arith.constant 87 : i32
    %dma_start3A_2180 = arith.constant 7 : i32
    %dma_start3A_2181 = arith.constant 0 : i32
    %dma_start3A_2182 = arith.constant 0 : i32
    %dma_start3A_2183 = tpu.memref_slice %arg6[%dma_start3A_2180, %dma_start3A_2181, %dma_start3A_2182] : memref<8x50x128xf32, #tpu.memory_space<vmem>> -> memref<1x50x128xf32, #tpu.memory_space<vmem>>
    %dma_start3A_2184 = tpu.memref_squeeze %dma_start3A_2183 : memref<1x50x128xf32, #tpu.memory_space<vmem>> -> memref<50x128xf32, #tpu.memory_space<vmem>>
    %dma_start3A_2185 = arith.constant 0 : i32
    %dma_start3A_2186 = tpu.memref_slice %arg5[%dma_start3A_2179, %dma_start3A_2185] : memref<128x50xi32, #tpu.memory_space<vmem>> -> memref<1x50xi32, #tpu.memory_space<vmem>>
    %dma_start3A_2187 = tpu.memref_squeeze %dma_start3A_2186 : memref<1x50xi32, #tpu.memory_space<vmem>> -> memref<50xi32, #tpu.memory_space<vmem>>
    %dma_start3A_2188 = arith.constant 0 : i32
    %dma_start3A_2189 = arith.constant 0 : i32
    %dma_start3A_2190 = tpu.memref_slice %arg3[%dma_start3A_2188, %dma_start3A_2189] : memref<1000000x128xf32, #tpu.memory_space<hbm>> -> memref<1000000x128xf32, #tpu.memory_space<hbm>>
    tpu.enqueue_indirect_dma source(%dma_start3A_2190 : memref<1000000x128xf32, #tpu.memory_space<hbm>>) target(%dma_start3A_2184 : memref<50x128xf32, #tpu.memory_space<vmem>>) offsets(%dma_start3A_2187 : memref<50xi32, #tpu.memory_space<vmem>>) semaphore(%arg8 : memref<!tpu.dma_semaphore, #tpu.memory_space<semaphore_mem>>)
    %dma_wait3A_2191 = arith.constant 72 : i32
    %dma_wait3A_2192 = arith.constant 0 : i32
    %dma_wait3A_2193 = arith.constant 0 : i32
    %dma_wait3A_2194 = arith.constant 0 : i32
    %dma_wait3A_2195 = tpu.memref_slice %arg7[%dma_wait3A_2192, %dma_wait3A_2193, %dma_wait3A_2194] : memref<8x50x128xf32, #tpu.memory_space<vmem>> -> memref<1x50x128xf32, #tpu.memory_space<vmem>>
    %dma_wait3A_2196 = tpu.memref_squeeze %dma_wait3A_2195 : memref<1x50x128xf32, #tpu.memory_space<vmem>> -> memref<50x128xf32, #tpu.memory_space<vmem>>
    %dma_wait3A_2197 = arith.constant 0 : i32
    %dma_wait3A_2198 = tpu.memref_slice %arg5[%dma_wait3A_2191, %dma_wait3A_2197] : memref<128x50xi32, #tpu.memory_space<vmem>> -> memref<1x50xi32, #tpu.memory_space<vmem>>
    %dma_wait3A_2199 = tpu.memref_squeeze %dma_wait3A_2198 : memref<1x50xi32, #tpu.memory_space<vmem>> -> memref<50xi32, #tpu.memory_space<vmem>>
    %dma_wait3A_2200 = arith.constant 0 : i32
    %dma_wait3A_2201 = arith.constant 0 : i32
    %dma_wait3A_2202 = tpu.memref_slice %arg3[%dma_wait3A_2200, %dma_wait3A_2201] : memref<1000000x128xf32, #tpu.memory_space<hbm>> -> memref<1000000x128xf32, #tpu.memory_space<hbm>>
    tpu.wait_indirect_dma semaphore(%arg9 : memref<!tpu.dma_semaphore, #tpu.memory_space<semaphore_mem>>) src(%dma_wait3A_2202 : memref<1000000x128xf32, #tpu.memory_space<hbm>>) dst(%dma_wait3A_2196 : memref<50x128xf32, #tpu.memory_space<vmem>>)
    %dma_wait3A_2203 = arith.constant 73 : i32
    %dma_wait3A_2204 = arith.constant 1 : i32
    %dma_wait3A_2205 = arith.constant 0 : i32
    %dma_wait3A_2206 = arith.constant 0 : i32
    %dma_wait3A_2207 = tpu.memref_slice %arg7[%dma_wait3A_2204, %dma_wait3A_2205, %dma_wait3A_2206] : memref<8x50x128xf32, #tpu.memory_space<vmem>> -> memref<1x50x128xf32, #tpu.memory_space<vmem>>
    %dma_wait3A_2208 = tpu.memref_squeeze %dma_wait3A_2207 : memref<1x50x128xf32, #tpu.memory_space<vmem>> -> memref<50x128xf32, #tpu.memory_space<vmem>>
    %dma_wait3A_2209 = arith.constant 0 : i32
    %dma_wait3A_2210 = tpu.memref_slice %arg5[%dma_wait3A_2203, %dma_wait3A_2209] : memref<128x50xi32, #tpu.memory_space<vmem>> -> memref<1x50xi32, #tpu.memory_space<vmem>>
    %dma_wait3A_2211 = tpu.memref_squeeze %dma_wait3A_2210 : memref<1x50xi32, #tpu.memory_space<vmem>> -> memref<50xi32, #tpu.memory_space<vmem>>
    %dma_wait3A_2212 = arith.constant 0 : i32
    %dma_wait3A_2213 = arith.constant 0 : i32
    %dma_wait3A_2214 = tpu.memref_slice %arg3[%dma_wait3A_2212, %dma_wait3A_2213] : memref<1000000x128xf32, #tpu.memory_space<hbm>> -> memref<1000000x128xf32, #tpu.memory_space<hbm>>
    tpu.wait_indirect_dma semaphore(%arg9 : memref<!tpu.dma_semaphore, #tpu.memory_space<semaphore_mem>>) src(%dma_wait3A_2214 : memref<1000000x128xf32, #tpu.memory_space<hbm>>) dst(%dma_wait3A_2208 : memref<50x128xf32, #tpu.memory_space<vmem>>)
    %dma_wait3A_2215 = arith.constant 74 : i32
    %dma_wait3A_2216 = arith.constant 2 : i32
    %dma_wait3A_2217 = arith.constant 0 : i32
    %dma_wait3A_2218 = arith.constant 0 : i32
    %dma_wait3A_2219 = tpu.memref_slice %arg7[%dma_wait3A_2216, %dma_wait3A_2217, %dma_wait3A_2218] : memref<8x50x128xf32, #tpu.memory_space<vmem>> -> memref<1x50x128xf32, #tpu.memory_space<vmem>>
    %dma_wait3A_2220 = tpu.memref_squeeze %dma_wait3A_2219 : memref<1x50x128xf32, #tpu.memory_space<vmem>> -> memref<50x128xf32, #tpu.memory_space<vmem>>
    %dma_wait3A_2221 = arith.constant 0 : i32
    %dma_wait3A_2222 = tpu.memref_slice %arg5[%dma_wait3A_2215, %dma_wait3A_2221] : memref<128x50xi32, #tpu.memory_space<vmem>> -> memref<1x50xi32, #tpu.memory_space<vmem>>
    %dma_wait3A_2223 = tpu.memref_squeeze %dma_wait3A_2222 : memref<1x50xi32, #tpu.memory_space<vmem>> -> memref<50xi32, #tpu.memory_space<vmem>>
    %dma_wait3A_2224 = arith.constant 0 : i32
    %dma_wait3A_2225 = arith.constant 0 : i32
    %dma_wait3A_2226 = tpu.memref_slice %arg3[%dma_wait3A_2224, %dma_wait3A_2225] : memref<1000000x128xf32, #tpu.memory_space<hbm>> -> memref<1000000x128xf32, #tpu.memory_space<hbm>>
    tpu.wait_indirect_dma semaphore(%arg9 : memref<!tpu.dma_semaphore, #tpu.memory_space<semaphore_mem>>) src(%dma_wait3A_2226 : memref<1000000x128xf32, #tpu.memory_space<hbm>>) dst(%dma_wait3A_2220 : memref<50x128xf32, #tpu.memory_space<vmem>>)
    %dma_wait3A_2227 = arith.constant 75 : i32
    %dma_wait3A_2228 = arith.constant 3 : i32
    %dma_wait3A_2229 = arith.constant 0 : i32
    %dma_wait3A_2230 = arith.constant 0 : i32
    %dma_wait3A_2231 = tpu.memref_slice %arg7[%dma_wait3A_2228, %dma_wait3A_2229, %dma_wait3A_2230] : memref<8x50x128xf32, #tpu.memory_space<vmem>> -> memref<1x50x128xf32, #tpu.memory_space<vmem>>
    %dma_wait3A_2232 = tpu.memref_squeeze %dma_wait3A_2231 : memref<1x50x128xf32, #tpu.memory_space<vmem>> -> memref<50x128xf32, #tpu.memory_space<vmem>>
    %dma_wait3A_2233 = arith.constant 0 : i32
    %dma_wait3A_2234 = tpu.memref_slice %arg5[%dma_wait3A_2227, %dma_wait3A_2233] : memref<128x50xi32, #tpu.memory_space<vmem>> -> memref<1x50xi32, #tpu.memory_space<vmem>>
    %dma_wait3A_2235 = tpu.memref_squeeze %dma_wait3A_2234 : memref<1x50xi32, #tpu.memory_space<vmem>> -> memref<50xi32, #tpu.memory_space<vmem>>
    %dma_wait3A_2236 = arith.constant 0 : i32
    %dma_wait3A_2237 = arith.constant 0 : i32
    %dma_wait3A_2238 = tpu.memref_slice %arg3[%dma_wait3A_2236, %dma_wait3A_2237] : memref<1000000x128xf32, #tpu.memory_space<hbm>> -> memref<1000000x128xf32, #tpu.memory_space<hbm>>
    tpu.wait_indirect_dma semaphore(%arg9 : memref<!tpu.dma_semaphore, #tpu.memory_space<semaphore_mem>>) src(%dma_wait3A_2238 : memref<1000000x128xf32, #tpu.memory_space<hbm>>) dst(%dma_wait3A_2232 : memref<50x128xf32, #tpu.memory_space<vmem>>)
    %dma_wait3A_2239 = arith.constant 76 : i32
    %dma_wait3A_2240 = arith.constant 4 : i32
    %dma_wait3A_2241 = arith.constant 0 : i32
    %dma_wait3A_2242 = arith.constant 0 : i32
    %dma_wait3A_2243 = tpu.memref_slice %arg7[%dma_wait3A_2240, %dma_wait3A_2241, %dma_wait3A_2242] : memref<8x50x128xf32, #tpu.memory_space<vmem>> -> memref<1x50x128xf32, #tpu.memory_space<vmem>>
    %dma_wait3A_2244 = tpu.memref_squeeze %dma_wait3A_2243 : memref<1x50x128xf32, #tpu.memory_space<vmem>> -> memref<50x128xf32, #tpu.memory_space<vmem>>
    %dma_wait3A_2245 = arith.constant 0 : i32
    %dma_wait3A_2246 = tpu.memref_slice %arg5[%dma_wait3A_2239, %dma_wait3A_2245] : memref<128x50xi32, #tpu.memory_space<vmem>> -> memref<1x50xi32, #tpu.memory_space<vmem>>
    %dma_wait3A_2247 = tpu.memref_squeeze %dma_wait3A_2246 : memref<1x50xi32, #tpu.memory_space<vmem>> -> memref<50xi32, #tpu.memory_space<vmem>>
    %dma_wait3A_2248 = arith.constant 0 : i32
    %dma_wait3A_2249 = arith.constant 0 : i32
    %dma_wait3A_2250 = tpu.memref_slice %arg3[%dma_wait3A_2248, %dma_wait3A_2249] : memref<1000000x128xf32, #tpu.memory_space<hbm>> -> memref<1000000x128xf32, #tpu.memory_space<hbm>>
    tpu.wait_indirect_dma semaphore(%arg9 : memref<!tpu.dma_semaphore, #tpu.memory_space<semaphore_mem>>) src(%dma_wait3A_2250 : memref<1000000x128xf32, #tpu.memory_space<hbm>>) dst(%dma_wait3A_2244 : memref<50x128xf32, #tpu.memory_space<vmem>>)
    %dma_wait3A_2251 = arith.constant 77 : i32
    %dma_wait3A_2252 = arith.constant 5 : i32
    %dma_wait3A_2253 = arith.constant 0 : i32
    %dma_wait3A_2254 = arith.constant 0 : i32
    %dma_wait3A_2255 = tpu.memref_slice %arg7[%dma_wait3A_2252, %dma_wait3A_2253, %dma_wait3A_2254] : memref<8x50x128xf32, #tpu.memory_space<vmem>> -> memref<1x50x128xf32, #tpu.memory_space<vmem>>
    %dma_wait3A_2256 = tpu.memref_squeeze %dma_wait3A_2255 : memref<1x50x128xf32, #tpu.memory_space<vmem>> -> memref<50x128xf32, #tpu.memory_space<vmem>>
    %dma_wait3A_2257 = arith.constant 0 : i32
    %dma_wait3A_2258 = tpu.memref_slice %arg5[%dma_wait3A_2251, %dma_wait3A_2257] : memref<128x50xi32, #tpu.memory_space<vmem>> -> memref<1x50xi32, #tpu.memory_space<vmem>>
    %dma_wait3A_2259 = tpu.memref_squeeze %dma_wait3A_2258 : memref<1x50xi32, #tpu.memory_space<vmem>> -> memref<50xi32, #tpu.memory_space<vmem>>
    %dma_wait3A_2260 = arith.constant 0 : i32
    %dma_wait3A_2261 = arith.constant 0 : i32
    %dma_wait3A_2262 = tpu.memref_slice %arg3[%dma_wait3A_2260, %dma_wait3A_2261] : memref<1000000x128xf32, #tpu.memory_space<hbm>> -> memref<1000000x128xf32, #tpu.memory_space<hbm>>
    tpu.wait_indirect_dma semaphore(%arg9 : memref<!tpu.dma_semaphore, #tpu.memory_space<semaphore_mem>>) src(%dma_wait3A_2262 : memref<1000000x128xf32, #tpu.memory_space<hbm>>) dst(%dma_wait3A_2256 : memref<50x128xf32, #tpu.memory_space<vmem>>)
    %dma_wait3A_2263 = arith.constant 78 : i32
    %dma_wait3A_2264 = arith.constant 6 : i32
    %dma_wait3A_2265 = arith.constant 0 : i32
    %dma_wait3A_2266 = arith.constant 0 : i32
    %dma_wait3A_2267 = tpu.memref_slice %arg7[%dma_wait3A_2264, %dma_wait3A_2265, %dma_wait3A_2266] : memref<8x50x128xf32, #tpu.memory_space<vmem>> -> memref<1x50x128xf32, #tpu.memory_space<vmem>>
    %dma_wait3A_2268 = tpu.memref_squeeze %dma_wait3A_2267 : memref<1x50x128xf32, #tpu.memory_space<vmem>> -> memref<50x128xf32, #tpu.memory_space<vmem>>
    %dma_wait3A_2269 = arith.constant 0 : i32
    %dma_wait3A_2270 = tpu.memref_slice %arg5[%dma_wait3A_2263, %dma_wait3A_2269] : memref<128x50xi32, #tpu.memory_space<vmem>> -> memref<1x50xi32, #tpu.memory_space<vmem>>
    %dma_wait3A_2271 = tpu.memref_squeeze %dma_wait3A_2270 : memref<1x50xi32, #tpu.memory_space<vmem>> -> memref<50xi32, #tpu.memory_space<vmem>>
    %dma_wait3A_2272 = arith.constant 0 : i32
    %dma_wait3A_2273 = arith.constant 0 : i32
    %dma_wait3A_2274 = tpu.memref_slice %arg3[%dma_wait3A_2272, %dma_wait3A_2273] : memref<1000000x128xf32, #tpu.memory_space<hbm>> -> memref<1000000x128xf32, #tpu.memory_space<hbm>>
    tpu.wait_indirect_dma semaphore(%arg9 : memref<!tpu.dma_semaphore, #tpu.memory_space<semaphore_mem>>) src(%dma_wait3A_2274 : memref<1000000x128xf32, #tpu.memory_space<hbm>>) dst(%dma_wait3A_2268 : memref<50x128xf32, #tpu.memory_space<vmem>>)
    %dma_wait3A_2275 = arith.constant 79 : i32
    %dma_wait3A_2276 = arith.constant 7 : i32
    %dma_wait3A_2277 = arith.constant 0 : i32
    %dma_wait3A_2278 = arith.constant 0 : i32
    %dma_wait3A_2279 = tpu.memref_slice %arg7[%dma_wait3A_2276, %dma_wait3A_2277, %dma_wait3A_2278] : memref<8x50x128xf32, #tpu.memory_space<vmem>> -> memref<1x50x128xf32, #tpu.memory_space<vmem>>
    %dma_wait3A_2280 = tpu.memref_squeeze %dma_wait3A_2279 : memref<1x50x128xf32, #tpu.memory_space<vmem>> -> memref<50x128xf32, #tpu.memory_space<vmem>>
    %dma_wait3A_2281 = arith.constant 0 : i32
    %dma_wait3A_2282 = tpu.memref_slice %arg5[%dma_wait3A_2275, %dma_wait3A_2281] : memref<128x50xi32, #tpu.memory_space<vmem>> -> memref<1x50xi32, #tpu.memory_space<vmem>>
    %dma_wait3A_2283 = tpu.memref_squeeze %dma_wait3A_2282 : memref<1x50xi32, #tpu.memory_space<vmem>> -> memref<50xi32, #tpu.memory_space<vmem>>
    %dma_wait3A_2284 = arith.constant 0 : i32
    %dma_wait3A_2285 = arith.constant 0 : i32
    %dma_wait3A_2286 = tpu.memref_slice %arg3[%dma_wait3A_2284, %dma_wait3A_2285] : memref<1000000x128xf32, #tpu.memory_space<hbm>> -> memref<1000000x128xf32, #tpu.memory_space<hbm>>
    tpu.wait_indirect_dma semaphore(%arg9 : memref<!tpu.dma_semaphore, #tpu.memory_space<semaphore_mem>>) src(%dma_wait3A_2286 : memref<1000000x128xf32, #tpu.memory_space<hbm>>) dst(%dma_wait3A_2280 : memref<50x128xf32, #tpu.memory_space<vmem>>)
    %add3A_2287 = arith.constant 72 : i32
    %add3A_2288 = arith.addi %mul3A_2, %add3A_2287 : i32
    %dma_start3A_2289 = arith.constant 0 : i32
    %dma_start3A_2290 = arith.constant 0 : i32
    %dma_start3A_2291 = arith.constant 0 : i32
    %dma_start3A_2292 = tpu.memref_slice %arg7[%dma_start3A_2289, %dma_start3A_2290, %dma_start3A_2291] : memref<8x50x128xf32, #tpu.memory_space<vmem>> -> memref<8x50x64xf32, #tpu.memory_space<vmem>>
    %dma_start3A_2293 = arith.constant 0 : i32
    %dma_start3A_2294 = arith.constant 0 : i32
    %dma_start3A_2295 = tpu.memref_slice %arg4[%add3A_2288, %dma_start3A_2293, %dma_start3A_2294] : memref<4096x50x64xf32, #tpu.memory_space<hbm>> -> memref<8x50x64xf32, #tpu.memory_space<hbm>>
    %dma_start3A_2296 = arith.constant 0 : i32
    %dma_start3A_2297 = arith.constant 0 : i32
    %dma_start3A_2298 = tpu.memref_slice %arg4[%add3A_2288, %dma_start3A_2296, %dma_start3A_2297] : memref<4096x50x64xf32, #tpu.memory_space<hbm>> -> memref<8x50x64xf32, #tpu.memory_space<hbm>>
    %dma_start3A_2299 = arith.constant 0 : i32
    %dma_start3A_2300 = arith.constant 0 : i32
    %dma_start3A_2301 = arith.constant 0 : i32
    %dma_start3A_2302 = tpu.memref_slice %arg7[%dma_start3A_2299, %dma_start3A_2300, %dma_start3A_2301] : memref<8x50x128xf32, #tpu.memory_space<vmem>> -> memref<8x50x64xf32, #tpu.memory_space<vmem>>
    tpu.enqueue_dma source(%dma_start3A_2302 : memref<8x50x64xf32, #tpu.memory_space<vmem>>) target(%dma_start3A_2298 : memref<8x50x64xf32, #tpu.memory_space<hbm>>) target_semaphore(%arg11 : memref<!tpu.dma_semaphore, #tpu.memory_space<semaphore_mem>>)
    %dma_wait3A_2303 = arith.constant 0 : i32
    %dma_wait3A_2304 = arith.constant 0 : i32
    %dma_wait3A_2305 = arith.constant 0 : i32
    %dma_wait3A_2306 = tpu.memref_slice %arg7[%dma_wait3A_2303, %dma_wait3A_2304, %dma_wait3A_2305] : memref<8x50x128xf32, #tpu.memory_space<vmem>> -> memref<8x50x64xf32, #tpu.memory_space<vmem>>
    %dma_wait3A_2307 = arith.constant 0 : i32
    %dma_wait3A_2308 = arith.constant 0 : i32
    %dma_wait3A_2309 = tpu.memref_slice %arg4[%add3A_2288, %dma_wait3A_2307, %dma_wait3A_2308] : memref<4096x50x64xf32, #tpu.memory_space<hbm>> -> memref<8x50x64xf32, #tpu.memory_space<hbm>>
    %dma_wait3A_2310 = arith.constant 0 : i32
    %dma_wait3A_2311 = arith.constant 0 : i32
    %dma_wait3A_2312 = tpu.memref_slice %arg4[%add3A_2288, %dma_wait3A_2310, %dma_wait3A_2311] : memref<4096x50x64xf32, #tpu.memory_space<hbm>> -> memref<8x50x64xf32, #tpu.memory_space<hbm>>
    %dma_wait3A_2313 = arith.constant 0 : i32
    %dma_wait3A_2314 = arith.constant 0 : i32
    %dma_wait3A_2315 = arith.constant 0 : i32
    %dma_wait3A_2316 = tpu.memref_slice %arg7[%dma_wait3A_2313, %dma_wait3A_2314, %dma_wait3A_2315] : memref<8x50x128xf32, #tpu.memory_space<vmem>> -> memref<8x50x64xf32, #tpu.memory_space<vmem>>
    tpu.wait_dma2 semaphore(%arg11 : memref<!tpu.dma_semaphore, #tpu.memory_space<semaphore_mem>>) src(%dma_wait3A_2316 : memref<8x50x64xf32, #tpu.memory_space<vmem>>) dst(%dma_wait3A_2312 : memref<8x50x64xf32, #tpu.memory_space<hbm>>)
    %dma_start3A_2317 = arith.constant 88 : i32
    %dma_start3A_2318 = arith.constant 0 : i32
    %dma_start3A_2319 = arith.constant 0 : i32
    %dma_start3A_2320 = arith.constant 0 : i32
    %dma_start3A_2321 = tpu.memref_slice %arg7[%dma_start3A_2318, %dma_start3A_2319, %dma_start3A_2320] : memref<8x50x128xf32, #tpu.memory_space<vmem>> -> memref<1x50x128xf32, #tpu.memory_space<vmem>>
    %dma_start3A_2322 = tpu.memref_squeeze %dma_start3A_2321 : memref<1x50x128xf32, #tpu.memory_space<vmem>> -> memref<50x128xf32, #tpu.memory_space<vmem>>
    %dma_start3A_2323 = arith.constant 0 : i32
    %dma_start3A_2324 = tpu.memref_slice %arg5[%dma_start3A_2317, %dma_start3A_2323] : memref<128x50xi32, #tpu.memory_space<vmem>> -> memref<1x50xi32, #tpu.memory_space<vmem>>
    %dma_start3A_2325 = tpu.memref_squeeze %dma_start3A_2324 : memref<1x50xi32, #tpu.memory_space<vmem>> -> memref<50xi32, #tpu.memory_space<vmem>>
    %dma_start3A_2326 = arith.constant 0 : i32
    %dma_start3A_2327 = arith.constant 0 : i32
    %dma_start3A_2328 = tpu.memref_slice %arg3[%dma_start3A_2326, %dma_start3A_2327] : memref<1000000x128xf32, #tpu.memory_space<hbm>> -> memref<1000000x128xf32, #tpu.memory_space<hbm>>
    tpu.enqueue_indirect_dma source(%dma_start3A_2328 : memref<1000000x128xf32, #tpu.memory_space<hbm>>) target(%dma_start3A_2322 : memref<50x128xf32, #tpu.memory_space<vmem>>) offsets(%dma_start3A_2325 : memref<50xi32, #tpu.memory_space<vmem>>) semaphore(%arg9 : memref<!tpu.dma_semaphore, #tpu.memory_space<semaphore_mem>>)
    %dma_start3A_2329 = arith.constant 89 : i32
    %dma_start3A_2330 = arith.constant 1 : i32
    %dma_start3A_2331 = arith.constant 0 : i32
    %dma_start3A_2332 = arith.constant 0 : i32
    %dma_start3A_2333 = tpu.memref_slice %arg7[%dma_start3A_2330, %dma_start3A_2331, %dma_start3A_2332] : memref<8x50x128xf32, #tpu.memory_space<vmem>> -> memref<1x50x128xf32, #tpu.memory_space<vmem>>
    %dma_start3A_2334 = tpu.memref_squeeze %dma_start3A_2333 : memref<1x50x128xf32, #tpu.memory_space<vmem>> -> memref<50x128xf32, #tpu.memory_space<vmem>>
    %dma_start3A_2335 = arith.constant 0 : i32
    %dma_start3A_2336 = tpu.memref_slice %arg5[%dma_start3A_2329, %dma_start3A_2335] : memref<128x50xi32, #tpu.memory_space<vmem>> -> memref<1x50xi32, #tpu.memory_space<vmem>>
    %dma_start3A_2337 = tpu.memref_squeeze %dma_start3A_2336 : memref<1x50xi32, #tpu.memory_space<vmem>> -> memref<50xi32, #tpu.memory_space<vmem>>
    %dma_start3A_2338 = arith.constant 0 : i32
    %dma_start3A_2339 = arith.constant 0 : i32
    %dma_start3A_2340 = tpu.memref_slice %arg3[%dma_start3A_2338, %dma_start3A_2339] : memref<1000000x128xf32, #tpu.memory_space<hbm>> -> memref<1000000x128xf32, #tpu.memory_space<hbm>>
    tpu.enqueue_indirect_dma source(%dma_start3A_2340 : memref<1000000x128xf32, #tpu.memory_space<hbm>>) target(%dma_start3A_2334 : memref<50x128xf32, #tpu.memory_space<vmem>>) offsets(%dma_start3A_2337 : memref<50xi32, #tpu.memory_space<vmem>>) semaphore(%arg9 : memref<!tpu.dma_semaphore, #tpu.memory_space<semaphore_mem>>)
    %dma_start3A_2341 = arith.constant 90 : i32
    %dma_start3A_2342 = arith.constant 2 : i32
    %dma_start3A_2343 = arith.constant 0 : i32
    %dma_start3A_2344 = arith.constant 0 : i32
    %dma_start3A_2345 = tpu.memref_slice %arg7[%dma_start3A_2342, %dma_start3A_2343, %dma_start3A_2344] : memref<8x50x128xf32, #tpu.memory_space<vmem>> -> memref<1x50x128xf32, #tpu.memory_space<vmem>>
    %dma_start3A_2346 = tpu.memref_squeeze %dma_start3A_2345 : memref<1x50x128xf32, #tpu.memory_space<vmem>> -> memref<50x128xf32, #tpu.memory_space<vmem>>
    %dma_start3A_2347 = arith.constant 0 : i32
    %dma_start3A_2348 = tpu.memref_slice %arg5[%dma_start3A_2341, %dma_start3A_2347] : memref<128x50xi32, #tpu.memory_space<vmem>> -> memref<1x50xi32, #tpu.memory_space<vmem>>
    %dma_start3A_2349 = tpu.memref_squeeze %dma_start3A_2348 : memref<1x50xi32, #tpu.memory_space<vmem>> -> memref<50xi32, #tpu.memory_space<vmem>>
    %dma_start3A_2350 = arith.constant 0 : i32
    %dma_start3A_2351 = arith.constant 0 : i32
    %dma_start3A_2352 = tpu.memref_slice %arg3[%dma_start3A_2350, %dma_start3A_2351] : memref<1000000x128xf32, #tpu.memory_space<hbm>> -> memref<1000000x128xf32, #tpu.memory_space<hbm>>
    tpu.enqueue_indirect_dma source(%dma_start3A_2352 : memref<1000000x128xf32, #tpu.memory_space<hbm>>) target(%dma_start3A_2346 : memref<50x128xf32, #tpu.memory_space<vmem>>) offsets(%dma_start3A_2349 : memref<50xi32, #tpu.memory_space<vmem>>) semaphore(%arg9 : memref<!tpu.dma_semaphore, #tpu.memory_space<semaphore_mem>>)
    %dma_start3A_2353 = arith.constant 91 : i32
    %dma_start3A_2354 = arith.constant 3 : i32
    %dma_start3A_2355 = arith.constant 0 : i32
    %dma_start3A_2356 = arith.constant 0 : i32
    %dma_start3A_2357 = tpu.memref_slice %arg7[%dma_start3A_2354, %dma_start3A_2355, %dma_start3A_2356] : memref<8x50x128xf32, #tpu.memory_space<vmem>> -> memref<1x50x128xf32, #tpu.memory_space<vmem>>
    %dma_start3A_2358 = tpu.memref_squeeze %dma_start3A_2357 : memref<1x50x128xf32, #tpu.memory_space<vmem>> -> memref<50x128xf32, #tpu.memory_space<vmem>>
    %dma_start3A_2359 = arith.constant 0 : i32
    %dma_start3A_2360 = tpu.memref_slice %arg5[%dma_start3A_2353, %dma_start3A_2359] : memref<128x50xi32, #tpu.memory_space<vmem>> -> memref<1x50xi32, #tpu.memory_space<vmem>>
    %dma_start3A_2361 = tpu.memref_squeeze %dma_start3A_2360 : memref<1x50xi32, #tpu.memory_space<vmem>> -> memref<50xi32, #tpu.memory_space<vmem>>
    %dma_start3A_2362 = arith.constant 0 : i32
    %dma_start3A_2363 = arith.constant 0 : i32
    %dma_start3A_2364 = tpu.memref_slice %arg3[%dma_start3A_2362, %dma_start3A_2363] : memref<1000000x128xf32, #tpu.memory_space<hbm>> -> memref<1000000x128xf32, #tpu.memory_space<hbm>>
    tpu.enqueue_indirect_dma source(%dma_start3A_2364 : memref<1000000x128xf32, #tpu.memory_space<hbm>>) target(%dma_start3A_2358 : memref<50x128xf32, #tpu.memory_space<vmem>>) offsets(%dma_start3A_2361 : memref<50xi32, #tpu.memory_space<vmem>>) semaphore(%arg9 : memref<!tpu.dma_semaphore, #tpu.memory_space<semaphore_mem>>)
    %dma_start3A_2365 = arith.constant 92 : i32
    %dma_start3A_2366 = arith.constant 4 : i32
    %dma_start3A_2367 = arith.constant 0 : i32
    %dma_start3A_2368 = arith.constant 0 : i32
    %dma_start3A_2369 = tpu.memref_slice %arg7[%dma_start3A_2366, %dma_start3A_2367, %dma_start3A_2368] : memref<8x50x128xf32, #tpu.memory_space<vmem>> -> memref<1x50x128xf32, #tpu.memory_space<vmem>>
    %dma_start3A_2370 = tpu.memref_squeeze %dma_start3A_2369 : memref<1x50x128xf32, #tpu.memory_space<vmem>> -> memref<50x128xf32, #tpu.memory_space<vmem>>
    %dma_start3A_2371 = arith.constant 0 : i32
    %dma_start3A_2372 = tpu.memref_slice %arg5[%dma_start3A_2365, %dma_start3A_2371] : memref<128x50xi32, #tpu.memory_space<vmem>> -> memref<1x50xi32, #tpu.memory_space<vmem>>
    %dma_start3A_2373 = tpu.memref_squeeze %dma_start3A_2372 : memref<1x50xi32, #tpu.memory_space<vmem>> -> memref<50xi32, #tpu.memory_space<vmem>>
    %dma_start3A_2374 = arith.constant 0 : i32
    %dma_start3A_2375 = arith.constant 0 : i32
    %dma_start3A_2376 = tpu.memref_slice %arg3[%dma_start3A_2374, %dma_start3A_2375] : memref<1000000x128xf32, #tpu.memory_space<hbm>> -> memref<1000000x128xf32, #tpu.memory_space<hbm>>
    tpu.enqueue_indirect_dma source(%dma_start3A_2376 : memref<1000000x128xf32, #tpu.memory_space<hbm>>) target(%dma_start3A_2370 : memref<50x128xf32, #tpu.memory_space<vmem>>) offsets(%dma_start3A_2373 : memref<50xi32, #tpu.memory_space<vmem>>) semaphore(%arg9 : memref<!tpu.dma_semaphore, #tpu.memory_space<semaphore_mem>>)
    %dma_start3A_2377 = arith.constant 93 : i32
    %dma_start3A_2378 = arith.constant 5 : i32
    %dma_start3A_2379 = arith.constant 0 : i32
    %dma_start3A_2380 = arith.constant 0 : i32
    %dma_start3A_2381 = tpu.memref_slice %arg7[%dma_start3A_2378, %dma_start3A_2379, %dma_start3A_2380] : memref<8x50x128xf32, #tpu.memory_space<vmem>> -> memref<1x50x128xf32, #tpu.memory_space<vmem>>
    %dma_start3A_2382 = tpu.memref_squeeze %dma_start3A_2381 : memref<1x50x128xf32, #tpu.memory_space<vmem>> -> memref<50x128xf32, #tpu.memory_space<vmem>>
    %dma_start3A_2383 = arith.constant 0 : i32
    %dma_start3A_2384 = tpu.memref_slice %arg5[%dma_start3A_2377, %dma_start3A_2383] : memref<128x50xi32, #tpu.memory_space<vmem>> -> memref<1x50xi32, #tpu.memory_space<vmem>>
    %dma_start3A_2385 = tpu.memref_squeeze %dma_start3A_2384 : memref<1x50xi32, #tpu.memory_space<vmem>> -> memref<50xi32, #tpu.memory_space<vmem>>
    %dma_start3A_2386 = arith.constant 0 : i32
    %dma_start3A_2387 = arith.constant 0 : i32
    %dma_start3A_2388 = tpu.memref_slice %arg3[%dma_start3A_2386, %dma_start3A_2387] : memref<1000000x128xf32, #tpu.memory_space<hbm>> -> memref<1000000x128xf32, #tpu.memory_space<hbm>>
    tpu.enqueue_indirect_dma source(%dma_start3A_2388 : memref<1000000x128xf32, #tpu.memory_space<hbm>>) target(%dma_start3A_2382 : memref<50x128xf32, #tpu.memory_space<vmem>>) offsets(%dma_start3A_2385 : memref<50xi32, #tpu.memory_space<vmem>>) semaphore(%arg9 : memref<!tpu.dma_semaphore, #tpu.memory_space<semaphore_mem>>)
    %dma_start3A_2389 = arith.constant 94 : i32
    %dma_start3A_2390 = arith.constant 6 : i32
    %dma_start3A_2391 = arith.constant 0 : i32
    %dma_start3A_2392 = arith.constant 0 : i32
    %dma_start3A_2393 = tpu.memref_slice %arg7[%dma_start3A_2390, %dma_start3A_2391, %dma_start3A_2392] : memref<8x50x128xf32, #tpu.memory_space<vmem>> -> memref<1x50x128xf32, #tpu.memory_space<vmem>>
    %dma_start3A_2394 = tpu.memref_squeeze %dma_start3A_2393 : memref<1x50x128xf32, #tpu.memory_space<vmem>> -> memref<50x128xf32, #tpu.memory_space<vmem>>
    %dma_start3A_2395 = arith.constant 0 : i32
    %dma_start3A_2396 = tpu.memref_slice %arg5[%dma_start3A_2389, %dma_start3A_2395] : memref<128x50xi32, #tpu.memory_space<vmem>> -> memref<1x50xi32, #tpu.memory_space<vmem>>
    %dma_start3A_2397 = tpu.memref_squeeze %dma_start3A_2396 : memref<1x50xi32, #tpu.memory_space<vmem>> -> memref<50xi32, #tpu.memory_space<vmem>>
    %dma_start3A_2398 = arith.constant 0 : i32
    %dma_start3A_2399 = arith.constant 0 : i32
    %dma_start3A_2400 = tpu.memref_slice %arg3[%dma_start3A_2398, %dma_start3A_2399] : memref<1000000x128xf32, #tpu.memory_space<hbm>> -> memref<1000000x128xf32, #tpu.memory_space<hbm>>
    tpu.enqueue_indirect_dma source(%dma_start3A_2400 : memref<1000000x128xf32, #tpu.memory_space<hbm>>) target(%dma_start3A_2394 : memref<50x128xf32, #tpu.memory_space<vmem>>) offsets(%dma_start3A_2397 : memref<50xi32, #tpu.memory_space<vmem>>) semaphore(%arg9 : memref<!tpu.dma_semaphore, #tpu.memory_space<semaphore_mem>>)
    %dma_start3A_2401 = arith.constant 95 : i32
    %dma_start3A_2402 = arith.constant 7 : i32
    %dma_start3A_2403 = arith.constant 0 : i32
    %dma_start3A_2404 = arith.constant 0 : i32
    %dma_start3A_2405 = tpu.memref_slice %arg7[%dma_start3A_2402, %dma_start3A_2403, %dma_start3A_2404] : memref<8x50x128xf32, #tpu.memory_space<vmem>> -> memref<1x50x128xf32, #tpu.memory_space<vmem>>
    %dma_start3A_2406 = tpu.memref_squeeze %dma_start3A_2405 : memref<1x50x128xf32, #tpu.memory_space<vmem>> -> memref<50x128xf32, #tpu.memory_space<vmem>>
    %dma_start3A_2407 = arith.constant 0 : i32
    %dma_start3A_2408 = tpu.memref_slice %arg5[%dma_start3A_2401, %dma_start3A_2407] : memref<128x50xi32, #tpu.memory_space<vmem>> -> memref<1x50xi32, #tpu.memory_space<vmem>>
    %dma_start3A_2409 = tpu.memref_squeeze %dma_start3A_2408 : memref<1x50xi32, #tpu.memory_space<vmem>> -> memref<50xi32, #tpu.memory_space<vmem>>
    %dma_start3A_2410 = arith.constant 0 : i32
    %dma_start3A_2411 = arith.constant 0 : i32
    %dma_start3A_2412 = tpu.memref_slice %arg3[%dma_start3A_2410, %dma_start3A_2411] : memref<1000000x128xf32, #tpu.memory_space<hbm>> -> memref<1000000x128xf32, #tpu.memory_space<hbm>>
    tpu.enqueue_indirect_dma source(%dma_start3A_2412 : memref<1000000x128xf32, #tpu.memory_space<hbm>>) target(%dma_start3A_2406 : memref<50x128xf32, #tpu.memory_space<vmem>>) offsets(%dma_start3A_2409 : memref<50xi32, #tpu.memory_space<vmem>>) semaphore(%arg9 : memref<!tpu.dma_semaphore, #tpu.memory_space<semaphore_mem>>)
    %dma_wait3A_2413 = arith.constant 80 : i32
    %dma_wait3A_2414 = arith.constant 0 : i32
    %dma_wait3A_2415 = arith.constant 0 : i32
    %dma_wait3A_2416 = arith.constant 0 : i32
    %dma_wait3A_2417 = tpu.memref_slice %arg6[%dma_wait3A_2414, %dma_wait3A_2415, %dma_wait3A_2416] : memref<8x50x128xf32, #tpu.memory_space<vmem>> -> memref<1x50x128xf32, #tpu.memory_space<vmem>>
    %dma_wait3A_2418 = tpu.memref_squeeze %dma_wait3A_2417 : memref<1x50x128xf32, #tpu.memory_space<vmem>> -> memref<50x128xf32, #tpu.memory_space<vmem>>
    %dma_wait3A_2419 = arith.constant 0 : i32
    %dma_wait3A_2420 = tpu.memref_slice %arg5[%dma_wait3A_2413, %dma_wait3A_2419] : memref<128x50xi32, #tpu.memory_space<vmem>> -> memref<1x50xi32, #tpu.memory_space<vmem>>
    %dma_wait3A_2421 = tpu.memref_squeeze %dma_wait3A_2420 : memref<1x50xi32, #tpu.memory_space<vmem>> -> memref<50xi32, #tpu.memory_space<vmem>>
    %dma_wait3A_2422 = arith.constant 0 : i32
    %dma_wait3A_2423 = arith.constant 0 : i32
    %dma_wait3A_2424 = tpu.memref_slice %arg3[%dma_wait3A_2422, %dma_wait3A_2423] : memref<1000000x128xf32, #tpu.memory_space<hbm>> -> memref<1000000x128xf32, #tpu.memory_space<hbm>>
    tpu.wait_indirect_dma semaphore(%arg8 : memref<!tpu.dma_semaphore, #tpu.memory_space<semaphore_mem>>) src(%dma_wait3A_2424 : memref<1000000x128xf32, #tpu.memory_space<hbm>>) dst(%dma_wait3A_2418 : memref<50x128xf32, #tpu.memory_space<vmem>>)
    %dma_wait3A_2425 = arith.constant 81 : i32
    %dma_wait3A_2426 = arith.constant 1 : i32
    %dma_wait3A_2427 = arith.constant 0 : i32
    %dma_wait3A_2428 = arith.constant 0 : i32
    %dma_wait3A_2429 = tpu.memref_slice %arg6[%dma_wait3A_2426, %dma_wait3A_2427, %dma_wait3A_2428] : memref<8x50x128xf32, #tpu.memory_space<vmem>> -> memref<1x50x128xf32, #tpu.memory_space<vmem>>
    %dma_wait3A_2430 = tpu.memref_squeeze %dma_wait3A_2429 : memref<1x50x128xf32, #tpu.memory_space<vmem>> -> memref<50x128xf32, #tpu.memory_space<vmem>>
    %dma_wait3A_2431 = arith.constant 0 : i32
    %dma_wait3A_2432 = tpu.memref_slice %arg5[%dma_wait3A_2425, %dma_wait3A_2431] : memref<128x50xi32, #tpu.memory_space<vmem>> -> memref<1x50xi32, #tpu.memory_space<vmem>>
    %dma_wait3A_2433 = tpu.memref_squeeze %dma_wait3A_2432 : memref<1x50xi32, #tpu.memory_space<vmem>> -> memref<50xi32, #tpu.memory_space<vmem>>
    %dma_wait3A_2434 = arith.constant 0 : i32
    %dma_wait3A_2435 = arith.constant 0 : i32
    %dma_wait3A_2436 = tpu.memref_slice %arg3[%dma_wait3A_2434, %dma_wait3A_2435] : memref<1000000x128xf32, #tpu.memory_space<hbm>> -> memref<1000000x128xf32, #tpu.memory_space<hbm>>
    tpu.wait_indirect_dma semaphore(%arg8 : memref<!tpu.dma_semaphore, #tpu.memory_space<semaphore_mem>>) src(%dma_wait3A_2436 : memref<1000000x128xf32, #tpu.memory_space<hbm>>) dst(%dma_wait3A_2430 : memref<50x128xf32, #tpu.memory_space<vmem>>)
    %dma_wait3A_2437 = arith.constant 82 : i32
    %dma_wait3A_2438 = arith.constant 2 : i32
    %dma_wait3A_2439 = arith.constant 0 : i32
    %dma_wait3A_2440 = arith.constant 0 : i32
    %dma_wait3A_2441 = tpu.memref_slice %arg6[%dma_wait3A_2438, %dma_wait3A_2439, %dma_wait3A_2440] : memref<8x50x128xf32, #tpu.memory_space<vmem>> -> memref<1x50x128xf32, #tpu.memory_space<vmem>>
    %dma_wait3A_2442 = tpu.memref_squeeze %dma_wait3A_2441 : memref<1x50x128xf32, #tpu.memory_space<vmem>> -> memref<50x128xf32, #tpu.memory_space<vmem>>
    %dma_wait3A_2443 = arith.constant 0 : i32
    %dma_wait3A_2444 = tpu.memref_slice %arg5[%dma_wait3A_2437, %dma_wait3A_2443] : memref<128x50xi32, #tpu.memory_space<vmem>> -> memref<1x50xi32, #tpu.memory_space<vmem>>
    %dma_wait3A_2445 = tpu.memref_squeeze %dma_wait3A_2444 : memref<1x50xi32, #tpu.memory_space<vmem>> -> memref<50xi32, #tpu.memory_space<vmem>>
    %dma_wait3A_2446 = arith.constant 0 : i32
    %dma_wait3A_2447 = arith.constant 0 : i32
    %dma_wait3A_2448 = tpu.memref_slice %arg3[%dma_wait3A_2446, %dma_wait3A_2447] : memref<1000000x128xf32, #tpu.memory_space<hbm>> -> memref<1000000x128xf32, #tpu.memory_space<hbm>>
    tpu.wait_indirect_dma semaphore(%arg8 : memref<!tpu.dma_semaphore, #tpu.memory_space<semaphore_mem>>) src(%dma_wait3A_2448 : memref<1000000x128xf32, #tpu.memory_space<hbm>>) dst(%dma_wait3A_2442 : memref<50x128xf32, #tpu.memory_space<vmem>>)
    %dma_wait3A_2449 = arith.constant 83 : i32
    %dma_wait3A_2450 = arith.constant 3 : i32
    %dma_wait3A_2451 = arith.constant 0 : i32
    %dma_wait3A_2452 = arith.constant 0 : i32
    %dma_wait3A_2453 = tpu.memref_slice %arg6[%dma_wait3A_2450, %dma_wait3A_2451, %dma_wait3A_2452] : memref<8x50x128xf32, #tpu.memory_space<vmem>> -> memref<1x50x128xf32, #tpu.memory_space<vmem>>
    %dma_wait3A_2454 = tpu.memref_squeeze %dma_wait3A_2453 : memref<1x50x128xf32, #tpu.memory_space<vmem>> -> memref<50x128xf32, #tpu.memory_space<vmem>>
    %dma_wait3A_2455 = arith.constant 0 : i32
    %dma_wait3A_2456 = tpu.memref_slice %arg5[%dma_wait3A_2449, %dma_wait3A_2455] : memref<128x50xi32, #tpu.memory_space<vmem>> -> memref<1x50xi32, #tpu.memory_space<vmem>>
    %dma_wait3A_2457 = tpu.memref_squeeze %dma_wait3A_2456 : memref<1x50xi32, #tpu.memory_space<vmem>> -> memref<50xi32, #tpu.memory_space<vmem>>
    %dma_wait3A_2458 = arith.constant 0 : i32
    %dma_wait3A_2459 = arith.constant 0 : i32
    %dma_wait3A_2460 = tpu.memref_slice %arg3[%dma_wait3A_2458, %dma_wait3A_2459] : memref<1000000x128xf32, #tpu.memory_space<hbm>> -> memref<1000000x128xf32, #tpu.memory_space<hbm>>
    tpu.wait_indirect_dma semaphore(%arg8 : memref<!tpu.dma_semaphore, #tpu.memory_space<semaphore_mem>>) src(%dma_wait3A_2460 : memref<1000000x128xf32, #tpu.memory_space<hbm>>) dst(%dma_wait3A_2454 : memref<50x128xf32, #tpu.memory_space<vmem>>)
    %dma_wait3A_2461 = arith.constant 84 : i32
    %dma_wait3A_2462 = arith.constant 4 : i32
    %dma_wait3A_2463 = arith.constant 0 : i32
    %dma_wait3A_2464 = arith.constant 0 : i32
    %dma_wait3A_2465 = tpu.memref_slice %arg6[%dma_wait3A_2462, %dma_wait3A_2463, %dma_wait3A_2464] : memref<8x50x128xf32, #tpu.memory_space<vmem>> -> memref<1x50x128xf32, #tpu.memory_space<vmem>>
    %dma_wait3A_2466 = tpu.memref_squeeze %dma_wait3A_2465 : memref<1x50x128xf32, #tpu.memory_space<vmem>> -> memref<50x128xf32, #tpu.memory_space<vmem>>
    %dma_wait3A_2467 = arith.constant 0 : i32
    %dma_wait3A_2468 = tpu.memref_slice %arg5[%dma_wait3A_2461, %dma_wait3A_2467] : memref<128x50xi32, #tpu.memory_space<vmem>> -> memref<1x50xi32, #tpu.memory_space<vmem>>
    %dma_wait3A_2469 = tpu.memref_squeeze %dma_wait3A_2468 : memref<1x50xi32, #tpu.memory_space<vmem>> -> memref<50xi32, #tpu.memory_space<vmem>>
    %dma_wait3A_2470 = arith.constant 0 : i32
    %dma_wait3A_2471 = arith.constant 0 : i32
    %dma_wait3A_2472 = tpu.memref_slice %arg3[%dma_wait3A_2470, %dma_wait3A_2471] : memref<1000000x128xf32, #tpu.memory_space<hbm>> -> memref<1000000x128xf32, #tpu.memory_space<hbm>>
    tpu.wait_indirect_dma semaphore(%arg8 : memref<!tpu.dma_semaphore, #tpu.memory_space<semaphore_mem>>) src(%dma_wait3A_2472 : memref<1000000x128xf32, #tpu.memory_space<hbm>>) dst(%dma_wait3A_2466 : memref<50x128xf32, #tpu.memory_space<vmem>>)
    %dma_wait3A_2473 = arith.constant 85 : i32
    %dma_wait3A_2474 = arith.constant 5 : i32
    %dma_wait3A_2475 = arith.constant 0 : i32
    %dma_wait3A_2476 = arith.constant 0 : i32
    %dma_wait3A_2477 = tpu.memref_slice %arg6[%dma_wait3A_2474, %dma_wait3A_2475, %dma_wait3A_2476] : memref<8x50x128xf32, #tpu.memory_space<vmem>> -> memref<1x50x128xf32, #tpu.memory_space<vmem>>
    %dma_wait3A_2478 = tpu.memref_squeeze %dma_wait3A_2477 : memref<1x50x128xf32, #tpu.memory_space<vmem>> -> memref<50x128xf32, #tpu.memory_space<vmem>>
    %dma_wait3A_2479 = arith.constant 0 : i32
    %dma_wait3A_2480 = tpu.memref_slice %arg5[%dma_wait3A_2473, %dma_wait3A_2479] : memref<128x50xi32, #tpu.memory_space<vmem>> -> memref<1x50xi32, #tpu.memory_space<vmem>>
    %dma_wait3A_2481 = tpu.memref_squeeze %dma_wait3A_2480 : memref<1x50xi32, #tpu.memory_space<vmem>> -> memref<50xi32, #tpu.memory_space<vmem>>
    %dma_wait3A_2482 = arith.constant 0 : i32
    %dma_wait3A_2483 = arith.constant 0 : i32
    %dma_wait3A_2484 = tpu.memref_slice %arg3[%dma_wait3A_2482, %dma_wait3A_2483] : memref<1000000x128xf32, #tpu.memory_space<hbm>> -> memref<1000000x128xf32, #tpu.memory_space<hbm>>
    tpu.wait_indirect_dma semaphore(%arg8 : memref<!tpu.dma_semaphore, #tpu.memory_space<semaphore_mem>>) src(%dma_wait3A_2484 : memref<1000000x128xf32, #tpu.memory_space<hbm>>) dst(%dma_wait3A_2478 : memref<50x128xf32, #tpu.memory_space<vmem>>)
    %dma_wait3A_2485 = arith.constant 86 : i32
    %dma_wait3A_2486 = arith.constant 6 : i32
    %dma_wait3A_2487 = arith.constant 0 : i32
    %dma_wait3A_2488 = arith.constant 0 : i32
    %dma_wait3A_2489 = tpu.memref_slice %arg6[%dma_wait3A_2486, %dma_wait3A_2487, %dma_wait3A_2488] : memref<8x50x128xf32, #tpu.memory_space<vmem>> -> memref<1x50x128xf32, #tpu.memory_space<vmem>>
    %dma_wait3A_2490 = tpu.memref_squeeze %dma_wait3A_2489 : memref<1x50x128xf32, #tpu.memory_space<vmem>> -> memref<50x128xf32, #tpu.memory_space<vmem>>
    %dma_wait3A_2491 = arith.constant 0 : i32
    %dma_wait3A_2492 = tpu.memref_slice %arg5[%dma_wait3A_2485, %dma_wait3A_2491] : memref<128x50xi32, #tpu.memory_space<vmem>> -> memref<1x50xi32, #tpu.memory_space<vmem>>
    %dma_wait3A_2493 = tpu.memref_squeeze %dma_wait3A_2492 : memref<1x50xi32, #tpu.memory_space<vmem>> -> memref<50xi32, #tpu.memory_space<vmem>>
    %dma_wait3A_2494 = arith.constant 0 : i32
    %dma_wait3A_2495 = arith.constant 0 : i32
    %dma_wait3A_2496 = tpu.memref_slice %arg3[%dma_wait3A_2494, %dma_wait3A_2495] : memref<1000000x128xf32, #tpu.memory_space<hbm>> -> memref<1000000x128xf32, #tpu.memory_space<hbm>>
    tpu.wait_indirect_dma semaphore(%arg8 : memref<!tpu.dma_semaphore, #tpu.memory_space<semaphore_mem>>) src(%dma_wait3A_2496 : memref<1000000x128xf32, #tpu.memory_space<hbm>>) dst(%dma_wait3A_2490 : memref<50x128xf32, #tpu.memory_space<vmem>>)
    %dma_wait3A_2497 = arith.constant 87 : i32
    %dma_wait3A_2498 = arith.constant 7 : i32
    %dma_wait3A_2499 = arith.constant 0 : i32
    %dma_wait3A_2500 = arith.constant 0 : i32
    %dma_wait3A_2501 = tpu.memref_slice %arg6[%dma_wait3A_2498, %dma_wait3A_2499, %dma_wait3A_2500] : memref<8x50x128xf32, #tpu.memory_space<vmem>> -> memref<1x50x128xf32, #tpu.memory_space<vmem>>
    %dma_wait3A_2502 = tpu.memref_squeeze %dma_wait3A_2501 : memref<1x50x128xf32, #tpu.memory_space<vmem>> -> memref<50x128xf32, #tpu.memory_space<vmem>>
    %dma_wait3A_2503 = arith.constant 0 : i32
    %dma_wait3A_2504 = tpu.memref_slice %arg5[%dma_wait3A_2497, %dma_wait3A_2503] : memref<128x50xi32, #tpu.memory_space<vmem>> -> memref<1x50xi32, #tpu.memory_space<vmem>>
    %dma_wait3A_2505 = tpu.memref_squeeze %dma_wait3A_2504 : memref<1x50xi32, #tpu.memory_space<vmem>> -> memref<50xi32, #tpu.memory_space<vmem>>
    %dma_wait3A_2506 = arith.constant 0 : i32
    %dma_wait3A_2507 = arith.constant 0 : i32
    %dma_wait3A_2508 = tpu.memref_slice %arg3[%dma_wait3A_2506, %dma_wait3A_2507] : memref<1000000x128xf32, #tpu.memory_space<hbm>> -> memref<1000000x128xf32, #tpu.memory_space<hbm>>
    tpu.wait_indirect_dma semaphore(%arg8 : memref<!tpu.dma_semaphore, #tpu.memory_space<semaphore_mem>>) src(%dma_wait3A_2508 : memref<1000000x128xf32, #tpu.memory_space<hbm>>) dst(%dma_wait3A_2502 : memref<50x128xf32, #tpu.memory_space<vmem>>)
    %add3A_2509 = arith.constant 80 : i32
    %add3A_2510 = arith.addi %mul3A_2, %add3A_2509 : i32
    %dma_start3A_2511 = arith.constant 0 : i32
    %dma_start3A_2512 = arith.constant 0 : i32
    %dma_start3A_2513 = arith.constant 0 : i32
    %dma_start3A_2514 = tpu.memref_slice %arg6[%dma_start3A_2511, %dma_start3A_2512, %dma_start3A_2513] : memref<8x50x128xf32, #tpu.memory_space<vmem>> -> memref<8x50x64xf32, #tpu.memory_space<vmem>>
    %dma_start3A_2515 = arith.constant 0 : i32
    %dma_start3A_2516 = arith.constant 0 : i32
    %dma_start3A_2517 = tpu.memref_slice %arg4[%add3A_2510, %dma_start3A_2515, %dma_start3A_2516] : memref<4096x50x64xf32, #tpu.memory_space<hbm>> -> memref<8x50x64xf32, #tpu.memory_space<hbm>>
    %dma_start3A_2518 = arith.constant 0 : i32
    %dma_start3A_2519 = arith.constant 0 : i32
    %dma_start3A_2520 = tpu.memref_slice %arg4[%add3A_2510, %dma_start3A_2518, %dma_start3A_2519] : memref<4096x50x64xf32, #tpu.memory_space<hbm>> -> memref<8x50x64xf32, #tpu.memory_space<hbm>>
    %dma_start3A_2521 = arith.constant 0 : i32
    %dma_start3A_2522 = arith.constant 0 : i32
    %dma_start3A_2523 = arith.constant 0 : i32
    %dma_start3A_2524 = tpu.memref_slice %arg6[%dma_start3A_2521, %dma_start3A_2522, %dma_start3A_2523] : memref<8x50x128xf32, #tpu.memory_space<vmem>> -> memref<8x50x64xf32, #tpu.memory_space<vmem>>
    tpu.enqueue_dma source(%dma_start3A_2524 : memref<8x50x64xf32, #tpu.memory_space<vmem>>) target(%dma_start3A_2520 : memref<8x50x64xf32, #tpu.memory_space<hbm>>) target_semaphore(%arg10 : memref<!tpu.dma_semaphore, #tpu.memory_space<semaphore_mem>>)
    %dma_wait3A_2525 = arith.constant 0 : i32
    %dma_wait3A_2526 = arith.constant 0 : i32
    %dma_wait3A_2527 = arith.constant 0 : i32
    %dma_wait3A_2528 = tpu.memref_slice %arg6[%dma_wait3A_2525, %dma_wait3A_2526, %dma_wait3A_2527] : memref<8x50x128xf32, #tpu.memory_space<vmem>> -> memref<8x50x64xf32, #tpu.memory_space<vmem>>
    %dma_wait3A_2529 = arith.constant 0 : i32
    %dma_wait3A_2530 = arith.constant 0 : i32
    %dma_wait3A_2531 = tpu.memref_slice %arg4[%add3A_2510, %dma_wait3A_2529, %dma_wait3A_2530] : memref<4096x50x64xf32, #tpu.memory_space<hbm>> -> memref<8x50x64xf32, #tpu.memory_space<hbm>>
    %dma_wait3A_2532 = arith.constant 0 : i32
    %dma_wait3A_2533 = arith.constant 0 : i32
    %dma_wait3A_2534 = tpu.memref_slice %arg4[%add3A_2510, %dma_wait3A_2532, %dma_wait3A_2533] : memref<4096x50x64xf32, #tpu.memory_space<hbm>> -> memref<8x50x64xf32, #tpu.memory_space<hbm>>
    %dma_wait3A_2535 = arith.constant 0 : i32
    %dma_wait3A_2536 = arith.constant 0 : i32
    %dma_wait3A_2537 = arith.constant 0 : i32
    %dma_wait3A_2538 = tpu.memref_slice %arg6[%dma_wait3A_2535, %dma_wait3A_2536, %dma_wait3A_2537] : memref<8x50x128xf32, #tpu.memory_space<vmem>> -> memref<8x50x64xf32, #tpu.memory_space<vmem>>
    tpu.wait_dma2 semaphore(%arg10 : memref<!tpu.dma_semaphore, #tpu.memory_space<semaphore_mem>>) src(%dma_wait3A_2538 : memref<8x50x64xf32, #tpu.memory_space<vmem>>) dst(%dma_wait3A_2534 : memref<8x50x64xf32, #tpu.memory_space<hbm>>)
    %dma_start3A_2539 = arith.constant 96 : i32
    %dma_start3A_2540 = arith.constant 0 : i32
    %dma_start3A_2541 = arith.constant 0 : i32
    %dma_start3A_2542 = arith.constant 0 : i32
    %dma_start3A_2543 = tpu.memref_slice %arg6[%dma_start3A_2540, %dma_start3A_2541, %dma_start3A_2542] : memref<8x50x128xf32, #tpu.memory_space<vmem>> -> memref<1x50x128xf32, #tpu.memory_space<vmem>>
    %dma_start3A_2544 = tpu.memref_squeeze %dma_start3A_2543 : memref<1x50x128xf32, #tpu.memory_space<vmem>> -> memref<50x128xf32, #tpu.memory_space<vmem>>
    %dma_start3A_2545 = arith.constant 0 : i32
    %dma_start3A_2546 = tpu.memref_slice %arg5[%dma_start3A_2539, %dma_start3A_2545] : memref<128x50xi32, #tpu.memory_space<vmem>> -> memref<1x50xi32, #tpu.memory_space<vmem>>
    %dma_start3A_2547 = tpu.memref_squeeze %dma_start3A_2546 : memref<1x50xi32, #tpu.memory_space<vmem>> -> memref<50xi32, #tpu.memory_space<vmem>>
    %dma_start3A_2548 = arith.constant 0 : i32
    %dma_start3A_2549 = arith.constant 0 : i32
    %dma_start3A_2550 = tpu.memref_slice %arg3[%dma_start3A_2548, %dma_start3A_2549] : memref<1000000x128xf32, #tpu.memory_space<hbm>> -> memref<1000000x128xf32, #tpu.memory_space<hbm>>
    tpu.enqueue_indirect_dma source(%dma_start3A_2550 : memref<1000000x128xf32, #tpu.memory_space<hbm>>) target(%dma_start3A_2544 : memref<50x128xf32, #tpu.memory_space<vmem>>) offsets(%dma_start3A_2547 : memref<50xi32, #tpu.memory_space<vmem>>) semaphore(%arg8 : memref<!tpu.dma_semaphore, #tpu.memory_space<semaphore_mem>>)
    %dma_start3A_2551 = arith.constant 97 : i32
    %dma_start3A_2552 = arith.constant 1 : i32
    %dma_start3A_2553 = arith.constant 0 : i32
    %dma_start3A_2554 = arith.constant 0 : i32
    %dma_start3A_2555 = tpu.memref_slice %arg6[%dma_start3A_2552, %dma_start3A_2553, %dma_start3A_2554] : memref<8x50x128xf32, #tpu.memory_space<vmem>> -> memref<1x50x128xf32, #tpu.memory_space<vmem>>
    %dma_start3A_2556 = tpu.memref_squeeze %dma_start3A_2555 : memref<1x50x128xf32, #tpu.memory_space<vmem>> -> memref<50x128xf32, #tpu.memory_space<vmem>>
    %dma_start3A_2557 = arith.constant 0 : i32
    %dma_start3A_2558 = tpu.memref_slice %arg5[%dma_start3A_2551, %dma_start3A_2557] : memref<128x50xi32, #tpu.memory_space<vmem>> -> memref<1x50xi32, #tpu.memory_space<vmem>>
    %dma_start3A_2559 = tpu.memref_squeeze %dma_start3A_2558 : memref<1x50xi32, #tpu.memory_space<vmem>> -> memref<50xi32, #tpu.memory_space<vmem>>
    %dma_start3A_2560 = arith.constant 0 : i32
    %dma_start3A_2561 = arith.constant 0 : i32
    %dma_start3A_2562 = tpu.memref_slice %arg3[%dma_start3A_2560, %dma_start3A_2561] : memref<1000000x128xf32, #tpu.memory_space<hbm>> -> memref<1000000x128xf32, #tpu.memory_space<hbm>>
    tpu.enqueue_indirect_dma source(%dma_start3A_2562 : memref<1000000x128xf32, #tpu.memory_space<hbm>>) target(%dma_start3A_2556 : memref<50x128xf32, #tpu.memory_space<vmem>>) offsets(%dma_start3A_2559 : memref<50xi32, #tpu.memory_space<vmem>>) semaphore(%arg8 : memref<!tpu.dma_semaphore, #tpu.memory_space<semaphore_mem>>)
    %dma_start3A_2563 = arith.constant 98 : i32
    %dma_start3A_2564 = arith.constant 2 : i32
    %dma_start3A_2565 = arith.constant 0 : i32
    %dma_start3A_2566 = arith.constant 0 : i32
    %dma_start3A_2567 = tpu.memref_slice %arg6[%dma_start3A_2564, %dma_start3A_2565, %dma_start3A_2566] : memref<8x50x128xf32, #tpu.memory_space<vmem>> -> memref<1x50x128xf32, #tpu.memory_space<vmem>>
    %dma_start3A_2568 = tpu.memref_squeeze %dma_start3A_2567 : memref<1x50x128xf32, #tpu.memory_space<vmem>> -> memref<50x128xf32, #tpu.memory_space<vmem>>
    %dma_start3A_2569 = arith.constant 0 : i32
    %dma_start3A_2570 = tpu.memref_slice %arg5[%dma_start3A_2563, %dma_start3A_2569] : memref<128x50xi32, #tpu.memory_space<vmem>> -> memref<1x50xi32, #tpu.memory_space<vmem>>
    %dma_start3A_2571 = tpu.memref_squeeze %dma_start3A_2570 : memref<1x50xi32, #tpu.memory_space<vmem>> -> memref<50xi32, #tpu.memory_space<vmem>>
    %dma_start3A_2572 = arith.constant 0 : i32
    %dma_start3A_2573 = arith.constant 0 : i32
    %dma_start3A_2574 = tpu.memref_slice %arg3[%dma_start3A_2572, %dma_start3A_2573] : memref<1000000x128xf32, #tpu.memory_space<hbm>> -> memref<1000000x128xf32, #tpu.memory_space<hbm>>
    tpu.enqueue_indirect_dma source(%dma_start3A_2574 : memref<1000000x128xf32, #tpu.memory_space<hbm>>) target(%dma_start3A_2568 : memref<50x128xf32, #tpu.memory_space<vmem>>) offsets(%dma_start3A_2571 : memref<50xi32, #tpu.memory_space<vmem>>) semaphore(%arg8 : memref<!tpu.dma_semaphore, #tpu.memory_space<semaphore_mem>>)
    %dma_start3A_2575 = arith.constant 99 : i32
    %dma_start3A_2576 = arith.constant 3 : i32
    %dma_start3A_2577 = arith.constant 0 : i32
    %dma_start3A_2578 = arith.constant 0 : i32
    %dma_start3A_2579 = tpu.memref_slice %arg6[%dma_start3A_2576, %dma_start3A_2577, %dma_start3A_2578] : memref<8x50x128xf32, #tpu.memory_space<vmem>> -> memref<1x50x128xf32, #tpu.memory_space<vmem>>
    %dma_start3A_2580 = tpu.memref_squeeze %dma_start3A_2579 : memref<1x50x128xf32, #tpu.memory_space<vmem>> -> memref<50x128xf32, #tpu.memory_space<vmem>>
    %dma_start3A_2581 = arith.constant 0 : i32
    %dma_start3A_2582 = tpu.memref_slice %arg5[%dma_start3A_2575, %dma_start3A_2581] : memref<128x50xi32, #tpu.memory_space<vmem>> -> memref<1x50xi32, #tpu.memory_space<vmem>>
    %dma_start3A_2583 = tpu.memref_squeeze %dma_start3A_2582 : memref<1x50xi32, #tpu.memory_space<vmem>> -> memref<50xi32, #tpu.memory_space<vmem>>
    %dma_start3A_2584 = arith.constant 0 : i32
    %dma_start3A_2585 = arith.constant 0 : i32
    %dma_start3A_2586 = tpu.memref_slice %arg3[%dma_start3A_2584, %dma_start3A_2585] : memref<1000000x128xf32, #tpu.memory_space<hbm>> -> memref<1000000x128xf32, #tpu.memory_space<hbm>>
    tpu.enqueue_indirect_dma source(%dma_start3A_2586 : memref<1000000x128xf32, #tpu.memory_space<hbm>>) target(%dma_start3A_2580 : memref<50x128xf32, #tpu.memory_space<vmem>>) offsets(%dma_start3A_2583 : memref<50xi32, #tpu.memory_space<vmem>>) semaphore(%arg8 : memref<!tpu.dma_semaphore, #tpu.memory_space<semaphore_mem>>)
    %dma_start3A_2587 = arith.constant 100 : i32
    %dma_start3A_2588 = arith.constant 4 : i32
    %dma_start3A_2589 = arith.constant 0 : i32
    %dma_start3A_2590 = arith.constant 0 : i32
    %dma_start3A_2591 = tpu.memref_slice %arg6[%dma_start3A_2588, %dma_start3A_2589, %dma_start3A_2590] : memref<8x50x128xf32, #tpu.memory_space<vmem>> -> memref<1x50x128xf32, #tpu.memory_space<vmem>>
    %dma_start3A_2592 = tpu.memref_squeeze %dma_start3A_2591 : memref<1x50x128xf32, #tpu.memory_space<vmem>> -> memref<50x128xf32, #tpu.memory_space<vmem>>
    %dma_start3A_2593 = arith.constant 0 : i32
    %dma_start3A_2594 = tpu.memref_slice %arg5[%dma_start3A_2587, %dma_start3A_2593] : memref<128x50xi32, #tpu.memory_space<vmem>> -> memref<1x50xi32, #tpu.memory_space<vmem>>
    %dma_start3A_2595 = tpu.memref_squeeze %dma_start3A_2594 : memref<1x50xi32, #tpu.memory_space<vmem>> -> memref<50xi32, #tpu.memory_space<vmem>>
    %dma_start3A_2596 = arith.constant 0 : i32
    %dma_start3A_2597 = arith.constant 0 : i32
    %dma_start3A_2598 = tpu.memref_slice %arg3[%dma_start3A_2596, %dma_start3A_2597] : memref<1000000x128xf32, #tpu.memory_space<hbm>> -> memref<1000000x128xf32, #tpu.memory_space<hbm>>
    tpu.enqueue_indirect_dma source(%dma_start3A_2598 : memref<1000000x128xf32, #tpu.memory_space<hbm>>) target(%dma_start3A_2592 : memref<50x128xf32, #tpu.memory_space<vmem>>) offsets(%dma_start3A_2595 : memref<50xi32, #tpu.memory_space<vmem>>) semaphore(%arg8 : memref<!tpu.dma_semaphore, #tpu.memory_space<semaphore_mem>>)
    %dma_start3A_2599 = arith.constant 101 : i32
    %dma_start3A_2600 = arith.constant 5 : i32
    %dma_start3A_2601 = arith.constant 0 : i32
    %dma_start3A_2602 = arith.constant 0 : i32
    %dma_start3A_2603 = tpu.memref_slice %arg6[%dma_start3A_2600, %dma_start3A_2601, %dma_start3A_2602] : memref<8x50x128xf32, #tpu.memory_space<vmem>> -> memref<1x50x128xf32, #tpu.memory_space<vmem>>
    %dma_start3A_2604 = tpu.memref_squeeze %dma_start3A_2603 : memref<1x50x128xf32, #tpu.memory_space<vmem>> -> memref<50x128xf32, #tpu.memory_space<vmem>>
    %dma_start3A_2605 = arith.constant 0 : i32
    %dma_start3A_2606 = tpu.memref_slice %arg5[%dma_start3A_2599, %dma_start3A_2605] : memref<128x50xi32, #tpu.memory_space<vmem>> -> memref<1x50xi32, #tpu.memory_space<vmem>>
    %dma_start3A_2607 = tpu.memref_squeeze %dma_start3A_2606 : memref<1x50xi32, #tpu.memory_space<vmem>> -> memref<50xi32, #tpu.memory_space<vmem>>
    %dma_start3A_2608 = arith.constant 0 : i32
    %dma_start3A_2609 = arith.constant 0 : i32
    %dma_start3A_2610 = tpu.memref_slice %arg3[%dma_start3A_2608, %dma_start3A_2609] : memref<1000000x128xf32, #tpu.memory_space<hbm>> -> memref<1000000x128xf32, #tpu.memory_space<hbm>>
    tpu.enqueue_indirect_dma source(%dma_start3A_2610 : memref<1000000x128xf32, #tpu.memory_space<hbm>>) target(%dma_start3A_2604 : memref<50x128xf32, #tpu.memory_space<vmem>>) offsets(%dma_start3A_2607 : memref<50xi32, #tpu.memory_space<vmem>>) semaphore(%arg8 : memref<!tpu.dma_semaphore, #tpu.memory_space<semaphore_mem>>)
    %dma_start3A_2611 = arith.constant 102 : i32
    %dma_start3A_2612 = arith.constant 6 : i32
    %dma_start3A_2613 = arith.constant 0 : i32
    %dma_start3A_2614 = arith.constant 0 : i32
    %dma_start3A_2615 = tpu.memref_slice %arg6[%dma_start3A_2612, %dma_start3A_2613, %dma_start3A_2614] : memref<8x50x128xf32, #tpu.memory_space<vmem>> -> memref<1x50x128xf32, #tpu.memory_space<vmem>>
    %dma_start3A_2616 = tpu.memref_squeeze %dma_start3A_2615 : memref<1x50x128xf32, #tpu.memory_space<vmem>> -> memref<50x128xf32, #tpu.memory_space<vmem>>
    %dma_start3A_2617 = arith.constant 0 : i32
    %dma_start3A_2618 = tpu.memref_slice %arg5[%dma_start3A_2611, %dma_start3A_2617] : memref<128x50xi32, #tpu.memory_space<vmem>> -> memref<1x50xi32, #tpu.memory_space<vmem>>
    %dma_start3A_2619 = tpu.memref_squeeze %dma_start3A_2618 : memref<1x50xi32, #tpu.memory_space<vmem>> -> memref<50xi32, #tpu.memory_space<vmem>>
    %dma_start3A_2620 = arith.constant 0 : i32
    %dma_start3A_2621 = arith.constant 0 : i32
    %dma_start3A_2622 = tpu.memref_slice %arg3[%dma_start3A_2620, %dma_start3A_2621] : memref<1000000x128xf32, #tpu.memory_space<hbm>> -> memref<1000000x128xf32, #tpu.memory_space<hbm>>
    tpu.enqueue_indirect_dma source(%dma_start3A_2622 : memref<1000000x128xf32, #tpu.memory_space<hbm>>) target(%dma_start3A_2616 : memref<50x128xf32, #tpu.memory_space<vmem>>) offsets(%dma_start3A_2619 : memref<50xi32, #tpu.memory_space<vmem>>) semaphore(%arg8 : memref<!tpu.dma_semaphore, #tpu.memory_space<semaphore_mem>>)
    %dma_start3A_2623 = arith.constant 103 : i32
    %dma_start3A_2624 = arith.constant 7 : i32
    %dma_start3A_2625 = arith.constant 0 : i32
    %dma_start3A_2626 = arith.constant 0 : i32
    %dma_start3A_2627 = tpu.memref_slice %arg6[%dma_start3A_2624, %dma_start3A_2625, %dma_start3A_2626] : memref<8x50x128xf32, #tpu.memory_space<vmem>> -> memref<1x50x128xf32, #tpu.memory_space<vmem>>
    %dma_start3A_2628 = tpu.memref_squeeze %dma_start3A_2627 : memref<1x50x128xf32, #tpu.memory_space<vmem>> -> memref<50x128xf32, #tpu.memory_space<vmem>>
    %dma_start3A_2629 = arith.constant 0 : i32
    %dma_start3A_2630 = tpu.memref_slice %arg5[%dma_start3A_2623, %dma_start3A_2629] : memref<128x50xi32, #tpu.memory_space<vmem>> -> memref<1x50xi32, #tpu.memory_space<vmem>>
    %dma_start3A_2631 = tpu.memref_squeeze %dma_start3A_2630 : memref<1x50xi32, #tpu.memory_space<vmem>> -> memref<50xi32, #tpu.memory_space<vmem>>
    %dma_start3A_2632 = arith.constant 0 : i32
    %dma_start3A_2633 = arith.constant 0 : i32
    %dma_start3A_2634 = tpu.memref_slice %arg3[%dma_start3A_2632, %dma_start3A_2633] : memref<1000000x128xf32, #tpu.memory_space<hbm>> -> memref<1000000x128xf32, #tpu.memory_space<hbm>>
    tpu.enqueue_indirect_dma source(%dma_start3A_2634 : memref<1000000x128xf32, #tpu.memory_space<hbm>>) target(%dma_start3A_2628 : memref<50x128xf32, #tpu.memory_space<vmem>>) offsets(%dma_start3A_2631 : memref<50xi32, #tpu.memory_space<vmem>>) semaphore(%arg8 : memref<!tpu.dma_semaphore, #tpu.memory_space<semaphore_mem>>)
    %dma_wait3A_2635 = arith.constant 88 : i32
    %dma_wait3A_2636 = arith.constant 0 : i32
    %dma_wait3A_2637 = arith.constant 0 : i32
    %dma_wait3A_2638 = arith.constant 0 : i32
    %dma_wait3A_2639 = tpu.memref_slice %arg7[%dma_wait3A_2636, %dma_wait3A_2637, %dma_wait3A_2638] : memref<8x50x128xf32, #tpu.memory_space<vmem>> -> memref<1x50x128xf32, #tpu.memory_space<vmem>>
    %dma_wait3A_2640 = tpu.memref_squeeze %dma_wait3A_2639 : memref<1x50x128xf32, #tpu.memory_space<vmem>> -> memref<50x128xf32, #tpu.memory_space<vmem>>
    %dma_wait3A_2641 = arith.constant 0 : i32
    %dma_wait3A_2642 = tpu.memref_slice %arg5[%dma_wait3A_2635, %dma_wait3A_2641] : memref<128x50xi32, #tpu.memory_space<vmem>> -> memref<1x50xi32, #tpu.memory_space<vmem>>
    %dma_wait3A_2643 = tpu.memref_squeeze %dma_wait3A_2642 : memref<1x50xi32, #tpu.memory_space<vmem>> -> memref<50xi32, #tpu.memory_space<vmem>>
    %dma_wait3A_2644 = arith.constant 0 : i32
    %dma_wait3A_2645 = arith.constant 0 : i32
    %dma_wait3A_2646 = tpu.memref_slice %arg3[%dma_wait3A_2644, %dma_wait3A_2645] : memref<1000000x128xf32, #tpu.memory_space<hbm>> -> memref<1000000x128xf32, #tpu.memory_space<hbm>>
    tpu.wait_indirect_dma semaphore(%arg9 : memref<!tpu.dma_semaphore, #tpu.memory_space<semaphore_mem>>) src(%dma_wait3A_2646 : memref<1000000x128xf32, #tpu.memory_space<hbm>>) dst(%dma_wait3A_2640 : memref<50x128xf32, #tpu.memory_space<vmem>>)
    %dma_wait3A_2647 = arith.constant 89 : i32
    %dma_wait3A_2648 = arith.constant 1 : i32
    %dma_wait3A_2649 = arith.constant 0 : i32
    %dma_wait3A_2650 = arith.constant 0 : i32
    %dma_wait3A_2651 = tpu.memref_slice %arg7[%dma_wait3A_2648, %dma_wait3A_2649, %dma_wait3A_2650] : memref<8x50x128xf32, #tpu.memory_space<vmem>> -> memref<1x50x128xf32, #tpu.memory_space<vmem>>
    %dma_wait3A_2652 = tpu.memref_squeeze %dma_wait3A_2651 : memref<1x50x128xf32, #tpu.memory_space<vmem>> -> memref<50x128xf32, #tpu.memory_space<vmem>>
    %dma_wait3A_2653 = arith.constant 0 : i32
    %dma_wait3A_2654 = tpu.memref_slice %arg5[%dma_wait3A_2647, %dma_wait3A_2653] : memref<128x50xi32, #tpu.memory_space<vmem>> -> memref<1x50xi32, #tpu.memory_space<vmem>>
    %dma_wait3A_2655 = tpu.memref_squeeze %dma_wait3A_2654 : memref<1x50xi32, #tpu.memory_space<vmem>> -> memref<50xi32, #tpu.memory_space<vmem>>
    %dma_wait3A_2656 = arith.constant 0 : i32
    %dma_wait3A_2657 = arith.constant 0 : i32
    %dma_wait3A_2658 = tpu.memref_slice %arg3[%dma_wait3A_2656, %dma_wait3A_2657] : memref<1000000x128xf32, #tpu.memory_space<hbm>> -> memref<1000000x128xf32, #tpu.memory_space<hbm>>
    tpu.wait_indirect_dma semaphore(%arg9 : memref<!tpu.dma_semaphore, #tpu.memory_space<semaphore_mem>>) src(%dma_wait3A_2658 : memref<1000000x128xf32, #tpu.memory_space<hbm>>) dst(%dma_wait3A_2652 : memref<50x128xf32, #tpu.memory_space<vmem>>)
    %dma_wait3A_2659 = arith.constant 90 : i32
    %dma_wait3A_2660 = arith.constant 2 : i32
    %dma_wait3A_2661 = arith.constant 0 : i32
    %dma_wait3A_2662 = arith.constant 0 : i32
    %dma_wait3A_2663 = tpu.memref_slice %arg7[%dma_wait3A_2660, %dma_wait3A_2661, %dma_wait3A_2662] : memref<8x50x128xf32, #tpu.memory_space<vmem>> -> memref<1x50x128xf32, #tpu.memory_space<vmem>>
    %dma_wait3A_2664 = tpu.memref_squeeze %dma_wait3A_2663 : memref<1x50x128xf32, #tpu.memory_space<vmem>> -> memref<50x128xf32, #tpu.memory_space<vmem>>
    %dma_wait3A_2665 = arith.constant 0 : i32
    %dma_wait3A_2666 = tpu.memref_slice %arg5[%dma_wait3A_2659, %dma_wait3A_2665] : memref<128x50xi32, #tpu.memory_space<vmem>> -> memref<1x50xi32, #tpu.memory_space<vmem>>
    %dma_wait3A_2667 = tpu.memref_squeeze %dma_wait3A_2666 : memref<1x50xi32, #tpu.memory_space<vmem>> -> memref<50xi32, #tpu.memory_space<vmem>>
    %dma_wait3A_2668 = arith.constant 0 : i32
    %dma_wait3A_2669 = arith.constant 0 : i32
    %dma_wait3A_2670 = tpu.memref_slice %arg3[%dma_wait3A_2668, %dma_wait3A_2669] : memref<1000000x128xf32, #tpu.memory_space<hbm>> -> memref<1000000x128xf32, #tpu.memory_space<hbm>>
    tpu.wait_indirect_dma semaphore(%arg9 : memref<!tpu.dma_semaphore, #tpu.memory_space<semaphore_mem>>) src(%dma_wait3A_2670 : memref<1000000x128xf32, #tpu.memory_space<hbm>>) dst(%dma_wait3A_2664 : memref<50x128xf32, #tpu.memory_space<vmem>>)
    %dma_wait3A_2671 = arith.constant 91 : i32
    %dma_wait3A_2672 = arith.constant 3 : i32
    %dma_wait3A_2673 = arith.constant 0 : i32
    %dma_wait3A_2674 = arith.constant 0 : i32
    %dma_wait3A_2675 = tpu.memref_slice %arg7[%dma_wait3A_2672, %dma_wait3A_2673, %dma_wait3A_2674] : memref<8x50x128xf32, #tpu.memory_space<vmem>> -> memref<1x50x128xf32, #tpu.memory_space<vmem>>
    %dma_wait3A_2676 = tpu.memref_squeeze %dma_wait3A_2675 : memref<1x50x128xf32, #tpu.memory_space<vmem>> -> memref<50x128xf32, #tpu.memory_space<vmem>>
    %dma_wait3A_2677 = arith.constant 0 : i32
    %dma_wait3A_2678 = tpu.memref_slice %arg5[%dma_wait3A_2671, %dma_wait3A_2677] : memref<128x50xi32, #tpu.memory_space<vmem>> -> memref<1x50xi32, #tpu.memory_space<vmem>>
    %dma_wait3A_2679 = tpu.memref_squeeze %dma_wait3A_2678 : memref<1x50xi32, #tpu.memory_space<vmem>> -> memref<50xi32, #tpu.memory_space<vmem>>
    %dma_wait3A_2680 = arith.constant 0 : i32
    %dma_wait3A_2681 = arith.constant 0 : i32
    %dma_wait3A_2682 = tpu.memref_slice %arg3[%dma_wait3A_2680, %dma_wait3A_2681] : memref<1000000x128xf32, #tpu.memory_space<hbm>> -> memref<1000000x128xf32, #tpu.memory_space<hbm>>
    tpu.wait_indirect_dma semaphore(%arg9 : memref<!tpu.dma_semaphore, #tpu.memory_space<semaphore_mem>>) src(%dma_wait3A_2682 : memref<1000000x128xf32, #tpu.memory_space<hbm>>) dst(%dma_wait3A_2676 : memref<50x128xf32, #tpu.memory_space<vmem>>)
    %dma_wait3A_2683 = arith.constant 92 : i32
    %dma_wait3A_2684 = arith.constant 4 : i32
    %dma_wait3A_2685 = arith.constant 0 : i32
    %dma_wait3A_2686 = arith.constant 0 : i32
    %dma_wait3A_2687 = tpu.memref_slice %arg7[%dma_wait3A_2684, %dma_wait3A_2685, %dma_wait3A_2686] : memref<8x50x128xf32, #tpu.memory_space<vmem>> -> memref<1x50x128xf32, #tpu.memory_space<vmem>>
    %dma_wait3A_2688 = tpu.memref_squeeze %dma_wait3A_2687 : memref<1x50x128xf32, #tpu.memory_space<vmem>> -> memref<50x128xf32, #tpu.memory_space<vmem>>
    %dma_wait3A_2689 = arith.constant 0 : i32
    %dma_wait3A_2690 = tpu.memref_slice %arg5[%dma_wait3A_2683, %dma_wait3A_2689] : memref<128x50xi32, #tpu.memory_space<vmem>> -> memref<1x50xi32, #tpu.memory_space<vmem>>
    %dma_wait3A_2691 = tpu.memref_squeeze %dma_wait3A_2690 : memref<1x50xi32, #tpu.memory_space<vmem>> -> memref<50xi32, #tpu.memory_space<vmem>>
    %dma_wait3A_2692 = arith.constant 0 : i32
    %dma_wait3A_2693 = arith.constant 0 : i32
    %dma_wait3A_2694 = tpu.memref_slice %arg3[%dma_wait3A_2692, %dma_wait3A_2693] : memref<1000000x128xf32, #tpu.memory_space<hbm>> -> memref<1000000x128xf32, #tpu.memory_space<hbm>>
    tpu.wait_indirect_dma semaphore(%arg9 : memref<!tpu.dma_semaphore, #tpu.memory_space<semaphore_mem>>) src(%dma_wait3A_2694 : memref<1000000x128xf32, #tpu.memory_space<hbm>>) dst(%dma_wait3A_2688 : memref<50x128xf32, #tpu.memory_space<vmem>>)
    %dma_wait3A_2695 = arith.constant 93 : i32
    %dma_wait3A_2696 = arith.constant 5 : i32
    %dma_wait3A_2697 = arith.constant 0 : i32
    %dma_wait3A_2698 = arith.constant 0 : i32
    %dma_wait3A_2699 = tpu.memref_slice %arg7[%dma_wait3A_2696, %dma_wait3A_2697, %dma_wait3A_2698] : memref<8x50x128xf32, #tpu.memory_space<vmem>> -> memref<1x50x128xf32, #tpu.memory_space<vmem>>
    %dma_wait3A_2700 = tpu.memref_squeeze %dma_wait3A_2699 : memref<1x50x128xf32, #tpu.memory_space<vmem>> -> memref<50x128xf32, #tpu.memory_space<vmem>>
    %dma_wait3A_2701 = arith.constant 0 : i32
    %dma_wait3A_2702 = tpu.memref_slice %arg5[%dma_wait3A_2695, %dma_wait3A_2701] : memref<128x50xi32, #tpu.memory_space<vmem>> -> memref<1x50xi32, #tpu.memory_space<vmem>>
    %dma_wait3A_2703 = tpu.memref_squeeze %dma_wait3A_2702 : memref<1x50xi32, #tpu.memory_space<vmem>> -> memref<50xi32, #tpu.memory_space<vmem>>
    %dma_wait3A_2704 = arith.constant 0 : i32
    %dma_wait3A_2705 = arith.constant 0 : i32
    %dma_wait3A_2706 = tpu.memref_slice %arg3[%dma_wait3A_2704, %dma_wait3A_2705] : memref<1000000x128xf32, #tpu.memory_space<hbm>> -> memref<1000000x128xf32, #tpu.memory_space<hbm>>
    tpu.wait_indirect_dma semaphore(%arg9 : memref<!tpu.dma_semaphore, #tpu.memory_space<semaphore_mem>>) src(%dma_wait3A_2706 : memref<1000000x128xf32, #tpu.memory_space<hbm>>) dst(%dma_wait3A_2700 : memref<50x128xf32, #tpu.memory_space<vmem>>)
    %dma_wait3A_2707 = arith.constant 94 : i32
    %dma_wait3A_2708 = arith.constant 6 : i32
    %dma_wait3A_2709 = arith.constant 0 : i32
    %dma_wait3A_2710 = arith.constant 0 : i32
    %dma_wait3A_2711 = tpu.memref_slice %arg7[%dma_wait3A_2708, %dma_wait3A_2709, %dma_wait3A_2710] : memref<8x50x128xf32, #tpu.memory_space<vmem>> -> memref<1x50x128xf32, #tpu.memory_space<vmem>>
    %dma_wait3A_2712 = tpu.memref_squeeze %dma_wait3A_2711 : memref<1x50x128xf32, #tpu.memory_space<vmem>> -> memref<50x128xf32, #tpu.memory_space<vmem>>
    %dma_wait3A_2713 = arith.constant 0 : i32
    %dma_wait3A_2714 = tpu.memref_slice %arg5[%dma_wait3A_2707, %dma_wait3A_2713] : memref<128x50xi32, #tpu.memory_space<vmem>> -> memref<1x50xi32, #tpu.memory_space<vmem>>
    %dma_wait3A_2715 = tpu.memref_squeeze %dma_wait3A_2714 : memref<1x50xi32, #tpu.memory_space<vmem>> -> memref<50xi32, #tpu.memory_space<vmem>>
    %dma_wait3A_2716 = arith.constant 0 : i32
    %dma_wait3A_2717 = arith.constant 0 : i32
    %dma_wait3A_2718 = tpu.memref_slice %arg3[%dma_wait3A_2716, %dma_wait3A_2717] : memref<1000000x128xf32, #tpu.memory_space<hbm>> -> memref<1000000x128xf32, #tpu.memory_space<hbm>>
    tpu.wait_indirect_dma semaphore(%arg9 : memref<!tpu.dma_semaphore, #tpu.memory_space<semaphore_mem>>) src(%dma_wait3A_2718 : memref<1000000x128xf32, #tpu.memory_space<hbm>>) dst(%dma_wait3A_2712 : memref<50x128xf32, #tpu.memory_space<vmem>>)
    %dma_wait3A_2719 = arith.constant 95 : i32
    %dma_wait3A_2720 = arith.constant 7 : i32
    %dma_wait3A_2721 = arith.constant 0 : i32
    %dma_wait3A_2722 = arith.constant 0 : i32
    %dma_wait3A_2723 = tpu.memref_slice %arg7[%dma_wait3A_2720, %dma_wait3A_2721, %dma_wait3A_2722] : memref<8x50x128xf32, #tpu.memory_space<vmem>> -> memref<1x50x128xf32, #tpu.memory_space<vmem>>
    %dma_wait3A_2724 = tpu.memref_squeeze %dma_wait3A_2723 : memref<1x50x128xf32, #tpu.memory_space<vmem>> -> memref<50x128xf32, #tpu.memory_space<vmem>>
    %dma_wait3A_2725 = arith.constant 0 : i32
    %dma_wait3A_2726 = tpu.memref_slice %arg5[%dma_wait3A_2719, %dma_wait3A_2725] : memref<128x50xi32, #tpu.memory_space<vmem>> -> memref<1x50xi32, #tpu.memory_space<vmem>>
    %dma_wait3A_2727 = tpu.memref_squeeze %dma_wait3A_2726 : memref<1x50xi32, #tpu.memory_space<vmem>> -> memref<50xi32, #tpu.memory_space<vmem>>
    %dma_wait3A_2728 = arith.constant 0 : i32
    %dma_wait3A_2729 = arith.constant 0 : i32
    %dma_wait3A_2730 = tpu.memref_slice %arg3[%dma_wait3A_2728, %dma_wait3A_2729] : memref<1000000x128xf32, #tpu.memory_space<hbm>> -> memref<1000000x128xf32, #tpu.memory_space<hbm>>
    tpu.wait_indirect_dma semaphore(%arg9 : memref<!tpu.dma_semaphore, #tpu.memory_space<semaphore_mem>>) src(%dma_wait3A_2730 : memref<1000000x128xf32, #tpu.memory_space<hbm>>) dst(%dma_wait3A_2724 : memref<50x128xf32, #tpu.memory_space<vmem>>)
    %add3A_2731 = arith.constant 88 : i32
    %add3A_2732 = arith.addi %mul3A_2, %add3A_2731 : i32
    %dma_start3A_2733 = arith.constant 0 : i32
    %dma_start3A_2734 = arith.constant 0 : i32
    %dma_start3A_2735 = arith.constant 0 : i32
    %dma_start3A_2736 = tpu.memref_slice %arg7[%dma_start3A_2733, %dma_start3A_2734, %dma_start3A_2735] : memref<8x50x128xf32, #tpu.memory_space<vmem>> -> memref<8x50x64xf32, #tpu.memory_space<vmem>>
    %dma_start3A_2737 = arith.constant 0 : i32
    %dma_start3A_2738 = arith.constant 0 : i32
    %dma_start3A_2739 = tpu.memref_slice %arg4[%add3A_2732, %dma_start3A_2737, %dma_start3A_2738] : memref<4096x50x64xf32, #tpu.memory_space<hbm>> -> memref<8x50x64xf32, #tpu.memory_space<hbm>>
    %dma_start3A_2740 = arith.constant 0 : i32
    %dma_start3A_2741 = arith.constant 0 : i32
    %dma_start3A_2742 = tpu.memref_slice %arg4[%add3A_2732, %dma_start3A_2740, %dma_start3A_2741] : memref<4096x50x64xf32, #tpu.memory_space<hbm>> -> memref<8x50x64xf32, #tpu.memory_space<hbm>>
    %dma_start3A_2743 = arith.constant 0 : i32
    %dma_start3A_2744 = arith.constant 0 : i32
    %dma_start3A_2745 = arith.constant 0 : i32
    %dma_start3A_2746 = tpu.memref_slice %arg7[%dma_start3A_2743, %dma_start3A_2744, %dma_start3A_2745] : memref<8x50x128xf32, #tpu.memory_space<vmem>> -> memref<8x50x64xf32, #tpu.memory_space<vmem>>
    tpu.enqueue_dma source(%dma_start3A_2746 : memref<8x50x64xf32, #tpu.memory_space<vmem>>) target(%dma_start3A_2742 : memref<8x50x64xf32, #tpu.memory_space<hbm>>) target_semaphore(%arg11 : memref<!tpu.dma_semaphore, #tpu.memory_space<semaphore_mem>>)
    %dma_wait3A_2747 = arith.constant 0 : i32
    %dma_wait3A_2748 = arith.constant 0 : i32
    %dma_wait3A_2749 = arith.constant 0 : i32
    %dma_wait3A_2750 = tpu.memref_slice %arg7[%dma_wait3A_2747, %dma_wait3A_2748, %dma_wait3A_2749] : memref<8x50x128xf32, #tpu.memory_space<vmem>> -> memref<8x50x64xf32, #tpu.memory_space<vmem>>
    %dma_wait3A_2751 = arith.constant 0 : i32
    %dma_wait3A_2752 = arith.constant 0 : i32
    %dma_wait3A_2753 = tpu.memref_slice %arg4[%add3A_2732, %dma_wait3A_2751, %dma_wait3A_2752] : memref<4096x50x64xf32, #tpu.memory_space<hbm>> -> memref<8x50x64xf32, #tpu.memory_space<hbm>>
    %dma_wait3A_2754 = arith.constant 0 : i32
    %dma_wait3A_2755 = arith.constant 0 : i32
    %dma_wait3A_2756 = tpu.memref_slice %arg4[%add3A_2732, %dma_wait3A_2754, %dma_wait3A_2755] : memref<4096x50x64xf32, #tpu.memory_space<hbm>> -> memref<8x50x64xf32, #tpu.memory_space<hbm>>
    %dma_wait3A_2757 = arith.constant 0 : i32
    %dma_wait3A_2758 = arith.constant 0 : i32
    %dma_wait3A_2759 = arith.constant 0 : i32
    %dma_wait3A_2760 = tpu.memref_slice %arg7[%dma_wait3A_2757, %dma_wait3A_2758, %dma_wait3A_2759] : memref<8x50x128xf32, #tpu.memory_space<vmem>> -> memref<8x50x64xf32, #tpu.memory_space<vmem>>
    tpu.wait_dma2 semaphore(%arg11 : memref<!tpu.dma_semaphore, #tpu.memory_space<semaphore_mem>>) src(%dma_wait3A_2760 : memref<8x50x64xf32, #tpu.memory_space<vmem>>) dst(%dma_wait3A_2756 : memref<8x50x64xf32, #tpu.memory_space<hbm>>)
    %dma_start3A_2761 = arith.constant 104 : i32
    %dma_start3A_2762 = arith.constant 0 : i32
    %dma_start3A_2763 = arith.constant 0 : i32
    %dma_start3A_2764 = arith.constant 0 : i32
    %dma_start3A_2765 = tpu.memref_slice %arg7[%dma_start3A_2762, %dma_start3A_2763, %dma_start3A_2764] : memref<8x50x128xf32, #tpu.memory_space<vmem>> -> memref<1x50x128xf32, #tpu.memory_space<vmem>>
    %dma_start3A_2766 = tpu.memref_squeeze %dma_start3A_2765 : memref<1x50x128xf32, #tpu.memory_space<vmem>> -> memref<50x128xf32, #tpu.memory_space<vmem>>
    %dma_start3A_2767 = arith.constant 0 : i32
    %dma_start3A_2768 = tpu.memref_slice %arg5[%dma_start3A_2761, %dma_start3A_2767] : memref<128x50xi32, #tpu.memory_space<vmem>> -> memref<1x50xi32, #tpu.memory_space<vmem>>
    %dma_start3A_2769 = tpu.memref_squeeze %dma_start3A_2768 : memref<1x50xi32, #tpu.memory_space<vmem>> -> memref<50xi32, #tpu.memory_space<vmem>>
    %dma_start3A_2770 = arith.constant 0 : i32
    %dma_start3A_2771 = arith.constant 0 : i32
    %dma_start3A_2772 = tpu.memref_slice %arg3[%dma_start3A_2770, %dma_start3A_2771] : memref<1000000x128xf32, #tpu.memory_space<hbm>> -> memref<1000000x128xf32, #tpu.memory_space<hbm>>
    tpu.enqueue_indirect_dma source(%dma_start3A_2772 : memref<1000000x128xf32, #tpu.memory_space<hbm>>) target(%dma_start3A_2766 : memref<50x128xf32, #tpu.memory_space<vmem>>) offsets(%dma_start3A_2769 : memref<50xi32, #tpu.memory_space<vmem>>) semaphore(%arg9 : memref<!tpu.dma_semaphore, #tpu.memory_space<semaphore_mem>>)
    %dma_start3A_2773 = arith.constant 105 : i32
    %dma_start3A_2774 = arith.constant 1 : i32
    %dma_start3A_2775 = arith.constant 0 : i32
    %dma_start3A_2776 = arith.constant 0 : i32
    %dma_start3A_2777 = tpu.memref_slice %arg7[%dma_start3A_2774, %dma_start3A_2775, %dma_start3A_2776] : memref<8x50x128xf32, #tpu.memory_space<vmem>> -> memref<1x50x128xf32, #tpu.memory_space<vmem>>
    %dma_start3A_2778 = tpu.memref_squeeze %dma_start3A_2777 : memref<1x50x128xf32, #tpu.memory_space<vmem>> -> memref<50x128xf32, #tpu.memory_space<vmem>>
    %dma_start3A_2779 = arith.constant 0 : i32
    %dma_start3A_2780 = tpu.memref_slice %arg5[%dma_start3A_2773, %dma_start3A_2779] : memref<128x50xi32, #tpu.memory_space<vmem>> -> memref<1x50xi32, #tpu.memory_space<vmem>>
    %dma_start3A_2781 = tpu.memref_squeeze %dma_start3A_2780 : memref<1x50xi32, #tpu.memory_space<vmem>> -> memref<50xi32, #tpu.memory_space<vmem>>
    %dma_start3A_2782 = arith.constant 0 : i32
    %dma_start3A_2783 = arith.constant 0 : i32
    %dma_start3A_2784 = tpu.memref_slice %arg3[%dma_start3A_2782, %dma_start3A_2783] : memref<1000000x128xf32, #tpu.memory_space<hbm>> -> memref<1000000x128xf32, #tpu.memory_space<hbm>>
    tpu.enqueue_indirect_dma source(%dma_start3A_2784 : memref<1000000x128xf32, #tpu.memory_space<hbm>>) target(%dma_start3A_2778 : memref<50x128xf32, #tpu.memory_space<vmem>>) offsets(%dma_start3A_2781 : memref<50xi32, #tpu.memory_space<vmem>>) semaphore(%arg9 : memref<!tpu.dma_semaphore, #tpu.memory_space<semaphore_mem>>)
    %dma_start3A_2785 = arith.constant 106 : i32
    %dma_start3A_2786 = arith.constant 2 : i32
    %dma_start3A_2787 = arith.constant 0 : i32
    %dma_start3A_2788 = arith.constant 0 : i32
    %dma_start3A_2789 = tpu.memref_slice %arg7[%dma_start3A_2786, %dma_start3A_2787, %dma_start3A_2788] : memref<8x50x128xf32, #tpu.memory_space<vmem>> -> memref<1x50x128xf32, #tpu.memory_space<vmem>>
    %dma_start3A_2790 = tpu.memref_squeeze %dma_start3A_2789 : memref<1x50x128xf32, #tpu.memory_space<vmem>> -> memref<50x128xf32, #tpu.memory_space<vmem>>
    %dma_start3A_2791 = arith.constant 0 : i32
    %dma_start3A_2792 = tpu.memref_slice %arg5[%dma_start3A_2785, %dma_start3A_2791] : memref<128x50xi32, #tpu.memory_space<vmem>> -> memref<1x50xi32, #tpu.memory_space<vmem>>
    %dma_start3A_2793 = tpu.memref_squeeze %dma_start3A_2792 : memref<1x50xi32, #tpu.memory_space<vmem>> -> memref<50xi32, #tpu.memory_space<vmem>>
    %dma_start3A_2794 = arith.constant 0 : i32
    %dma_start3A_2795 = arith.constant 0 : i32
    %dma_start3A_2796 = tpu.memref_slice %arg3[%dma_start3A_2794, %dma_start3A_2795] : memref<1000000x128xf32, #tpu.memory_space<hbm>> -> memref<1000000x128xf32, #tpu.memory_space<hbm>>
    tpu.enqueue_indirect_dma source(%dma_start3A_2796 : memref<1000000x128xf32, #tpu.memory_space<hbm>>) target(%dma_start3A_2790 : memref<50x128xf32, #tpu.memory_space<vmem>>) offsets(%dma_start3A_2793 : memref<50xi32, #tpu.memory_space<vmem>>) semaphore(%arg9 : memref<!tpu.dma_semaphore, #tpu.memory_space<semaphore_mem>>)
    %dma_start3A_2797 = arith.constant 107 : i32
    %dma_start3A_2798 = arith.constant 3 : i32
    %dma_start3A_2799 = arith.constant 0 : i32
    %dma_start3A_2800 = arith.constant 0 : i32
    %dma_start3A_2801 = tpu.memref_slice %arg7[%dma_start3A_2798, %dma_start3A_2799, %dma_start3A_2800] : memref<8x50x128xf32, #tpu.memory_space<vmem>> -> memref<1x50x128xf32, #tpu.memory_space<vmem>>
    %dma_start3A_2802 = tpu.memref_squeeze %dma_start3A_2801 : memref<1x50x128xf32, #tpu.memory_space<vmem>> -> memref<50x128xf32, #tpu.memory_space<vmem>>
    %dma_start3A_2803 = arith.constant 0 : i32
    %dma_start3A_2804 = tpu.memref_slice %arg5[%dma_start3A_2797, %dma_start3A_2803] : memref<128x50xi32, #tpu.memory_space<vmem>> -> memref<1x50xi32, #tpu.memory_space<vmem>>
    %dma_start3A_2805 = tpu.memref_squeeze %dma_start3A_2804 : memref<1x50xi32, #tpu.memory_space<vmem>> -> memref<50xi32, #tpu.memory_space<vmem>>
    %dma_start3A_2806 = arith.constant 0 : i32
    %dma_start3A_2807 = arith.constant 0 : i32
    %dma_start3A_2808 = tpu.memref_slice %arg3[%dma_start3A_2806, %dma_start3A_2807] : memref<1000000x128xf32, #tpu.memory_space<hbm>> -> memref<1000000x128xf32, #tpu.memory_space<hbm>>
    tpu.enqueue_indirect_dma source(%dma_start3A_2808 : memref<1000000x128xf32, #tpu.memory_space<hbm>>) target(%dma_start3A_2802 : memref<50x128xf32, #tpu.memory_space<vmem>>) offsets(%dma_start3A_2805 : memref<50xi32, #tpu.memory_space<vmem>>) semaphore(%arg9 : memref<!tpu.dma_semaphore, #tpu.memory_space<semaphore_mem>>)
    %dma_start3A_2809 = arith.constant 108 : i32
    %dma_start3A_2810 = arith.constant 4 : i32
    %dma_start3A_2811 = arith.constant 0 : i32
    %dma_start3A_2812 = arith.constant 0 : i32
    %dma_start3A_2813 = tpu.memref_slice %arg7[%dma_start3A_2810, %dma_start3A_2811, %dma_start3A_2812] : memref<8x50x128xf32, #tpu.memory_space<vmem>> -> memref<1x50x128xf32, #tpu.memory_space<vmem>>
    %dma_start3A_2814 = tpu.memref_squeeze %dma_start3A_2813 : memref<1x50x128xf32, #tpu.memory_space<vmem>> -> memref<50x128xf32, #tpu.memory_space<vmem>>
    %dma_start3A_2815 = arith.constant 0 : i32
    %dma_start3A_2816 = tpu.memref_slice %arg5[%dma_start3A_2809, %dma_start3A_2815] : memref<128x50xi32, #tpu.memory_space<vmem>> -> memref<1x50xi32, #tpu.memory_space<vmem>>
    %dma_start3A_2817 = tpu.memref_squeeze %dma_start3A_2816 : memref<1x50xi32, #tpu.memory_space<vmem>> -> memref<50xi32, #tpu.memory_space<vmem>>
    %dma_start3A_2818 = arith.constant 0 : i32
    %dma_start3A_2819 = arith.constant 0 : i32
    %dma_start3A_2820 = tpu.memref_slice %arg3[%dma_start3A_2818, %dma_start3A_2819] : memref<1000000x128xf32, #tpu.memory_space<hbm>> -> memref<1000000x128xf32, #tpu.memory_space<hbm>>
    tpu.enqueue_indirect_dma source(%dma_start3A_2820 : memref<1000000x128xf32, #tpu.memory_space<hbm>>) target(%dma_start3A_2814 : memref<50x128xf32, #tpu.memory_space<vmem>>) offsets(%dma_start3A_2817 : memref<50xi32, #tpu.memory_space<vmem>>) semaphore(%arg9 : memref<!tpu.dma_semaphore, #tpu.memory_space<semaphore_mem>>)
    %dma_start3A_2821 = arith.constant 109 : i32
    %dma_start3A_2822 = arith.constant 5 : i32
    %dma_start3A_2823 = arith.constant 0 : i32
    %dma_start3A_2824 = arith.constant 0 : i32
    %dma_start3A_2825 = tpu.memref_slice %arg7[%dma_start3A_2822, %dma_start3A_2823, %dma_start3A_2824] : memref<8x50x128xf32, #tpu.memory_space<vmem>> -> memref<1x50x128xf32, #tpu.memory_space<vmem>>
    %dma_start3A_2826 = tpu.memref_squeeze %dma_start3A_2825 : memref<1x50x128xf32, #tpu.memory_space<vmem>> -> memref<50x128xf32, #tpu.memory_space<vmem>>
    %dma_start3A_2827 = arith.constant 0 : i32
    %dma_start3A_2828 = tpu.memref_slice %arg5[%dma_start3A_2821, %dma_start3A_2827] : memref<128x50xi32, #tpu.memory_space<vmem>> -> memref<1x50xi32, #tpu.memory_space<vmem>>
    %dma_start3A_2829 = tpu.memref_squeeze %dma_start3A_2828 : memref<1x50xi32, #tpu.memory_space<vmem>> -> memref<50xi32, #tpu.memory_space<vmem>>
    %dma_start3A_2830 = arith.constant 0 : i32
    %dma_start3A_2831 = arith.constant 0 : i32
    %dma_start3A_2832 = tpu.memref_slice %arg3[%dma_start3A_2830, %dma_start3A_2831] : memref<1000000x128xf32, #tpu.memory_space<hbm>> -> memref<1000000x128xf32, #tpu.memory_space<hbm>>
    tpu.enqueue_indirect_dma source(%dma_start3A_2832 : memref<1000000x128xf32, #tpu.memory_space<hbm>>) target(%dma_start3A_2826 : memref<50x128xf32, #tpu.memory_space<vmem>>) offsets(%dma_start3A_2829 : memref<50xi32, #tpu.memory_space<vmem>>) semaphore(%arg9 : memref<!tpu.dma_semaphore, #tpu.memory_space<semaphore_mem>>)
    %dma_start3A_2833 = arith.constant 110 : i32
    %dma_start3A_2834 = arith.constant 6 : i32
    %dma_start3A_2835 = arith.constant 0 : i32
    %dma_start3A_2836 = arith.constant 0 : i32
    %dma_start3A_2837 = tpu.memref_slice %arg7[%dma_start3A_2834, %dma_start3A_2835, %dma_start3A_2836] : memref<8x50x128xf32, #tpu.memory_space<vmem>> -> memref<1x50x128xf32, #tpu.memory_space<vmem>>
    %dma_start3A_2838 = tpu.memref_squeeze %dma_start3A_2837 : memref<1x50x128xf32, #tpu.memory_space<vmem>> -> memref<50x128xf32, #tpu.memory_space<vmem>>
    %dma_start3A_2839 = arith.constant 0 : i32
    %dma_start3A_2840 = tpu.memref_slice %arg5[%dma_start3A_2833, %dma_start3A_2839] : memref<128x50xi32, #tpu.memory_space<vmem>> -> memref<1x50xi32, #tpu.memory_space<vmem>>
    %dma_start3A_2841 = tpu.memref_squeeze %dma_start3A_2840 : memref<1x50xi32, #tpu.memory_space<vmem>> -> memref<50xi32, #tpu.memory_space<vmem>>
    %dma_start3A_2842 = arith.constant 0 : i32
    %dma_start3A_2843 = arith.constant 0 : i32
    %dma_start3A_2844 = tpu.memref_slice %arg3[%dma_start3A_2842, %dma_start3A_2843] : memref<1000000x128xf32, #tpu.memory_space<hbm>> -> memref<1000000x128xf32, #tpu.memory_space<hbm>>
    tpu.enqueue_indirect_dma source(%dma_start3A_2844 : memref<1000000x128xf32, #tpu.memory_space<hbm>>) target(%dma_start3A_2838 : memref<50x128xf32, #tpu.memory_space<vmem>>) offsets(%dma_start3A_2841 : memref<50xi32, #tpu.memory_space<vmem>>) semaphore(%arg9 : memref<!tpu.dma_semaphore, #tpu.memory_space<semaphore_mem>>)
    %dma_start3A_2845 = arith.constant 111 : i32
    %dma_start3A_2846 = arith.constant 7 : i32
    %dma_start3A_2847 = arith.constant 0 : i32
    %dma_start3A_2848 = arith.constant 0 : i32
    %dma_start3A_2849 = tpu.memref_slice %arg7[%dma_start3A_2846, %dma_start3A_2847, %dma_start3A_2848] : memref<8x50x128xf32, #tpu.memory_space<vmem>> -> memref<1x50x128xf32, #tpu.memory_space<vmem>>
    %dma_start3A_2850 = tpu.memref_squeeze %dma_start3A_2849 : memref<1x50x128xf32, #tpu.memory_space<vmem>> -> memref<50x128xf32, #tpu.memory_space<vmem>>
    %dma_start3A_2851 = arith.constant 0 : i32
    %dma_start3A_2852 = tpu.memref_slice %arg5[%dma_start3A_2845, %dma_start3A_2851] : memref<128x50xi32, #tpu.memory_space<vmem>> -> memref<1x50xi32, #tpu.memory_space<vmem>>
    %dma_start3A_2853 = tpu.memref_squeeze %dma_start3A_2852 : memref<1x50xi32, #tpu.memory_space<vmem>> -> memref<50xi32, #tpu.memory_space<vmem>>
    %dma_start3A_2854 = arith.constant 0 : i32
    %dma_start3A_2855 = arith.constant 0 : i32
    %dma_start3A_2856 = tpu.memref_slice %arg3[%dma_start3A_2854, %dma_start3A_2855] : memref<1000000x128xf32, #tpu.memory_space<hbm>> -> memref<1000000x128xf32, #tpu.memory_space<hbm>>
    tpu.enqueue_indirect_dma source(%dma_start3A_2856 : memref<1000000x128xf32, #tpu.memory_space<hbm>>) target(%dma_start3A_2850 : memref<50x128xf32, #tpu.memory_space<vmem>>) offsets(%dma_start3A_2853 : memref<50xi32, #tpu.memory_space<vmem>>) semaphore(%arg9 : memref<!tpu.dma_semaphore, #tpu.memory_space<semaphore_mem>>)
    %dma_wait3A_2857 = arith.constant 96 : i32
    %dma_wait3A_2858 = arith.constant 0 : i32
    %dma_wait3A_2859 = arith.constant 0 : i32
    %dma_wait3A_2860 = arith.constant 0 : i32
    %dma_wait3A_2861 = tpu.memref_slice %arg6[%dma_wait3A_2858, %dma_wait3A_2859, %dma_wait3A_2860] : memref<8x50x128xf32, #tpu.memory_space<vmem>> -> memref<1x50x128xf32, #tpu.memory_space<vmem>>
    %dma_wait3A_2862 = tpu.memref_squeeze %dma_wait3A_2861 : memref<1x50x128xf32, #tpu.memory_space<vmem>> -> memref<50x128xf32, #tpu.memory_space<vmem>>
    %dma_wait3A_2863 = arith.constant 0 : i32
    %dma_wait3A_2864 = tpu.memref_slice %arg5[%dma_wait3A_2857, %dma_wait3A_2863] : memref<128x50xi32, #tpu.memory_space<vmem>> -> memref<1x50xi32, #tpu.memory_space<vmem>>
    %dma_wait3A_2865 = tpu.memref_squeeze %dma_wait3A_2864 : memref<1x50xi32, #tpu.memory_space<vmem>> -> memref<50xi32, #tpu.memory_space<vmem>>
    %dma_wait3A_2866 = arith.constant 0 : i32
    %dma_wait3A_2867 = arith.constant 0 : i32
    %dma_wait3A_2868 = tpu.memref_slice %arg3[%dma_wait3A_2866, %dma_wait3A_2867] : memref<1000000x128xf32, #tpu.memory_space<hbm>> -> memref<1000000x128xf32, #tpu.memory_space<hbm>>
    tpu.wait_indirect_dma semaphore(%arg8 : memref<!tpu.dma_semaphore, #tpu.memory_space<semaphore_mem>>) src(%dma_wait3A_2868 : memref<1000000x128xf32, #tpu.memory_space<hbm>>) dst(%dma_wait3A_2862 : memref<50x128xf32, #tpu.memory_space<vmem>>)
    %dma_wait3A_2869 = arith.constant 97 : i32
    %dma_wait3A_2870 = arith.constant 1 : i32
    %dma_wait3A_2871 = arith.constant 0 : i32
    %dma_wait3A_2872 = arith.constant 0 : i32
    %dma_wait3A_2873 = tpu.memref_slice %arg6[%dma_wait3A_2870, %dma_wait3A_2871, %dma_wait3A_2872] : memref<8x50x128xf32, #tpu.memory_space<vmem>> -> memref<1x50x128xf32, #tpu.memory_space<vmem>>
    %dma_wait3A_2874 = tpu.memref_squeeze %dma_wait3A_2873 : memref<1x50x128xf32, #tpu.memory_space<vmem>> -> memref<50x128xf32, #tpu.memory_space<vmem>>
    %dma_wait3A_2875 = arith.constant 0 : i32
    %dma_wait3A_2876 = tpu.memref_slice %arg5[%dma_wait3A_2869, %dma_wait3A_2875] : memref<128x50xi32, #tpu.memory_space<vmem>> -> memref<1x50xi32, #tpu.memory_space<vmem>>
    %dma_wait3A_2877 = tpu.memref_squeeze %dma_wait3A_2876 : memref<1x50xi32, #tpu.memory_space<vmem>> -> memref<50xi32, #tpu.memory_space<vmem>>
    %dma_wait3A_2878 = arith.constant 0 : i32
    %dma_wait3A_2879 = arith.constant 0 : i32
    %dma_wait3A_2880 = tpu.memref_slice %arg3[%dma_wait3A_2878, %dma_wait3A_2879] : memref<1000000x128xf32, #tpu.memory_space<hbm>> -> memref<1000000x128xf32, #tpu.memory_space<hbm>>
    tpu.wait_indirect_dma semaphore(%arg8 : memref<!tpu.dma_semaphore, #tpu.memory_space<semaphore_mem>>) src(%dma_wait3A_2880 : memref<1000000x128xf32, #tpu.memory_space<hbm>>) dst(%dma_wait3A_2874 : memref<50x128xf32, #tpu.memory_space<vmem>>)
    %dma_wait3A_2881 = arith.constant 98 : i32
    %dma_wait3A_2882 = arith.constant 2 : i32
    %dma_wait3A_2883 = arith.constant 0 : i32
    %dma_wait3A_2884 = arith.constant 0 : i32
    %dma_wait3A_2885 = tpu.memref_slice %arg6[%dma_wait3A_2882, %dma_wait3A_2883, %dma_wait3A_2884] : memref<8x50x128xf32, #tpu.memory_space<vmem>> -> memref<1x50x128xf32, #tpu.memory_space<vmem>>
    %dma_wait3A_2886 = tpu.memref_squeeze %dma_wait3A_2885 : memref<1x50x128xf32, #tpu.memory_space<vmem>> -> memref<50x128xf32, #tpu.memory_space<vmem>>
    %dma_wait3A_2887 = arith.constant 0 : i32
    %dma_wait3A_2888 = tpu.memref_slice %arg5[%dma_wait3A_2881, %dma_wait3A_2887] : memref<128x50xi32, #tpu.memory_space<vmem>> -> memref<1x50xi32, #tpu.memory_space<vmem>>
    %dma_wait3A_2889 = tpu.memref_squeeze %dma_wait3A_2888 : memref<1x50xi32, #tpu.memory_space<vmem>> -> memref<50xi32, #tpu.memory_space<vmem>>
    %dma_wait3A_2890 = arith.constant 0 : i32
    %dma_wait3A_2891 = arith.constant 0 : i32
    %dma_wait3A_2892 = tpu.memref_slice %arg3[%dma_wait3A_2890, %dma_wait3A_2891] : memref<1000000x128xf32, #tpu.memory_space<hbm>> -> memref<1000000x128xf32, #tpu.memory_space<hbm>>
    tpu.wait_indirect_dma semaphore(%arg8 : memref<!tpu.dma_semaphore, #tpu.memory_space<semaphore_mem>>) src(%dma_wait3A_2892 : memref<1000000x128xf32, #tpu.memory_space<hbm>>) dst(%dma_wait3A_2886 : memref<50x128xf32, #tpu.memory_space<vmem>>)
    %dma_wait3A_2893 = arith.constant 99 : i32
    %dma_wait3A_2894 = arith.constant 3 : i32
    %dma_wait3A_2895 = arith.constant 0 : i32
    %dma_wait3A_2896 = arith.constant 0 : i32
    %dma_wait3A_2897 = tpu.memref_slice %arg6[%dma_wait3A_2894, %dma_wait3A_2895, %dma_wait3A_2896] : memref<8x50x128xf32, #tpu.memory_space<vmem>> -> memref<1x50x128xf32, #tpu.memory_space<vmem>>
    %dma_wait3A_2898 = tpu.memref_squeeze %dma_wait3A_2897 : memref<1x50x128xf32, #tpu.memory_space<vmem>> -> memref<50x128xf32, #tpu.memory_space<vmem>>
    %dma_wait3A_2899 = arith.constant 0 : i32
    %dma_wait3A_2900 = tpu.memref_slice %arg5[%dma_wait3A_2893, %dma_wait3A_2899] : memref<128x50xi32, #tpu.memory_space<vmem>> -> memref<1x50xi32, #tpu.memory_space<vmem>>
    %dma_wait3A_2901 = tpu.memref_squeeze %dma_wait3A_2900 : memref<1x50xi32, #tpu.memory_space<vmem>> -> memref<50xi32, #tpu.memory_space<vmem>>
    %dma_wait3A_2902 = arith.constant 0 : i32
    %dma_wait3A_2903 = arith.constant 0 : i32
    %dma_wait3A_2904 = tpu.memref_slice %arg3[%dma_wait3A_2902, %dma_wait3A_2903] : memref<1000000x128xf32, #tpu.memory_space<hbm>> -> memref<1000000x128xf32, #tpu.memory_space<hbm>>
    tpu.wait_indirect_dma semaphore(%arg8 : memref<!tpu.dma_semaphore, #tpu.memory_space<semaphore_mem>>) src(%dma_wait3A_2904 : memref<1000000x128xf32, #tpu.memory_space<hbm>>) dst(%dma_wait3A_2898 : memref<50x128xf32, #tpu.memory_space<vmem>>)
    %dma_wait3A_2905 = arith.constant 100 : i32
    %dma_wait3A_2906 = arith.constant 4 : i32
    %dma_wait3A_2907 = arith.constant 0 : i32
    %dma_wait3A_2908 = arith.constant 0 : i32
    %dma_wait3A_2909 = tpu.memref_slice %arg6[%dma_wait3A_2906, %dma_wait3A_2907, %dma_wait3A_2908] : memref<8x50x128xf32, #tpu.memory_space<vmem>> -> memref<1x50x128xf32, #tpu.memory_space<vmem>>
    %dma_wait3A_2910 = tpu.memref_squeeze %dma_wait3A_2909 : memref<1x50x128xf32, #tpu.memory_space<vmem>> -> memref<50x128xf32, #tpu.memory_space<vmem>>
    %dma_wait3A_2911 = arith.constant 0 : i32
    %dma_wait3A_2912 = tpu.memref_slice %arg5[%dma_wait3A_2905, %dma_wait3A_2911] : memref<128x50xi32, #tpu.memory_space<vmem>> -> memref<1x50xi32, #tpu.memory_space<vmem>>
    %dma_wait3A_2913 = tpu.memref_squeeze %dma_wait3A_2912 : memref<1x50xi32, #tpu.memory_space<vmem>> -> memref<50xi32, #tpu.memory_space<vmem>>
    %dma_wait3A_2914 = arith.constant 0 : i32
    %dma_wait3A_2915 = arith.constant 0 : i32
    %dma_wait3A_2916 = tpu.memref_slice %arg3[%dma_wait3A_2914, %dma_wait3A_2915] : memref<1000000x128xf32, #tpu.memory_space<hbm>> -> memref<1000000x128xf32, #tpu.memory_space<hbm>>
    tpu.wait_indirect_dma semaphore(%arg8 : memref<!tpu.dma_semaphore, #tpu.memory_space<semaphore_mem>>) src(%dma_wait3A_2916 : memref<1000000x128xf32, #tpu.memory_space<hbm>>) dst(%dma_wait3A_2910 : memref<50x128xf32, #tpu.memory_space<vmem>>)
    %dma_wait3A_2917 = arith.constant 101 : i32
    %dma_wait3A_2918 = arith.constant 5 : i32
    %dma_wait3A_2919 = arith.constant 0 : i32
    %dma_wait3A_2920 = arith.constant 0 : i32
    %dma_wait3A_2921 = tpu.memref_slice %arg6[%dma_wait3A_2918, %dma_wait3A_2919, %dma_wait3A_2920] : memref<8x50x128xf32, #tpu.memory_space<vmem>> -> memref<1x50x128xf32, #tpu.memory_space<vmem>>
    %dma_wait3A_2922 = tpu.memref_squeeze %dma_wait3A_2921 : memref<1x50x128xf32, #tpu.memory_space<vmem>> -> memref<50x128xf32, #tpu.memory_space<vmem>>
    %dma_wait3A_2923 = arith.constant 0 : i32
    %dma_wait3A_2924 = tpu.memref_slice %arg5[%dma_wait3A_2917, %dma_wait3A_2923] : memref<128x50xi32, #tpu.memory_space<vmem>> -> memref<1x50xi32, #tpu.memory_space<vmem>>
    %dma_wait3A_2925 = tpu.memref_squeeze %dma_wait3A_2924 : memref<1x50xi32, #tpu.memory_space<vmem>> -> memref<50xi32, #tpu.memory_space<vmem>>
    %dma_wait3A_2926 = arith.constant 0 : i32
    %dma_wait3A_2927 = arith.constant 0 : i32
    %dma_wait3A_2928 = tpu.memref_slice %arg3[%dma_wait3A_2926, %dma_wait3A_2927] : memref<1000000x128xf32, #tpu.memory_space<hbm>> -> memref<1000000x128xf32, #tpu.memory_space<hbm>>
    tpu.wait_indirect_dma semaphore(%arg8 : memref<!tpu.dma_semaphore, #tpu.memory_space<semaphore_mem>>) src(%dma_wait3A_2928 : memref<1000000x128xf32, #tpu.memory_space<hbm>>) dst(%dma_wait3A_2922 : memref<50x128xf32, #tpu.memory_space<vmem>>)
    %dma_wait3A_2929 = arith.constant 102 : i32
    %dma_wait3A_2930 = arith.constant 6 : i32
    %dma_wait3A_2931 = arith.constant 0 : i32
    %dma_wait3A_2932 = arith.constant 0 : i32
    %dma_wait3A_2933 = tpu.memref_slice %arg6[%dma_wait3A_2930, %dma_wait3A_2931, %dma_wait3A_2932] : memref<8x50x128xf32, #tpu.memory_space<vmem>> -> memref<1x50x128xf32, #tpu.memory_space<vmem>>
    %dma_wait3A_2934 = tpu.memref_squeeze %dma_wait3A_2933 : memref<1x50x128xf32, #tpu.memory_space<vmem>> -> memref<50x128xf32, #tpu.memory_space<vmem>>
    %dma_wait3A_2935 = arith.constant 0 : i32
    %dma_wait3A_2936 = tpu.memref_slice %arg5[%dma_wait3A_2929, %dma_wait3A_2935] : memref<128x50xi32, #tpu.memory_space<vmem>> -> memref<1x50xi32, #tpu.memory_space<vmem>>
    %dma_wait3A_2937 = tpu.memref_squeeze %dma_wait3A_2936 : memref<1x50xi32, #tpu.memory_space<vmem>> -> memref<50xi32, #tpu.memory_space<vmem>>
    %dma_wait3A_2938 = arith.constant 0 : i32
    %dma_wait3A_2939 = arith.constant 0 : i32
    %dma_wait3A_2940 = tpu.memref_slice %arg3[%dma_wait3A_2938, %dma_wait3A_2939] : memref<1000000x128xf32, #tpu.memory_space<hbm>> -> memref<1000000x128xf32, #tpu.memory_space<hbm>>
    tpu.wait_indirect_dma semaphore(%arg8 : memref<!tpu.dma_semaphore, #tpu.memory_space<semaphore_mem>>) src(%dma_wait3A_2940 : memref<1000000x128xf32, #tpu.memory_space<hbm>>) dst(%dma_wait3A_2934 : memref<50x128xf32, #tpu.memory_space<vmem>>)
    %dma_wait3A_2941 = arith.constant 103 : i32
    %dma_wait3A_2942 = arith.constant 7 : i32
    %dma_wait3A_2943 = arith.constant 0 : i32
    %dma_wait3A_2944 = arith.constant 0 : i32
    %dma_wait3A_2945 = tpu.memref_slice %arg6[%dma_wait3A_2942, %dma_wait3A_2943, %dma_wait3A_2944] : memref<8x50x128xf32, #tpu.memory_space<vmem>> -> memref<1x50x128xf32, #tpu.memory_space<vmem>>
    %dma_wait3A_2946 = tpu.memref_squeeze %dma_wait3A_2945 : memref<1x50x128xf32, #tpu.memory_space<vmem>> -> memref<50x128xf32, #tpu.memory_space<vmem>>
    %dma_wait3A_2947 = arith.constant 0 : i32
    %dma_wait3A_2948 = tpu.memref_slice %arg5[%dma_wait3A_2941, %dma_wait3A_2947] : memref<128x50xi32, #tpu.memory_space<vmem>> -> memref<1x50xi32, #tpu.memory_space<vmem>>
    %dma_wait3A_2949 = tpu.memref_squeeze %dma_wait3A_2948 : memref<1x50xi32, #tpu.memory_space<vmem>> -> memref<50xi32, #tpu.memory_space<vmem>>
    %dma_wait3A_2950 = arith.constant 0 : i32
    %dma_wait3A_2951 = arith.constant 0 : i32
    %dma_wait3A_2952 = tpu.memref_slice %arg3[%dma_wait3A_2950, %dma_wait3A_2951] : memref<1000000x128xf32, #tpu.memory_space<hbm>> -> memref<1000000x128xf32, #tpu.memory_space<hbm>>
    tpu.wait_indirect_dma semaphore(%arg8 : memref<!tpu.dma_semaphore, #tpu.memory_space<semaphore_mem>>) src(%dma_wait3A_2952 : memref<1000000x128xf32, #tpu.memory_space<hbm>>) dst(%dma_wait3A_2946 : memref<50x128xf32, #tpu.memory_space<vmem>>)
    %add3A_2953 = arith.constant 96 : i32
    %add3A_2954 = arith.addi %mul3A_2, %add3A_2953 : i32
    %dma_start3A_2955 = arith.constant 0 : i32
    %dma_start3A_2956 = arith.constant 0 : i32
    %dma_start3A_2957 = arith.constant 0 : i32
    %dma_start3A_2958 = tpu.memref_slice %arg6[%dma_start3A_2955, %dma_start3A_2956, %dma_start3A_2957] : memref<8x50x128xf32, #tpu.memory_space<vmem>> -> memref<8x50x64xf32, #tpu.memory_space<vmem>>
    %dma_start3A_2959 = arith.constant 0 : i32
    %dma_start3A_2960 = arith.constant 0 : i32
    %dma_start3A_2961 = tpu.memref_slice %arg4[%add3A_2954, %dma_start3A_2959, %dma_start3A_2960] : memref<4096x50x64xf32, #tpu.memory_space<hbm>> -> memref<8x50x64xf32, #tpu.memory_space<hbm>>
    %dma_start3A_2962 = arith.constant 0 : i32
    %dma_start3A_2963 = arith.constant 0 : i32
    %dma_start3A_2964 = tpu.memref_slice %arg4[%add3A_2954, %dma_start3A_2962, %dma_start3A_2963] : memref<4096x50x64xf32, #tpu.memory_space<hbm>> -> memref<8x50x64xf32, #tpu.memory_space<hbm>>
    %dma_start3A_2965 = arith.constant 0 : i32
    %dma_start3A_2966 = arith.constant 0 : i32
    %dma_start3A_2967 = arith.constant 0 : i32
    %dma_start3A_2968 = tpu.memref_slice %arg6[%dma_start3A_2965, %dma_start3A_2966, %dma_start3A_2967] : memref<8x50x128xf32, #tpu.memory_space<vmem>> -> memref<8x50x64xf32, #tpu.memory_space<vmem>>
    tpu.enqueue_dma source(%dma_start3A_2968 : memref<8x50x64xf32, #tpu.memory_space<vmem>>) target(%dma_start3A_2964 : memref<8x50x64xf32, #tpu.memory_space<hbm>>) target_semaphore(%arg10 : memref<!tpu.dma_semaphore, #tpu.memory_space<semaphore_mem>>)
    %dma_wait3A_2969 = arith.constant 0 : i32
    %dma_wait3A_2970 = arith.constant 0 : i32
    %dma_wait3A_2971 = arith.constant 0 : i32
    %dma_wait3A_2972 = tpu.memref_slice %arg6[%dma_wait3A_2969, %dma_wait3A_2970, %dma_wait3A_2971] : memref<8x50x128xf32, #tpu.memory_space<vmem>> -> memref<8x50x64xf32, #tpu.memory_space<vmem>>
    %dma_wait3A_2973 = arith.constant 0 : i32
    %dma_wait3A_2974 = arith.constant 0 : i32
    %dma_wait3A_2975 = tpu.memref_slice %arg4[%add3A_2954, %dma_wait3A_2973, %dma_wait3A_2974] : memref<4096x50x64xf32, #tpu.memory_space<hbm>> -> memref<8x50x64xf32, #tpu.memory_space<hbm>>
    %dma_wait3A_2976 = arith.constant 0 : i32
    %dma_wait3A_2977 = arith.constant 0 : i32
    %dma_wait3A_2978 = tpu.memref_slice %arg4[%add3A_2954, %dma_wait3A_2976, %dma_wait3A_2977] : memref<4096x50x64xf32, #tpu.memory_space<hbm>> -> memref<8x50x64xf32, #tpu.memory_space<hbm>>
    %dma_wait3A_2979 = arith.constant 0 : i32
    %dma_wait3A_2980 = arith.constant 0 : i32
    %dma_wait3A_2981 = arith.constant 0 : i32
    %dma_wait3A_2982 = tpu.memref_slice %arg6[%dma_wait3A_2979, %dma_wait3A_2980, %dma_wait3A_2981] : memref<8x50x128xf32, #tpu.memory_space<vmem>> -> memref<8x50x64xf32, #tpu.memory_space<vmem>>
    tpu.wait_dma2 semaphore(%arg10 : memref<!tpu.dma_semaphore, #tpu.memory_space<semaphore_mem>>) src(%dma_wait3A_2982 : memref<8x50x64xf32, #tpu.memory_space<vmem>>) dst(%dma_wait3A_2978 : memref<8x50x64xf32, #tpu.memory_space<hbm>>)
    %dma_start3A_2983 = arith.constant 112 : i32
    %dma_start3A_2984 = arith.constant 0 : i32
    %dma_start3A_2985 = arith.constant 0 : i32
    %dma_start3A_2986 = arith.constant 0 : i32
    %dma_start3A_2987 = tpu.memref_slice %arg6[%dma_start3A_2984, %dma_start3A_2985, %dma_start3A_2986] : memref<8x50x128xf32, #tpu.memory_space<vmem>> -> memref<1x50x128xf32, #tpu.memory_space<vmem>>
    %dma_start3A_2988 = tpu.memref_squeeze %dma_start3A_2987 : memref<1x50x128xf32, #tpu.memory_space<vmem>> -> memref<50x128xf32, #tpu.memory_space<vmem>>
    %dma_start3A_2989 = arith.constant 0 : i32
    %dma_start3A_2990 = tpu.memref_slice %arg5[%dma_start3A_2983, %dma_start3A_2989] : memref<128x50xi32, #tpu.memory_space<vmem>> -> memref<1x50xi32, #tpu.memory_space<vmem>>
    %dma_start3A_2991 = tpu.memref_squeeze %dma_start3A_2990 : memref<1x50xi32, #tpu.memory_space<vmem>> -> memref<50xi32, #tpu.memory_space<vmem>>
    %dma_start3A_2992 = arith.constant 0 : i32
    %dma_start3A_2993 = arith.constant 0 : i32
    %dma_start3A_2994 = tpu.memref_slice %arg3[%dma_start3A_2992, %dma_start3A_2993] : memref<1000000x128xf32, #tpu.memory_space<hbm>> -> memref<1000000x128xf32, #tpu.memory_space<hbm>>
    tpu.enqueue_indirect_dma source(%dma_start3A_2994 : memref<1000000x128xf32, #tpu.memory_space<hbm>>) target(%dma_start3A_2988 : memref<50x128xf32, #tpu.memory_space<vmem>>) offsets(%dma_start3A_2991 : memref<50xi32, #tpu.memory_space<vmem>>) semaphore(%arg8 : memref<!tpu.dma_semaphore, #tpu.memory_space<semaphore_mem>>)
    %dma_start3A_2995 = arith.constant 113 : i32
    %dma_start3A_2996 = arith.constant 1 : i32
    %dma_start3A_2997 = arith.constant 0 : i32
    %dma_start3A_2998 = arith.constant 0 : i32
    %dma_start3A_2999 = tpu.memref_slice %arg6[%dma_start3A_2996, %dma_start3A_2997, %dma_start3A_2998] : memref<8x50x128xf32, #tpu.memory_space<vmem>> -> memref<1x50x128xf32, #tpu.memory_space<vmem>>
    %dma_start3A_3000 = tpu.memref_squeeze %dma_start3A_2999 : memref<1x50x128xf32, #tpu.memory_space<vmem>> -> memref<50x128xf32, #tpu.memory_space<vmem>>
    %dma_start3A_3001 = arith.constant 0 : i32
    %dma_start3A_3002 = tpu.memref_slice %arg5[%dma_start3A_2995, %dma_start3A_3001] : memref<128x50xi32, #tpu.memory_space<vmem>> -> memref<1x50xi32, #tpu.memory_space<vmem>>
    %dma_start3A_3003 = tpu.memref_squeeze %dma_start3A_3002 : memref<1x50xi32, #tpu.memory_space<vmem>> -> memref<50xi32, #tpu.memory_space<vmem>>
    %dma_start3A_3004 = arith.constant 0 : i32
    %dma_start3A_3005 = arith.constant 0 : i32
    %dma_start3A_3006 = tpu.memref_slice %arg3[%dma_start3A_3004, %dma_start3A_3005] : memref<1000000x128xf32, #tpu.memory_space<hbm>> -> memref<1000000x128xf32, #tpu.memory_space<hbm>>
    tpu.enqueue_indirect_dma source(%dma_start3A_3006 : memref<1000000x128xf32, #tpu.memory_space<hbm>>) target(%dma_start3A_3000 : memref<50x128xf32, #tpu.memory_space<vmem>>) offsets(%dma_start3A_3003 : memref<50xi32, #tpu.memory_space<vmem>>) semaphore(%arg8 : memref<!tpu.dma_semaphore, #tpu.memory_space<semaphore_mem>>)
    %dma_start3A_3007 = arith.constant 114 : i32
    %dma_start3A_3008 = arith.constant 2 : i32
    %dma_start3A_3009 = arith.constant 0 : i32
    %dma_start3A_3010 = arith.constant 0 : i32
    %dma_start3A_3011 = tpu.memref_slice %arg6[%dma_start3A_3008, %dma_start3A_3009, %dma_start3A_3010] : memref<8x50x128xf32, #tpu.memory_space<vmem>> -> memref<1x50x128xf32, #tpu.memory_space<vmem>>
    %dma_start3A_3012 = tpu.memref_squeeze %dma_start3A_3011 : memref<1x50x128xf32, #tpu.memory_space<vmem>> -> memref<50x128xf32, #tpu.memory_space<vmem>>
    %dma_start3A_3013 = arith.constant 0 : i32
    %dma_start3A_3014 = tpu.memref_slice %arg5[%dma_start3A_3007, %dma_start3A_3013] : memref<128x50xi32, #tpu.memory_space<vmem>> -> memref<1x50xi32, #tpu.memory_space<vmem>>
    %dma_start3A_3015 = tpu.memref_squeeze %dma_start3A_3014 : memref<1x50xi32, #tpu.memory_space<vmem>> -> memref<50xi32, #tpu.memory_space<vmem>>
    %dma_start3A_3016 = arith.constant 0 : i32
    %dma_start3A_3017 = arith.constant 0 : i32
    %dma_start3A_3018 = tpu.memref_slice %arg3[%dma_start3A_3016, %dma_start3A_3017] : memref<1000000x128xf32, #tpu.memory_space<hbm>> -> memref<1000000x128xf32, #tpu.memory_space<hbm>>
    tpu.enqueue_indirect_dma source(%dma_start3A_3018 : memref<1000000x128xf32, #tpu.memory_space<hbm>>) target(%dma_start3A_3012 : memref<50x128xf32, #tpu.memory_space<vmem>>) offsets(%dma_start3A_3015 : memref<50xi32, #tpu.memory_space<vmem>>) semaphore(%arg8 : memref<!tpu.dma_semaphore, #tpu.memory_space<semaphore_mem>>)
    %dma_start3A_3019 = arith.constant 115 : i32
    %dma_start3A_3020 = arith.constant 3 : i32
    %dma_start3A_3021 = arith.constant 0 : i32
    %dma_start3A_3022 = arith.constant 0 : i32
    %dma_start3A_3023 = tpu.memref_slice %arg6[%dma_start3A_3020, %dma_start3A_3021, %dma_start3A_3022] : memref<8x50x128xf32, #tpu.memory_space<vmem>> -> memref<1x50x128xf32, #tpu.memory_space<vmem>>
    %dma_start3A_3024 = tpu.memref_squeeze %dma_start3A_3023 : memref<1x50x128xf32, #tpu.memory_space<vmem>> -> memref<50x128xf32, #tpu.memory_space<vmem>>
    %dma_start3A_3025 = arith.constant 0 : i32
    %dma_start3A_3026 = tpu.memref_slice %arg5[%dma_start3A_3019, %dma_start3A_3025] : memref<128x50xi32, #tpu.memory_space<vmem>> -> memref<1x50xi32, #tpu.memory_space<vmem>>
    %dma_start3A_3027 = tpu.memref_squeeze %dma_start3A_3026 : memref<1x50xi32, #tpu.memory_space<vmem>> -> memref<50xi32, #tpu.memory_space<vmem>>
    %dma_start3A_3028 = arith.constant 0 : i32
    %dma_start3A_3029 = arith.constant 0 : i32
    %dma_start3A_3030 = tpu.memref_slice %arg3[%dma_start3A_3028, %dma_start3A_3029] : memref<1000000x128xf32, #tpu.memory_space<hbm>> -> memref<1000000x128xf32, #tpu.memory_space<hbm>>
    tpu.enqueue_indirect_dma source(%dma_start3A_3030 : memref<1000000x128xf32, #tpu.memory_space<hbm>>) target(%dma_start3A_3024 : memref<50x128xf32, #tpu.memory_space<vmem>>) offsets(%dma_start3A_3027 : memref<50xi32, #tpu.memory_space<vmem>>) semaphore(%arg8 : memref<!tpu.dma_semaphore, #tpu.memory_space<semaphore_mem>>)
    %dma_start3A_3031 = arith.constant 116 : i32
    %dma_start3A_3032 = arith.constant 4 : i32
    %dma_start3A_3033 = arith.constant 0 : i32
    %dma_start3A_3034 = arith.constant 0 : i32
    %dma_start3A_3035 = tpu.memref_slice %arg6[%dma_start3A_3032, %dma_start3A_3033, %dma_start3A_3034] : memref<8x50x128xf32, #tpu.memory_space<vmem>> -> memref<1x50x128xf32, #tpu.memory_space<vmem>>
    %dma_start3A_3036 = tpu.memref_squeeze %dma_start3A_3035 : memref<1x50x128xf32, #tpu.memory_space<vmem>> -> memref<50x128xf32, #tpu.memory_space<vmem>>
    %dma_start3A_3037 = arith.constant 0 : i32
    %dma_start3A_3038 = tpu.memref_slice %arg5[%dma_start3A_3031, %dma_start3A_3037] : memref<128x50xi32, #tpu.memory_space<vmem>> -> memref<1x50xi32, #tpu.memory_space<vmem>>
    %dma_start3A_3039 = tpu.memref_squeeze %dma_start3A_3038 : memref<1x50xi32, #tpu.memory_space<vmem>> -> memref<50xi32, #tpu.memory_space<vmem>>
    %dma_start3A_3040 = arith.constant 0 : i32
    %dma_start3A_3041 = arith.constant 0 : i32
    %dma_start3A_3042 = tpu.memref_slice %arg3[%dma_start3A_3040, %dma_start3A_3041] : memref<1000000x128xf32, #tpu.memory_space<hbm>> -> memref<1000000x128xf32, #tpu.memory_space<hbm>>
    tpu.enqueue_indirect_dma source(%dma_start3A_3042 : memref<1000000x128xf32, #tpu.memory_space<hbm>>) target(%dma_start3A_3036 : memref<50x128xf32, #tpu.memory_space<vmem>>) offsets(%dma_start3A_3039 : memref<50xi32, #tpu.memory_space<vmem>>) semaphore(%arg8 : memref<!tpu.dma_semaphore, #tpu.memory_space<semaphore_mem>>)
    %dma_start3A_3043 = arith.constant 117 : i32
    %dma_start3A_3044 = arith.constant 5 : i32
    %dma_start3A_3045 = arith.constant 0 : i32
    %dma_start3A_3046 = arith.constant 0 : i32
    %dma_start3A_3047 = tpu.memref_slice %arg6[%dma_start3A_3044, %dma_start3A_3045, %dma_start3A_3046] : memref<8x50x128xf32, #tpu.memory_space<vmem>> -> memref<1x50x128xf32, #tpu.memory_space<vmem>>
    %dma_start3A_3048 = tpu.memref_squeeze %dma_start3A_3047 : memref<1x50x128xf32, #tpu.memory_space<vmem>> -> memref<50x128xf32, #tpu.memory_space<vmem>>
    %dma_start3A_3049 = arith.constant 0 : i32
    %dma_start3A_3050 = tpu.memref_slice %arg5[%dma_start3A_3043, %dma_start3A_3049] : memref<128x50xi32, #tpu.memory_space<vmem>> -> memref<1x50xi32, #tpu.memory_space<vmem>>
    %dma_start3A_3051 = tpu.memref_squeeze %dma_start3A_3050 : memref<1x50xi32, #tpu.memory_space<vmem>> -> memref<50xi32, #tpu.memory_space<vmem>>
    %dma_start3A_3052 = arith.constant 0 : i32
    %dma_start3A_3053 = arith.constant 0 : i32
    %dma_start3A_3054 = tpu.memref_slice %arg3[%dma_start3A_3052, %dma_start3A_3053] : memref<1000000x128xf32, #tpu.memory_space<hbm>> -> memref<1000000x128xf32, #tpu.memory_space<hbm>>
    tpu.enqueue_indirect_dma source(%dma_start3A_3054 : memref<1000000x128xf32, #tpu.memory_space<hbm>>) target(%dma_start3A_3048 : memref<50x128xf32, #tpu.memory_space<vmem>>) offsets(%dma_start3A_3051 : memref<50xi32, #tpu.memory_space<vmem>>) semaphore(%arg8 : memref<!tpu.dma_semaphore, #tpu.memory_space<semaphore_mem>>)
    %dma_start3A_3055 = arith.constant 118 : i32
    %dma_start3A_3056 = arith.constant 6 : i32
    %dma_start3A_3057 = arith.constant 0 : i32
    %dma_start3A_3058 = arith.constant 0 : i32
    %dma_start3A_3059 = tpu.memref_slice %arg6[%dma_start3A_3056, %dma_start3A_3057, %dma_start3A_3058] : memref<8x50x128xf32, #tpu.memory_space<vmem>> -> memref<1x50x128xf32, #tpu.memory_space<vmem>>
    %dma_start3A_3060 = tpu.memref_squeeze %dma_start3A_3059 : memref<1x50x128xf32, #tpu.memory_space<vmem>> -> memref<50x128xf32, #tpu.memory_space<vmem>>
    %dma_start3A_3061 = arith.constant 0 : i32
    %dma_start3A_3062 = tpu.memref_slice %arg5[%dma_start3A_3055, %dma_start3A_3061] : memref<128x50xi32, #tpu.memory_space<vmem>> -> memref<1x50xi32, #tpu.memory_space<vmem>>
    %dma_start3A_3063 = tpu.memref_squeeze %dma_start3A_3062 : memref<1x50xi32, #tpu.memory_space<vmem>> -> memref<50xi32, #tpu.memory_space<vmem>>
    %dma_start3A_3064 = arith.constant 0 : i32
    %dma_start3A_3065 = arith.constant 0 : i32
    %dma_start3A_3066 = tpu.memref_slice %arg3[%dma_start3A_3064, %dma_start3A_3065] : memref<1000000x128xf32, #tpu.memory_space<hbm>> -> memref<1000000x128xf32, #tpu.memory_space<hbm>>
    tpu.enqueue_indirect_dma source(%dma_start3A_3066 : memref<1000000x128xf32, #tpu.memory_space<hbm>>) target(%dma_start3A_3060 : memref<50x128xf32, #tpu.memory_space<vmem>>) offsets(%dma_start3A_3063 : memref<50xi32, #tpu.memory_space<vmem>>) semaphore(%arg8 : memref<!tpu.dma_semaphore, #tpu.memory_space<semaphore_mem>>)
    %dma_start3A_3067 = arith.constant 119 : i32
    %dma_start3A_3068 = arith.constant 7 : i32
    %dma_start3A_3069 = arith.constant 0 : i32
    %dma_start3A_3070 = arith.constant 0 : i32
    %dma_start3A_3071 = tpu.memref_slice %arg6[%dma_start3A_3068, %dma_start3A_3069, %dma_start3A_3070] : memref<8x50x128xf32, #tpu.memory_space<vmem>> -> memref<1x50x128xf32, #tpu.memory_space<vmem>>
    %dma_start3A_3072 = tpu.memref_squeeze %dma_start3A_3071 : memref<1x50x128xf32, #tpu.memory_space<vmem>> -> memref<50x128xf32, #tpu.memory_space<vmem>>
    %dma_start3A_3073 = arith.constant 0 : i32
    %dma_start3A_3074 = tpu.memref_slice %arg5[%dma_start3A_3067, %dma_start3A_3073] : memref<128x50xi32, #tpu.memory_space<vmem>> -> memref<1x50xi32, #tpu.memory_space<vmem>>
    %dma_start3A_3075 = tpu.memref_squeeze %dma_start3A_3074 : memref<1x50xi32, #tpu.memory_space<vmem>> -> memref<50xi32, #tpu.memory_space<vmem>>
    %dma_start3A_3076 = arith.constant 0 : i32
    %dma_start3A_3077 = arith.constant 0 : i32
    %dma_start3A_3078 = tpu.memref_slice %arg3[%dma_start3A_3076, %dma_start3A_3077] : memref<1000000x128xf32, #tpu.memory_space<hbm>> -> memref<1000000x128xf32, #tpu.memory_space<hbm>>
    tpu.enqueue_indirect_dma source(%dma_start3A_3078 : memref<1000000x128xf32, #tpu.memory_space<hbm>>) target(%dma_start3A_3072 : memref<50x128xf32, #tpu.memory_space<vmem>>) offsets(%dma_start3A_3075 : memref<50xi32, #tpu.memory_space<vmem>>) semaphore(%arg8 : memref<!tpu.dma_semaphore, #tpu.memory_space<semaphore_mem>>)
    %dma_wait3A_3079 = arith.constant 104 : i32
    %dma_wait3A_3080 = arith.constant 0 : i32
    %dma_wait3A_3081 = arith.constant 0 : i32
    %dma_wait3A_3082 = arith.constant 0 : i32
    %dma_wait3A_3083 = tpu.memref_slice %arg7[%dma_wait3A_3080, %dma_wait3A_3081, %dma_wait3A_3082] : memref<8x50x128xf32, #tpu.memory_space<vmem>> -> memref<1x50x128xf32, #tpu.memory_space<vmem>>
    %dma_wait3A_3084 = tpu.memref_squeeze %dma_wait3A_3083 : memref<1x50x128xf32, #tpu.memory_space<vmem>> -> memref<50x128xf32, #tpu.memory_space<vmem>>
    %dma_wait3A_3085 = arith.constant 0 : i32
    %dma_wait3A_3086 = tpu.memref_slice %arg5[%dma_wait3A_3079, %dma_wait3A_3085] : memref<128x50xi32, #tpu.memory_space<vmem>> -> memref<1x50xi32, #tpu.memory_space<vmem>>
    %dma_wait3A_3087 = tpu.memref_squeeze %dma_wait3A_3086 : memref<1x50xi32, #tpu.memory_space<vmem>> -> memref<50xi32, #tpu.memory_space<vmem>>
    %dma_wait3A_3088 = arith.constant 0 : i32
    %dma_wait3A_3089 = arith.constant 0 : i32
    %dma_wait3A_3090 = tpu.memref_slice %arg3[%dma_wait3A_3088, %dma_wait3A_3089] : memref<1000000x128xf32, #tpu.memory_space<hbm>> -> memref<1000000x128xf32, #tpu.memory_space<hbm>>
    tpu.wait_indirect_dma semaphore(%arg9 : memref<!tpu.dma_semaphore, #tpu.memory_space<semaphore_mem>>) src(%dma_wait3A_3090 : memref<1000000x128xf32, #tpu.memory_space<hbm>>) dst(%dma_wait3A_3084 : memref<50x128xf32, #tpu.memory_space<vmem>>)
    %dma_wait3A_3091 = arith.constant 105 : i32
    %dma_wait3A_3092 = arith.constant 1 : i32
    %dma_wait3A_3093 = arith.constant 0 : i32
    %dma_wait3A_3094 = arith.constant 0 : i32
    %dma_wait3A_3095 = tpu.memref_slice %arg7[%dma_wait3A_3092, %dma_wait3A_3093, %dma_wait3A_3094] : memref<8x50x128xf32, #tpu.memory_space<vmem>> -> memref<1x50x128xf32, #tpu.memory_space<vmem>>
    %dma_wait3A_3096 = tpu.memref_squeeze %dma_wait3A_3095 : memref<1x50x128xf32, #tpu.memory_space<vmem>> -> memref<50x128xf32, #tpu.memory_space<vmem>>
    %dma_wait3A_3097 = arith.constant 0 : i32
    %dma_wait3A_3098 = tpu.memref_slice %arg5[%dma_wait3A_3091, %dma_wait3A_3097] : memref<128x50xi32, #tpu.memory_space<vmem>> -> memref<1x50xi32, #tpu.memory_space<vmem>>
    %dma_wait3A_3099 = tpu.memref_squeeze %dma_wait3A_3098 : memref<1x50xi32, #tpu.memory_space<vmem>> -> memref<50xi32, #tpu.memory_space<vmem>>
    %dma_wait3A_3100 = arith.constant 0 : i32
    %dma_wait3A_3101 = arith.constant 0 : i32
    %dma_wait3A_3102 = tpu.memref_slice %arg3[%dma_wait3A_3100, %dma_wait3A_3101] : memref<1000000x128xf32, #tpu.memory_space<hbm>> -> memref<1000000x128xf32, #tpu.memory_space<hbm>>
    tpu.wait_indirect_dma semaphore(%arg9 : memref<!tpu.dma_semaphore, #tpu.memory_space<semaphore_mem>>) src(%dma_wait3A_3102 : memref<1000000x128xf32, #tpu.memory_space<hbm>>) dst(%dma_wait3A_3096 : memref<50x128xf32, #tpu.memory_space<vmem>>)
    %dma_wait3A_3103 = arith.constant 106 : i32
    %dma_wait3A_3104 = arith.constant 2 : i32
    %dma_wait3A_3105 = arith.constant 0 : i32
    %dma_wait3A_3106 = arith.constant 0 : i32
    %dma_wait3A_3107 = tpu.memref_slice %arg7[%dma_wait3A_3104, %dma_wait3A_3105, %dma_wait3A_3106] : memref<8x50x128xf32, #tpu.memory_space<vmem>> -> memref<1x50x128xf32, #tpu.memory_space<vmem>>
    %dma_wait3A_3108 = tpu.memref_squeeze %dma_wait3A_3107 : memref<1x50x128xf32, #tpu.memory_space<vmem>> -> memref<50x128xf32, #tpu.memory_space<vmem>>
    %dma_wait3A_3109 = arith.constant 0 : i32
    %dma_wait3A_3110 = tpu.memref_slice %arg5[%dma_wait3A_3103, %dma_wait3A_3109] : memref<128x50xi32, #tpu.memory_space<vmem>> -> memref<1x50xi32, #tpu.memory_space<vmem>>
    %dma_wait3A_3111 = tpu.memref_squeeze %dma_wait3A_3110 : memref<1x50xi32, #tpu.memory_space<vmem>> -> memref<50xi32, #tpu.memory_space<vmem>>
    %dma_wait3A_3112 = arith.constant 0 : i32
    %dma_wait3A_3113 = arith.constant 0 : i32
    %dma_wait3A_3114 = tpu.memref_slice %arg3[%dma_wait3A_3112, %dma_wait3A_3113] : memref<1000000x128xf32, #tpu.memory_space<hbm>> -> memref<1000000x128xf32, #tpu.memory_space<hbm>>
    tpu.wait_indirect_dma semaphore(%arg9 : memref<!tpu.dma_semaphore, #tpu.memory_space<semaphore_mem>>) src(%dma_wait3A_3114 : memref<1000000x128xf32, #tpu.memory_space<hbm>>) dst(%dma_wait3A_3108 : memref<50x128xf32, #tpu.memory_space<vmem>>)
    %dma_wait3A_3115 = arith.constant 107 : i32
    %dma_wait3A_3116 = arith.constant 3 : i32
    %dma_wait3A_3117 = arith.constant 0 : i32
    %dma_wait3A_3118 = arith.constant 0 : i32
    %dma_wait3A_3119 = tpu.memref_slice %arg7[%dma_wait3A_3116, %dma_wait3A_3117, %dma_wait3A_3118] : memref<8x50x128xf32, #tpu.memory_space<vmem>> -> memref<1x50x128xf32, #tpu.memory_space<vmem>>
    %dma_wait3A_3120 = tpu.memref_squeeze %dma_wait3A_3119 : memref<1x50x128xf32, #tpu.memory_space<vmem>> -> memref<50x128xf32, #tpu.memory_space<vmem>>
    %dma_wait3A_3121 = arith.constant 0 : i32
    %dma_wait3A_3122 = tpu.memref_slice %arg5[%dma_wait3A_3115, %dma_wait3A_3121] : memref<128x50xi32, #tpu.memory_space<vmem>> -> memref<1x50xi32, #tpu.memory_space<vmem>>
    %dma_wait3A_3123 = tpu.memref_squeeze %dma_wait3A_3122 : memref<1x50xi32, #tpu.memory_space<vmem>> -> memref<50xi32, #tpu.memory_space<vmem>>
    %dma_wait3A_3124 = arith.constant 0 : i32
    %dma_wait3A_3125 = arith.constant 0 : i32
    %dma_wait3A_3126 = tpu.memref_slice %arg3[%dma_wait3A_3124, %dma_wait3A_3125] : memref<1000000x128xf32, #tpu.memory_space<hbm>> -> memref<1000000x128xf32, #tpu.memory_space<hbm>>
    tpu.wait_indirect_dma semaphore(%arg9 : memref<!tpu.dma_semaphore, #tpu.memory_space<semaphore_mem>>) src(%dma_wait3A_3126 : memref<1000000x128xf32, #tpu.memory_space<hbm>>) dst(%dma_wait3A_3120 : memref<50x128xf32, #tpu.memory_space<vmem>>)
    %dma_wait3A_3127 = arith.constant 108 : i32
    %dma_wait3A_3128 = arith.constant 4 : i32
    %dma_wait3A_3129 = arith.constant 0 : i32
    %dma_wait3A_3130 = arith.constant 0 : i32
    %dma_wait3A_3131 = tpu.memref_slice %arg7[%dma_wait3A_3128, %dma_wait3A_3129, %dma_wait3A_3130] : memref<8x50x128xf32, #tpu.memory_space<vmem>> -> memref<1x50x128xf32, #tpu.memory_space<vmem>>
    %dma_wait3A_3132 = tpu.memref_squeeze %dma_wait3A_3131 : memref<1x50x128xf32, #tpu.memory_space<vmem>> -> memref<50x128xf32, #tpu.memory_space<vmem>>
    %dma_wait3A_3133 = arith.constant 0 : i32
    %dma_wait3A_3134 = tpu.memref_slice %arg5[%dma_wait3A_3127, %dma_wait3A_3133] : memref<128x50xi32, #tpu.memory_space<vmem>> -> memref<1x50xi32, #tpu.memory_space<vmem>>
    %dma_wait3A_3135 = tpu.memref_squeeze %dma_wait3A_3134 : memref<1x50xi32, #tpu.memory_space<vmem>> -> memref<50xi32, #tpu.memory_space<vmem>>
    %dma_wait3A_3136 = arith.constant 0 : i32
    %dma_wait3A_3137 = arith.constant 0 : i32
    %dma_wait3A_3138 = tpu.memref_slice %arg3[%dma_wait3A_3136, %dma_wait3A_3137] : memref<1000000x128xf32, #tpu.memory_space<hbm>> -> memref<1000000x128xf32, #tpu.memory_space<hbm>>
    tpu.wait_indirect_dma semaphore(%arg9 : memref<!tpu.dma_semaphore, #tpu.memory_space<semaphore_mem>>) src(%dma_wait3A_3138 : memref<1000000x128xf32, #tpu.memory_space<hbm>>) dst(%dma_wait3A_3132 : memref<50x128xf32, #tpu.memory_space<vmem>>)
    %dma_wait3A_3139 = arith.constant 109 : i32
    %dma_wait3A_3140 = arith.constant 5 : i32
    %dma_wait3A_3141 = arith.constant 0 : i32
    %dma_wait3A_3142 = arith.constant 0 : i32
    %dma_wait3A_3143 = tpu.memref_slice %arg7[%dma_wait3A_3140, %dma_wait3A_3141, %dma_wait3A_3142] : memref<8x50x128xf32, #tpu.memory_space<vmem>> -> memref<1x50x128xf32, #tpu.memory_space<vmem>>
    %dma_wait3A_3144 = tpu.memref_squeeze %dma_wait3A_3143 : memref<1x50x128xf32, #tpu.memory_space<vmem>> -> memref<50x128xf32, #tpu.memory_space<vmem>>
    %dma_wait3A_3145 = arith.constant 0 : i32
    %dma_wait3A_3146 = tpu.memref_slice %arg5[%dma_wait3A_3139, %dma_wait3A_3145] : memref<128x50xi32, #tpu.memory_space<vmem>> -> memref<1x50xi32, #tpu.memory_space<vmem>>
    %dma_wait3A_3147 = tpu.memref_squeeze %dma_wait3A_3146 : memref<1x50xi32, #tpu.memory_space<vmem>> -> memref<50xi32, #tpu.memory_space<vmem>>
    %dma_wait3A_3148 = arith.constant 0 : i32
    %dma_wait3A_3149 = arith.constant 0 : i32
    %dma_wait3A_3150 = tpu.memref_slice %arg3[%dma_wait3A_3148, %dma_wait3A_3149] : memref<1000000x128xf32, #tpu.memory_space<hbm>> -> memref<1000000x128xf32, #tpu.memory_space<hbm>>
    tpu.wait_indirect_dma semaphore(%arg9 : memref<!tpu.dma_semaphore, #tpu.memory_space<semaphore_mem>>) src(%dma_wait3A_3150 : memref<1000000x128xf32, #tpu.memory_space<hbm>>) dst(%dma_wait3A_3144 : memref<50x128xf32, #tpu.memory_space<vmem>>)
    %dma_wait3A_3151 = arith.constant 110 : i32
    %dma_wait3A_3152 = arith.constant 6 : i32
    %dma_wait3A_3153 = arith.constant 0 : i32
    %dma_wait3A_3154 = arith.constant 0 : i32
    %dma_wait3A_3155 = tpu.memref_slice %arg7[%dma_wait3A_3152, %dma_wait3A_3153, %dma_wait3A_3154] : memref<8x50x128xf32, #tpu.memory_space<vmem>> -> memref<1x50x128xf32, #tpu.memory_space<vmem>>
    %dma_wait3A_3156 = tpu.memref_squeeze %dma_wait3A_3155 : memref<1x50x128xf32, #tpu.memory_space<vmem>> -> memref<50x128xf32, #tpu.memory_space<vmem>>
    %dma_wait3A_3157 = arith.constant 0 : i32
    %dma_wait3A_3158 = tpu.memref_slice %arg5[%dma_wait3A_3151, %dma_wait3A_3157] : memref<128x50xi32, #tpu.memory_space<vmem>> -> memref<1x50xi32, #tpu.memory_space<vmem>>
    %dma_wait3A_3159 = tpu.memref_squeeze %dma_wait3A_3158 : memref<1x50xi32, #tpu.memory_space<vmem>> -> memref<50xi32, #tpu.memory_space<vmem>>
    %dma_wait3A_3160 = arith.constant 0 : i32
    %dma_wait3A_3161 = arith.constant 0 : i32
    %dma_wait3A_3162 = tpu.memref_slice %arg3[%dma_wait3A_3160, %dma_wait3A_3161] : memref<1000000x128xf32, #tpu.memory_space<hbm>> -> memref<1000000x128xf32, #tpu.memory_space<hbm>>
    tpu.wait_indirect_dma semaphore(%arg9 : memref<!tpu.dma_semaphore, #tpu.memory_space<semaphore_mem>>) src(%dma_wait3A_3162 : memref<1000000x128xf32, #tpu.memory_space<hbm>>) dst(%dma_wait3A_3156 : memref<50x128xf32, #tpu.memory_space<vmem>>)
    %dma_wait3A_3163 = arith.constant 111 : i32
    %dma_wait3A_3164 = arith.constant 7 : i32
    %dma_wait3A_3165 = arith.constant 0 : i32
    %dma_wait3A_3166 = arith.constant 0 : i32
    %dma_wait3A_3167 = tpu.memref_slice %arg7[%dma_wait3A_3164, %dma_wait3A_3165, %dma_wait3A_3166] : memref<8x50x128xf32, #tpu.memory_space<vmem>> -> memref<1x50x128xf32, #tpu.memory_space<vmem>>
    %dma_wait3A_3168 = tpu.memref_squeeze %dma_wait3A_3167 : memref<1x50x128xf32, #tpu.memory_space<vmem>> -> memref<50x128xf32, #tpu.memory_space<vmem>>
    %dma_wait3A_3169 = arith.constant 0 : i32
    %dma_wait3A_3170 = tpu.memref_slice %arg5[%dma_wait3A_3163, %dma_wait3A_3169] : memref<128x50xi32, #tpu.memory_space<vmem>> -> memref<1x50xi32, #tpu.memory_space<vmem>>
    %dma_wait3A_3171 = tpu.memref_squeeze %dma_wait3A_3170 : memref<1x50xi32, #tpu.memory_space<vmem>> -> memref<50xi32, #tpu.memory_space<vmem>>
    %dma_wait3A_3172 = arith.constant 0 : i32
    %dma_wait3A_3173 = arith.constant 0 : i32
    %dma_wait3A_3174 = tpu.memref_slice %arg3[%dma_wait3A_3172, %dma_wait3A_3173] : memref<1000000x128xf32, #tpu.memory_space<hbm>> -> memref<1000000x128xf32, #tpu.memory_space<hbm>>
    tpu.wait_indirect_dma semaphore(%arg9 : memref<!tpu.dma_semaphore, #tpu.memory_space<semaphore_mem>>) src(%dma_wait3A_3174 : memref<1000000x128xf32, #tpu.memory_space<hbm>>) dst(%dma_wait3A_3168 : memref<50x128xf32, #tpu.memory_space<vmem>>)
    %add3A_3175 = arith.constant 104 : i32
    %add3A_3176 = arith.addi %mul3A_2, %add3A_3175 : i32
    %dma_start3A_3177 = arith.constant 0 : i32
    %dma_start3A_3178 = arith.constant 0 : i32
    %dma_start3A_3179 = arith.constant 0 : i32
    %dma_start3A_3180 = tpu.memref_slice %arg7[%dma_start3A_3177, %dma_start3A_3178, %dma_start3A_3179] : memref<8x50x128xf32, #tpu.memory_space<vmem>> -> memref<8x50x64xf32, #tpu.memory_space<vmem>>
    %dma_start3A_3181 = arith.constant 0 : i32
    %dma_start3A_3182 = arith.constant 0 : i32
    %dma_start3A_3183 = tpu.memref_slice %arg4[%add3A_3176, %dma_start3A_3181, %dma_start3A_3182] : memref<4096x50x64xf32, #tpu.memory_space<hbm>> -> memref<8x50x64xf32, #tpu.memory_space<hbm>>
    %dma_start3A_3184 = arith.constant 0 : i32
    %dma_start3A_3185 = arith.constant 0 : i32
    %dma_start3A_3186 = tpu.memref_slice %arg4[%add3A_3176, %dma_start3A_3184, %dma_start3A_3185] : memref<4096x50x64xf32, #tpu.memory_space<hbm>> -> memref<8x50x64xf32, #tpu.memory_space<hbm>>
    %dma_start3A_3187 = arith.constant 0 : i32
    %dma_start3A_3188 = arith.constant 0 : i32
    %dma_start3A_3189 = arith.constant 0 : i32
    %dma_start3A_3190 = tpu.memref_slice %arg7[%dma_start3A_3187, %dma_start3A_3188, %dma_start3A_3189] : memref<8x50x128xf32, #tpu.memory_space<vmem>> -> memref<8x50x64xf32, #tpu.memory_space<vmem>>
    tpu.enqueue_dma source(%dma_start3A_3190 : memref<8x50x64xf32, #tpu.memory_space<vmem>>) target(%dma_start3A_3186 : memref<8x50x64xf32, #tpu.memory_space<hbm>>) target_semaphore(%arg11 : memref<!tpu.dma_semaphore, #tpu.memory_space<semaphore_mem>>)
    %dma_wait3A_3191 = arith.constant 0 : i32
    %dma_wait3A_3192 = arith.constant 0 : i32
    %dma_wait3A_3193 = arith.constant 0 : i32
    %dma_wait3A_3194 = tpu.memref_slice %arg7[%dma_wait3A_3191, %dma_wait3A_3192, %dma_wait3A_3193] : memref<8x50x128xf32, #tpu.memory_space<vmem>> -> memref<8x50x64xf32, #tpu.memory_space<vmem>>
    %dma_wait3A_3195 = arith.constant 0 : i32
    %dma_wait3A_3196 = arith.constant 0 : i32
    %dma_wait3A_3197 = tpu.memref_slice %arg4[%add3A_3176, %dma_wait3A_3195, %dma_wait3A_3196] : memref<4096x50x64xf32, #tpu.memory_space<hbm>> -> memref<8x50x64xf32, #tpu.memory_space<hbm>>
    %dma_wait3A_3198 = arith.constant 0 : i32
    %dma_wait3A_3199 = arith.constant 0 : i32
    %dma_wait3A_3200 = tpu.memref_slice %arg4[%add3A_3176, %dma_wait3A_3198, %dma_wait3A_3199] : memref<4096x50x64xf32, #tpu.memory_space<hbm>> -> memref<8x50x64xf32, #tpu.memory_space<hbm>>
    %dma_wait3A_3201 = arith.constant 0 : i32
    %dma_wait3A_3202 = arith.constant 0 : i32
    %dma_wait3A_3203 = arith.constant 0 : i32
    %dma_wait3A_3204 = tpu.memref_slice %arg7[%dma_wait3A_3201, %dma_wait3A_3202, %dma_wait3A_3203] : memref<8x50x128xf32, #tpu.memory_space<vmem>> -> memref<8x50x64xf32, #tpu.memory_space<vmem>>
    tpu.wait_dma2 semaphore(%arg11 : memref<!tpu.dma_semaphore, #tpu.memory_space<semaphore_mem>>) src(%dma_wait3A_3204 : memref<8x50x64xf32, #tpu.memory_space<vmem>>) dst(%dma_wait3A_3200 : memref<8x50x64xf32, #tpu.memory_space<hbm>>)
    %dma_start3A_3205 = arith.constant 120 : i32
    %dma_start3A_3206 = arith.constant 0 : i32
    %dma_start3A_3207 = arith.constant 0 : i32
    %dma_start3A_3208 = arith.constant 0 : i32
    %dma_start3A_3209 = tpu.memref_slice %arg7[%dma_start3A_3206, %dma_start3A_3207, %dma_start3A_3208] : memref<8x50x128xf32, #tpu.memory_space<vmem>> -> memref<1x50x128xf32, #tpu.memory_space<vmem>>
    %dma_start3A_3210 = tpu.memref_squeeze %dma_start3A_3209 : memref<1x50x128xf32, #tpu.memory_space<vmem>> -> memref<50x128xf32, #tpu.memory_space<vmem>>
    %dma_start3A_3211 = arith.constant 0 : i32
    %dma_start3A_3212 = tpu.memref_slice %arg5[%dma_start3A_3205, %dma_start3A_3211] : memref<128x50xi32, #tpu.memory_space<vmem>> -> memref<1x50xi32, #tpu.memory_space<vmem>>
    %dma_start3A_3213 = tpu.memref_squeeze %dma_start3A_3212 : memref<1x50xi32, #tpu.memory_space<vmem>> -> memref<50xi32, #tpu.memory_space<vmem>>
    %dma_start3A_3214 = arith.constant 0 : i32
    %dma_start3A_3215 = arith.constant 0 : i32
    %dma_start3A_3216 = tpu.memref_slice %arg3[%dma_start3A_3214, %dma_start3A_3215] : memref<1000000x128xf32, #tpu.memory_space<hbm>> -> memref<1000000x128xf32, #tpu.memory_space<hbm>>
    tpu.enqueue_indirect_dma source(%dma_start3A_3216 : memref<1000000x128xf32, #tpu.memory_space<hbm>>) target(%dma_start3A_3210 : memref<50x128xf32, #tpu.memory_space<vmem>>) offsets(%dma_start3A_3213 : memref<50xi32, #tpu.memory_space<vmem>>) semaphore(%arg9 : memref<!tpu.dma_semaphore, #tpu.memory_space<semaphore_mem>>)
    %dma_start3A_3217 = arith.constant 121 : i32
    %dma_start3A_3218 = arith.constant 1 : i32
    %dma_start3A_3219 = arith.constant 0 : i32
    %dma_start3A_3220 = arith.constant 0 : i32
    %dma_start3A_3221 = tpu.memref_slice %arg7[%dma_start3A_3218, %dma_start3A_3219, %dma_start3A_3220] : memref<8x50x128xf32, #tpu.memory_space<vmem>> -> memref<1x50x128xf32, #tpu.memory_space<vmem>>
    %dma_start3A_3222 = tpu.memref_squeeze %dma_start3A_3221 : memref<1x50x128xf32, #tpu.memory_space<vmem>> -> memref<50x128xf32, #tpu.memory_space<vmem>>
    %dma_start3A_3223 = arith.constant 0 : i32
    %dma_start3A_3224 = tpu.memref_slice %arg5[%dma_start3A_3217, %dma_start3A_3223] : memref<128x50xi32, #tpu.memory_space<vmem>> -> memref<1x50xi32, #tpu.memory_space<vmem>>
    %dma_start3A_3225 = tpu.memref_squeeze %dma_start3A_3224 : memref<1x50xi32, #tpu.memory_space<vmem>> -> memref<50xi32, #tpu.memory_space<vmem>>
    %dma_start3A_3226 = arith.constant 0 : i32
    %dma_start3A_3227 = arith.constant 0 : i32
    %dma_start3A_3228 = tpu.memref_slice %arg3[%dma_start3A_3226, %dma_start3A_3227] : memref<1000000x128xf32, #tpu.memory_space<hbm>> -> memref<1000000x128xf32, #tpu.memory_space<hbm>>
    tpu.enqueue_indirect_dma source(%dma_start3A_3228 : memref<1000000x128xf32, #tpu.memory_space<hbm>>) target(%dma_start3A_3222 : memref<50x128xf32, #tpu.memory_space<vmem>>) offsets(%dma_start3A_3225 : memref<50xi32, #tpu.memory_space<vmem>>) semaphore(%arg9 : memref<!tpu.dma_semaphore, #tpu.memory_space<semaphore_mem>>)
    %dma_start3A_3229 = arith.constant 122 : i32
    %dma_start3A_3230 = arith.constant 2 : i32
    %dma_start3A_3231 = arith.constant 0 : i32
    %dma_start3A_3232 = arith.constant 0 : i32
    %dma_start3A_3233 = tpu.memref_slice %arg7[%dma_start3A_3230, %dma_start3A_3231, %dma_start3A_3232] : memref<8x50x128xf32, #tpu.memory_space<vmem>> -> memref<1x50x128xf32, #tpu.memory_space<vmem>>
    %dma_start3A_3234 = tpu.memref_squeeze %dma_start3A_3233 : memref<1x50x128xf32, #tpu.memory_space<vmem>> -> memref<50x128xf32, #tpu.memory_space<vmem>>
    %dma_start3A_3235 = arith.constant 0 : i32
    %dma_start3A_3236 = tpu.memref_slice %arg5[%dma_start3A_3229, %dma_start3A_3235] : memref<128x50xi32, #tpu.memory_space<vmem>> -> memref<1x50xi32, #tpu.memory_space<vmem>>
    %dma_start3A_3237 = tpu.memref_squeeze %dma_start3A_3236 : memref<1x50xi32, #tpu.memory_space<vmem>> -> memref<50xi32, #tpu.memory_space<vmem>>
    %dma_start3A_3238 = arith.constant 0 : i32
    %dma_start3A_3239 = arith.constant 0 : i32
    %dma_start3A_3240 = tpu.memref_slice %arg3[%dma_start3A_3238, %dma_start3A_3239] : memref<1000000x128xf32, #tpu.memory_space<hbm>> -> memref<1000000x128xf32, #tpu.memory_space<hbm>>
    tpu.enqueue_indirect_dma source(%dma_start3A_3240 : memref<1000000x128xf32, #tpu.memory_space<hbm>>) target(%dma_start3A_3234 : memref<50x128xf32, #tpu.memory_space<vmem>>) offsets(%dma_start3A_3237 : memref<50xi32, #tpu.memory_space<vmem>>) semaphore(%arg9 : memref<!tpu.dma_semaphore, #tpu.memory_space<semaphore_mem>>)
    %dma_start3A_3241 = arith.constant 123 : i32
    %dma_start3A_3242 = arith.constant 3 : i32
    %dma_start3A_3243 = arith.constant 0 : i32
    %dma_start3A_3244 = arith.constant 0 : i32
    %dma_start3A_3245 = tpu.memref_slice %arg7[%dma_start3A_3242, %dma_start3A_3243, %dma_start3A_3244] : memref<8x50x128xf32, #tpu.memory_space<vmem>> -> memref<1x50x128xf32, #tpu.memory_space<vmem>>
    %dma_start3A_3246 = tpu.memref_squeeze %dma_start3A_3245 : memref<1x50x128xf32, #tpu.memory_space<vmem>> -> memref<50x128xf32, #tpu.memory_space<vmem>>
    %dma_start3A_3247 = arith.constant 0 : i32
    %dma_start3A_3248 = tpu.memref_slice %arg5[%dma_start3A_3241, %dma_start3A_3247] : memref<128x50xi32, #tpu.memory_space<vmem>> -> memref<1x50xi32, #tpu.memory_space<vmem>>
    %dma_start3A_3249 = tpu.memref_squeeze %dma_start3A_3248 : memref<1x50xi32, #tpu.memory_space<vmem>> -> memref<50xi32, #tpu.memory_space<vmem>>
    %dma_start3A_3250 = arith.constant 0 : i32
    %dma_start3A_3251 = arith.constant 0 : i32
    %dma_start3A_3252 = tpu.memref_slice %arg3[%dma_start3A_3250, %dma_start3A_3251] : memref<1000000x128xf32, #tpu.memory_space<hbm>> -> memref<1000000x128xf32, #tpu.memory_space<hbm>>
    tpu.enqueue_indirect_dma source(%dma_start3A_3252 : memref<1000000x128xf32, #tpu.memory_space<hbm>>) target(%dma_start3A_3246 : memref<50x128xf32, #tpu.memory_space<vmem>>) offsets(%dma_start3A_3249 : memref<50xi32, #tpu.memory_space<vmem>>) semaphore(%arg9 : memref<!tpu.dma_semaphore, #tpu.memory_space<semaphore_mem>>)
    %dma_start3A_3253 = arith.constant 124 : i32
    %dma_start3A_3254 = arith.constant 4 : i32
    %dma_start3A_3255 = arith.constant 0 : i32
    %dma_start3A_3256 = arith.constant 0 : i32
    %dma_start3A_3257 = tpu.memref_slice %arg7[%dma_start3A_3254, %dma_start3A_3255, %dma_start3A_3256] : memref<8x50x128xf32, #tpu.memory_space<vmem>> -> memref<1x50x128xf32, #tpu.memory_space<vmem>>
    %dma_start3A_3258 = tpu.memref_squeeze %dma_start3A_3257 : memref<1x50x128xf32, #tpu.memory_space<vmem>> -> memref<50x128xf32, #tpu.memory_space<vmem>>
    %dma_start3A_3259 = arith.constant 0 : i32
    %dma_start3A_3260 = tpu.memref_slice %arg5[%dma_start3A_3253, %dma_start3A_3259] : memref<128x50xi32, #tpu.memory_space<vmem>> -> memref<1x50xi32, #tpu.memory_space<vmem>>
    %dma_start3A_3261 = tpu.memref_squeeze %dma_start3A_3260 : memref<1x50xi32, #tpu.memory_space<vmem>> -> memref<50xi32, #tpu.memory_space<vmem>>
    %dma_start3A_3262 = arith.constant 0 : i32
    %dma_start3A_3263 = arith.constant 0 : i32
    %dma_start3A_3264 = tpu.memref_slice %arg3[%dma_start3A_3262, %dma_start3A_3263] : memref<1000000x128xf32, #tpu.memory_space<hbm>> -> memref<1000000x128xf32, #tpu.memory_space<hbm>>
    tpu.enqueue_indirect_dma source(%dma_start3A_3264 : memref<1000000x128xf32, #tpu.memory_space<hbm>>) target(%dma_start3A_3258 : memref<50x128xf32, #tpu.memory_space<vmem>>) offsets(%dma_start3A_3261 : memref<50xi32, #tpu.memory_space<vmem>>) semaphore(%arg9 : memref<!tpu.dma_semaphore, #tpu.memory_space<semaphore_mem>>)
    %dma_start3A_3265 = arith.constant 125 : i32
    %dma_start3A_3266 = arith.constant 5 : i32
    %dma_start3A_3267 = arith.constant 0 : i32
    %dma_start3A_3268 = arith.constant 0 : i32
    %dma_start3A_3269 = tpu.memref_slice %arg7[%dma_start3A_3266, %dma_start3A_3267, %dma_start3A_3268] : memref<8x50x128xf32, #tpu.memory_space<vmem>> -> memref<1x50x128xf32, #tpu.memory_space<vmem>>
    %dma_start3A_3270 = tpu.memref_squeeze %dma_start3A_3269 : memref<1x50x128xf32, #tpu.memory_space<vmem>> -> memref<50x128xf32, #tpu.memory_space<vmem>>
    %dma_start3A_3271 = arith.constant 0 : i32
    %dma_start3A_3272 = tpu.memref_slice %arg5[%dma_start3A_3265, %dma_start3A_3271] : memref<128x50xi32, #tpu.memory_space<vmem>> -> memref<1x50xi32, #tpu.memory_space<vmem>>
    %dma_start3A_3273 = tpu.memref_squeeze %dma_start3A_3272 : memref<1x50xi32, #tpu.memory_space<vmem>> -> memref<50xi32, #tpu.memory_space<vmem>>
    %dma_start3A_3274 = arith.constant 0 : i32
    %dma_start3A_3275 = arith.constant 0 : i32
    %dma_start3A_3276 = tpu.memref_slice %arg3[%dma_start3A_3274, %dma_start3A_3275] : memref<1000000x128xf32, #tpu.memory_space<hbm>> -> memref<1000000x128xf32, #tpu.memory_space<hbm>>
    tpu.enqueue_indirect_dma source(%dma_start3A_3276 : memref<1000000x128xf32, #tpu.memory_space<hbm>>) target(%dma_start3A_3270 : memref<50x128xf32, #tpu.memory_space<vmem>>) offsets(%dma_start3A_3273 : memref<50xi32, #tpu.memory_space<vmem>>) semaphore(%arg9 : memref<!tpu.dma_semaphore, #tpu.memory_space<semaphore_mem>>)
    %dma_start3A_3277 = arith.constant 126 : i32
    %dma_start3A_3278 = arith.constant 6 : i32
    %dma_start3A_3279 = arith.constant 0 : i32
    %dma_start3A_3280 = arith.constant 0 : i32
    %dma_start3A_3281 = tpu.memref_slice %arg7[%dma_start3A_3278, %dma_start3A_3279, %dma_start3A_3280] : memref<8x50x128xf32, #tpu.memory_space<vmem>> -> memref<1x50x128xf32, #tpu.memory_space<vmem>>
    %dma_start3A_3282 = tpu.memref_squeeze %dma_start3A_3281 : memref<1x50x128xf32, #tpu.memory_space<vmem>> -> memref<50x128xf32, #tpu.memory_space<vmem>>
    %dma_start3A_3283 = arith.constant 0 : i32
    %dma_start3A_3284 = tpu.memref_slice %arg5[%dma_start3A_3277, %dma_start3A_3283] : memref<128x50xi32, #tpu.memory_space<vmem>> -> memref<1x50xi32, #tpu.memory_space<vmem>>
    %dma_start3A_3285 = tpu.memref_squeeze %dma_start3A_3284 : memref<1x50xi32, #tpu.memory_space<vmem>> -> memref<50xi32, #tpu.memory_space<vmem>>
    %dma_start3A_3286 = arith.constant 0 : i32
    %dma_start3A_3287 = arith.constant 0 : i32
    %dma_start3A_3288 = tpu.memref_slice %arg3[%dma_start3A_3286, %dma_start3A_3287] : memref<1000000x128xf32, #tpu.memory_space<hbm>> -> memref<1000000x128xf32, #tpu.memory_space<hbm>>
    tpu.enqueue_indirect_dma source(%dma_start3A_3288 : memref<1000000x128xf32, #tpu.memory_space<hbm>>) target(%dma_start3A_3282 : memref<50x128xf32, #tpu.memory_space<vmem>>) offsets(%dma_start3A_3285 : memref<50xi32, #tpu.memory_space<vmem>>) semaphore(%arg9 : memref<!tpu.dma_semaphore, #tpu.memory_space<semaphore_mem>>)
    %dma_start3A_3289 = arith.constant 127 : i32
    %dma_start3A_3290 = arith.constant 7 : i32
    %dma_start3A_3291 = arith.constant 0 : i32
    %dma_start3A_3292 = arith.constant 0 : i32
    %dma_start3A_3293 = tpu.memref_slice %arg7[%dma_start3A_3290, %dma_start3A_3291, %dma_start3A_3292] : memref<8x50x128xf32, #tpu.memory_space<vmem>> -> memref<1x50x128xf32, #tpu.memory_space<vmem>>
    %dma_start3A_3294 = tpu.memref_squeeze %dma_start3A_3293 : memref<1x50x128xf32, #tpu.memory_space<vmem>> -> memref<50x128xf32, #tpu.memory_space<vmem>>
    %dma_start3A_3295 = arith.constant 0 : i32
    %dma_start3A_3296 = tpu.memref_slice %arg5[%dma_start3A_3289, %dma_start3A_3295] : memref<128x50xi32, #tpu.memory_space<vmem>> -> memref<1x50xi32, #tpu.memory_space<vmem>>
    %dma_start3A_3297 = tpu.memref_squeeze %dma_start3A_3296 : memref<1x50xi32, #tpu.memory_space<vmem>> -> memref<50xi32, #tpu.memory_space<vmem>>
    %dma_start3A_3298 = arith.constant 0 : i32
    %dma_start3A_3299 = arith.constant 0 : i32
    %dma_start3A_3300 = tpu.memref_slice %arg3[%dma_start3A_3298, %dma_start3A_3299] : memref<1000000x128xf32, #tpu.memory_space<hbm>> -> memref<1000000x128xf32, #tpu.memory_space<hbm>>
    tpu.enqueue_indirect_dma source(%dma_start3A_3300 : memref<1000000x128xf32, #tpu.memory_space<hbm>>) target(%dma_start3A_3294 : memref<50x128xf32, #tpu.memory_space<vmem>>) offsets(%dma_start3A_3297 : memref<50xi32, #tpu.memory_space<vmem>>) semaphore(%arg9 : memref<!tpu.dma_semaphore, #tpu.memory_space<semaphore_mem>>)
    %dma_wait3A_3301 = arith.constant 112 : i32
    %dma_wait3A_3302 = arith.constant 0 : i32
    %dma_wait3A_3303 = arith.constant 0 : i32
    %dma_wait3A_3304 = arith.constant 0 : i32
    %dma_wait3A_3305 = tpu.memref_slice %arg6[%dma_wait3A_3302, %dma_wait3A_3303, %dma_wait3A_3304] : memref<8x50x128xf32, #tpu.memory_space<vmem>> -> memref<1x50x128xf32, #tpu.memory_space<vmem>>
    %dma_wait3A_3306 = tpu.memref_squeeze %dma_wait3A_3305 : memref<1x50x128xf32, #tpu.memory_space<vmem>> -> memref<50x128xf32, #tpu.memory_space<vmem>>
    %dma_wait3A_3307 = arith.constant 0 : i32
    %dma_wait3A_3308 = tpu.memref_slice %arg5[%dma_wait3A_3301, %dma_wait3A_3307] : memref<128x50xi32, #tpu.memory_space<vmem>> -> memref<1x50xi32, #tpu.memory_space<vmem>>
    %dma_wait3A_3309 = tpu.memref_squeeze %dma_wait3A_3308 : memref<1x50xi32, #tpu.memory_space<vmem>> -> memref<50xi32, #tpu.memory_space<vmem>>
    %dma_wait3A_3310 = arith.constant 0 : i32
    %dma_wait3A_3311 = arith.constant 0 : i32
    %dma_wait3A_3312 = tpu.memref_slice %arg3[%dma_wait3A_3310, %dma_wait3A_3311] : memref<1000000x128xf32, #tpu.memory_space<hbm>> -> memref<1000000x128xf32, #tpu.memory_space<hbm>>
    tpu.wait_indirect_dma semaphore(%arg8 : memref<!tpu.dma_semaphore, #tpu.memory_space<semaphore_mem>>) src(%dma_wait3A_3312 : memref<1000000x128xf32, #tpu.memory_space<hbm>>) dst(%dma_wait3A_3306 : memref<50x128xf32, #tpu.memory_space<vmem>>)
    %dma_wait3A_3313 = arith.constant 113 : i32
    %dma_wait3A_3314 = arith.constant 1 : i32
    %dma_wait3A_3315 = arith.constant 0 : i32
    %dma_wait3A_3316 = arith.constant 0 : i32
    %dma_wait3A_3317 = tpu.memref_slice %arg6[%dma_wait3A_3314, %dma_wait3A_3315, %dma_wait3A_3316] : memref<8x50x128xf32, #tpu.memory_space<vmem>> -> memref<1x50x128xf32, #tpu.memory_space<vmem>>
    %dma_wait3A_3318 = tpu.memref_squeeze %dma_wait3A_3317 : memref<1x50x128xf32, #tpu.memory_space<vmem>> -> memref<50x128xf32, #tpu.memory_space<vmem>>
    %dma_wait3A_3319 = arith.constant 0 : i32
    %dma_wait3A_3320 = tpu.memref_slice %arg5[%dma_wait3A_3313, %dma_wait3A_3319] : memref<128x50xi32, #tpu.memory_space<vmem>> -> memref<1x50xi32, #tpu.memory_space<vmem>>
    %dma_wait3A_3321 = tpu.memref_squeeze %dma_wait3A_3320 : memref<1x50xi32, #tpu.memory_space<vmem>> -> memref<50xi32, #tpu.memory_space<vmem>>
    %dma_wait3A_3322 = arith.constant 0 : i32
    %dma_wait3A_3323 = arith.constant 0 : i32
    %dma_wait3A_3324 = tpu.memref_slice %arg3[%dma_wait3A_3322, %dma_wait3A_3323] : memref<1000000x128xf32, #tpu.memory_space<hbm>> -> memref<1000000x128xf32, #tpu.memory_space<hbm>>
    tpu.wait_indirect_dma semaphore(%arg8 : memref<!tpu.dma_semaphore, #tpu.memory_space<semaphore_mem>>) src(%dma_wait3A_3324 : memref<1000000x128xf32, #tpu.memory_space<hbm>>) dst(%dma_wait3A_3318 : memref<50x128xf32, #tpu.memory_space<vmem>>)
    %dma_wait3A_3325 = arith.constant 114 : i32
    %dma_wait3A_3326 = arith.constant 2 : i32
    %dma_wait3A_3327 = arith.constant 0 : i32
    %dma_wait3A_3328 = arith.constant 0 : i32
    %dma_wait3A_3329 = tpu.memref_slice %arg6[%dma_wait3A_3326, %dma_wait3A_3327, %dma_wait3A_3328] : memref<8x50x128xf32, #tpu.memory_space<vmem>> -> memref<1x50x128xf32, #tpu.memory_space<vmem>>
    %dma_wait3A_3330 = tpu.memref_squeeze %dma_wait3A_3329 : memref<1x50x128xf32, #tpu.memory_space<vmem>> -> memref<50x128xf32, #tpu.memory_space<vmem>>
    %dma_wait3A_3331 = arith.constant 0 : i32
    %dma_wait3A_3332 = tpu.memref_slice %arg5[%dma_wait3A_3325, %dma_wait3A_3331] : memref<128x50xi32, #tpu.memory_space<vmem>> -> memref<1x50xi32, #tpu.memory_space<vmem>>
    %dma_wait3A_3333 = tpu.memref_squeeze %dma_wait3A_3332 : memref<1x50xi32, #tpu.memory_space<vmem>> -> memref<50xi32, #tpu.memory_space<vmem>>
    %dma_wait3A_3334 = arith.constant 0 : i32
    %dma_wait3A_3335 = arith.constant 0 : i32
    %dma_wait3A_3336 = tpu.memref_slice %arg3[%dma_wait3A_3334, %dma_wait3A_3335] : memref<1000000x128xf32, #tpu.memory_space<hbm>> -> memref<1000000x128xf32, #tpu.memory_space<hbm>>
    tpu.wait_indirect_dma semaphore(%arg8 : memref<!tpu.dma_semaphore, #tpu.memory_space<semaphore_mem>>) src(%dma_wait3A_3336 : memref<1000000x128xf32, #tpu.memory_space<hbm>>) dst(%dma_wait3A_3330 : memref<50x128xf32, #tpu.memory_space<vmem>>)
    %dma_wait3A_3337 = arith.constant 115 : i32
    %dma_wait3A_3338 = arith.constant 3 : i32
    %dma_wait3A_3339 = arith.constant 0 : i32
    %dma_wait3A_3340 = arith.constant 0 : i32
    %dma_wait3A_3341 = tpu.memref_slice %arg6[%dma_wait3A_3338, %dma_wait3A_3339, %dma_wait3A_3340] : memref<8x50x128xf32, #tpu.memory_space<vmem>> -> memref<1x50x128xf32, #tpu.memory_space<vmem>>
    %dma_wait3A_3342 = tpu.memref_squeeze %dma_wait3A_3341 : memref<1x50x128xf32, #tpu.memory_space<vmem>> -> memref<50x128xf32, #tpu.memory_space<vmem>>
    %dma_wait3A_3343 = arith.constant 0 : i32
    %dma_wait3A_3344 = tpu.memref_slice %arg5[%dma_wait3A_3337, %dma_wait3A_3343] : memref<128x50xi32, #tpu.memory_space<vmem>> -> memref<1x50xi32, #tpu.memory_space<vmem>>
    %dma_wait3A_3345 = tpu.memref_squeeze %dma_wait3A_3344 : memref<1x50xi32, #tpu.memory_space<vmem>> -> memref<50xi32, #tpu.memory_space<vmem>>
    %dma_wait3A_3346 = arith.constant 0 : i32
    %dma_wait3A_3347 = arith.constant 0 : i32
    %dma_wait3A_3348 = tpu.memref_slice %arg3[%dma_wait3A_3346, %dma_wait3A_3347] : memref<1000000x128xf32, #tpu.memory_space<hbm>> -> memref<1000000x128xf32, #tpu.memory_space<hbm>>
    tpu.wait_indirect_dma semaphore(%arg8 : memref<!tpu.dma_semaphore, #tpu.memory_space<semaphore_mem>>) src(%dma_wait3A_3348 : memref<1000000x128xf32, #tpu.memory_space<hbm>>) dst(%dma_wait3A_3342 : memref<50x128xf32, #tpu.memory_space<vmem>>)
    %dma_wait3A_3349 = arith.constant 116 : i32
    %dma_wait3A_3350 = arith.constant 4 : i32
    %dma_wait3A_3351 = arith.constant 0 : i32
    %dma_wait3A_3352 = arith.constant 0 : i32
    %dma_wait3A_3353 = tpu.memref_slice %arg6[%dma_wait3A_3350, %dma_wait3A_3351, %dma_wait3A_3352] : memref<8x50x128xf32, #tpu.memory_space<vmem>> -> memref<1x50x128xf32, #tpu.memory_space<vmem>>
    %dma_wait3A_3354 = tpu.memref_squeeze %dma_wait3A_3353 : memref<1x50x128xf32, #tpu.memory_space<vmem>> -> memref<50x128xf32, #tpu.memory_space<vmem>>
    %dma_wait3A_3355 = arith.constant 0 : i32
    %dma_wait3A_3356 = tpu.memref_slice %arg5[%dma_wait3A_3349, %dma_wait3A_3355] : memref<128x50xi32, #tpu.memory_space<vmem>> -> memref<1x50xi32, #tpu.memory_space<vmem>>
    %dma_wait3A_3357 = tpu.memref_squeeze %dma_wait3A_3356 : memref<1x50xi32, #tpu.memory_space<vmem>> -> memref<50xi32, #tpu.memory_space<vmem>>
    %dma_wait3A_3358 = arith.constant 0 : i32
    %dma_wait3A_3359 = arith.constant 0 : i32
    %dma_wait3A_3360 = tpu.memref_slice %arg3[%dma_wait3A_3358, %dma_wait3A_3359] : memref<1000000x128xf32, #tpu.memory_space<hbm>> -> memref<1000000x128xf32, #tpu.memory_space<hbm>>
    tpu.wait_indirect_dma semaphore(%arg8 : memref<!tpu.dma_semaphore, #tpu.memory_space<semaphore_mem>>) src(%dma_wait3A_3360 : memref<1000000x128xf32, #tpu.memory_space<hbm>>) dst(%dma_wait3A_3354 : memref<50x128xf32, #tpu.memory_space<vmem>>)
    %dma_wait3A_3361 = arith.constant 117 : i32
    %dma_wait3A_3362 = arith.constant 5 : i32
    %dma_wait3A_3363 = arith.constant 0 : i32
    %dma_wait3A_3364 = arith.constant 0 : i32
    %dma_wait3A_3365 = tpu.memref_slice %arg6[%dma_wait3A_3362, %dma_wait3A_3363, %dma_wait3A_3364] : memref<8x50x128xf32, #tpu.memory_space<vmem>> -> memref<1x50x128xf32, #tpu.memory_space<vmem>>
    %dma_wait3A_3366 = tpu.memref_squeeze %dma_wait3A_3365 : memref<1x50x128xf32, #tpu.memory_space<vmem>> -> memref<50x128xf32, #tpu.memory_space<vmem>>
    %dma_wait3A_3367 = arith.constant 0 : i32
    %dma_wait3A_3368 = tpu.memref_slice %arg5[%dma_wait3A_3361, %dma_wait3A_3367] : memref<128x50xi32, #tpu.memory_space<vmem>> -> memref<1x50xi32, #tpu.memory_space<vmem>>
    %dma_wait3A_3369 = tpu.memref_squeeze %dma_wait3A_3368 : memref<1x50xi32, #tpu.memory_space<vmem>> -> memref<50xi32, #tpu.memory_space<vmem>>
    %dma_wait3A_3370 = arith.constant 0 : i32
    %dma_wait3A_3371 = arith.constant 0 : i32
    %dma_wait3A_3372 = tpu.memref_slice %arg3[%dma_wait3A_3370, %dma_wait3A_3371] : memref<1000000x128xf32, #tpu.memory_space<hbm>> -> memref<1000000x128xf32, #tpu.memory_space<hbm>>
    tpu.wait_indirect_dma semaphore(%arg8 : memref<!tpu.dma_semaphore, #tpu.memory_space<semaphore_mem>>) src(%dma_wait3A_3372 : memref<1000000x128xf32, #tpu.memory_space<hbm>>) dst(%dma_wait3A_3366 : memref<50x128xf32, #tpu.memory_space<vmem>>)
    %dma_wait3A_3373 = arith.constant 118 : i32
    %dma_wait3A_3374 = arith.constant 6 : i32
    %dma_wait3A_3375 = arith.constant 0 : i32
    %dma_wait3A_3376 = arith.constant 0 : i32
    %dma_wait3A_3377 = tpu.memref_slice %arg6[%dma_wait3A_3374, %dma_wait3A_3375, %dma_wait3A_3376] : memref<8x50x128xf32, #tpu.memory_space<vmem>> -> memref<1x50x128xf32, #tpu.memory_space<vmem>>
    %dma_wait3A_3378 = tpu.memref_squeeze %dma_wait3A_3377 : memref<1x50x128xf32, #tpu.memory_space<vmem>> -> memref<50x128xf32, #tpu.memory_space<vmem>>
    %dma_wait3A_3379 = arith.constant 0 : i32
    %dma_wait3A_3380 = tpu.memref_slice %arg5[%dma_wait3A_3373, %dma_wait3A_3379] : memref<128x50xi32, #tpu.memory_space<vmem>> -> memref<1x50xi32, #tpu.memory_space<vmem>>
    %dma_wait3A_3381 = tpu.memref_squeeze %dma_wait3A_3380 : memref<1x50xi32, #tpu.memory_space<vmem>> -> memref<50xi32, #tpu.memory_space<vmem>>
    %dma_wait3A_3382 = arith.constant 0 : i32
    %dma_wait3A_3383 = arith.constant 0 : i32
    %dma_wait3A_3384 = tpu.memref_slice %arg3[%dma_wait3A_3382, %dma_wait3A_3383] : memref<1000000x128xf32, #tpu.memory_space<hbm>> -> memref<1000000x128xf32, #tpu.memory_space<hbm>>
    tpu.wait_indirect_dma semaphore(%arg8 : memref<!tpu.dma_semaphore, #tpu.memory_space<semaphore_mem>>) src(%dma_wait3A_3384 : memref<1000000x128xf32, #tpu.memory_space<hbm>>) dst(%dma_wait3A_3378 : memref<50x128xf32, #tpu.memory_space<vmem>>)
    %dma_wait3A_3385 = arith.constant 119 : i32
    %dma_wait3A_3386 = arith.constant 7 : i32
    %dma_wait3A_3387 = arith.constant 0 : i32
    %dma_wait3A_3388 = arith.constant 0 : i32
    %dma_wait3A_3389 = tpu.memref_slice %arg6[%dma_wait3A_3386, %dma_wait3A_3387, %dma_wait3A_3388] : memref<8x50x128xf32, #tpu.memory_space<vmem>> -> memref<1x50x128xf32, #tpu.memory_space<vmem>>
    %dma_wait3A_3390 = tpu.memref_squeeze %dma_wait3A_3389 : memref<1x50x128xf32, #tpu.memory_space<vmem>> -> memref<50x128xf32, #tpu.memory_space<vmem>>
    %dma_wait3A_3391 = arith.constant 0 : i32
    %dma_wait3A_3392 = tpu.memref_slice %arg5[%dma_wait3A_3385, %dma_wait3A_3391] : memref<128x50xi32, #tpu.memory_space<vmem>> -> memref<1x50xi32, #tpu.memory_space<vmem>>
    %dma_wait3A_3393 = tpu.memref_squeeze %dma_wait3A_3392 : memref<1x50xi32, #tpu.memory_space<vmem>> -> memref<50xi32, #tpu.memory_space<vmem>>
    %dma_wait3A_3394 = arith.constant 0 : i32
    %dma_wait3A_3395 = arith.constant 0 : i32
    %dma_wait3A_3396 = tpu.memref_slice %arg3[%dma_wait3A_3394, %dma_wait3A_3395] : memref<1000000x128xf32, #tpu.memory_space<hbm>> -> memref<1000000x128xf32, #tpu.memory_space<hbm>>
    tpu.wait_indirect_dma semaphore(%arg8 : memref<!tpu.dma_semaphore, #tpu.memory_space<semaphore_mem>>) src(%dma_wait3A_3396 : memref<1000000x128xf32, #tpu.memory_space<hbm>>) dst(%dma_wait3A_3390 : memref<50x128xf32, #tpu.memory_space<vmem>>)
    %add3A_3397 = arith.constant 112 : i32
    %add3A_3398 = arith.addi %mul3A_2, %add3A_3397 : i32
    %dma_start3A_3399 = arith.constant 0 : i32
    %dma_start3A_3400 = arith.constant 0 : i32
    %dma_start3A_3401 = arith.constant 0 : i32
    %dma_start3A_3402 = tpu.memref_slice %arg6[%dma_start3A_3399, %dma_start3A_3400, %dma_start3A_3401] : memref<8x50x128xf32, #tpu.memory_space<vmem>> -> memref<8x50x64xf32, #tpu.memory_space<vmem>>
    %dma_start3A_3403 = arith.constant 0 : i32
    %dma_start3A_3404 = arith.constant 0 : i32
    %dma_start3A_3405 = tpu.memref_slice %arg4[%add3A_3398, %dma_start3A_3403, %dma_start3A_3404] : memref<4096x50x64xf32, #tpu.memory_space<hbm>> -> memref<8x50x64xf32, #tpu.memory_space<hbm>>
    %dma_start3A_3406 = arith.constant 0 : i32
    %dma_start3A_3407 = arith.constant 0 : i32
    %dma_start3A_3408 = tpu.memref_slice %arg4[%add3A_3398, %dma_start3A_3406, %dma_start3A_3407] : memref<4096x50x64xf32, #tpu.memory_space<hbm>> -> memref<8x50x64xf32, #tpu.memory_space<hbm>>
    %dma_start3A_3409 = arith.constant 0 : i32
    %dma_start3A_3410 = arith.constant 0 : i32
    %dma_start3A_3411 = arith.constant 0 : i32
    %dma_start3A_3412 = tpu.memref_slice %arg6[%dma_start3A_3409, %dma_start3A_3410, %dma_start3A_3411] : memref<8x50x128xf32, #tpu.memory_space<vmem>> -> memref<8x50x64xf32, #tpu.memory_space<vmem>>
    tpu.enqueue_dma source(%dma_start3A_3412 : memref<8x50x64xf32, #tpu.memory_space<vmem>>) target(%dma_start3A_3408 : memref<8x50x64xf32, #tpu.memory_space<hbm>>) target_semaphore(%arg10 : memref<!tpu.dma_semaphore, #tpu.memory_space<semaphore_mem>>)
    %dma_wait3A_3413 = arith.constant 120 : i32
    %dma_wait3A_3414 = arith.constant 0 : i32
    %dma_wait3A_3415 = arith.constant 0 : i32
    %dma_wait3A_3416 = arith.constant 0 : i32
    %dma_wait3A_3417 = tpu.memref_slice %arg7[%dma_wait3A_3414, %dma_wait3A_3415, %dma_wait3A_3416] : memref<8x50x128xf32, #tpu.memory_space<vmem>> -> memref<1x50x128xf32, #tpu.memory_space<vmem>>
    %dma_wait3A_3418 = tpu.memref_squeeze %dma_wait3A_3417 : memref<1x50x128xf32, #tpu.memory_space<vmem>> -> memref<50x128xf32, #tpu.memory_space<vmem>>
    %dma_wait3A_3419 = arith.constant 0 : i32
    %dma_wait3A_3420 = tpu.memref_slice %arg5[%dma_wait3A_3413, %dma_wait3A_3419] : memref<128x50xi32, #tpu.memory_space<vmem>> -> memref<1x50xi32, #tpu.memory_space<vmem>>
    %dma_wait3A_3421 = tpu.memref_squeeze %dma_wait3A_3420 : memref<1x50xi32, #tpu.memory_space<vmem>> -> memref<50xi32, #tpu.memory_space<vmem>>
    %dma_wait3A_3422 = arith.constant 0 : i32
    %dma_wait3A_3423 = arith.constant 0 : i32
    %dma_wait3A_3424 = tpu.memref_slice %arg3[%dma_wait3A_3422, %dma_wait3A_3423] : memref<1000000x128xf32, #tpu.memory_space<hbm>> -> memref<1000000x128xf32, #tpu.memory_space<hbm>>
    tpu.wait_indirect_dma semaphore(%arg9 : memref<!tpu.dma_semaphore, #tpu.memory_space<semaphore_mem>>) src(%dma_wait3A_3424 : memref<1000000x128xf32, #tpu.memory_space<hbm>>) dst(%dma_wait3A_3418 : memref<50x128xf32, #tpu.memory_space<vmem>>)
    %dma_wait3A_3425 = arith.constant 121 : i32
    %dma_wait3A_3426 = arith.constant 1 : i32
    %dma_wait3A_3427 = arith.constant 0 : i32
    %dma_wait3A_3428 = arith.constant 0 : i32
    %dma_wait3A_3429 = tpu.memref_slice %arg7[%dma_wait3A_3426, %dma_wait3A_3427, %dma_wait3A_3428] : memref<8x50x128xf32, #tpu.memory_space<vmem>> -> memref<1x50x128xf32, #tpu.memory_space<vmem>>
    %dma_wait3A_3430 = tpu.memref_squeeze %dma_wait3A_3429 : memref<1x50x128xf32, #tpu.memory_space<vmem>> -> memref<50x128xf32, #tpu.memory_space<vmem>>
    %dma_wait3A_3431 = arith.constant 0 : i32
    %dma_wait3A_3432 = tpu.memref_slice %arg5[%dma_wait3A_3425, %dma_wait3A_3431] : memref<128x50xi32, #tpu.memory_space<vmem>> -> memref<1x50xi32, #tpu.memory_space<vmem>>
    %dma_wait3A_3433 = tpu.memref_squeeze %dma_wait3A_3432 : memref<1x50xi32, #tpu.memory_space<vmem>> -> memref<50xi32, #tpu.memory_space<vmem>>
    %dma_wait3A_3434 = arith.constant 0 : i32
    %dma_wait3A_3435 = arith.constant 0 : i32
    %dma_wait3A_3436 = tpu.memref_slice %arg3[%dma_wait3A_3434, %dma_wait3A_3435] : memref<1000000x128xf32, #tpu.memory_space<hbm>> -> memref<1000000x128xf32, #tpu.memory_space<hbm>>
    tpu.wait_indirect_dma semaphore(%arg9 : memref<!tpu.dma_semaphore, #tpu.memory_space<semaphore_mem>>) src(%dma_wait3A_3436 : memref<1000000x128xf32, #tpu.memory_space<hbm>>) dst(%dma_wait3A_3430 : memref<50x128xf32, #tpu.memory_space<vmem>>)
    %dma_wait3A_3437 = arith.constant 122 : i32
    %dma_wait3A_3438 = arith.constant 2 : i32
    %dma_wait3A_3439 = arith.constant 0 : i32
    %dma_wait3A_3440 = arith.constant 0 : i32
    %dma_wait3A_3441 = tpu.memref_slice %arg7[%dma_wait3A_3438, %dma_wait3A_3439, %dma_wait3A_3440] : memref<8x50x128xf32, #tpu.memory_space<vmem>> -> memref<1x50x128xf32, #tpu.memory_space<vmem>>
    %dma_wait3A_3442 = tpu.memref_squeeze %dma_wait3A_3441 : memref<1x50x128xf32, #tpu.memory_space<vmem>> -> memref<50x128xf32, #tpu.memory_space<vmem>>
    %dma_wait3A_3443 = arith.constant 0 : i32
    %dma_wait3A_3444 = tpu.memref_slice %arg5[%dma_wait3A_3437, %dma_wait3A_3443] : memref<128x50xi32, #tpu.memory_space<vmem>> -> memref<1x50xi32, #tpu.memory_space<vmem>>
    %dma_wait3A_3445 = tpu.memref_squeeze %dma_wait3A_3444 : memref<1x50xi32, #tpu.memory_space<vmem>> -> memref<50xi32, #tpu.memory_space<vmem>>
    %dma_wait3A_3446 = arith.constant 0 : i32
    %dma_wait3A_3447 = arith.constant 0 : i32
    %dma_wait3A_3448 = tpu.memref_slice %arg3[%dma_wait3A_3446, %dma_wait3A_3447] : memref<1000000x128xf32, #tpu.memory_space<hbm>> -> memref<1000000x128xf32, #tpu.memory_space<hbm>>
    tpu.wait_indirect_dma semaphore(%arg9 : memref<!tpu.dma_semaphore, #tpu.memory_space<semaphore_mem>>) src(%dma_wait3A_3448 : memref<1000000x128xf32, #tpu.memory_space<hbm>>) dst(%dma_wait3A_3442 : memref<50x128xf32, #tpu.memory_space<vmem>>)
    %dma_wait3A_3449 = arith.constant 123 : i32
    %dma_wait3A_3450 = arith.constant 3 : i32
    %dma_wait3A_3451 = arith.constant 0 : i32
    %dma_wait3A_3452 = arith.constant 0 : i32
    %dma_wait3A_3453 = tpu.memref_slice %arg7[%dma_wait3A_3450, %dma_wait3A_3451, %dma_wait3A_3452] : memref<8x50x128xf32, #tpu.memory_space<vmem>> -> memref<1x50x128xf32, #tpu.memory_space<vmem>>
    %dma_wait3A_3454 = tpu.memref_squeeze %dma_wait3A_3453 : memref<1x50x128xf32, #tpu.memory_space<vmem>> -> memref<50x128xf32, #tpu.memory_space<vmem>>
    %dma_wait3A_3455 = arith.constant 0 : i32
    %dma_wait3A_3456 = tpu.memref_slice %arg5[%dma_wait3A_3449, %dma_wait3A_3455] : memref<128x50xi32, #tpu.memory_space<vmem>> -> memref<1x50xi32, #tpu.memory_space<vmem>>
    %dma_wait3A_3457 = tpu.memref_squeeze %dma_wait3A_3456 : memref<1x50xi32, #tpu.memory_space<vmem>> -> memref<50xi32, #tpu.memory_space<vmem>>
    %dma_wait3A_3458 = arith.constant 0 : i32
    %dma_wait3A_3459 = arith.constant 0 : i32
    %dma_wait3A_3460 = tpu.memref_slice %arg3[%dma_wait3A_3458, %dma_wait3A_3459] : memref<1000000x128xf32, #tpu.memory_space<hbm>> -> memref<1000000x128xf32, #tpu.memory_space<hbm>>
    tpu.wait_indirect_dma semaphore(%arg9 : memref<!tpu.dma_semaphore, #tpu.memory_space<semaphore_mem>>) src(%dma_wait3A_3460 : memref<1000000x128xf32, #tpu.memory_space<hbm>>) dst(%dma_wait3A_3454 : memref<50x128xf32, #tpu.memory_space<vmem>>)
    %dma_wait3A_3461 = arith.constant 124 : i32
    %dma_wait3A_3462 = arith.constant 4 : i32
    %dma_wait3A_3463 = arith.constant 0 : i32
    %dma_wait3A_3464 = arith.constant 0 : i32
    %dma_wait3A_3465 = tpu.memref_slice %arg7[%dma_wait3A_3462, %dma_wait3A_3463, %dma_wait3A_3464] : memref<8x50x128xf32, #tpu.memory_space<vmem>> -> memref<1x50x128xf32, #tpu.memory_space<vmem>>
    %dma_wait3A_3466 = tpu.memref_squeeze %dma_wait3A_3465 : memref<1x50x128xf32, #tpu.memory_space<vmem>> -> memref<50x128xf32, #tpu.memory_space<vmem>>
    %dma_wait3A_3467 = arith.constant 0 : i32
    %dma_wait3A_3468 = tpu.memref_slice %arg5[%dma_wait3A_3461, %dma_wait3A_3467] : memref<128x50xi32, #tpu.memory_space<vmem>> -> memref<1x50xi32, #tpu.memory_space<vmem>>
    %dma_wait3A_3469 = tpu.memref_squeeze %dma_wait3A_3468 : memref<1x50xi32, #tpu.memory_space<vmem>> -> memref<50xi32, #tpu.memory_space<vmem>>
    %dma_wait3A_3470 = arith.constant 0 : i32
    %dma_wait3A_3471 = arith.constant 0 : i32
    %dma_wait3A_3472 = tpu.memref_slice %arg3[%dma_wait3A_3470, %dma_wait3A_3471] : memref<1000000x128xf32, #tpu.memory_space<hbm>> -> memref<1000000x128xf32, #tpu.memory_space<hbm>>
    tpu.wait_indirect_dma semaphore(%arg9 : memref<!tpu.dma_semaphore, #tpu.memory_space<semaphore_mem>>) src(%dma_wait3A_3472 : memref<1000000x128xf32, #tpu.memory_space<hbm>>) dst(%dma_wait3A_3466 : memref<50x128xf32, #tpu.memory_space<vmem>>)
    %dma_wait3A_3473 = arith.constant 125 : i32
    %dma_wait3A_3474 = arith.constant 5 : i32
    %dma_wait3A_3475 = arith.constant 0 : i32
    %dma_wait3A_3476 = arith.constant 0 : i32
    %dma_wait3A_3477 = tpu.memref_slice %arg7[%dma_wait3A_3474, %dma_wait3A_3475, %dma_wait3A_3476] : memref<8x50x128xf32, #tpu.memory_space<vmem>> -> memref<1x50x128xf32, #tpu.memory_space<vmem>>
    %dma_wait3A_3478 = tpu.memref_squeeze %dma_wait3A_3477 : memref<1x50x128xf32, #tpu.memory_space<vmem>> -> memref<50x128xf32, #tpu.memory_space<vmem>>
    %dma_wait3A_3479 = arith.constant 0 : i32
    %dma_wait3A_3480 = tpu.memref_slice %arg5[%dma_wait3A_3473, %dma_wait3A_3479] : memref<128x50xi32, #tpu.memory_space<vmem>> -> memref<1x50xi32, #tpu.memory_space<vmem>>
    %dma_wait3A_3481 = tpu.memref_squeeze %dma_wait3A_3480 : memref<1x50xi32, #tpu.memory_space<vmem>> -> memref<50xi32, #tpu.memory_space<vmem>>
    %dma_wait3A_3482 = arith.constant 0 : i32
    %dma_wait3A_3483 = arith.constant 0 : i32
    %dma_wait3A_3484 = tpu.memref_slice %arg3[%dma_wait3A_3482, %dma_wait3A_3483] : memref<1000000x128xf32, #tpu.memory_space<hbm>> -> memref<1000000x128xf32, #tpu.memory_space<hbm>>
    tpu.wait_indirect_dma semaphore(%arg9 : memref<!tpu.dma_semaphore, #tpu.memory_space<semaphore_mem>>) src(%dma_wait3A_3484 : memref<1000000x128xf32, #tpu.memory_space<hbm>>) dst(%dma_wait3A_3478 : memref<50x128xf32, #tpu.memory_space<vmem>>)
    %dma_wait3A_3485 = arith.constant 126 : i32
    %dma_wait3A_3486 = arith.constant 6 : i32
    %dma_wait3A_3487 = arith.constant 0 : i32
    %dma_wait3A_3488 = arith.constant 0 : i32
    %dma_wait3A_3489 = tpu.memref_slice %arg7[%dma_wait3A_3486, %dma_wait3A_3487, %dma_wait3A_3488] : memref<8x50x128xf32, #tpu.memory_space<vmem>> -> memref<1x50x128xf32, #tpu.memory_space<vmem>>
    %dma_wait3A_3490 = tpu.memref_squeeze %dma_wait3A_3489 : memref<1x50x128xf32, #tpu.memory_space<vmem>> -> memref<50x128xf32, #tpu.memory_space<vmem>>
    %dma_wait3A_3491 = arith.constant 0 : i32
    %dma_wait3A_3492 = tpu.memref_slice %arg5[%dma_wait3A_3485, %dma_wait3A_3491] : memref<128x50xi32, #tpu.memory_space<vmem>> -> memref<1x50xi32, #tpu.memory_space<vmem>>
    %dma_wait3A_3493 = tpu.memref_squeeze %dma_wait3A_3492 : memref<1x50xi32, #tpu.memory_space<vmem>> -> memref<50xi32, #tpu.memory_space<vmem>>
    %dma_wait3A_3494 = arith.constant 0 : i32
    %dma_wait3A_3495 = arith.constant 0 : i32
    %dma_wait3A_3496 = tpu.memref_slice %arg3[%dma_wait3A_3494, %dma_wait3A_3495] : memref<1000000x128xf32, #tpu.memory_space<hbm>> -> memref<1000000x128xf32, #tpu.memory_space<hbm>>
    tpu.wait_indirect_dma semaphore(%arg9 : memref<!tpu.dma_semaphore, #tpu.memory_space<semaphore_mem>>) src(%dma_wait3A_3496 : memref<1000000x128xf32, #tpu.memory_space<hbm>>) dst(%dma_wait3A_3490 : memref<50x128xf32, #tpu.memory_space<vmem>>)
    %dma_wait3A_3497 = arith.constant 127 : i32
    %dma_wait3A_3498 = arith.constant 7 : i32
    %dma_wait3A_3499 = arith.constant 0 : i32
    %dma_wait3A_3500 = arith.constant 0 : i32
    %dma_wait3A_3501 = tpu.memref_slice %arg7[%dma_wait3A_3498, %dma_wait3A_3499, %dma_wait3A_3500] : memref<8x50x128xf32, #tpu.memory_space<vmem>> -> memref<1x50x128xf32, #tpu.memory_space<vmem>>
    %dma_wait3A_3502 = tpu.memref_squeeze %dma_wait3A_3501 : memref<1x50x128xf32, #tpu.memory_space<vmem>> -> memref<50x128xf32, #tpu.memory_space<vmem>>
    %dma_wait3A_3503 = arith.constant 0 : i32
    %dma_wait3A_3504 = tpu.memref_slice %arg5[%dma_wait3A_3497, %dma_wait3A_3503] : memref<128x50xi32, #tpu.memory_space<vmem>> -> memref<1x50xi32, #tpu.memory_space<vmem>>
    %dma_wait3A_3505 = tpu.memref_squeeze %dma_wait3A_3504 : memref<1x50xi32, #tpu.memory_space<vmem>> -> memref<50xi32, #tpu.memory_space<vmem>>
    %dma_wait3A_3506 = arith.constant 0 : i32
    %dma_wait3A_3507 = arith.constant 0 : i32
    %dma_wait3A_3508 = tpu.memref_slice %arg3[%dma_wait3A_3506, %dma_wait3A_3507] : memref<1000000x128xf32, #tpu.memory_space<hbm>> -> memref<1000000x128xf32, #tpu.memory_space<hbm>>
    tpu.wait_indirect_dma semaphore(%arg9 : memref<!tpu.dma_semaphore, #tpu.memory_space<semaphore_mem>>) src(%dma_wait3A_3508 : memref<1000000x128xf32, #tpu.memory_space<hbm>>) dst(%dma_wait3A_3502 : memref<50x128xf32, #tpu.memory_space<vmem>>)
    %add3A_3509 = arith.constant 120 : i32
    %add3A_3510 = arith.addi %mul3A_2, %add3A_3509 : i32
    %dma_start3A_3511 = arith.constant 0 : i32
    %dma_start3A_3512 = arith.constant 0 : i32
    %dma_start3A_3513 = arith.constant 0 : i32
    %dma_start3A_3514 = tpu.memref_slice %arg7[%dma_start3A_3511, %dma_start3A_3512, %dma_start3A_3513] : memref<8x50x128xf32, #tpu.memory_space<vmem>> -> memref<8x50x64xf32, #tpu.memory_space<vmem>>
    %dma_start3A_3515 = arith.constant 0 : i32
    %dma_start3A_3516 = arith.constant 0 : i32
    %dma_start3A_3517 = tpu.memref_slice %arg4[%add3A_3510, %dma_start3A_3515, %dma_start3A_3516] : memref<4096x50x64xf32, #tpu.memory_space<hbm>> -> memref<8x50x64xf32, #tpu.memory_space<hbm>>
    %dma_start3A_3518 = arith.constant 0 : i32
    %dma_start3A_3519 = arith.constant 0 : i32
    %dma_start3A_3520 = tpu.memref_slice %arg4[%add3A_3510, %dma_start3A_3518, %dma_start3A_3519] : memref<4096x50x64xf32, #tpu.memory_space<hbm>> -> memref<8x50x64xf32, #tpu.memory_space<hbm>>
    %dma_start3A_3521 = arith.constant 0 : i32
    %dma_start3A_3522 = arith.constant 0 : i32
    %dma_start3A_3523 = arith.constant 0 : i32
    %dma_start3A_3524 = tpu.memref_slice %arg7[%dma_start3A_3521, %dma_start3A_3522, %dma_start3A_3523] : memref<8x50x128xf32, #tpu.memory_space<vmem>> -> memref<8x50x64xf32, #tpu.memory_space<vmem>>
    tpu.enqueue_dma source(%dma_start3A_3524 : memref<8x50x64xf32, #tpu.memory_space<vmem>>) target(%dma_start3A_3520 : memref<8x50x64xf32, #tpu.memory_space<hbm>>) target_semaphore(%arg11 : memref<!tpu.dma_semaphore, #tpu.memory_space<semaphore_mem>>)
    %dma_wait3A_3525 = arith.constant 0 : i32
    %dma_wait3A_3526 = arith.constant 0 : i32
    %dma_wait3A_3527 = arith.constant 0 : i32
    %dma_wait3A_3528 = tpu.memref_slice %arg6[%dma_wait3A_3525, %dma_wait3A_3526, %dma_wait3A_3527] : memref<8x50x128xf32, #tpu.memory_space<vmem>> -> memref<8x50x64xf32, #tpu.memory_space<vmem>>
    %dma_wait3A_3529 = arith.constant 0 : i32
    %dma_wait3A_3530 = arith.constant 0 : i32
    %dma_wait3A_3531 = tpu.memref_slice %arg4[%add3A_3398, %dma_wait3A_3529, %dma_wait3A_3530] : memref<4096x50x64xf32, #tpu.memory_space<hbm>> -> memref<8x50x64xf32, #tpu.memory_space<hbm>>
    %dma_wait3A_3532 = arith.constant 0 : i32
    %dma_wait3A_3533 = arith.constant 0 : i32
    %dma_wait3A_3534 = tpu.memref_slice %arg4[%add3A_3398, %dma_wait3A_3532, %dma_wait3A_3533] : memref<4096x50x64xf32, #tpu.memory_space<hbm>> -> memref<8x50x64xf32, #tpu.memory_space<hbm>>
    %dma_wait3A_3535 = arith.constant 0 : i32
    %dma_wait3A_3536 = arith.constant 0 : i32
    %dma_wait3A_3537 = arith.constant 0 : i32
    %dma_wait3A_3538 = tpu.memref_slice %arg6[%dma_wait3A_3535, %dma_wait3A_3536, %dma_wait3A_3537] : memref<8x50x128xf32, #tpu.memory_space<vmem>> -> memref<8x50x64xf32, #tpu.memory_space<vmem>>
    tpu.wait_dma2 semaphore(%arg10 : memref<!tpu.dma_semaphore, #tpu.memory_space<semaphore_mem>>) src(%dma_wait3A_3538 : memref<8x50x64xf32, #tpu.memory_space<vmem>>) dst(%dma_wait3A_3534 : memref<8x50x64xf32, #tpu.memory_space<hbm>>)
    %dma_wait3A_3539 = arith.constant 0 : i32
    %dma_wait3A_3540 = arith.constant 0 : i32
    %dma_wait3A_3541 = arith.constant 0 : i32
    %dma_wait3A_3542 = tpu.memref_slice %arg7[%dma_wait3A_3539, %dma_wait3A_3540, %dma_wait3A_3541] : memref<8x50x128xf32, #tpu.memory_space<vmem>> -> memref<8x50x64xf32, #tpu.memory_space<vmem>>
    %dma_wait3A_3543 = arith.constant 0 : i32
    %dma_wait3A_3544 = arith.constant 0 : i32
    %dma_wait3A_3545 = tpu.memref_slice %arg4[%add3A_3510, %dma_wait3A_3543, %dma_wait3A_3544] : memref<4096x50x64xf32, #tpu.memory_space<hbm>> -> memref<8x50x64xf32, #tpu.memory_space<hbm>>
    %dma_wait3A_3546 = arith.constant 0 : i32
    %dma_wait3A_3547 = arith.constant 0 : i32
    %dma_wait3A_3548 = tpu.memref_slice %arg4[%add3A_3510, %dma_wait3A_3546, %dma_wait3A_3547] : memref<4096x50x64xf32, #tpu.memory_space<hbm>> -> memref<8x50x64xf32, #tpu.memory_space<hbm>>
    %dma_wait3A_3549 = arith.constant 0 : i32
    %dma_wait3A_3550 = arith.constant 0 : i32
    %dma_wait3A_3551 = arith.constant 0 : i32
    %dma_wait3A_3552 = tpu.memref_slice %arg7[%dma_wait3A_3549, %dma_wait3A_3550, %dma_wait3A_3551] : memref<8x50x128xf32, #tpu.memory_space<vmem>> -> memref<8x50x64xf32, #tpu.memory_space<vmem>>
    tpu.wait_dma2 semaphore(%arg11 : memref<!tpu.dma_semaphore, #tpu.memory_space<semaphore_mem>>) src(%dma_wait3A_3552 : memref<8x50x64xf32, #tpu.memory_space<vmem>>) dst(%dma_wait3A_3548 : memref<8x50x64xf32, #tpu.memory_space<hbm>>)
    return
  }
}

</mosaic_0001>

<sc_bundles>
// kernel: kernel.3.cloned.1.call-start
scs
__scs_entry_jumppad:
0x0: {  	(pc) =	sbr.rel $0x88, $3  }
0x1: {  	(tag) =	ssettag $0x0;
	lr =	simm.s32 $0x1  }
0x2: {  	[smem:$0x3F9F] =	sst lr;
	_ =	strace $0xD0000000  }
0x3: {  	_ = 	snop  }
0x4: {  	_ = 	snop  }
0x5: {  	_ = 	snop  }
0x6: {  	_ = 	snop  }
0x7: {  	_ = 	snop  }
__scs_overlays_trampoline_lowered:
0x8: {  	[smem:$0x3FAE] =	sst s0  }
0x9: {  	[smem:$0x3FAF] =	sst s1  }
0xa: {  	[smem:$0x3FB0] =	sst s2  }
0xb: {  	[smem:$0x3FB1] =	sst s3  }
0xc: {  	[smem:$0x3FB2] =	sst s4  }
0xd: {  	[smem:$0x3FB3] =	sst s5  }
0xe: {  	[smem:$0x3FB4] =	sst s6  }
0xf: {  	[smem:$0x3FB5] =	sst s7  }
0x10: {  	[smem:$0x3FB6] =	sst s8  }
0x11: {  	[smem:$0x3FB7] =	sst s9;
	s0 =	simm.s32 @!p0 $0x0  }
0x12: {  	s1 =	sld [smem:$0x3F9D];
	s0 =	simm.s32 @p0 $0x1  }
0x13: {  	[smem:$0x3FB8] =	sst s0;
	s0 =	simm.s32 @!p1 $0x0  }
0x14: {  	s2 =	sld [smem:$0x3F9C];
	s0 =	simm.s32 @p1 $0x1  }
0x15: {  	[smem:$0x3FB9] =	sst s0;
	s0 =	simm.s32 @!p2 $0x0  }
0x16: {  	s3 =	sld [smem:$0x3FDB];
	s0 =	simm.s32 @p2 $0x1  }
0x17: {  	s4 =	simm.s32 $0x1BF5;
	[smem:$0x3FBB] =	sst s0  }
0x18: {  	s0 =	sld [smem:$0x3F9E];
	_ =	swait.ge [sflag:s4], $0x0  }
0x19: {  	s7 =	sld [smem:$0x3F9F]  }
0x1a: {  	s8 =	sadd.s32 $0xFFFFE003, lr  }
0x1b: {  	s9 =	sadd.s32 $0xFFFFFEF7, lr;
	s5 =	simm.s32 $0xFFFFFFFF;
	p2 =	slt.u32 s8, $0xFFFFF086  }
0x1c: {  	p1 =	slt.u32 s9, $0xF7A;
	s5 =	simm.s32 @!p2 $0x0  }
0x1d: {  	s5 =	simm.s32 @p1 $0x1;
	p0 =	seq.s32 s7, s2  }
0x1e: {  	s7 =	smul.u32 @!p0 $0xF7A, s2;
	p2 =	seq.s32 @!p0 s5, $0x0  }
0x1f: {  	s9 =	smul.u32 $0xF7A, s1;
	s8 =	simm.s32 @!p0 $0x1BF5;
	p2 =	por !p2, p0  }
0x20: {  	[sflag:s8] =	ssyncset.s32 @!p0 $0xFFFFF086;
	s6 =	sadd.s32 @!p0 s3, s7;
	s7 =	simm.s32 @!p0 $0x108  }
0x21: {  	s3 =	sadd.s32 s3, s9;
	s6 =	sadd.s32 @!p0 $0x88, s6;
	s7 =	simm.s32 @p2 $0x1082  }
0x22: {  	[simem:s7], [sflag:s8] =	dma.local @!p0 [hbm:s6], $0xF7A  }
0x23: {  	s9 =	sor.u32 $0xD0000000, s2;
	s6 =	simm.s32 $0x108;
	_ =	swait.ge @!p0 [sflag:s8], $0x0  }
0x24: {  	s3 =	sadd.s32 $0x88, s3;
	s6 =	simm.s32 @!p1 $0x1082;
	[sflag:s4] =	ssyncset.s32 $0xFFFFF086  }
0x25: {  	[simem:s6], [sflag:s4] =	dma.local [hbm:s3], $0xF7A  }
0x26: {  	[smem:$0x3F9F] =	sst s1;
	(tag) =	ssettag s2;
	_ =	strace s9  }
0x27: {  	s1 =	sld [smem:$0x3FAF]  }
0x28: {  	s2 =	sld [smem:$0x3FB0]  }
0x29: {  	s4 =	sld [smem:$0x3FB2]  }
0x2a: {  	p0 =	seq.s32 s5, $0x0;
	s5 =	sld [smem:$0x3FB3]  }
0x2b: {  	s6 =	sld [smem:$0x3FB4]  }
0x2c: {  	s7 =	sld [smem:$0x3FB5]  }
0x2d: {  	s3 =	simm.s32 $0x108;
	s8 =	sld [smem:$0x3FB6]  }
0x2e: {  	s3 =	simm.s32 @!p0 $0x1082;
	s9 =	sld [smem:$0x3FB7]  }
0x2f: {  	lr =	sadd.s32 s0, s3;
	s0 =	sld [smem:$0x3FAE]  }
0x30: {  	s3 =	sld [smem:$0x3FB1]  }
0x31: {  	[smem:$0x3FBA] =	sst s10  }
0x32: {  	s10 =	sld [smem:$0x3FB8];
	_ =	sdelay $0x3  }
0x33: {  	p0 =	seq.s32 s10, $0x1;
	s10 =	sld [smem:$0x3FBA];
	_ =	sdelay $0x3  }
0x34: {  	[smem:$0x3FBA] =	sst s10  }
0x35: {  	s10 =	sld [smem:$0x3FB9];
	_ =	sdelay $0x3  }
0x36: {  	p1 =	seq.s32 s10, $0x1;
	s10 =	sld [smem:$0x3FBA];
	_ =	sdelay $0x3  }
0x37: {  	[smem:$0x3FBA] =	sst s10  }
0x38: {  	s10 =	sld [smem:$0x3FBB]  }
0x39: {  	_ = 	snop;
	(pc) =	sbr.ind lr, $3  }
0x3a: {  	_ = 	snop  }
0x3b: {  	_ = 	snop  }
0x3c: {  	p2 =	seq.s32 s10, $0x1;
	s10 =	sld [smem:$0x3FBA]  }
0x3d: {  	_ =	shalt  }
0x3e: {  	_ =	shalt  }
0x3f: {  	_ =	shalt  }
0x40: {  	_ =	shalt  }
0x41: {  	_ =	shalt  }
0x42: {  	_ =	shalt  }
0x43: {  	_ =	shalt  }
0x44: {  	_ =	shalt  }
0x45: {  	_ =	shalt  }
0x46: {  	_ =	shalt  }
0x47: {  	_ =	shalt  }
0x48: {  	_ =	shalt  }
0x49: {  	_ =	shalt  }
0x4a: {  	_ =	shalt  }
0x4b: {  	_ =	shalt  }
0x4c: {  	_ =	shalt  }
0x4d: {  	_ =	shalt  }
0x4e: {  	_ =	shalt  }
0x4f: {  	_ =	shalt  }
0x50: {  	_ =	shalt  }
0x51: {  	_ =	shalt  }
0x52: {  	_ =	shalt  }
0x53: {  	_ =	shalt  }
0x54: {  	_ =	shalt  }
0x55: {  	_ =	shalt  }
0x56: {  	_ =	shalt  }
0x57: {  	_ =	shalt  }
0x58: {  	_ =	shalt  }
0x59: {  	_ =	shalt  }
0x5a: {  	_ =	shalt  }
0x5b: {  	_ =	shalt  }
0x5c: {  	_ =	shalt  }
0x5d: {  	_ =	shalt  }
0x5e: {  	_ =	shalt  }
0x5f: {  	_ =	shalt  }
0x60: {  	_ =	shalt  }
0x61: {  	_ =	shalt  }
0x62: {  	_ =	shalt  }
0x63: {  	_ =	shalt  }
0x64: {  	_ =	shalt  }
0x65: {  	_ =	shalt  }
0x66: {  	_ =	shalt  }
0x67: {  	_ =	shalt  }
0x68: {  	_ =	shalt  }
0x69: {  	_ =	shalt  }
0x6a: {  	_ =	shalt  }
0x6b: {  	_ =	shalt  }
0x6c: {  	_ =	shalt  }
0x6d: {  	_ =	shalt  }
0x6e: {  	_ =	shalt  }
0x6f: {  	_ =	shalt  }
0x70: {  	_ =	shalt  }
0x71: {  	_ =	shalt  }
0x72: {  	_ =	shalt  }
0x73: {  	_ =	shalt  }
0x74: {  	_ =	shalt  }
0x75: {  	_ =	shalt  }
0x76: {  	_ =	shalt  }
0x77: {  	_ =	shalt  }
0x78: {  	_ =	shalt  }
0x79: {  	_ =	shalt  }
0x7a: {  	_ =	shalt  }
0x7b: {  	_ =	shalt  }
0x7c: {  	_ =	shalt  }
0x7d: {  	_ =	shalt  }
0x7e: {  	_ =	shalt  }
0x7f: {  	_ =	shalt  }
0x80: {  	_ =	shalt  }
0x81: {  	_ =	shalt  }
0x82: {  	_ =	shalt  }
0x83: {  	_ =	shalt  }
0x84: {  	_ =	shalt  }
0x85: {  	_ =	shalt  }
0x86: {  	_ =	shalt  }
0x87: {  	_ =	shalt  }
.Lfunc_end0:
.L_simem_size_0:
called_computation.1_lowered:
.L_overlay_start_0:
0x88: {  	s2 =	sld [smem:$0x3FD9]  }
0x89: {  	s3 =	sld [smem:$0x3FFE];
	_ =	sdelay $0x1  }
0x8a: {  	s1 =	srdreg.scid  }
0x8b: {  	s0 =	sand.u32 $0x1, s1  }
0x8c: {  	s17 =	sshll.u32 s0, $0xA;
	s2 =	sadd.s32 s3, s2  }
0x8d: {  	s2 =	sadd.s32 s2, s17  }
0x8e: {  	[smem:$0x3FC6] =	sst s2  }
0x8f: {  	_ = 	snop  }
0x90: {  	s2 =	sld [smem:$0x3FD0];
	(tm) =	ssettm $0x1  }
0x91: {  	s18 =	sld [smem:$0x3FFB];
	_ =	sdelay $0x3  }
0x92: {  	_ =	strace s18  }
0x93: {  	s3 =	sld [smem:$0x3FFC];
	_ =	sdelay $0x3  }
0x94: {  	_ =	strace s3  }
0x95: {  	s3 =	sld [smem:$0x3FFD];
	_ =	sdelay $0x3  }
0x96: {  	_ =	strace s3  }
0x97: {  	_ =	strace $0x8FFFFFFF  }
0x98: {  	s19 =	sld [smem:$0x3FDB];
	_ =	sdelay $0x1  }
0x99: {  	s4 =	simm.s32 $_scs_section_size  }
0x9a: {  	s5 =	simm.s32 $_size__tile_overlayer_lowered;
	s6 =	simm.s32 $_tile_overlayer_lowered  }
0x9b: {  	s22 =	simm.s32 $0x1BFF;
	s21 =	sshll.u32 s6, $0x1;
	s3 =	sadd.s32 s4, s19  }
0x9c: {  	s7 =	simm.s32 $0x0;
	s20 =	sshll.u32 s5, $0x1;
	s5 =	sadd.s32 s21, s3  }
0x9d: {  	[timem:s7], [sflag:s22] =	dma.local [hbm:s5], s20  }
0x9e: {  	_ =	swait.ge [sflag:s22], s20  }
0x9f: {  	s4 =	ssub.s32 $0x0, s20;
	[sflag:s22] =	ssyncset.done $0x0  }
0xa0: {  	[sflag:s22] =	ssyncadd.s32 s4;
	_ =	sdelay $0x1  }
0xa1: {  	s23 =	simm.s32 $0x1B8B  }
0xa2: {  	_ =	swait.ge [sflag:s23], $0x1  }
0xa3: {  	[sflag:s23] =	ssyncset.done $0x0  }
0xa4: {  	s25 =	simm.s32 $0x1B8E;
	s24 =	sld [smem:$0x3FFE];
	[sflag:s23] =	ssyncadd.s32 $0xFFFFFFFF  }
0xa5: {  	s26 =	simm.s32 $execute0_lowered;
	[smem:$0x3FD2] =	sst s25  }
0xa6: {  	s5 =	sshll.u32 s26, $0x1;
	_ =	strace $0x80000046;
	[dreg:$0x1] =	wrdreg $0xFFFFFFFF  }
0xa7: {  	s28 =	simm.s32 $_size_execute0_lowered;
	s3 =	sadd.s32 s3, s5;
	[dreg:$0x0] =	wrdreg $0x0  }
0xa8: {  	s5 =	sshll.u32 s28, $0x1;
	[dreg:$0x2] =	wrdreg s3  }
0xa9: {  	[dreg:$0x3] =	wrdreg s5  }
0xaa: {  	[dreg:$0x4] =	wrdreg $0xC0  }
0xab: {  	_ =	task [dreg:s7], $0x5FFFF  }
0xac: {  	[dreg:$0x1] =	wrdreg $0xFFFFFFFF  }
0xad: {  	[dreg:$0x0] =	wrdreg $0x60  }
0xae: {  	[dreg:$0x2] =	wrdreg s24  }
0xaf: {  	[dreg:$0x3] =	wrdreg s2  }
0xb0: {  	[dreg:$0x4] =	wrdreg $0x9  }
0xb1: {  	_ =	task.clear_ibuf [dreg:s7], $0x5FFFF;
	_ =	strace $0x90000046  }
0xb2: {  	s29 =	simm.s32 $0x9;
	_ =	strace $0x80000048  }
0xb3: {  	_ =	swait.ge [sflag:s29], $0x1  }
0xb4: {  	[sflag:s29] =	ssyncadd.s32 $0xFFFFFFFF  }
0xb5: {  	_ =	strace $0x90000048  }
0xb6: {  	_ =	sfence  }
0xb7: {  	s30 =	sld [smem:$0x0];
	_ =	sdelay $0x2  }
0xb8: {  	s31 =	sshll.u32 s1, $0xD;
	s1 =	sshrl.u32 s1, $0x2  }
0xb9: {  	s3 =	sand.u32 $0x4000, s31;
	s1 =	sadd.s32 s1, s30  }
0xba: {  	s0 =	sor.u32 s3, s0;
	s1 =	sshll.u32 s1, $0x11  }
0xbb: {  	s0 =	sor.u32 s1, s0  }
0xbc: {  	s0 =	sadd.s32 $0x8F2B, s0  }
0xbd: {  	[sflag:s0] =	ssyncadd.remote.s32 $0x1  }
0xbe: {  	_ =	sfence.sel $0xFFFF  }
0xbf: {  	[dreg:$0x0] =	wrdreg $0xFFFFFFFF;
	(pc) =	sbr.abs _section_cstart, $3  }
0xc0: {  	[dreg:$0x1] =	wrdreg $0xFFFFFFFF  }
0xc1: {  	_ =	task.clear_ibuf [dreg:s7], $0x2FFFF;
	_ =	strace $0x9FFFFFFF  }
0xc2: {  	(tm) =	ssettm $0x7FFFFFFF  }
0xc3: {  	_ =	shalt  }
tec
execute0_lowered:
.L_overlay_start_1:
0x0: {  	(tag) =	ssettag $0x1  }
0x1: {  	s0 =	srdreg.scid;
	s1 =	rddreg [dreg:$0x0]  }
0x2: {  	s2 =	stileid.u32;
	s4 =	rddreg [dreg:$0x1];
	s23 =	simm.s32 $0x32  }
0x3: {  	s28 =	simm.s32 $0x17A00;
	s30 =	simm.s32 $0x19300;
	s0 =	sand.u32 $0x1, s0  }
0x4: {  	s24 =	simm.s32 $0x3;
	s2 =	sshll.u32 s2, $0x8;
	s3 =	sshll.u32 s0, $0x7  }
0x5: {  	s29 =	simm.s32 $0x1C00;
	s31 =	simm.s32 $0x4;
	s3 =	sor.u32 s3, s2  }
0x6: {  	s0 =	ssub.s32 $0x2, s0;
	s2 =	simm.s32 $0x0;
	s5 =	smul.u32 $0x7, s3  }
0x7: {  	s7 =	sshrl.u32 s0, $0x1;
	[smem:$0x7FF] =	sst s2;
	s6 =	smul.u32 $0xC80, s3  }
0x8: {  	s8 =	smul.u32 $0x190, s3;
	s3 =	sadd.s32 $0xF49E00, s1;
	s0 =	ssub.s32 s0, s7  }
0x9: {  	_ =	strace $0x80000047;
	s0 =	smax.u32 s0, $0x1;
	s5 =	sadd.s32 s5, s1  }
0xa: {  	s6 =	sshrl.u32 s6, $0x3;
	[dreg:$0x4] =	wrdreg s0;
	s1 =	simm.s32 $0x1  }
0xb: {  	s0 =	simm.s32 $0x2;
	s26 =	sadd.s32 s4, s6;
	s5 =	sadd.s32 $0xF42E00, s5  }
0xc: {  	[dreg:$0x3] =	wrdreg s5;
	s5 =	sadd.s32 s4, s8;
	s6 =	sadd.s32 $0xC80, s26  }
0xd: {  	s7 =	sadd.s32 $0x1900, s26;
	s8 =	sadd.s32 $0x2580, s26;
	s9 =	sadd.s32 $0x3200, s26  }
0xe: {  	s10 =	sadd.s32 $0x3E80, s26;
	s11 =	sadd.s32 $0x4B00, s26;
	s12 =	sadd.s32 $0x5780, s26  }
0xf: {  	s13 =	sadd.s32 $0x6400, s26;
	s14 =	sadd.s32 $0x7080, s26;
	s15 =	sadd.s32 $0x7D00, s26  }
0x10: {  	s16 =	sadd.s32 $0x8980, s26;
	s17 =	sadd.s32 $0x9600, s26;
	s18 =	sadd.s32 $0xA280, s26  }
0x11: {  	s19 =	sadd.s32 $0xAF00, s26;
	s20 =	sadd.s32 $0xBB80, s26;
	s26 =	simm.s32 $0x0  }
.LBB2_1:
0x12: {  	s4 =	rddreg [dreg:$0x3];
	s22 =	simm.s32 $0x5  }
0x13: {  	[tilespmem:s2], [sflag:$0x5] =	stream.linear.gather [hbm4b:s4+s2], $0x1C00, $0x38;
	[tilespmem:$0x1AC00] =	vst v63  }
0x14: {  	_ =	swait.ge [sflag:s22], $0x1C00  }
0x15: {  	[sflag:s22] =	ssyncset.done $0x0  }
0x16: {  	[sflag:s22] =	ssyncadd.s32 $0xFFFFE400  }
0x17: {  	[tilespmem:s29], [sflag:$0x1] =	stream.indirect.gather [hbm4b:s3+s23], $0x80, s2, s23, $0xb8;
	[tilespmem:$0x1AC00] =	vst v63  }
0x18: {  	s25 =	simm.s32 $0x38;
	s21 =	simm.s32 $0x3500  }
0x19: {  	[tilespmem:s21], [sflag:$0x1] =	stream.indirect.gather [hbm4b:s3+s23], $0x80, s25, s23, $0xb8;
	[tilespmem:$0x1AC00] =	vst v63  }
0x1a: {  	s22 =	simm.s32 $0x70;
	s25 =	simm.s32 $0x4E00  }
0x1b: {  	[tilespmem:s25], [sflag:$0x1] =	stream.indirect.gather [hbm4b:s3+s23], $0x80, s22, s23, $0xb8;
	[tilespmem:$0x1AC00] =	vst v63  }
0x1c: {  	s22 =	simm.s32 $0xA8;
	s25 =	simm.s32 $0x6700  }
0x1d: {  	[tilespmem:s25], [sflag:$0x1] =	stream.indirect.gather [hbm4b:s3+s23], $0x80, s22, s23, $0xb8;
	[tilespmem:$0x1AC00] =	vst v63  }
0x1e: {  	s22 =	simm.s32 $0xE0;
	s25 =	simm.s32 $0x8000  }
0x1f: {  	[tilespmem:s25], [sflag:$0x1] =	stream.indirect.gather [hbm4b:s3+s23], $0x80, s22, s23, $0xb8;
	[tilespmem:$0x1AC00] =	vst v63  }
0x20: {  	s22 =	simm.s32 $0x118;
	s25 =	simm.s32 $0x9900  }
0x21: {  	[tilespmem:s25], [sflag:$0x1] =	stream.indirect.gather [hbm4b:s3+s23], $0x80, s22, s23, $0xb8;
	[tilespmem:$0x1AC00] =	vst v63  }
0x22: {  	s22 =	simm.s32 $0x150;
	s25 =	simm.s32 $0xB200  }
0x23: {  	[tilespmem:s25], [sflag:$0x1] =	stream.indirect.gather [hbm4b:s3+s23], $0x80, s22, s23, $0xb8;
	[tilespmem:$0x1AC00] =	vst v63  }
0x24: {  	s22 =	simm.s32 $0x188;
	s25 =	simm.s32 $0xCB00  }
0x25: {  	[tilespmem:s25], [sflag:$0x1] =	stream.indirect.gather [hbm4b:s3+s23], $0x80, s22, s23, $0xb8;
	[tilespmem:$0x1AC00] =	vst v63  }
0x26: {  	s22 =	simm.s32 $0x1C0;
	s25 =	simm.s32 $0xE400  }
0x27: {  	[tilespmem:s25], [sflag:$0x2] =	stream.indirect.gather [hbm4b:s3+s23], $0x80, s22, s23, $0xb8;
	[tilespmem:$0x1AC00] =	vst v63  }
0x28: {  	s22 =	simm.s32 $0x1F8;
	s25 =	simm.s32 $0xFD00  }
0x29: {  	[tilespmem:s25], [sflag:$0x2] =	stream.indirect.gather [hbm4b:s3+s23], $0x80, s22, s23, $0xb8;
	[tilespmem:$0x1AC00] =	vst v63  }
0x2a: {  	s22 =	simm.s32 $0x230;
	s25 =	simm.s32 $0x11600  }
0x2b: {  	[tilespmem:s25], [sflag:$0x2] =	stream.indirect.gather [hbm4b:s3+s23], $0x80, s22, s23, $0xb8;
	[tilespmem:$0x1AC00] =	vst v63  }
0x2c: {  	s22 =	simm.s32 $0x268;
	s25 =	simm.s32 $0x12F00  }
0x2d: {  	[tilespmem:s25], [sflag:$0x2] =	stream.indirect.gather [hbm4b:s3+s23], $0x80, s22, s23, $0xb8;
	[tilespmem:$0x1AC00] =	vst v63  }
0x2e: {  	s22 =	simm.s32 $0x2A0;
	s25 =	simm.s32 $0x14800  }
0x2f: {  	[tilespmem:s25], [sflag:$0x2] =	stream.indirect.gather [hbm4b:s3+s23], $0x80, s22, s23, $0xb8;
	[tilespmem:$0x1AC00] =	vst v63  }
0x30: {  	s22 =	simm.s32 $0x2D8;
	s25 =	simm.s32 $0x16100  }
0x31: {  	[tilespmem:s25], [sflag:$0x2] =	stream.indirect.gather [hbm4b:s3+s23], $0x80, s22, s23, $0xb8;
	[tilespmem:$0x1AC00] =	vst v63  }
0x32: {  	s22 =	simm.s32 $0x310  }
0x33: {  	[tilespmem:s28], [sflag:$0x2] =	stream.indirect.gather [hbm4b:s3+s23], $0x80, s22, s23, $0xb8;
	[tilespmem:$0x1AC00] =	vst v63  }
0x34: {  	s25 =	simm.s32 $0x348  }
0x35: {  	[tilespmem:s30], [sflag:$0x2] =	stream.indirect.gather [hbm4b:s3+s23], $0x80, s25, s23, $0xb8;
	[tilespmem:$0x1AC00] =	vst v63  }
0x36: {  	_ =	swait.ge [sflag:s1], $0x1900  }
0x37: {  	[sflag:s1] =	ssyncset.done $0x0  }
0x38: {  	[sflag:s1] =	ssyncadd.s32 $0xFFFFE700  }
0x39: {  	_ =	swait.ge [sflag:s1], $0x1900  }
0x3a: {  	[sflag:s1] =	ssyncset.done $0x0  }
0x3b: {  	[sflag:s1] =	ssyncadd.s32 $0xFFFFE700  }
0x3c: {  	_ =	swait.ge [sflag:s1], $0x1900  }
0x3d: {  	[sflag:s1] =	ssyncset.done $0x0  }
0x3e: {  	[sflag:s1] =	ssyncadd.s32 $0xFFFFE700  }
0x3f: {  	_ =	swait.ge [sflag:s1], $0x1900  }
0x40: {  	[sflag:s1] =	ssyncset.done $0x0  }
0x41: {  	[sflag:s1] =	ssyncadd.s32 $0xFFFFE700  }
0x42: {  	_ =	swait.ge [sflag:s1], $0x1900  }
0x43: {  	[sflag:s1] =	ssyncset.done $0x0  }
0x44: {  	[sflag:s1] =	ssyncadd.s32 $0xFFFFE700  }
0x45: {  	_ =	swait.ge [sflag:s1], $0x1900  }
0x46: {  	[sflag:s1] =	ssyncset.done $0x0  }
0x47: {  	[sflag:s1] =	ssyncadd.s32 $0xFFFFE700  }
0x48: {  	_ =	swait.ge [sflag:s1], $0x1900  }
0x49: {  	[sflag:s1] =	ssyncset.done $0x0  }
0x4a: {  	[sflag:s1] =	ssyncadd.s32 $0xFFFFE700  }
0x4b: {  	_ =	swait.ge [sflag:s1], $0x1900  }
0x4c: {  	s4 =	simm.s32 $0x8;
	s21 =	simm.s32 $0x1C80;
	[sflag:s1] =	ssyncset.done $0x0  }
0x4d: {  	s22 =	simm.s32 $0x1C00;
	s25 =	sadd.s32 $0x0, s5;
	[sflag:s1] =	ssyncadd.s32 $0xFFFFE700  }
.LBB2_2:
0x4e: {  	[hbm4b:s25+s2] =	stream.linear.scatter [tilespmem:s22], [sflag:$0x3], $0x40, $0x38;
	[tilespmem:$0x1AC00] =	vst v63  }
0x4f: {  	s25 =	smov.u32 s4;
	s22 =	smov.u32 s21;
	p0 =	sne.s32 s4, $0xC78  }
.Ltmp0:
0x50: {  	s4 =	sadd.s32 $0x8, s4;
	(pc) =	sbr.rel @p0 .LBB2_2-.Ltmp0, $2  }
0x51: {  	_ =	sdelay $0x2  }
0x52: {  	s21 =	sadd.s32 $0x80, s21;
	s25 =	sadd.s32 s25, s5  }
0x53: {  	[hbm4b:s25+s2] =	stream.linear.scatter [tilespmem:s22], [sflag:$0x3], $0x40, $0x38;
	[tilespmem:$0x1AC00] =	vst v63  }
0x54: {  	_ =	swait.ge [sflag:s24], $0x6400  }
0x55: {  	[sflag:s24] =	ssyncset.done $0x0  }
0x56: {  	s4 =	simm.s32 $0x380;
	[sflag:s24] =	ssyncadd.s32 $0xFFFF9C00  }
0x57: {  	[tilespmem:s29], [sflag:$0x1] =	stream.indirect.gather [hbm4b:s3+s23], $0x80, s4, s23, $0xb8;
	[tilespmem:$0x1AC00] =	vst v63  }
0x58: {  	s25 =	simm.s32 $0x3500;
	s21 =	simm.s32 $0x3B8  }
0x59: {  	[tilespmem:s25], [sflag:$0x1] =	stream.indirect.gather [hbm4b:s3+s23], $0x80, s21, s23, $0xb8;
	[tilespmem:$0x1AC00] =	vst v63  }
0x5a: {  	s22 =	simm.s32 $0x4E00;
	s25 =	simm.s32 $0x3F0  }
0x5b: {  	[tilespmem:s22], [sflag:$0x1] =	stream.indirect.gather [hbm4b:s3+s23], $0x80, s25, s23, $0xb8;
	[tilespmem:$0x1AC00] =	vst v63  }
0x5c: {  	s22 =	simm.s32 $0x6700;
	s25 =	simm.s32 $0x428  }
0x5d: {  	[tilespmem:s22], [sflag:$0x1] =	stream.indirect.gather [hbm4b:s3+s23], $0x80, s25, s23, $0xb8;
	[tilespmem:$0x1AC00] =	vst v63  }
0x5e: {  	s22 =	simm.s32 $0x8000;
	s25 =	simm.s32 $0x460  }
0x5f: {  	[tilespmem:s22], [sflag:$0x1] =	stream.indirect.gather [hbm4b:s3+s23], $0x80, s25, s23, $0xb8;
	[tilespmem:$0x1AC00] =	vst v63  }
0x60: {  	s22 =	simm.s32 $0x9900;
	s25 =	simm.s32 $0x498  }
0x61: {  	[tilespmem:s22], [sflag:$0x1] =	stream.indirect.gather [hbm4b:s3+s23], $0x80, s25, s23, $0xb8;
	[tilespmem:$0x1AC00] =	vst v63  }
0x62: {  	s22 =	simm.s32 $0xB200;
	s25 =	simm.s32 $0x4D0  }
0x63: {  	[tilespmem:s22], [sflag:$0x1] =	stream.indirect.gather [hbm4b:s3+s23], $0x80, s25, s23, $0xb8;
	[tilespmem:$0x1AC00] =	vst v63  }
0x64: {  	s22 =	simm.s32 $0xCB00;
	s25 =	simm.s32 $0x508  }
0x65: {  	[tilespmem:s22], [sflag:$0x1] =	stream.indirect.gather [hbm4b:s3+s23], $0x80, s25, s23, $0xb8;
	[tilespmem:$0x1AC00] =	vst v63  }
0x66: {  	_ =	swait.ge [sflag:s0], $0x1900  }
0x67: {  	[sflag:s0] =	ssyncset.done $0x0  }
0x68: {  	[sflag:s0] =	ssyncadd.s32 $0xFFFFE700  }
0x69: {  	_ =	swait.ge [sflag:s0], $0x1900  }
0x6a: {  	[sflag:s0] =	ssyncset.done $0x0  }
0x6b: {  	[sflag:s0] =	ssyncadd.s32 $0xFFFFE700  }
0x6c: {  	_ =	swait.ge [sflag:s0], $0x1900  }
0x6d: {  	[sflag:s0] =	ssyncset.done $0x0  }
0x6e: {  	[sflag:s0] =	ssyncadd.s32 $0xFFFFE700  }
0x6f: {  	_ =	swait.ge [sflag:s0], $0x1900  }
0x70: {  	[sflag:s0] =	ssyncset.done $0x0  }
0x71: {  	[sflag:s0] =	ssyncadd.s32 $0xFFFFE700  }
0x72: {  	_ =	swait.ge [sflag:s0], $0x1900  }
0x73: {  	[sflag:s0] =	ssyncset.done $0x0  }
0x74: {  	[sflag:s0] =	ssyncadd.s32 $0xFFFFE700  }
0x75: {  	_ =	swait.ge [sflag:s0], $0x1900  }
0x76: {  	[sflag:s0] =	ssyncset.done $0x0  }
0x77: {  	[sflag:s0] =	ssyncadd.s32 $0xFFFFE700  }
0x78: {  	_ =	swait.ge [sflag:s0], $0x1900  }
0x79: {  	[sflag:s0] =	ssyncset.done $0x0  }
0x7a: {  	[sflag:s0] =	ssyncadd.s32 $0xFFFFE700  }
0x7b: {  	_ =	swait.ge [sflag:s0], $0x1900  }
0x7c: {  	s4 =	simm.s32 $0xE400;
	s21 =	simm.s32 $0x8;
	[sflag:s0] =	ssyncset.done $0x0  }
0x7d: {  	s25 =	sadd.s32 $0x0, s6;
	s22 =	simm.s32 $0xE480;
	[sflag:s0] =	ssyncadd.s32 $0xFFFFE700  }
.LBB2_4:
0x7e: {  	[hbm4b:s25+s2] =	stream.linear.scatter [tilespmem:s4], [sflag:$0x4], $0x40, $0x38;
	[tilespmem:$0x1AC00] =	vst v63  }
0x7f: {  	s25 =	smov.u32 s21;
	s4 =	smov.u32 s22;
	p0 =	sne.s32 s21, $0xC78  }
.Ltmp1:
0x80: {  	s21 =	sadd.s32 $0x8, s21;
	(pc) =	sbr.rel @p0 .LBB2_4-.Ltmp1, $2  }
0x81: {  	_ =	sdelay $0x2  }
0x82: {  	s22 =	sadd.s32 $0x80, s22;
	s25 =	sadd.s32 s25, s6  }
0x83: {  	[hbm4b:s25+s2] =	stream.linear.scatter [tilespmem:s4], [sflag:$0x4], $0x40, $0x38;
	[tilespmem:$0x1AC00] =	vst v63  }
0x84: {  	_ =	swait.ge [sflag:s31], $0x6400  }
0x85: {  	[sflag:s31] =	ssyncset.done $0x0  }
0x86: {  	s25 =	simm.s32 $0xE400;
	s21 =	simm.s32 $0x540;
	[sflag:s31] =	ssyncadd.s32 $0xFFFF9C00  }
0x87: {  	[tilespmem:s25], [sflag:$0x2] =	stream.indirect.gather [hbm4b:s3+s23], $0x80, s21, s23, $0xb8;
	[tilespmem:$0x1AC00] =	vst v63  }
0x88: {  	s22 =	simm.s32 $0xFD00;
	s25 =	simm.s32 $0x578  }
0x89: {  	[tilespmem:s22], [sflag:$0x2] =	stream.indirect.gather [hbm4b:s3+s23], $0x80, s25, s23, $0xb8;
	[tilespmem:$0x1AC00] =	vst v63  }
0x8a: {  	s22 =	simm.s32 $0x11600;
	s25 =	simm.s32 $0x5B0  }
0x8b: {  	[tilespmem:s22], [sflag:$0x2] =	stream.indirect.gather [hbm4b:s3+s23], $0x80, s25, s23, $0xb8;
	[tilespmem:$0x1AC00] =	vst v63  }
0x8c: {  	s22 =	simm.s32 $0x12F00;
	s25 =	simm.s32 $0x5E8  }
0x8d: {  	[tilespmem:s22], [sflag:$0x2] =	stream.indirect.gather [hbm4b:s3+s23], $0x80, s25, s23, $0xb8;
	[tilespmem:$0x1AC00] =	vst v63  }
0x8e: {  	s22 =	simm.s32 $0x14800;
	s25 =	simm.s32 $0x620  }
0x8f: {  	[tilespmem:s22], [sflag:$0x2] =	stream.indirect.gather [hbm4b:s3+s23], $0x80, s25, s23, $0xb8;
	[tilespmem:$0x1AC00] =	vst v63  }
0x90: {  	s22 =	simm.s32 $0x16100;
	s25 =	simm.s32 $0x658  }
0x91: {  	[tilespmem:s22], [sflag:$0x2] =	stream.indirect.gather [hbm4b:s3+s23], $0x80, s25, s23, $0xb8;
	[tilespmem:$0x1AC00] =	vst v63  }
0x92: {  	s22 =	simm.s32 $0x690  }
0x93: {  	[tilespmem:s28], [sflag:$0x2] =	stream.indirect.gather [hbm4b:s3+s23], $0x80, s22, s23, $0xb8;
	[tilespmem:$0x1AC00] =	vst v63  }
0x94: {  	s25 =	simm.s32 $0x6C8  }
0x95: {  	[tilespmem:s30], [sflag:$0x2] =	stream.indirect.gather [hbm4b:s3+s23], $0x80, s25, s23, $0xb8;
	[tilespmem:$0x1AC00] =	vst v63  }
0x96: {  	_ =	swait.ge [sflag:s1], $0x1900  }
0x97: {  	[sflag:s1] =	ssyncset.done $0x0  }
0x98: {  	[sflag:s1] =	ssyncadd.s32 $0xFFFFE700  }
0x99: {  	_ =	swait.ge [sflag:s1], $0x1900  }
0x9a: {  	[sflag:s1] =	ssyncset.done $0x0  }
0x9b: {  	[sflag:s1] =	ssyncadd.s32 $0xFFFFE700  }
0x9c: {  	_ =	swait.ge [sflag:s1], $0x1900  }
0x9d: {  	[sflag:s1] =	ssyncset.done $0x0  }
0x9e: {  	[sflag:s1] =	ssyncadd.s32 $0xFFFFE700  }
0x9f: {  	_ =	swait.ge [sflag:s1], $0x1900  }
0xa0: {  	[sflag:s1] =	ssyncset.done $0x0  }
0xa1: {  	[sflag:s1] =	ssyncadd.s32 $0xFFFFE700  }
0xa2: {  	_ =	swait.ge [sflag:s1], $0x1900  }
0xa3: {  	[sflag:s1] =	ssyncset.done $0x0  }
0xa4: {  	[sflag:s1] =	ssyncadd.s32 $0xFFFFE700  }
0xa5: {  	_ =	swait.ge [sflag:s1], $0x1900  }
0xa6: {  	[sflag:s1] =	ssyncset.done $0x0  }
0xa7: {  	[sflag:s1] =	ssyncadd.s32 $0xFFFFE700  }
0xa8: {  	_ =	swait.ge [sflag:s1], $0x1900  }
0xa9: {  	[sflag:s1] =	ssyncset.done $0x0  }
0xaa: {  	[sflag:s1] =	ssyncadd.s32 $0xFFFFE700  }
0xab: {  	_ =	swait.ge [sflag:s1], $0x1900  }
0xac: {  	s4 =	simm.s32 $0x1C00;
	s21 =	simm.s32 $0x8;
	[sflag:s1] =	ssyncset.done $0x0  }
0xad: {  	s22 =	simm.s32 $0x1C80;
	s25 =	sadd.s32 $0x0, s7;
	[sflag:s1] =	ssyncadd.s32 $0xFFFFE700  }
.LBB2_6:
0xae: {  	[hbm4b:s25+s2] =	stream.linear.scatter [tilespmem:s4], [sflag:$0x3], $0x40, $0x38;
	[tilespmem:$0x1AC00] =	vst v63  }
0xaf: {  	s25 =	smov.u32 s21;
	s4 =	smov.u32 s22;
	p0 =	sne.s32 s21, $0xC78  }
.Ltmp2:
0xb0: {  	s21 =	sadd.s32 $0x8, s21;
	(pc) =	sbr.rel @p0 .LBB2_6-.Ltmp2, $2  }
0xb1: {  	_ =	sdelay $0x2  }
0xb2: {  	s22 =	sadd.s32 $0x80, s22;
	s25 =	sadd.s32 s25, s7  }
0xb3: {  	[hbm4b:s25+s2] =	stream.linear.scatter [tilespmem:s4], [sflag:$0x3], $0x40, $0x38;
	[tilespmem:$0x1AC00] =	vst v63  }
0xb4: {  	_ =	swait.ge [sflag:s24], $0x6400  }
0xb5: {  	[sflag:s24] =	ssyncset.done $0x0  }
0xb6: {  	s22 =	simm.s32 $0x700;
	[sflag:s24] =	ssyncadd.s32 $0xFFFF9C00  }
0xb7: {  	[tilespmem:s29], [sflag:$0x1] =	stream.indirect.gather [hbm4b:s3+s23], $0x80, s22, s23, $0xb8;
	[tilespmem:$0x1AC00] =	vst v63  }
0xb8: {  	s25 =	simm.s32 $0x3500;
	s21 =	simm.s32 $0x738  }
0xb9: {  	[tilespmem:s25], [sflag:$0x1] =	stream.indirect.gather [hbm4b:s3+s23], $0x80, s21, s23, $0xb8;
	[tilespmem:$0x1AC00] =	vst v63  }
0xba: {  	s22 =	simm.s32 $0x4E00;
	s25 =	simm.s32 $0x770  }
0xbb: {  	[tilespmem:s22], [sflag:$0x1] =	stream.indirect.gather [hbm4b:s3+s23], $0x80, s25, s23, $0xb8;
	[tilespmem:$0x1AC00] =	vst v63  }
0xbc: {  	s22 =	simm.s32 $0x6700;
	s25 =	simm.s32 $0x7A8  }
0xbd: {  	[tilespmem:s22], [sflag:$0x1] =	stream.indirect.gather [hbm4b:s3+s23], $0x80, s25, s23, $0xb8;
	[tilespmem:$0x1AC00] =	vst v63  }
0xbe: {  	s22 =	simm.s32 $0x8000;
	s25 =	simm.s32 $0x7E0  }
0xbf: {  	[tilespmem:s22], [sflag:$0x1] =	stream.indirect.gather [hbm4b:s3+s23], $0x80, s25, s23, $0xb8;
	[tilespmem:$0x1AC00] =	vst v63  }
0xc0: {  	s22 =	simm.s32 $0x9900;
	s25 =	simm.s32 $0x818  }
0xc1: {  	[tilespmem:s22], [sflag:$0x1] =	stream.indirect.gather [hbm4b:s3+s23], $0x80, s25, s23, $0xb8;
	[tilespmem:$0x1AC00] =	vst v63  }
0xc2: {  	s22 =	simm.s32 $0xB200;
	s25 =	simm.s32 $0x850  }
0xc3: {  	[tilespmem:s22], [sflag:$0x1] =	stream.indirect.gather [hbm4b:s3+s23], $0x80, s25, s23, $0xb8;
	[tilespmem:$0x1AC00] =	vst v63  }
0xc4: {  	s22 =	simm.s32 $0xCB00;
	s25 =	simm.s32 $0x888  }
0xc5: {  	[tilespmem:s22], [sflag:$0x1] =	stream.indirect.gather [hbm4b:s3+s23], $0x80, s25, s23, $0xb8;
	[tilespmem:$0x1AC00] =	vst v63  }
0xc6: {  	_ =	swait.ge [sflag:s0], $0x1900  }
0xc7: {  	[sflag:s0] =	ssyncset.done $0x0  }
0xc8: {  	[sflag:s0] =	ssyncadd.s32 $0xFFFFE700  }
0xc9: {  	_ =	swait.ge [sflag:s0], $0x1900  }
0xca: {  	[sflag:s0] =	ssyncset.done $0x0  }
0xcb: {  	[sflag:s0] =	ssyncadd.s32 $0xFFFFE700  }
0xcc: {  	_ =	swait.ge [sflag:s0], $0x1900  }
0xcd: {  	[sflag:s0] =	ssyncset.done $0x0  }
0xce: {  	[sflag:s0] =	ssyncadd.s32 $0xFFFFE700  }
0xcf: {  	_ =	swait.ge [sflag:s0], $0x1900  }
0xd0: {  	[sflag:s0] =	ssyncset.done $0x0  }
0xd1: {  	[sflag:s0] =	ssyncadd.s32 $0xFFFFE700  }
0xd2: {  	_ =	swait.ge [sflag:s0], $0x1900  }
0xd3: {  	[sflag:s0] =	ssyncset.done $0x0  }
0xd4: {  	[sflag:s0] =	ssyncadd.s32 $0xFFFFE700  }
0xd5: {  	_ =	swait.ge [sflag:s0], $0x1900  }
0xd6: {  	[sflag:s0] =	ssyncset.done $0x0  }
0xd7: {  	[sflag:s0] =	ssyncadd.s32 $0xFFFFE700  }
0xd8: {  	_ =	swait.ge [sflag:s0], $0x1900  }
0xd9: {  	[sflag:s0] =	ssyncset.done $0x0  }
0xda: {  	[sflag:s0] =	ssyncadd.s32 $0xFFFFE700  }
0xdb: {  	_ =	swait.ge [sflag:s0], $0x1900  }
0xdc: {  	s4 =	simm.s32 $0xE400;
	s21 =	simm.s32 $0x8;
	[sflag:s0] =	ssyncset.done $0x0  }
0xdd: {  	s25 =	sadd.s32 $0x0, s8;
	s22 =	simm.s32 $0xE480;
	[sflag:s0] =	ssyncadd.s32 $0xFFFFE700  }
.LBB2_8:
0xde: {  	[hbm4b:s25+s2] =	stream.linear.scatter [tilespmem:s4], [sflag:$0x4], $0x40, $0x38;
	[tilespmem:$0x1AC00] =	vst v63  }
0xdf: {  	s25 =	smov.u32 s21;
	s4 =	smov.u32 s22;
	p0 =	sne.s32 s21, $0xC78  }
.Ltmp3:
0xe0: {  	s21 =	sadd.s32 $0x8, s21;
	(pc) =	sbr.rel @p0 .LBB2_8-.Ltmp3, $2  }
0xe1: {  	_ =	sdelay $0x2  }
0xe2: {  	s22 =	sadd.s32 $0x80, s22;
	s25 =	sadd.s32 s25, s8  }
0xe3: {  	[hbm4b:s25+s2] =	stream.linear.scatter [tilespmem:s4], [sflag:$0x4], $0x40, $0x38;
	[tilespmem:$0x1AC00] =	vst v63  }
0xe4: {  	_ =	swait.ge [sflag:s31], $0x6400  }
0xe5: {  	[sflag:s31] =	ssyncset.done $0x0  }
0xe6: {  	s25 =	simm.s32 $0xE400;
	s21 =	simm.s32 $0x8C0;
	[sflag:s31] =	ssyncadd.s32 $0xFFFF9C00  }
0xe7: {  	[tilespmem:s25], [sflag:$0x2] =	stream.indirect.gather [hbm4b:s3+s23], $0x80, s21, s23, $0xb8;
	[tilespmem:$0x1AC00] =	vst v63  }
0xe8: {  	s22 =	simm.s32 $0xFD00;
	s25 =	simm.s32 $0x8F8  }
0xe9: {  	[tilespmem:s22], [sflag:$0x2] =	stream.indirect.gather [hbm4b:s3+s23], $0x80, s25, s23, $0xb8;
	[tilespmem:$0x1AC00] =	vst v63  }
0xea: {  	s22 =	simm.s32 $0x11600;
	s25 =	simm.s32 $0x930  }
0xeb: {  	[tilespmem:s22], [sflag:$0x2] =	stream.indirect.gather [hbm4b:s3+s23], $0x80, s25, s23, $0xb8;
	[tilespmem:$0x1AC00] =	vst v63  }
0xec: {  	s22 =	simm.s32 $0x12F00;
	s25 =	simm.s32 $0x968  }
0xed: {  	[tilespmem:s22], [sflag:$0x2] =	stream.indirect.gather [hbm4b:s3+s23], $0x80, s25, s23, $0xb8;
	[tilespmem:$0x1AC00] =	vst v63  }
0xee: {  	s22 =	simm.s32 $0x14800;
	s25 =	simm.s32 $0x9A0  }
0xef: {  	[tilespmem:s22], [sflag:$0x2] =	stream.indirect.gather [hbm4b:s3+s23], $0x80, s25, s23, $0xb8;
	[tilespmem:$0x1AC00] =	vst v63  }
0xf0: {  	s22 =	simm.s32 $0x16100;
	s25 =	simm.s32 $0x9D8  }
0xf1: {  	[tilespmem:s22], [sflag:$0x2] =	stream.indirect.gather [hbm4b:s3+s23], $0x80, s25, s23, $0xb8;
	[tilespmem:$0x1AC00] =	vst v63  }
0xf2: {  	s22 =	simm.s32 $0xA10  }
0xf3: {  	[tilespmem:s28], [sflag:$0x2] =	stream.indirect.gather [hbm4b:s3+s23], $0x80, s22, s23, $0xb8;
	[tilespmem:$0x1AC00] =	vst v63  }
0xf4: {  	s25 =	simm.s32 $0xA48  }
0xf5: {  	[tilespmem:s30], [sflag:$0x2] =	stream.indirect.gather [hbm4b:s3+s23], $0x80, s25, s23, $0xb8;
	[tilespmem:$0x1AC00] =	vst v63  }
0xf6: {  	_ =	swait.ge [sflag:s1], $0x1900  }
0xf7: {  	[sflag:s1] =	ssyncset.done $0x0  }
0xf8: {  	[sflag:s1] =	ssyncadd.s32 $0xFFFFE700  }
0xf9: {  	_ =	swait.ge [sflag:s1], $0x1900  }
0xfa: {  	[sflag:s1] =	ssyncset.done $0x0  }
0xfb: {  	[sflag:s1] =	ssyncadd.s32 $0xFFFFE700  }
0xfc: {  	_ =	swait.ge [sflag:s1], $0x1900  }
0xfd: {  	[sflag:s1] =	ssyncset.done $0x0  }
0xfe: {  	[sflag:s1] =	ssyncadd.s32 $0xFFFFE700  }
0xff: {  	_ =	swait.ge [sflag:s1], $0x1900  }
0x100: {  	[sflag:s1] =	ssyncset.done $0x0  }
0x101: {  	[sflag:s1] =	ssyncadd.s32 $0xFFFFE700  }
0x102: {  	_ =	swait.ge [sflag:s1], $0x1900  }
0x103: {  	[sflag:s1] =	ssyncset.done $0x0  }
0x104: {  	[sflag:s1] =	ssyncadd.s32 $0xFFFFE700  }
0x105: {  	_ =	swait.ge [sflag:s1], $0x1900  }
0x106: {  	[sflag:s1] =	ssyncset.done $0x0  }
0x107: {  	[sflag:s1] =	ssyncadd.s32 $0xFFFFE700  }
0x108: {  	_ =	swait.ge [sflag:s1], $0x1900  }
0x109: {  	[sflag:s1] =	ssyncset.done $0x0  }
0x10a: {  	[sflag:s1] =	ssyncadd.s32 $0xFFFFE700  }
0x10b: {  	_ =	swait.ge [sflag:s1], $0x1900  }
0x10c: {  	s4 =	simm.s32 $0x1C00;
	s21 =	simm.s32 $0x8;
	[sflag:s1] =	ssyncset.done $0x0  }
0x10d: {  	s22 =	simm.s32 $0x1C80;
	s25 =	sadd.s32 $0x0, s9;
	[sflag:s1] =	ssyncadd.s32 $0xFFFFE700  }
.LBB2_10:
0x10e: {  	[hbm4b:s25+s2] =	stream.linear.scatter [tilespmem:s4], [sflag:$0x3], $0x40, $0x38;
	[tilespmem:$0x1AC00] =	vst v63  }
0x10f: {  	s25 =	smov.u32 s21;
	s4 =	smov.u32 s22;
	p0 =	sne.s32 s21, $0xC78  }
.Ltmp4:
0x110: {  	s21 =	sadd.s32 $0x8, s21;
	(pc) =	sbr.rel @p0 .LBB2_10-.Ltmp4, $2  }
0x111: {  	_ =	sdelay $0x2  }
0x112: {  	s22 =	sadd.s32 $0x80, s22;
	s25 =	sadd.s32 s25, s9  }
0x113: {  	[hbm4b:s25+s2] =	stream.linear.scatter [tilespmem:s4], [sflag:$0x3], $0x40, $0x38;
	[tilespmem:$0x1AC00] =	vst v63  }
0x114: {  	_ =	swait.ge [sflag:s24], $0x6400  }
0x115: {  	[sflag:s24] =	ssyncset.done $0x0  }
0x116: {  	s22 =	simm.s32 $0xA80;
	[sflag:s24] =	ssyncadd.s32 $0xFFFF9C00  }
0x117: {  	[tilespmem:s29], [sflag:$0x1] =	stream.indirect.gather [hbm4b:s3+s23], $0x80, s22, s23, $0xb8;
	[tilespmem:$0x1AC00] =	vst v63  }
0x118: {  	s25 =	simm.s32 $0x3500;
	s21 =	simm.s32 $0xAB8  }
0x119: {  	[tilespmem:s25], [sflag:$0x1] =	stream.indirect.gather [hbm4b:s3+s23], $0x80, s21, s23, $0xb8;
	[tilespmem:$0x1AC00] =	vst v63  }
0x11a: {  	s22 =	simm.s32 $0x4E00;
	s25 =	simm.s32 $0xAF0  }
0x11b: {  	[tilespmem:s22], [sflag:$0x1] =	stream.indirect.gather [hbm4b:s3+s23], $0x80, s25, s23, $0xb8;
	[tilespmem:$0x1AC00] =	vst v63  }
0x11c: {  	s22 =	simm.s32 $0x6700;
	s25 =	simm.s32 $0xB28  }
0x11d: {  	[tilespmem:s22], [sflag:$0x1] =	stream.indirect.gather [hbm4b:s3+s23], $0x80, s25, s23, $0xb8;
	[tilespmem:$0x1AC00] =	vst v63  }
0x11e: {  	s22 =	simm.s32 $0x8000;
	s25 =	simm.s32 $0xB60  }
0x11f: {  	[tilespmem:s22], [sflag:$0x1] =	stream.indirect.gather [hbm4b:s3+s23], $0x80, s25, s23, $0xb8;
	[tilespmem:$0x1AC00] =	vst v63  }
0x120: {  	s22 =	simm.s32 $0x9900;
	s25 =	simm.s32 $0xB98  }
0x121: {  	[tilespmem:s22], [sflag:$0x1] =	stream.indirect.gather [hbm4b:s3+s23], $0x80, s25, s23, $0xb8;
	[tilespmem:$0x1AC00] =	vst v63  }
0x122: {  	s22 =	simm.s32 $0xB200;
	s25 =	simm.s32 $0xBD0  }
0x123: {  	[tilespmem:s22], [sflag:$0x1] =	stream.indirect.gather [hbm4b:s3+s23], $0x80, s25, s23, $0xb8;
	[tilespmem:$0x1AC00] =	vst v63  }
0x124: {  	s22 =	simm.s32 $0xCB00;
	s25 =	simm.s32 $0xC08  }
0x125: {  	[tilespmem:s22], [sflag:$0x1] =	stream.indirect.gather [hbm4b:s3+s23], $0x80, s25, s23, $0xb8;
	[tilespmem:$0x1AC00] =	vst v63  }
0x126: {  	_ =	swait.ge [sflag:s0], $0x1900  }
0x127: {  	[sflag:s0] =	ssyncset.done $0x0  }
0x128: {  	[sflag:s0] =	ssyncadd.s32 $0xFFFFE700  }
0x129: {  	_ =	swait.ge [sflag:s0], $0x1900  }
0x12a: {  	[sflag:s0] =	ssyncset.done $0x0  }
0x12b: {  	[sflag:s0] =	ssyncadd.s32 $0xFFFFE700  }
0x12c: {  	_ =	swait.ge [sflag:s0], $0x1900  }
0x12d: {  	[sflag:s0] =	ssyncset.done $0x0  }
0x12e: {  	[sflag:s0] =	ssyncadd.s32 $0xFFFFE700  }
0x12f: {  	_ =	swait.ge [sflag:s0], $0x1900  }
0x130: {  	[sflag:s0] =	ssyncset.done $0x0  }
0x131: {  	[sflag:s0] =	ssyncadd.s32 $0xFFFFE700  }
0x132: {  	_ =	swait.ge [sflag:s0], $0x1900  }
0x133: {  	[sflag:s0] =	ssyncset.done $0x0  }
0x134: {  	[sflag:s0] =	ssyncadd.s32 $0xFFFFE700  }
0x135: {  	_ =	swait.ge [sflag:s0], $0x1900  }
0x136: {  	[sflag:s0] =	ssyncset.done $0x0  }
0x137: {  	[sflag:s0] =	ssyncadd.s32 $0xFFFFE700  }
0x138: {  	_ =	swait.ge [sflag:s0], $0x1900  }
0x139: {  	[sflag:s0] =	ssyncset.done $0x0  }
0x13a: {  	[sflag:s0] =	ssyncadd.s32 $0xFFFFE700  }
0x13b: {  	_ =	swait.ge [sflag:s0], $0x1900  }
0x13c: {  	s4 =	simm.s32 $0xE400;
	s21 =	simm.s32 $0x8;
	[sflag:s0] =	ssyncset.done $0x0  }
0x13d: {  	s25 =	sadd.s32 $0x0, s10;
	s22 =	simm.s32 $0xE480;
	[sflag:s0] =	ssyncadd.s32 $0xFFFFE700  }
.LBB2_12:
0x13e: {  	[hbm4b:s25+s2] =	stream.linear.scatter [tilespmem:s4], [sflag:$0x4], $0x40, $0x38;
	[tilespmem:$0x1AC00] =	vst v63  }
0x13f: {  	s25 =	smov.u32 s21;
	s4 =	smov.u32 s22;
	p0 =	sne.s32 s21, $0xC78  }
.Ltmp5:
0x140: {  	s21 =	sadd.s32 $0x8, s21;
	(pc) =	sbr.rel @p0 .LBB2_12-.Ltmp5, $2  }
0x141: {  	_ =	sdelay $0x2  }
0x142: {  	s22 =	sadd.s32 $0x80, s22;
	s25 =	sadd.s32 s25, s10  }
0x143: {  	[hbm4b:s25+s2] =	stream.linear.scatter [tilespmem:s4], [sflag:$0x4], $0x40, $0x38;
	[tilespmem:$0x1AC00] =	vst v63  }
0x144: {  	_ =	swait.ge [sflag:s31], $0x6400  }
0x145: {  	[sflag:s31] =	ssyncset.done $0x0  }
0x146: {  	s25 =	simm.s32 $0xE400;
	s21 =	simm.s32 $0xC40;
	[sflag:s31] =	ssyncadd.s32 $0xFFFF9C00  }
0x147: {  	[tilespmem:s25], [sflag:$0x2] =	stream.indirect.gather [hbm4b:s3+s23], $0x80, s21, s23, $0xb8;
	[tilespmem:$0x1AC00] =	vst v63  }
0x148: {  	s22 =	simm.s32 $0xFD00;
	s25 =	simm.s32 $0xC78  }
0x149: {  	[tilespmem:s22], [sflag:$0x2] =	stream.indirect.gather [hbm4b:s3+s23], $0x80, s25, s23, $0xb8;
	[tilespmem:$0x1AC00] =	vst v63  }
0x14a: {  	s22 =	simm.s32 $0x11600;
	s25 =	simm.s32 $0xCB0  }
0x14b: {  	[tilespmem:s22], [sflag:$0x2] =	stream.indirect.gather [hbm4b:s3+s23], $0x80, s25, s23, $0xb8;
	[tilespmem:$0x1AC00] =	vst v63  }
0x14c: {  	s22 =	simm.s32 $0x12F00;
	s25 =	simm.s32 $0xCE8  }
0x14d: {  	[tilespmem:s22], [sflag:$0x2] =	stream.indirect.gather [hbm4b:s3+s23], $0x80, s25, s23, $0xb8;
	[tilespmem:$0x1AC00] =	vst v63  }
0x14e: {  	s22 =	simm.s32 $0x14800;
	s25 =	simm.s32 $0xD20  }
0x14f: {  	[tilespmem:s22], [sflag:$0x2] =	stream.indirect.gather [hbm4b:s3+s23], $0x80, s25, s23, $0xb8;
	[tilespmem:$0x1AC00] =	vst v63  }
0x150: {  	s22 =	simm.s32 $0x16100;
	s25 =	simm.s32 $0xD58  }
0x151: {  	[tilespmem:s22], [sflag:$0x2] =	stream.indirect.gather [hbm4b:s3+s23], $0x80, s25, s23, $0xb8;
	[tilespmem:$0x1AC00] =	vst v63  }
0x152: {  	s22 =	simm.s32 $0xD90  }
0x153: {  	[tilespmem:s28], [sflag:$0x2] =	stream.indirect.gather [hbm4b:s3+s23], $0x80, s22, s23, $0xb8;
	[tilespmem:$0x1AC00] =	vst v63  }
0x154: {  	s25 =	simm.s32 $0xDC8  }
0x155: {  	[tilespmem:s30], [sflag:$0x2] =	stream.indirect.gather [hbm4b:s3+s23], $0x80, s25, s23, $0xb8;
	[tilespmem:$0x1AC00] =	vst v63  }
0x156: {  	_ =	swait.ge [sflag:s1], $0x1900  }
0x157: {  	[sflag:s1] =	ssyncset.done $0x0  }
0x158: {  	[sflag:s1] =	ssyncadd.s32 $0xFFFFE700  }
0x159: {  	_ =	swait.ge [sflag:s1], $0x1900  }
0x15a: {  	[sflag:s1] =	ssyncset.done $0x0  }
0x15b: {  	[sflag:s1] =	ssyncadd.s32 $0xFFFFE700  }
0x15c: {  	_ =	swait.ge [sflag:s1], $0x1900  }
0x15d: {  	[sflag:s1] =	ssyncset.done $0x0  }
0x15e: {  	[sflag:s1] =	ssyncadd.s32 $0xFFFFE700  }
0x15f: {  	_ =	swait.ge [sflag:s1], $0x1900  }
0x160: {  	[sflag:s1] =	ssyncset.done $0x0  }
0x161: {  	[sflag:s1] =	ssyncadd.s32 $0xFFFFE700  }
0x162: {  	_ =	swait.ge [sflag:s1], $0x1900  }
0x163: {  	[sflag:s1] =	ssyncset.done $0x0  }
0x164: {  	[sflag:s1] =	ssyncadd.s32 $0xFFFFE700  }
0x165: {  	_ =	swait.ge [sflag:s1], $0x1900  }
0x166: {  	[sflag:s1] =	ssyncset.done $0x0  }
0x167: {  	[sflag:s1] =	ssyncadd.s32 $0xFFFFE700  }
0x168: {  	_ =	swait.ge [sflag:s1], $0x1900  }
0x169: {  	[sflag:s1] =	ssyncset.done $0x0  }
0x16a: {  	[sflag:s1] =	ssyncadd.s32 $0xFFFFE700  }
0x16b: {  	_ =	swait.ge [sflag:s1], $0x1900  }
0x16c: {  	s4 =	simm.s32 $0x1C00;
	s21 =	simm.s32 $0x8;
	[sflag:s1] =	ssyncset.done $0x0  }
0x16d: {  	s22 =	simm.s32 $0x1C80;
	s25 =	sadd.s32 $0x0, s11;
	[sflag:s1] =	ssyncadd.s32 $0xFFFFE700  }
.LBB2_14:
0x16e: {  	[hbm4b:s25+s2] =	stream.linear.scatter [tilespmem:s4], [sflag:$0x3], $0x40, $0x38;
	[tilespmem:$0x1AC00] =	vst v63  }
0x16f: {  	s25 =	smov.u32 s21;
	s4 =	smov.u32 s22;
	p0 =	sne.s32 s21, $0xC78  }
.Ltmp6:
0x170: {  	s21 =	sadd.s32 $0x8, s21;
	(pc) =	sbr.rel @p0 .LBB2_14-.Ltmp6, $2  }
0x171: {  	_ =	sdelay $0x2  }
0x172: {  	s22 =	sadd.s32 $0x80, s22;
	s25 =	sadd.s32 s25, s11  }
0x173: {  	[hbm4b:s25+s2] =	stream.linear.scatter [tilespmem:s4], [sflag:$0x3], $0x40, $0x38;
	[tilespmem:$0x1AC00] =	vst v63  }
0x174: {  	_ =	swait.ge [sflag:s24], $0x6400  }
0x175: {  	[sflag:s24] =	ssyncset.done $0x0  }
0x176: {  	s22 =	simm.s32 $0xE00;
	[sflag:s24] =	ssyncadd.s32 $0xFFFF9C00  }
0x177: {  	[tilespmem:s29], [sflag:$0x1] =	stream.indirect.gather [hbm4b:s3+s23], $0x80, s22, s23, $0xb8;
	[tilespmem:$0x1AC00] =	vst v63  }
0x178: {  	s25 =	simm.s32 $0x3500;
	s21 =	simm.s32 $0xE38  }
0x179: {  	[tilespmem:s25], [sflag:$0x1] =	stream.indirect.gather [hbm4b:s3+s23], $0x80, s21, s23, $0xb8;
	[tilespmem:$0x1AC00] =	vst v63  }
0x17a: {  	s22 =	simm.s32 $0x4E00;
	s25 =	simm.s32 $0xE70  }
0x17b: {  	[tilespmem:s22], [sflag:$0x1] =	stream.indirect.gather [hbm4b:s3+s23], $0x80, s25, s23, $0xb8;
	[tilespmem:$0x1AC00] =	vst v63  }
0x17c: {  	s22 =	simm.s32 $0x6700;
	s25 =	simm.s32 $0xEA8  }
0x17d: {  	[tilespmem:s22], [sflag:$0x1] =	stream.indirect.gather [hbm4b:s3+s23], $0x80, s25, s23, $0xb8;
	[tilespmem:$0x1AC00] =	vst v63  }
0x17e: {  	s22 =	simm.s32 $0x8000;
	s25 =	simm.s32 $0xEE0  }
0x17f: {  	[tilespmem:s22], [sflag:$0x1] =	stream.indirect.gather [hbm4b:s3+s23], $0x80, s25, s23, $0xb8;
	[tilespmem:$0x1AC00] =	vst v63  }
0x180: {  	s22 =	simm.s32 $0x9900;
	s25 =	simm.s32 $0xF18  }
0x181: {  	[tilespmem:s22], [sflag:$0x1] =	stream.indirect.gather [hbm4b:s3+s23], $0x80, s25, s23, $0xb8;
	[tilespmem:$0x1AC00] =	vst v63  }
0x182: {  	s22 =	simm.s32 $0xB200;
	s25 =	simm.s32 $0xF50  }
0x183: {  	[tilespmem:s22], [sflag:$0x1] =	stream.indirect.gather [hbm4b:s3+s23], $0x80, s25, s23, $0xb8;
	[tilespmem:$0x1AC00] =	vst v63  }
0x184: {  	s22 =	simm.s32 $0xCB00;
	s25 =	simm.s32 $0xF88  }
0x185: {  	[tilespmem:s22], [sflag:$0x1] =	stream.indirect.gather [hbm4b:s3+s23], $0x80, s25, s23, $0xb8;
	[tilespmem:$0x1AC00] =	vst v63  }
0x186: {  	_ =	swait.ge [sflag:s0], $0x1900  }
0x187: {  	[sflag:s0] =	ssyncset.done $0x0  }
0x188: {  	[sflag:s0] =	ssyncadd.s32 $0xFFFFE700  }
0x189: {  	_ =	swait.ge [sflag:s0], $0x1900  }
0x18a: {  	[sflag:s0] =	ssyncset.done $0x0  }
0x18b: {  	[sflag:s0] =	ssyncadd.s32 $0xFFFFE700  }
0x18c: {  	_ =	swait.ge [sflag:s0], $0x1900  }
0x18d: {  	[sflag:s0] =	ssyncset.done $0x0  }
0x18e: {  	[sflag:s0] =	ssyncadd.s32 $0xFFFFE700  }
0x18f: {  	_ =	swait.ge [sflag:s0], $0x1900  }
0x190: {  	[sflag:s0] =	ssyncset.done $0x0  }
0x191: {  	[sflag:s0] =	ssyncadd.s32 $0xFFFFE700  }
0x192: {  	_ =	swait.ge [sflag:s0], $0x1900  }
0x193: {  	[sflag:s0] =	ssyncset.done $0x0  }
0x194: {  	[sflag:s0] =	ssyncadd.s32 $0xFFFFE700  }
0x195: {  	_ =	swait.ge [sflag:s0], $0x1900  }
0x196: {  	[sflag:s0] =	ssyncset.done $0x0  }
0x197: {  	[sflag:s0] =	ssyncadd.s32 $0xFFFFE700  }
0x198: {  	_ =	swait.ge [sflag:s0], $0x1900  }
0x199: {  	[sflag:s0] =	ssyncset.done $0x0  }
0x19a: {  	[sflag:s0] =	ssyncadd.s32 $0xFFFFE700  }
0x19b: {  	_ =	swait.ge [sflag:s0], $0x1900  }
0x19c: {  	s4 =	simm.s32 $0xE400;
	s21 =	simm.s32 $0x8;
	[sflag:s0] =	ssyncset.done $0x0  }
0x19d: {  	s25 =	sadd.s32 $0x0, s12;
	s22 =	simm.s32 $0xE480;
	[sflag:s0] =	ssyncadd.s32 $0xFFFFE700  }
.LBB2_16:
0x19e: {  	[hbm4b:s25+s2] =	stream.linear.scatter [tilespmem:s4], [sflag:$0x4], $0x40, $0x38;
	[tilespmem:$0x1AC00] =	vst v63  }
0x19f: {  	s25 =	smov.u32 s21;
	s4 =	smov.u32 s22;
	p0 =	sne.s32 s21, $0xC78  }
.Ltmp7:
0x1a0: {  	s21 =	sadd.s32 $0x8, s21;
	(pc) =	sbr.rel @p0 .LBB2_16-.Ltmp7, $2  }
0x1a1: {  	_ =	sdelay $0x2  }
0x1a2: {  	s22 =	sadd.s32 $0x80, s22;
	s25 =	sadd.s32 s25, s12  }
0x1a3: {  	[hbm4b:s25+s2] =	stream.linear.scatter [tilespmem:s4], [sflag:$0x4], $0x40, $0x38;
	[tilespmem:$0x1AC00] =	vst v63  }
0x1a4: {  	_ =	swait.ge [sflag:s31], $0x6400  }
0x1a5: {  	[sflag:s31] =	ssyncset.done $0x0  }
0x1a6: {  	s25 =	simm.s32 $0xE400;
	s21 =	simm.s32 $0xFC0;
	[sflag:s31] =	ssyncadd.s32 $0xFFFF9C00  }
0x1a7: {  	[tilespmem:s25], [sflag:$0x2] =	stream.indirect.gather [hbm4b:s3+s23], $0x80, s21, s23, $0xb8;
	[tilespmem:$0x1AC00] =	vst v63  }
0x1a8: {  	s22 =	simm.s32 $0xFD00;
	s25 =	simm.s32 $0xFF8  }
0x1a9: {  	[tilespmem:s22], [sflag:$0x2] =	stream.indirect.gather [hbm4b:s3+s23], $0x80, s25, s23, $0xb8;
	[tilespmem:$0x1AC00] =	vst v63  }
0x1aa: {  	s22 =	simm.s32 $0x11600;
	s25 =	simm.s32 $0x1030  }
0x1ab: {  	[tilespmem:s22], [sflag:$0x2] =	stream.indirect.gather [hbm4b:s3+s23], $0x80, s25, s23, $0xb8;
	[tilespmem:$0x1AC00] =	vst v63  }
0x1ac: {  	s22 =	simm.s32 $0x12F00;
	s25 =	simm.s32 $0x1068  }
0x1ad: {  	[tilespmem:s22], [sflag:$0x2] =	stream.indirect.gather [hbm4b:s3+s23], $0x80, s25, s23, $0xb8;
	[tilespmem:$0x1AC00] =	vst v63  }
0x1ae: {  	s22 =	simm.s32 $0x14800;
	s25 =	simm.s32 $0x10A0  }
0x1af: {  	[tilespmem:s22], [sflag:$0x2] =	stream.indirect.gather [hbm4b:s3+s23], $0x80, s25, s23, $0xb8;
	[tilespmem:$0x1AC00] =	vst v63  }
0x1b0: {  	s22 =	simm.s32 $0x16100;
	s25 =	simm.s32 $0x10D8  }
0x1b1: {  	[tilespmem:s22], [sflag:$0x2] =	stream.indirect.gather [hbm4b:s3+s23], $0x80, s25, s23, $0xb8;
	[tilespmem:$0x1AC00] =	vst v63  }
0x1b2: {  	s22 =	simm.s32 $0x1110  }
0x1b3: {  	[tilespmem:s28], [sflag:$0x2] =	stream.indirect.gather [hbm4b:s3+s23], $0x80, s22, s23, $0xb8;
	[tilespmem:$0x1AC00] =	vst v63  }
0x1b4: {  	s25 =	simm.s32 $0x1148  }
0x1b5: {  	[tilespmem:s30], [sflag:$0x2] =	stream.indirect.gather [hbm4b:s3+s23], $0x80, s25, s23, $0xb8;
	[tilespmem:$0x1AC00] =	vst v63  }
0x1b6: {  	_ =	swait.ge [sflag:s1], $0x1900  }
0x1b7: {  	[sflag:s1] =	ssyncset.done $0x0  }
0x1b8: {  	[sflag:s1] =	ssyncadd.s32 $0xFFFFE700  }
0x1b9: {  	_ =	swait.ge [sflag:s1], $0x1900  }
0x1ba: {  	[sflag:s1] =	ssyncset.done $0x0  }
0x1bb: {  	[sflag:s1] =	ssyncadd.s32 $0xFFFFE700  }
0x1bc: {  	_ =	swait.ge [sflag:s1], $0x1900  }
0x1bd: {  	[sflag:s1] =	ssyncset.done $0x0  }
0x1be: {  	[sflag:s1] =	ssyncadd.s32 $0xFFFFE700  }
0x1bf: {  	_ =	swait.ge [sflag:s1], $0x1900  }
0x1c0: {  	[sflag:s1] =	ssyncset.done $0x0  }
0x1c1: {  	[sflag:s1] =	ssyncadd.s32 $0xFFFFE700  }
0x1c2: {  	_ =	swait.ge [sflag:s1], $0x1900  }
0x1c3: {  	[sflag:s1] =	ssyncset.done $0x0  }
0x1c4: {  	[sflag:s1] =	ssyncadd.s32 $0xFFFFE700  }
0x1c5: {  	_ =	swait.ge [sflag:s1], $0x1900  }
0x1c6: {  	[sflag:s1] =	ssyncset.done $0x0  }
0x1c7: {  	[sflag:s1] =	ssyncadd.s32 $0xFFFFE700  }
0x1c8: {  	_ =	swait.ge [sflag:s1], $0x1900  }
0x1c9: {  	[sflag:s1] =	ssyncset.done $0x0  }
0x1ca: {  	[sflag:s1] =	ssyncadd.s32 $0xFFFFE700  }
0x1cb: {  	_ =	swait.ge [sflag:s1], $0x1900  }
0x1cc: {  	s4 =	simm.s32 $0x1C00;
	s21 =	simm.s32 $0x8;
	[sflag:s1] =	ssyncset.done $0x0  }
0x1cd: {  	s22 =	simm.s32 $0x1C80;
	s25 =	sadd.s32 $0x0, s13;
	[sflag:s1] =	ssyncadd.s32 $0xFFFFE700  }
.LBB2_18:
0x1ce: {  	[hbm4b:s25+s2] =	stream.linear.scatter [tilespmem:s4], [sflag:$0x3], $0x40, $0x38;
	[tilespmem:$0x1AC00] =	vst v63  }
0x1cf: {  	s25 =	smov.u32 s21;
	s4 =	smov.u32 s22;
	p0 =	sne.s32 s21, $0xC78  }
.Ltmp8:
0x1d0: {  	s21 =	sadd.s32 $0x8, s21;
	(pc) =	sbr.rel @p0 .LBB2_18-.Ltmp8, $2  }
0x1d1: {  	_ =	sdelay $0x2  }
0x1d2: {  	s22 =	sadd.s32 $0x80, s22;
	s25 =	sadd.s32 s25, s13  }
0x1d3: {  	[hbm4b:s25+s2] =	stream.linear.scatter [tilespmem:s4], [sflag:$0x3], $0x40, $0x38;
	[tilespmem:$0x1AC00] =	vst v63  }
0x1d4: {  	_ =	swait.ge [sflag:s24], $0x6400  }
0x1d5: {  	[sflag:s24] =	ssyncset.done $0x0  }
0x1d6: {  	s22 =	simm.s32 $0x1180;
	[sflag:s24] =	ssyncadd.s32 $0xFFFF9C00  }
0x1d7: {  	[tilespmem:s29], [sflag:$0x1] =	stream.indirect.gather [hbm4b:s3+s23], $0x80, s22, s23, $0xb8;
	[tilespmem:$0x1AC00] =	vst v63  }
0x1d8: {  	s25 =	simm.s32 $0x3500;
	s21 =	simm.s32 $0x11B8  }
0x1d9: {  	[tilespmem:s25], [sflag:$0x1] =	stream.indirect.gather [hbm4b:s3+s23], $0x80, s21, s23, $0xb8;
	[tilespmem:$0x1AC00] =	vst v63  }
0x1da: {  	s22 =	simm.s32 $0x4E00;
	s25 =	simm.s32 $0x11F0  }
0x1db: {  	[tilespmem:s22], [sflag:$0x1] =	stream.indirect.gather [hbm4b:s3+s23], $0x80, s25, s23, $0xb8;
	[tilespmem:$0x1AC00] =	vst v63  }
0x1dc: {  	s22 =	simm.s32 $0x6700;
	s25 =	simm.s32 $0x1228  }
0x1dd: {  	[tilespmem:s22], [sflag:$0x1] =	stream.indirect.gather [hbm4b:s3+s23], $0x80, s25, s23, $0xb8;
	[tilespmem:$0x1AC00] =	vst v63  }
0x1de: {  	s22 =	simm.s32 $0x8000;
	s25 =	simm.s32 $0x1260  }
0x1df: {  	[tilespmem:s22], [sflag:$0x1] =	stream.indirect.gather [hbm4b:s3+s23], $0x80, s25, s23, $0xb8;
	[tilespmem:$0x1AC00] =	vst v63  }
0x1e0: {  	s22 =	simm.s32 $0x9900;
	s25 =	simm.s32 $0x1298  }
0x1e1: {  	[tilespmem:s22], [sflag:$0x1] =	stream.indirect.gather [hbm4b:s3+s23], $0x80, s25, s23, $0xb8;
	[tilespmem:$0x1AC00] =	vst v63  }
0x1e2: {  	s22 =	simm.s32 $0xB200;
	s25 =	simm.s32 $0x12D0  }
0x1e3: {  	[tilespmem:s22], [sflag:$0x1] =	stream.indirect.gather [hbm4b:s3+s23], $0x80, s25, s23, $0xb8;
	[tilespmem:$0x1AC00] =	vst v63  }
0x1e4: {  	s22 =	simm.s32 $0xCB00;
	s25 =	simm.s32 $0x1308  }
0x1e5: {  	[tilespmem:s22], [sflag:$0x1] =	stream.indirect.gather [hbm4b:s3+s23], $0x80, s25, s23, $0xb8;
	[tilespmem:$0x1AC00] =	vst v63  }
0x1e6: {  	_ =	swait.ge [sflag:s0], $0x1900  }
0x1e7: {  	[sflag:s0] =	ssyncset.done $0x0  }
0x1e8: {  	[sflag:s0] =	ssyncadd.s32 $0xFFFFE700  }
0x1e9: {  	_ =	swait.ge [sflag:s0], $0x1900  }
0x1ea: {  	[sflag:s0] =	ssyncset.done $0x0  }
0x1eb: {  	[sflag:s0] =	ssyncadd.s32 $0xFFFFE700  }
0x1ec: {  	_ =	swait.ge [sflag:s0], $0x1900  }
0x1ed: {  	[sflag:s0] =	ssyncset.done $0x0  }
0x1ee: {  	[sflag:s0] =	ssyncadd.s32 $0xFFFFE700  }
0x1ef: {  	_ =	swait.ge [sflag:s0], $0x1900  }
0x1f0: {  	[sflag:s0] =	ssyncset.done $0x0  }
0x1f1: {  	[sflag:s0] =	ssyncadd.s32 $0xFFFFE700  }
0x1f2: {  	_ =	swait.ge [sflag:s0], $0x1900  }
0x1f3: {  	[sflag:s0] =	ssyncset.done $0x0  }
0x1f4: {  	[sflag:s0] =	ssyncadd.s32 $0xFFFFE700  }
0x1f5: {  	_ =	swait.ge [sflag:s0], $0x1900  }
0x1f6: {  	[sflag:s0] =	ssyncset.done $0x0  }
0x1f7: {  	[sflag:s0] =	ssyncadd.s32 $0xFFFFE700  }
0x1f8: {  	_ =	swait.ge [sflag:s0], $0x1900  }
0x1f9: {  	[sflag:s0] =	ssyncset.done $0x0  }
0x1fa: {  	[sflag:s0] =	ssyncadd.s32 $0xFFFFE700  }
0x1fb: {  	_ =	swait.ge [sflag:s0], $0x1900  }
0x1fc: {  	s4 =	simm.s32 $0xE400;
	s21 =	simm.s32 $0x8;
	[sflag:s0] =	ssyncset.done $0x0  }
0x1fd: {  	s25 =	sadd.s32 $0x0, s14;
	s22 =	simm.s32 $0xE480;
	[sflag:s0] =	ssyncadd.s32 $0xFFFFE700  }
.LBB2_20:
0x1fe: {  	[hbm4b:s25+s2] =	stream.linear.scatter [tilespmem:s4], [sflag:$0x4], $0x40, $0x38;
	[tilespmem:$0x1AC00] =	vst v63  }
0x1ff: {  	s25 =	smov.u32 s21;
	s4 =	smov.u32 s22;
	p0 =	sne.s32 s21, $0xC78  }
.Ltmp9:
0x200: {  	s21 =	sadd.s32 $0x8, s21;
	(pc) =	sbr.rel @p0 .LBB2_20-.Ltmp9, $2  }
0x201: {  	_ =	sdelay $0x2  }
0x202: {  	s22 =	sadd.s32 $0x80, s22;
	s25 =	sadd.s32 s25, s14  }
0x203: {  	[hbm4b:s25+s2] =	stream.linear.scatter [tilespmem:s4], [sflag:$0x4], $0x40, $0x38;
	[tilespmem:$0x1AC00] =	vst v63  }
0x204: {  	_ =	swait.ge [sflag:s31], $0x6400  }
0x205: {  	[sflag:s31] =	ssyncset.done $0x0  }
0x206: {  	s25 =	simm.s32 $0xE400;
	s21 =	simm.s32 $0x1340;
	[sflag:s31] =	ssyncadd.s32 $0xFFFF9C00  }
0x207: {  	[tilespmem:s25], [sflag:$0x2] =	stream.indirect.gather [hbm4b:s3+s23], $0x80, s21, s23, $0xb8;
	[tilespmem:$0x1AC00] =	vst v63  }
0x208: {  	s22 =	simm.s32 $0xFD00;
	s25 =	simm.s32 $0x1378  }
0x209: {  	[tilespmem:s22], [sflag:$0x2] =	stream.indirect.gather [hbm4b:s3+s23], $0x80, s25, s23, $0xb8;
	[tilespmem:$0x1AC00] =	vst v63  }
0x20a: {  	s22 =	simm.s32 $0x11600;
	s25 =	simm.s32 $0x13B0  }
0x20b: {  	[tilespmem:s22], [sflag:$0x2] =	stream.indirect.gather [hbm4b:s3+s23], $0x80, s25, s23, $0xb8;
	[tilespmem:$0x1AC00] =	vst v63  }
0x20c: {  	s22 =	simm.s32 $0x12F00;
	s25 =	simm.s32 $0x13E8  }
0x20d: {  	[tilespmem:s22], [sflag:$0x2] =	stream.indirect.gather [hbm4b:s3+s23], $0x80, s25, s23, $0xb8;
	[tilespmem:$0x1AC00] =	vst v63  }
0x20e: {  	s22 =	simm.s32 $0x14800;
	s25 =	simm.s32 $0x1420  }
0x20f: {  	[tilespmem:s22], [sflag:$0x2] =	stream.indirect.gather [hbm4b:s3+s23], $0x80, s25, s23, $0xb8;
	[tilespmem:$0x1AC00] =	vst v63  }
0x210: {  	s22 =	simm.s32 $0x16100;
	s25 =	simm.s32 $0x1458  }
0x211: {  	[tilespmem:s22], [sflag:$0x2] =	stream.indirect.gather [hbm4b:s3+s23], $0x80, s25, s23, $0xb8;
	[tilespmem:$0x1AC00] =	vst v63  }
0x212: {  	s22 =	simm.s32 $0x1490  }
0x213: {  	[tilespmem:s28], [sflag:$0x2] =	stream.indirect.gather [hbm4b:s3+s23], $0x80, s22, s23, $0xb8;
	[tilespmem:$0x1AC00] =	vst v63  }
0x214: {  	s25 =	simm.s32 $0x14C8  }
0x215: {  	[tilespmem:s30], [sflag:$0x2] =	stream.indirect.gather [hbm4b:s3+s23], $0x80, s25, s23, $0xb8;
	[tilespmem:$0x1AC00] =	vst v63  }
0x216: {  	_ =	swait.ge [sflag:s1], $0x1900  }
0x217: {  	[sflag:s1] =	ssyncset.done $0x0  }
0x218: {  	[sflag:s1] =	ssyncadd.s32 $0xFFFFE700  }
0x219: {  	_ =	swait.ge [sflag:s1], $0x1900  }
0x21a: {  	[sflag:s1] =	ssyncset.done $0x0  }
0x21b: {  	[sflag:s1] =	ssyncadd.s32 $0xFFFFE700  }
0x21c: {  	_ =	swait.ge [sflag:s1], $0x1900  }
0x21d: {  	[sflag:s1] =	ssyncset.done $0x0  }
0x21e: {  	[sflag:s1] =	ssyncadd.s32 $0xFFFFE700  }
0x21f: {  	_ =	swait.ge [sflag:s1], $0x1900  }
0x220: {  	[sflag:s1] =	ssyncset.done $0x0  }
0x221: {  	[sflag:s1] =	ssyncadd.s32 $0xFFFFE700  }
0x222: {  	_ =	swait.ge [sflag:s1], $0x1900  }
0x223: {  	[sflag:s1] =	ssyncset.done $0x0  }
0x224: {  	[sflag:s1] =	ssyncadd.s32 $0xFFFFE700  }
0x225: {  	_ =	swait.ge [sflag:s1], $0x1900  }
0x226: {  	[sflag:s1] =	ssyncset.done $0x0  }
0x227: {  	[sflag:s1] =	ssyncadd.s32 $0xFFFFE700  }
0x228: {  	_ =	swait.ge [sflag:s1], $0x1900  }
0x229: {  	[sflag:s1] =	ssyncset.done $0x0  }
0x22a: {  	[sflag:s1] =	ssyncadd.s32 $0xFFFFE700  }
0x22b: {  	_ =	swait.ge [sflag:s1], $0x1900  }
0x22c: {  	s4 =	simm.s32 $0x1C00;
	s21 =	simm.s32 $0x8;
	[sflag:s1] =	ssyncset.done $0x0  }
0x22d: {  	s22 =	simm.s32 $0x1C80;
	s25 =	sadd.s32 $0x0, s15;
	[sflag:s1] =	ssyncadd.s32 $0xFFFFE700  }
.LBB2_22:
0x22e: {  	[hbm4b:s25+s2] =	stream.linear.scatter [tilespmem:s4], [sflag:$0x3], $0x40, $0x38;
	[tilespmem:$0x1AC00] =	vst v63  }
0x22f: {  	s25 =	smov.u32 s21;
	s4 =	smov.u32 s22;
	p0 =	sne.s32 s21, $0xC78  }
.Ltmp10:
0x230: {  	s21 =	sadd.s32 $0x8, s21;
	(pc) =	sbr.rel @p0 .LBB2_22-.Ltmp10, $2  }
0x231: {  	_ =	sdelay $0x2  }
0x232: {  	s22 =	sadd.s32 $0x80, s22;
	s25 =	sadd.s32 s25, s15  }
0x233: {  	[hbm4b:s25+s2] =	stream.linear.scatter [tilespmem:s4], [sflag:$0x3], $0x40, $0x38;
	[tilespmem:$0x1AC00] =	vst v63  }
0x234: {  	_ =	swait.ge [sflag:s24], $0x6400  }
0x235: {  	[sflag:s24] =	ssyncset.done $0x0  }
0x236: {  	s22 =	simm.s32 $0x1500;
	[sflag:s24] =	ssyncadd.s32 $0xFFFF9C00  }
0x237: {  	[tilespmem:s29], [sflag:$0x1] =	stream.indirect.gather [hbm4b:s3+s23], $0x80, s22, s23, $0xb8;
	[tilespmem:$0x1AC00] =	vst v63  }
0x238: {  	s25 =	simm.s32 $0x3500;
	s21 =	simm.s32 $0x1538  }
0x239: {  	[tilespmem:s25], [sflag:$0x1] =	stream.indirect.gather [hbm4b:s3+s23], $0x80, s21, s23, $0xb8;
	[tilespmem:$0x1AC00] =	vst v63  }
0x23a: {  	s22 =	simm.s32 $0x4E00;
	s25 =	simm.s32 $0x1570  }
0x23b: {  	[tilespmem:s22], [sflag:$0x1] =	stream.indirect.gather [hbm4b:s3+s23], $0x80, s25, s23, $0xb8;
	[tilespmem:$0x1AC00] =	vst v63  }
0x23c: {  	s22 =	simm.s32 $0x6700;
	s25 =	simm.s32 $0x15A8  }
0x23d: {  	[tilespmem:s22], [sflag:$0x1] =	stream.indirect.gather [hbm4b:s3+s23], $0x80, s25, s23, $0xb8;
	[tilespmem:$0x1AC00] =	vst v63  }
0x23e: {  	s22 =	simm.s32 $0x8000;
	s25 =	simm.s32 $0x15E0  }
0x23f: {  	[tilespmem:s22], [sflag:$0x1] =	stream.indirect.gather [hbm4b:s3+s23], $0x80, s25, s23, $0xb8;
	[tilespmem:$0x1AC00] =	vst v63  }
0x240: {  	s22 =	simm.s32 $0x9900;
	s25 =	simm.s32 $0x1618  }
0x241: {  	[tilespmem:s22], [sflag:$0x1] =	stream.indirect.gather [hbm4b:s3+s23], $0x80, s25, s23, $0xb8;
	[tilespmem:$0x1AC00] =	vst v63  }
0x242: {  	s22 =	simm.s32 $0xB200;
	s25 =	simm.s32 $0x1650  }
0x243: {  	[tilespmem:s22], [sflag:$0x1] =	stream.indirect.gather [hbm4b:s3+s23], $0x80, s25, s23, $0xb8;
	[tilespmem:$0x1AC00] =	vst v63  }
0x244: {  	s22 =	simm.s32 $0xCB00;
	s25 =	simm.s32 $0x1688  }
0x245: {  	[tilespmem:s22], [sflag:$0x1] =	stream.indirect.gather [hbm4b:s3+s23], $0x80, s25, s23, $0xb8;
	[tilespmem:$0x1AC00] =	vst v63  }
0x246: {  	_ =	swait.ge [sflag:s0], $0x1900  }
0x247: {  	[sflag:s0] =	ssyncset.done $0x0  }
0x248: {  	[sflag:s0] =	ssyncadd.s32 $0xFFFFE700  }
0x249: {  	_ =	swait.ge [sflag:s0], $0x1900  }
0x24a: {  	[sflag:s0] =	ssyncset.done $0x0  }
0x24b: {  	[sflag:s0] =	ssyncadd.s32 $0xFFFFE700  }
0x24c: {  	_ =	swait.ge [sflag:s0], $0x1900  }
0x24d: {  	[sflag:s0] =	ssyncset.done $0x0  }
0x24e: {  	[sflag:s0] =	ssyncadd.s32 $0xFFFFE700  }
0x24f: {  	_ =	swait.ge [sflag:s0], $0x1900  }
0x250: {  	[sflag:s0] =	ssyncset.done $0x0  }
0x251: {  	[sflag:s0] =	ssyncadd.s32 $0xFFFFE700  }
0x252: {  	_ =	swait.ge [sflag:s0], $0x1900  }
0x253: {  	[sflag:s0] =	ssyncset.done $0x0  }
0x254: {  	[sflag:s0] =	ssyncadd.s32 $0xFFFFE700  }
0x255: {  	_ =	swait.ge [sflag:s0], $0x1900  }
0x256: {  	[sflag:s0] =	ssyncset.done $0x0  }
0x257: {  	[sflag:s0] =	ssyncadd.s32 $0xFFFFE700  }
0x258: {  	_ =	swait.ge [sflag:s0], $0x1900  }
0x259: {  	[sflag:s0] =	ssyncset.done $0x0  }
0x25a: {  	[sflag:s0] =	ssyncadd.s32 $0xFFFFE700  }
0x25b: {  	_ =	swait.ge [sflag:s0], $0x1900  }
0x25c: {  	s4 =	simm.s32 $0xE400;
	s21 =	simm.s32 $0x8;
	[sflag:s0] =	ssyncset.done $0x0  }
0x25d: {  	s25 =	sadd.s32 $0x0, s16;
	s22 =	simm.s32 $0xE480;
	[sflag:s0] =	ssyncadd.s32 $0xFFFFE700  }
.LBB2_24:
0x25e: {  	[hbm4b:s25+s2] =	stream.linear.scatter [tilespmem:s4], [sflag:$0x4], $0x40, $0x38;
	[tilespmem:$0x1AC00] =	vst v63  }
0x25f: {  	s25 =	smov.u32 s21;
	s4 =	smov.u32 s22;
	p0 =	sne.s32 s21, $0xC78  }
.Ltmp11:
0x260: {  	s21 =	sadd.s32 $0x8, s21;
	(pc) =	sbr.rel @p0 .LBB2_24-.Ltmp11, $2  }
0x261: {  	_ =	sdelay $0x2  }
0x262: {  	s22 =	sadd.s32 $0x80, s22;
	s25 =	sadd.s32 s25, s16  }
0x263: {  	[hbm4b:s25+s2] =	stream.linear.scatter [tilespmem:s4], [sflag:$0x4], $0x40, $0x38;
	[tilespmem:$0x1AC00] =	vst v63  }
0x264: {  	_ =	swait.ge [sflag:s31], $0x6400  }
0x265: {  	[sflag:s31] =	ssyncset.done $0x0  }
0x266: {  	s25 =	simm.s32 $0xE400;
	s21 =	simm.s32 $0x16C0;
	[sflag:s31] =	ssyncadd.s32 $0xFFFF9C00  }
0x267: {  	[tilespmem:s25], [sflag:$0x2] =	stream.indirect.gather [hbm4b:s3+s23], $0x80, s21, s23, $0xb8;
	[tilespmem:$0x1AC00] =	vst v63  }
0x268: {  	s22 =	simm.s32 $0xFD00;
	s25 =	simm.s32 $0x16F8  }
0x269: {  	[tilespmem:s22], [sflag:$0x2] =	stream.indirect.gather [hbm4b:s3+s23], $0x80, s25, s23, $0xb8;
	[tilespmem:$0x1AC00] =	vst v63  }
0x26a: {  	s22 =	simm.s32 $0x11600;
	s25 =	simm.s32 $0x1730  }
0x26b: {  	[tilespmem:s22], [sflag:$0x2] =	stream.indirect.gather [hbm4b:s3+s23], $0x80, s25, s23, $0xb8;
	[tilespmem:$0x1AC00] =	vst v63  }
0x26c: {  	s22 =	simm.s32 $0x12F00;
	s25 =	simm.s32 $0x1768  }
0x26d: {  	[tilespmem:s22], [sflag:$0x2] =	stream.indirect.gather [hbm4b:s3+s23], $0x80, s25, s23, $0xb8;
	[tilespmem:$0x1AC00] =	vst v63  }
0x26e: {  	s22 =	simm.s32 $0x14800;
	s25 =	simm.s32 $0x17A0  }
0x26f: {  	[tilespmem:s22], [sflag:$0x2] =	stream.indirect.gather [hbm4b:s3+s23], $0x80, s25, s23, $0xb8;
	[tilespmem:$0x1AC00] =	vst v63  }
0x270: {  	s22 =	simm.s32 $0x16100;
	s25 =	simm.s32 $0x17D8  }
0x271: {  	[tilespmem:s22], [sflag:$0x2] =	stream.indirect.gather [hbm4b:s3+s23], $0x80, s25, s23, $0xb8;
	[tilespmem:$0x1AC00] =	vst v63  }
0x272: {  	s22 =	simm.s32 $0x1810  }
0x273: {  	[tilespmem:s28], [sflag:$0x2] =	stream.indirect.gather [hbm4b:s3+s23], $0x80, s22, s23, $0xb8;
	[tilespmem:$0x1AC00] =	vst v63  }
0x274: {  	s25 =	simm.s32 $0x1848  }
0x275: {  	[tilespmem:s30], [sflag:$0x2] =	stream.indirect.gather [hbm4b:s3+s23], $0x80, s25, s23, $0xb8;
	[tilespmem:$0x1AC00] =	vst v63  }
0x276: {  	_ =	swait.ge [sflag:s1], $0x1900  }
0x277: {  	[sflag:s1] =	ssyncset.done $0x0  }
0x278: {  	[sflag:s1] =	ssyncadd.s32 $0xFFFFE700  }
0x279: {  	_ =	swait.ge [sflag:s1], $0x1900  }
0x27a: {  	[sflag:s1] =	ssyncset.done $0x0  }
0x27b: {  	[sflag:s1] =	ssyncadd.s32 $0xFFFFE700  }
0x27c: {  	_ =	swait.ge [sflag:s1], $0x1900  }
0x27d: {  	[sflag:s1] =	ssyncset.done $0x0  }
0x27e: {  	[sflag:s1] =	ssyncadd.s32 $0xFFFFE700  }
0x27f: {  	_ =	swait.ge [sflag:s1], $0x1900  }
0x280: {  	[sflag:s1] =	ssyncset.done $0x0  }
0x281: {  	[sflag:s1] =	ssyncadd.s32 $0xFFFFE700  }
0x282: {  	_ =	swait.ge [sflag:s1], $0x1900  }
0x283: {  	[sflag:s1] =	ssyncset.done $0x0  }
0x284: {  	[sflag:s1] =	ssyncadd.s32 $0xFFFFE700  }
0x285: {  	_ =	swait.ge [sflag:s1], $0x1900  }
0x286: {  	[sflag:s1] =	ssyncset.done $0x0  }
0x287: {  	[sflag:s1] =	ssyncadd.s32 $0xFFFFE700  }
0x288: {  	_ =	swait.ge [sflag:s1], $0x1900  }
0x289: {  	[sflag:s1] =	ssyncset.done $0x0  }
0x28a: {  	[sflag:s1] =	ssyncadd.s32 $0xFFFFE700  }
0x28b: {  	_ =	swait.ge [sflag:s1], $0x1900  }
0x28c: {  	s4 =	simm.s32 $0x1C00;
	s21 =	simm.s32 $0x8;
	[sflag:s1] =	ssyncset.done $0x0  }
0x28d: {  	s22 =	simm.s32 $0x1C80;
	s25 =	sadd.s32 $0x0, s17;
	[sflag:s1] =	ssyncadd.s32 $0xFFFFE700  }
.LBB2_26:
0x28e: {  	[hbm4b:s25+s2] =	stream.linear.scatter [tilespmem:s4], [sflag:$0x3], $0x40, $0x38;
	[tilespmem:$0x1AC00] =	vst v63  }
0x28f: {  	s25 =	smov.u32 s21;
	s4 =	smov.u32 s22;
	p0 =	sne.s32 s21, $0xC78  }
.Ltmp12:
0x290: {  	s21 =	sadd.s32 $0x8, s21;
	(pc) =	sbr.rel @p0 .LBB2_26-.Ltmp12, $2  }
0x291: {  	_ =	sdelay $0x2  }
0x292: {  	s22 =	sadd.s32 $0x80, s22;
	s25 =	sadd.s32 s25, s17  }
0x293: {  	[hbm4b:s25+s2] =	stream.linear.scatter [tilespmem:s4], [sflag:$0x3], $0x40, $0x38;
	[tilespmem:$0x1AC00] =	vst v63  }
0x294: {  	_ =	swait.ge [sflag:s24], $0x6400  }
0x295: {  	[sflag:s24] =	ssyncset.done $0x0  }
0x296: {  	s22 =	simm.s32 $0x1880;
	[sflag:s24] =	ssyncadd.s32 $0xFFFF9C00  }
0x297: {  	[tilespmem:s29], [sflag:$0x1] =	stream.indirect.gather [hbm4b:s3+s23], $0x80, s22, s23, $0xb8;
	[tilespmem:$0x1AC00] =	vst v63  }
0x298: {  	s25 =	simm.s32 $0x3500;
	s21 =	simm.s32 $0x18B8  }
0x299: {  	[tilespmem:s25], [sflag:$0x1] =	stream.indirect.gather [hbm4b:s3+s23], $0x80, s21, s23, $0xb8;
	[tilespmem:$0x1AC00] =	vst v63  }
0x29a: {  	s22 =	simm.s32 $0x4E00;
	s25 =	simm.s32 $0x18F0  }
0x29b: {  	[tilespmem:s22], [sflag:$0x1] =	stream.indirect.gather [hbm4b:s3+s23], $0x80, s25, s23, $0xb8;
	[tilespmem:$0x1AC00] =	vst v63  }
0x29c: {  	s22 =	simm.s32 $0x6700;
	s25 =	simm.s32 $0x1928  }
0x29d: {  	[tilespmem:s22], [sflag:$0x1] =	stream.indirect.gather [hbm4b:s3+s23], $0x80, s25, s23, $0xb8;
	[tilespmem:$0x1AC00] =	vst v63  }
0x29e: {  	s22 =	simm.s32 $0x8000;
	s25 =	simm.s32 $0x1960  }
0x29f: {  	[tilespmem:s22], [sflag:$0x1] =	stream.indirect.gather [hbm4b:s3+s23], $0x80, s25, s23, $0xb8;
	[tilespmem:$0x1AC00] =	vst v63  }
0x2a0: {  	s22 =	simm.s32 $0x9900;
	s25 =	simm.s32 $0x1998  }
0x2a1: {  	[tilespmem:s22], [sflag:$0x1] =	stream.indirect.gather [hbm4b:s3+s23], $0x80, s25, s23, $0xb8;
	[tilespmem:$0x1AC00] =	vst v63  }
0x2a2: {  	s22 =	simm.s32 $0xB200;
	s25 =	simm.s32 $0x19D0  }
0x2a3: {  	[tilespmem:s22], [sflag:$0x1] =	stream.indirect.gather [hbm4b:s3+s23], $0x80, s25, s23, $0xb8;
	[tilespmem:$0x1AC00] =	vst v63  }
0x2a4: {  	s22 =	simm.s32 $0xCB00;
	s25 =	simm.s32 $0x1A08  }
0x2a5: {  	[tilespmem:s22], [sflag:$0x1] =	stream.indirect.gather [hbm4b:s3+s23], $0x80, s25, s23, $0xb8;
	[tilespmem:$0x1AC00] =	vst v63  }
0x2a6: {  	_ =	swait.ge [sflag:s0], $0x1900  }
0x2a7: {  	[sflag:s0] =	ssyncset.done $0x0  }
0x2a8: {  	[sflag:s0] =	ssyncadd.s32 $0xFFFFE700  }
0x2a9: {  	_ =	swait.ge [sflag:s0], $0x1900  }
0x2aa: {  	[sflag:s0] =	ssyncset.done $0x0  }
0x2ab: {  	[sflag:s0] =	ssyncadd.s32 $0xFFFFE700  }
0x2ac: {  	_ =	swait.ge [sflag:s0], $0x1900  }
0x2ad: {  	[sflag:s0] =	ssyncset.done $0x0  }
0x2ae: {  	[sflag:s0] =	ssyncadd.s32 $0xFFFFE700  }
0x2af: {  	_ =	swait.ge [sflag:s0], $0x1900  }
0x2b0: {  	[sflag:s0] =	ssyncset.done $0x0  }
0x2b1: {  	[sflag:s0] =	ssyncadd.s32 $0xFFFFE700  }
0x2b2: {  	_ =	swait.ge [sflag:s0], $0x1900  }
0x2b3: {  	[sflag:s0] =	ssyncset.done $0x0  }
0x2b4: {  	[sflag:s0] =	ssyncadd.s32 $0xFFFFE700  }
0x2b5: {  	_ =	swait.ge [sflag:s0], $0x1900  }
0x2b6: {  	[sflag:s0] =	ssyncset.done $0x0  }
0x2b7: {  	[sflag:s0] =	ssyncadd.s32 $0xFFFFE700  }
0x2b8: {  	_ =	swait.ge [sflag:s0], $0x1900  }
0x2b9: {  	[sflag:s0] =	ssyncset.done $0x0  }
0x2ba: {  	[sflag:s0] =	ssyncadd.s32 $0xFFFFE700  }
0x2bb: {  	_ =	swait.ge [sflag:s0], $0x1900  }
0x2bc: {  	s4 =	simm.s32 $0xE400;
	s21 =	simm.s32 $0x8;
	[sflag:s0] =	ssyncset.done $0x0  }
0x2bd: {  	s25 =	sadd.s32 $0x0, s18;
	s22 =	simm.s32 $0xE480;
	[sflag:s0] =	ssyncadd.s32 $0xFFFFE700  }
.LBB2_28:
0x2be: {  	[hbm4b:s25+s2] =	stream.linear.scatter [tilespmem:s4], [sflag:$0x4], $0x40, $0x38;
	[tilespmem:$0x1AC00] =	vst v63  }
0x2bf: {  	s25 =	smov.u32 s21;
	s4 =	smov.u32 s22;
	p0 =	sne.s32 s21, $0xC78  }
.Ltmp13:
0x2c0: {  	s21 =	sadd.s32 $0x8, s21;
	(pc) =	sbr.rel @p0 .LBB2_28-.Ltmp13, $2  }
0x2c1: {  	_ =	sdelay $0x2  }
0x2c2: {  	s22 =	sadd.s32 $0x80, s22;
	s25 =	sadd.s32 s25, s18  }
0x2c3: {  	[hbm4b:s25+s2] =	stream.linear.scatter [tilespmem:s4], [sflag:$0x4], $0x40, $0x38;
	[tilespmem:$0x1AC00] =	vst v63  }
0x2c4: {  	_ =	swait.ge [sflag:s31], $0x6400  }
0x2c5: {  	[sflag:s31] =	ssyncset.done $0x0  }
0x2c6: {  	s25 =	simm.s32 $0xE400;
	s21 =	simm.s32 $0x1A40;
	[sflag:s31] =	ssyncadd.s32 $0xFFFF9C00  }
0x2c7: {  	[tilespmem:s25], [sflag:$0x2] =	stream.indirect.gather [hbm4b:s3+s23], $0x80, s21, s23, $0xb8;
	[tilespmem:$0x1AC00] =	vst v63  }
0x2c8: {  	s22 =	simm.s32 $0xFD00;
	s25 =	simm.s32 $0x1A78  }
0x2c9: {  	[tilespmem:s22], [sflag:$0x2] =	stream.indirect.gather [hbm4b:s3+s23], $0x80, s25, s23, $0xb8;
	[tilespmem:$0x1AC00] =	vst v63  }
0x2ca: {  	s22 =	simm.s32 $0x11600;
	s25 =	simm.s32 $0x1AB0  }
0x2cb: {  	[tilespmem:s22], [sflag:$0x2] =	stream.indirect.gather [hbm4b:s3+s23], $0x80, s25, s23, $0xb8;
	[tilespmem:$0x1AC00] =	vst v63  }
0x2cc: {  	s22 =	simm.s32 $0x12F00;
	s25 =	simm.s32 $0x1AE8  }
0x2cd: {  	[tilespmem:s22], [sflag:$0x2] =	stream.indirect.gather [hbm4b:s3+s23], $0x80, s25, s23, $0xb8;
	[tilespmem:$0x1AC00] =	vst v63  }
0x2ce: {  	s22 =	simm.s32 $0x14800;
	s25 =	simm.s32 $0x1B20  }
0x2cf: {  	[tilespmem:s22], [sflag:$0x2] =	stream.indirect.gather [hbm4b:s3+s23], $0x80, s25, s23, $0xb8;
	[tilespmem:$0x1AC00] =	vst v63  }
0x2d0: {  	s22 =	simm.s32 $0x16100;
	s25 =	simm.s32 $0x1B58  }
0x2d1: {  	[tilespmem:s22], [sflag:$0x2] =	stream.indirect.gather [hbm4b:s3+s23], $0x80, s25, s23, $0xb8;
	[tilespmem:$0x1AC00] =	vst v63  }
0x2d2: {  	s22 =	simm.s32 $0x1B90  }
0x2d3: {  	[tilespmem:s28], [sflag:$0x2] =	stream.indirect.gather [hbm4b:s3+s23], $0x80, s22, s23, $0xb8;
	[tilespmem:$0x1AC00] =	vst v63  }
0x2d4: {  	s25 =	simm.s32 $0x1BC8  }
0x2d5: {  	[tilespmem:s30], [sflag:$0x2] =	stream.indirect.gather [hbm4b:s3+s23], $0x80, s25, s23, $0xb8;
	[tilespmem:$0x1AC00] =	vst v63  }
0x2d6: {  	_ =	swait.ge [sflag:s1], $0x1900  }
0x2d7: {  	[sflag:s1] =	ssyncset.done $0x0  }
0x2d8: {  	[sflag:s1] =	ssyncadd.s32 $0xFFFFE700  }
0x2d9: {  	_ =	swait.ge [sflag:s1], $0x1900  }
0x2da: {  	[sflag:s1] =	ssyncset.done $0x0  }
0x2db: {  	[sflag:s1] =	ssyncadd.s32 $0xFFFFE700  }
0x2dc: {  	_ =	swait.ge [sflag:s1], $0x1900  }
0x2dd: {  	[sflag:s1] =	ssyncset.done $0x0  }
0x2de: {  	[sflag:s1] =	ssyncadd.s32 $0xFFFFE700  }
0x2df: {  	_ =	swait.ge [sflag:s1], $0x1900  }
0x2e0: {  	[sflag:s1] =	ssyncset.done $0x0  }
0x2e1: {  	[sflag:s1] =	ssyncadd.s32 $0xFFFFE700  }
0x2e2: {  	_ =	swait.ge [sflag:s1], $0x1900  }
0x2e3: {  	[sflag:s1] =	ssyncset.done $0x0  }
0x2e4: {  	[sflag:s1] =	ssyncadd.s32 $0xFFFFE700  }
0x2e5: {  	_ =	swait.ge [sflag:s1], $0x1900  }
0x2e6: {  	[sflag:s1] =	ssyncset.done $0x0  }
0x2e7: {  	[sflag:s1] =	ssyncadd.s32 $0xFFFFE700  }
0x2e8: {  	_ =	swait.ge [sflag:s1], $0x1900  }
0x2e9: {  	[sflag:s1] =	ssyncset.done $0x0  }
0x2ea: {  	[sflag:s1] =	ssyncadd.s32 $0xFFFFE700  }
0x2eb: {  	_ =	swait.ge [sflag:s1], $0x1900  }
0x2ec: {  	s4 =	simm.s32 $0x1C00;
	s21 =	simm.s32 $0x8;
	[sflag:s1] =	ssyncset.done $0x0  }
0x2ed: {  	s22 =	simm.s32 $0x1C80;
	s25 =	sadd.s32 $0x0, s19;
	[sflag:s1] =	ssyncadd.s32 $0xFFFFE700  }
.LBB2_30:
0x2ee: {  	[hbm4b:s25+s2] =	stream.linear.scatter [tilespmem:s4], [sflag:$0x3], $0x40, $0x38;
	[tilespmem:$0x1AC00] =	vst v63  }
0x2ef: {  	s25 =	smov.u32 s21;
	s4 =	smov.u32 s22;
	p0 =	sne.s32 s21, $0xC78  }
.Ltmp14:
0x2f0: {  	s21 =	sadd.s32 $0x8, s21;
	(pc) =	sbr.rel @p0 .LBB2_30-.Ltmp14, $2  }
0x2f1: {  	_ =	sdelay $0x2  }
0x2f2: {  	s22 =	sadd.s32 $0x80, s22;
	s25 =	sadd.s32 s25, s19  }
0x2f3: {  	[hbm4b:s25+s2] =	stream.linear.scatter [tilespmem:s4], [sflag:$0x3], $0x40, $0x38;
	[tilespmem:$0x1AC00] =	vst v63  }
0x2f4: {  	_ =	swait.ge [sflag:s0], $0x1900  }
0x2f5: {  	[sflag:s0] =	ssyncset.done $0x0  }
0x2f6: {  	[sflag:s0] =	ssyncadd.s32 $0xFFFFE700  }
0x2f7: {  	_ =	swait.ge [sflag:s0], $0x1900  }
0x2f8: {  	[sflag:s0] =	ssyncset.done $0x0  }
0x2f9: {  	[sflag:s0] =	ssyncadd.s32 $0xFFFFE700  }
0x2fa: {  	_ =	swait.ge [sflag:s0], $0x1900  }
0x2fb: {  	[sflag:s0] =	ssyncset.done $0x0  }
0x2fc: {  	[sflag:s0] =	ssyncadd.s32 $0xFFFFE700  }
0x2fd: {  	_ =	swait.ge [sflag:s0], $0x1900  }
0x2fe: {  	[sflag:s0] =	ssyncset.done $0x0  }
0x2ff: {  	[sflag:s0] =	ssyncadd.s32 $0xFFFFE700  }
0x300: {  	_ =	swait.ge [sflag:s0], $0x1900  }
0x301: {  	[sflag:s0] =	ssyncset.done $0x0  }
0x302: {  	[sflag:s0] =	ssyncadd.s32 $0xFFFFE700  }
0x303: {  	_ =	swait.ge [sflag:s0], $0x1900  }
0x304: {  	[sflag:s0] =	ssyncset.done $0x0  }
0x305: {  	[sflag:s0] =	ssyncadd.s32 $0xFFFFE700  }
0x306: {  	_ =	swait.ge [sflag:s0], $0x1900  }
0x307: {  	[sflag:s0] =	ssyncset.done $0x0  }
0x308: {  	[sflag:s0] =	ssyncadd.s32 $0xFFFFE700  }
0x309: {  	_ =	swait.ge [sflag:s0], $0x1900  }
0x30a: {  	s4 =	simm.s32 $0xE400;
	s21 =	simm.s32 $0x8;
	[sflag:s0] =	ssyncset.done $0x0  }
0x30b: {  	s25 =	sadd.s32 $0x0, s20;
	s22 =	simm.s32 $0xE480;
	[sflag:s0] =	ssyncadd.s32 $0xFFFFE700  }
.LBB2_32:
0x30c: {  	[hbm4b:s25+s2] =	stream.linear.scatter [tilespmem:s4], [sflag:$0x4], $0x40, $0x38;
	[tilespmem:$0x1AC00] =	vst v63  }
0x30d: {  	s25 =	smov.u32 s21;
	s4 =	smov.u32 s22;
	p0 =	sne.s32 s21, $0xC78  }
.Ltmp15:
0x30e: {  	s21 =	sadd.s32 $0x8, s21;
	(pc) =	sbr.rel @p0 .LBB2_32-.Ltmp15, $2  }
0x30f: {  	_ =	sdelay $0x2  }
0x310: {  	s22 =	sadd.s32 $0x80, s22;
	s25 =	sadd.s32 s25, s20  }
0x311: {  	[hbm4b:s25+s2] =	stream.linear.scatter [tilespmem:s4], [sflag:$0x4], $0x40, $0x38;
	[tilespmem:$0x1AC00] =	vst v63  }
0x312: {  	_ =	swait.ge [sflag:s24], $0x6400  }
0x313: {  	[sflag:s24] =	ssyncset.done $0x0  }
0x314: {  	[sflag:s24] =	ssyncadd.s32 $0xFFFF9C00  }
0x315: {  	_ =	swait.ge [sflag:s31], $0x6400  }
0x316: {  	s26 =	sadd.s32 $0x1, s26;
	s25 =	rddreg [dreg:$0x4]  }
0x317: {  	p0 =	sne.s32 s26, s25  }
.Ltmp16:
0x318: {  	_ = 	snop;
	(pc) =	sbr.rel @p0 .LBB2_1-.Ltmp16, $3  }
0x319: {  	_ =	sdelay $0x1  }
0x31a: {  	[sflag:s31] =	ssyncset.done $0x0  }
0x31b: {  	[sflag:s31] =	ssyncadd.s32 $0xFFFF9C00  }
0x31c: {  	_ =	sfence.sel $0x180000  }
0x31d: {  	[bflag:$0x0] =	sbarrier.arrive $0xFFFF  }
0x31e: {  	_ =	strace $0x90000047  }
0x31f: {  	s0 =	stileid.u32;
	[bflag:$0x2] =	sbarrier.arrive $0xFFFF  }
0x320: {  	p0 =	sne.s32 s0, $0x0;
	s0 =	rddreg [dreg:$0x2]  }
0x321: {  	s0 =	sadd.s32 @!p0 $0x100000, s0  }
0x322: {  	[sflag:s0] =	ssyncadd.tile.s32 @!p0 $0x1;
	_ =	shalt  }
.Lfunc_end2:
_tile_overlayer_lowered:
.L_overlay_start_2:
0x323: {  	(tag) =	ssettag $0x2  }
0x324: {  	s0 =	rddreg [dreg:$0x0];
	s2 =	stileid.u32  }
0x325: {  	s1 =	rddreg [dreg:$0x1];
	p0 =	sne.s32 s2, $0x0  }
0x326: {  	s3 =	rddreg [dreg:$0x2];
	[bflag:$0x3] =	sbarrier.arrive $0xFFFF;
	s2 =	simm.s32 @!p0 $0x1C05  }
0x327: {  	[timem:s3], [sflag:s2] =	dma.local @!p0 [hbm:s0], s1  }
0x328: {  	s0 =	simm.s32 @!p0 $0x5  }
0x329: {  	_ =	swait.ge @!p0 [sflag:s0], s1  }
0x32a: {  	s1 =	ssub.s32 @!p0 $0x0, s1;
	[sflag:s0] =	ssyncset.done @!p0 $0x0  }
0x32b: {  	[sflag:s0] =	ssyncadd.s32 @!p0 s1  }
0x32c: {  	[bflag:$0x3] =	sbarrier.arrive $0xFFFF  }
0x32d: {  	_ =	shalt  }

// kernel: sparse-core-data-format-call.cloned.1.call-start
scs
called_computation_lowered:
.L_overlay_start_0:
0x0: {  	s2 =	sld [smem:$0x3FD9]  }
0x1: {  	s3 =	sld [smem:$0x3FFE];
	_ =	sdelay $0x1  }
0x2: {  	s1 =	srdreg.scid  }
0x3: {  	s0 =	sand.u32 $0x1, s1  }
0x4: {  	s18 =	sshll.u32 s0, $0xA;
	s2 =	sadd.s32 s3, s2  }
0x5: {  	s2 =	sadd.s32 s2, s18  }
0x6: {  	[smem:$0x3FC6] =	sst s2  }
0x7: {  	_ = 	snop  }
0x8: {  	s2 =	sld [smem:$0x3FD0];
	(tm) =	ssettm $0x1  }
0x9: {  	s19 =	sld [smem:$0x3FFB];
	_ =	sdelay $0x3  }
0xa: {  	_ =	strace s19  }
0xb: {  	s3 =	sld [smem:$0x3FFC];
	_ =	sdelay $0x3  }
0xc: {  	_ =	strace s3  }
0xd: {  	s3 =	sld [smem:$0x3FFD];
	_ =	sdelay $0x3  }
0xe: {  	_ =	strace s3  }
0xf: {  	_ =	strace $0x8FFFFFFF  }
0x10: {  	s20 =	sld [smem:$0x3FDB];
	_ =	sdelay $0x1  }
0x11: {  	s4 =	simm.s32 $_scs_section_size  }
0x12: {  	s5 =	simm.s32 $_size__tile_overlayer_lowered;
	s6 =	simm.s32 $_tile_overlayer_lowered  }
0x13: {  	s23 =	simm.s32 $0x1BFF;
	s22 =	sshll.u32 s6, $0x1;
	s3 =	sadd.s32 s4, s20  }
0x14: {  	s7 =	simm.s32 $0x0;
	s21 =	sshll.u32 s5, $0x1;
	s5 =	sadd.s32 s22, s3  }
0x15: {  	[timem:s7], [sflag:s23] =	dma.local [hbm:s5], s21  }
0x16: {  	_ =	swait.ge [sflag:s23], s21  }
0x17: {  	s4 =	ssub.s32 $0x0, s21;
	[sflag:s23] =	ssyncset.done $0x0  }
0x18: {  	[sflag:s23] =	ssyncadd.s32 s4;
	_ =	sdelay $0x1  }
0x19: {  	s24 =	simm.s32 $0x1B8B  }
0x1a: {  	_ =	swait.ge [sflag:s24], $0x1  }
0x1b: {  	[sflag:s24] =	ssyncset.done $0x0  }
0x1c: {  	s26 =	simm.s32 $0x1B8E;
	s25 =	sld [smem:$0x3FFE];
	[sflag:s24] =	ssyncadd.s32 $0xFFFFFFFF  }
0x1d: {  	s27 =	simm.s32 $execute0_lowered;
	[smem:$0x3FD2] =	sst s26  }
0x1e: {  	s5 =	sshll.u32 s27, $0x1;
	_ =	strace $0x80000049;
	[dreg:$0x1] =	wrdreg $0xFFFFFFFF  }
0x1f: {  	s28 =	simm.s32 $_size_execute0_lowered;
	s3 =	sadd.s32 s3, s5;
	[dreg:$0x0] =	wrdreg $0x0  }
0x20: {  	s5 =	sshll.u32 s28, $0x1;
	[dreg:$0x2] =	wrdreg s3  }
0x21: {  	[dreg:$0x3] =	wrdreg s5  }
0x22: {  	[dreg:$0x4] =	wrdreg $0xC0  }
0x23: {  	_ =	task [dreg:s7], $0x5FFFF  }
0x24: {  	[dreg:$0x1] =	wrdreg $0xFFFFFFFF  }
0x25: {  	[dreg:$0x0] =	wrdreg $0x60  }
0x26: {  	[dreg:$0x2] =	wrdreg s25  }
0x27: {  	[dreg:$0x3] =	wrdreg s2  }
0x28: {  	[dreg:$0x4] =	wrdreg $0x9  }
0x29: {  	_ =	task.clear_ibuf [dreg:s7], $0x5FFFF;
	_ =	strace $0x90000049  }
0x2a: {  	s29 =	simm.s32 $0x9;
	_ =	strace $0x8000004B  }
0x2b: {  	_ =	swait.ge [sflag:s29], $0x1  }
0x2c: {  	[sflag:s29] =	ssyncadd.s32 $0xFFFFFFFF  }
0x2d: {  	_ =	strace $0x9000004B  }
0x2e: {  	_ =	sfence  }
0x2f: {  	s30 =	sld [smem:$0x0];
	_ =	sdelay $0x2  }
0x30: {  	s31 =	sshll.u32 s1, $0xD;
	s1 =	sshrl.u32 s1, $0x2  }
0x31: {  	s3 =	sand.u32 $0x4000, s31;
	s1 =	sadd.s32 s1, s30  }
0x32: {  	s0 =	sor.u32 s3, s0;
	s1 =	sshll.u32 s1, $0x11  }
0x33: {  	s0 =	sor.u32 s1, s0  }
0x34: {  	s0 =	sadd.s32 $0x8F2B, s0  }
0x35: {  	[sflag:s0] =	ssyncadd.remote.s32 $0x1  }
0x36: {  	_ =	sfence.sel $0xFFFF  }
0x37: {  	[dreg:$0x0] =	wrdreg $0xFFFFFFFF;
	(pc) =	sbr.abs _section_cstart, $3  }
0x38: {  	[dreg:$0x1] =	wrdreg $0xFFFFFFFF  }
0x39: {  	_ =	task.clear_ibuf [dreg:s7], $0x2FFFF;
	_ =	strace $0x9FFFFFFF  }
0x3a: {  	(tm) =	ssettm $0x7FFFFFFF  }
0x3b: {  	_ =	shalt  }
tec
execute0_lowered:
.L_overlay_start_1:
0x0: {  	(tag) =	ssettag $0x1  }
0x1: {  	s0 =	srdreg.scid  }
0x2: {  	s1 =	sshll.u32 s0, $0x4  }
0x3: {  	s0 =	stileid.u32;
	s1 =	sand.u32 $0x10, s1  }
0x4: {  	s1 =	sor.u32 s0, s1  }
0x5: {  	s6 =	rddreg [dreg:$0x0];
	s4 =	simm.s32 $0x1;
	s2 =	sshll.u32 s1, $0x7  }
0x6: {  	s7 =	simm.s32 $0x2;
	s12 =	simm.s32 $0x0;
	s1 =	ssub.s32 $0x1000, s2  }
0x7: {  	s8 =	simm.s32 $0x8000;
	s13 =	simm.s32 $0x0;
	s3 =	sand.u32 $0xF80, s1  }
0x8: {  	s9 =	simm.s32 $0x0;
	s5 =	sshrl.u32 s1, $0xC;
	p0 =	sne.s32 s3, $0x0  }
.Ltmp0:
0x9: {  	s1 =	rddreg [dreg:$0x2];
	s4 =	simm.s32 @!p0 $0x0;
	(pc) =	sbr.rel .LBB1_1-.Ltmp0, $4  }
0xa: {  	s11 =	simm.s32 $0x0;
	s3 =	rddreg [dreg:$0x1];
	s5 =	sadd.s32 s4, s5  }
0xb: {  	_ =	strace $0x8000004A;
	s4 =	simm.s32 $0x1;
	s5 =	smul.u32 $0x32, s5  }
0xc: {  	s6 =	sadd.s32 $0xA00, s6;
	s10 =	smov.u32 s2;
	[sflag:s4] =	ssyncpa.u1 $0x0  }
0xd: {  	p0 =	por $0x0, $0x0;
	[sflag:s7] =	ssyncpa.u1 $0x0;
	s7 =	sor.u32 $0x1, s5  }
.LBB1_4:
0xe: {  	s16 =	sshll.u32 s13, $0x3;
	s17 =	sand.u32 $0x78, s13  }
0xf: {  	s30 =	sand.u32 $0x7E00, s13;
	s12 =	sshll.u32 s12, $0xF;
	s16 =	sand.u32 $0xC00, s16  }
0x10: {  	[tilespmem:s15+$0x810 ss:$0x81] =	vst.msk $0xffff, v2;
	s31 =	sand.u32 $0x7, s13;
	s16 =	sor.u32 s17, s16;
	s17 =	sadd.s32 s3, s30  }
0x11: {  	[tilespmem:s15+$0x1020 ss:$0x81] =	vst.msk $0xffff, v0;
	s13 =	sshll.u32 s31, $0x12;
	s12 =	sadd.s32 s12, s17;
	s16 =	sshrl.u32 s16, $0x3  }
0x12: {  	[tilespmem:s15+$0x0 ss:$0x81] =	vst.msk $0xffff, v1;
	s13 =	sor.u32 $0x400, s13;
	s12 =	sadd.s32 s16, s12  }
0x13: {  	[hbm4b:s12+s13] =	stream.strided.scatter [tilespmem:s14], [sflag:$0x2], $0x2000, s8, s13, $0x20;
	[tilespmem:$0x8080] =	vst v63  }
.LBB1_5:
0x14: {  	s14 =	sadd.s32 $0x1, s9  }
0x15: {  	s12 =	sadd.s32 $0x1000, s10;
	s16 =	smov.u32 s10;
	p2 =	sgt.s32 s14, $0x31  }
0x16: {  	s16 =	smov.u32 @p2 s12  }
0x17: {  	s14 =	simm.s32 @p2 $0x0;
	p2 =	sgt.s32 s16, $0xFFF  }
0x18: {  	s16 =	smov.u32 @p2 s2;
	p2 =	sne.s32 s11, s7  }
.Ltmp1:
0x19: {  	p1 =	slt.u32 s11, $0x2;
	(pc) =	sbr.rel @!p2 .LBB1_6-.Ltmp1, $4  }
0x1a: {  	s15 =	simm.s32 @!p1 $0x2  }
0x1b: {  	s13 =	smov.u32 s10;
	p0 =	por !p0, !p0;
	_ =	swait.ge @!p1 [sflag:s15], $0x2000  }
0x1c: {  	s12 =	smov.u32 s9;
	[sflag:s15] =	ssyncset.done @!p1 $0x0;
	s9 =	smov.u32 s14  }
0x1d: {  	s11 =	sadd.s32 $0x1, s11;
	[sflag:s15] =	ssyncadd.s32 @!p1 $0xFFFFE000;
	s10 =	smov.u32 s16  }
.LBB1_1:
0x1e: {  	p1 =	sge.u32 s11, s5  }
0x1f: {  	s14 =	sand.u32 @!p1 $0x1FFFFFF, s9  }
0x20: {  	s15 =	smulhi.u32 @!p1 $0x4924925, s14;
	_ =	sdelay $0x1  }
0x21: {  	s15 =	smul.u32 @!p1 $0x38, s15  }
0x22: {  	s16 =	sxor.u32 @!p1 $0xFFFFFFFF, s11;
	s17 =	smul.u32 @!p1 $0x380, s10  }
0x23: {  	s31 =	sadd.s32 $0xFFFFFFFF, s11;
	s16 =	sshll.u32 @!p1 s16, $0xD;
	s14 =	ssub.s32 @!p1 s14, s15  }
0x24: {  	s15 =	sand.u32 @!p1 $0x2000, s16;
	s16 =	sadd.s32 @!p1 s6, s17;
	s14 =	sshll.u32 @!p1 s14, $0x4  }
0x25: {  	s17 =	simm.s32 @!p1 $0x1C00;
	s14 =	sadd.s32 @!p1 s14, s16;
	s16 =	simm.s32 @!p1 $0x40  }
0x26: {  	[tilespmem:s15], [sflag:$0x1] =	stream.strided.gather @!p1 [hbm4b:s14+s16], $0x2000, s17, s16, $0x38;
	[tilespmem:$0x8080] =	vst v63  }
0x27: {  	p1 =	sge.u32 s31, s5  }
.Ltmp2:
0x28: {  	_ = 	snop;
	(pc) =	sbr.rel @p1 .LBB1_5-.Ltmp2, $1  }
0x29: {  	_ =	sdelay $0x3  }
0x2a: {  	s14 =	simm.s32 $0x1  }
0x2b: {  	_ =	swait.ge [sflag:s4], $0x2000;
	s14 =	simm.s32 @!p0 $0x0  }
0x2c: {  	[sflag:s4] =	ssyncset.done $0x0;
	s15 =	sshll.u32 s14, $0xD  }
0x2d: {  	[sflag:s4] =	ssyncadd.s32 $0xFFFFE000;
	s18 =	sor.u32 $0x20, s15  }
0x2e: {  	s14 =	smul.u32 $0x8100, s14;
	v3 =	vld [tilespmem:s18+$0x10]  }
0x2f: {  	s30 =	sand.u32 $0x1, s11;
	v2 =	vld [tilespmem:s18+$0xFFFFFFF0]  }
0x30: {  	s15 =	smul.u32 $0x8100, s30;
	s14 =	sshrl.u32 s14, $0x2;
	v0 =	vld [tilespmem:s18+$0x0]  }
0x31: {  	v1 =	vld [tilespmem:s18+$0xFFFFFFE0];
	s16 =	sor.u32 $0x4000, s14  }
0x32: {  	s31 =	sshrl.u32 s15, $0x2;
	s15 =	sadd.s32 $0x0, s16  }
0x33: {  	s17 =	simm.s32 $0x4;
	s18 =	sadd.s32 $0x40, s18;
	s14 =	sor.u32 $0x4000, s31;
	[tilespmem:s15+$0x1830 ss:$0x81] =	vst.msk $0xffff, v3  }
.LBB1_3:
0x34: {  	v3 =	vld [tilespmem:s18+$0x10];
	p1 =	sne.s32 s17, $0x1FC;
	[tilespmem:s15+$0x810 ss:$0x81] =	vst.msk $0xffff, v2;
	s19 =	smov.u32 s17;
	s17 =	sadd.s32 $0x4, s17  }
.Ltmp3:
0x35: {  	v2 =	vld [tilespmem:s18+$0xFFFFFFF0];
	[tilespmem:s15+$0x1020 ss:$0x81] =	vst.msk $0xffff, v0;
	(pc) =	sbr.rel @p1 .LBB1_3-.Ltmp3, $4  }
0x36: {  	v0 =	vld [tilespmem:s18+$0x0];
	[tilespmem:s15+$0x0 ss:$0x81] =	vst.msk $0xffff, v1  }
0x37: {  	s15 =	sshra.s32 s19, $0x2;
	v1 =	vld [tilespmem:s18+$0xFFFFFFE0]  }
0x38: {  	s15 =	sadd.s32 s15, s16  }
0x39: {  	s18 =	sadd.s32 $0x40, s18;
	[tilespmem:s15+$0x1830 ss:$0x81] =	vst.msk $0xffff, v3  }
.Ltmp4:
0x3a: {  	_ = 	snop;
	(pc) =	sbr.rel .LBB1_4-.Ltmp4, $1  }
0x3b: {  	_ =	sdelay $0x3  }
.LBB1_6:
0x3c: {  	_ =	sfence.sel $0x180000  }
0x3d: {  	s2 =	simm.s32 $0x1;
	[bflag:$0x0] =	sbarrier.arrive $0xFFFF  }
0x3e: {  	s31 =	simm.s32 $0x2;
	[sflag:s2] =	ssyncpa.u1 $0x1  }
0x3f: {  	[sflag:s31] =	ssyncpa.u1 $0x1  }
0x40: {  	p0 =	sne.s32 s0, $0x0;
	_ =	strace $0x9000004A  }
0x41: {  	s0 =	sadd.s32 @!p0 $0x100000, s1;
	[bflag:$0x2] =	sbarrier.arrive $0xFFFF  }
0x42: {  	[sflag:s0] =	ssyncadd.tile.s32 @!p0 $0x1;
	_ =	shalt  }
.Lfunc_end1:
_tile_overlayer_lowered:
.L_overlay_start_2:
0x43: {  	(tag) =	ssettag $0x2  }
0x44: {  	s0 =	rddreg [dreg:$0x0];
	s2 =	stileid.u32  }
0x45: {  	s1 =	rddreg [dreg:$0x1];
	p0 =	sne.s32 s2, $0x0  }
0x46: {  	s3 =	rddreg [dreg:$0x2];
	[bflag:$0x3] =	sbarrier.arrive $0xFFFF;
	s2 =	simm.s32 @!p0 $0x1C01  }
0x47: {  	[timem:s3], [sflag:s2] =	dma.local @!p0 [hbm:s0], s1  }
0x48: {  	s0 =	simm.s32 @!p0 $0x1  }
0x49: {  	_ =	swait.ge @!p0 [sflag:s0], s1  }
0x4a: {  	s1 =	ssub.s32 @!p0 $0x0, s1;
	[sflag:s0] =	ssyncset.done @!p0 $0x0  }
0x4b: {  	[sflag:s0] =	ssyncadd.s32 @!p0 s1  }
0x4c: {  	[bflag:$0x3] =	sbarrier.arrive $0xFFFF  }
0x4d: {  	_ =	shalt  }

</sc_bundles>
